<compile_context>
chip_gen: v7x
topology: tpu7x:2x2x1
jax: 0.10.2.dev20260603
libtpu: 0.0.44.dev20260713+nightly
codegen_flags: <defaults>
</compile_context>

<pallas_src>
import functools

import jax
import jax.numpy as jnp
from jax import lax
from jax.experimental import pallas as pl
from jax.experimental.pallas import tpu as pltpu
from jax.experimental.pallas import tpu_sc as plsc

_N = 10000
_E = 320000
_DIN = 128
_HID = 16
_HEADS = 8
_NCLS = 32

_BN = 1000
_GRID = _N // _BN
_C = 128
_NSUB = 16
_NCORE = 2
_CH_TOTAL = _E // _C
_CH_PER_CORE = _CH_TOTAL // _NCORE
_TRIPS = -(-_CH_PER_CORE // _NSUB)
_ZROWS = 80
_ZCH = _N // _ZROWS
_ZTRIPS = -(-_ZCH // _NSUB)



def _proj1_body(x_ref, w_ref, al_ref, ar_ref, tab_ref, er_ref, mx_ref):
    i = pl.program_id(0)
    feat = jnp.dot(x_ref[...], w_ref[...], preferred_element_type=jnp.float32)
    el = jnp.dot(feat, al_ref[...], preferred_element_type=jnp.float32)
    er = jnp.dot(feat, ar_ref[...], preferred_element_type=jnp.float32)
    tab_ref[:, 0:128] = feat
    tab_ref[:, 128:144] = el
    er_ref[...] = er
    cur = jnp.concatenate([jnp.max(el, axis=0, keepdims=True),
                           jnp.max(er, axis=0, keepdims=True)], axis=0)
    prev = jnp.where(i == 0, jnp.full((2, 16), -3e38, jnp.float32), mx_ref[...])
    mx_ref[...] = jnp.maximum(prev, cur)


_proj1 = pl.pallas_call(
    _proj1_body,
    grid=(_GRID,),
    in_specs=[
        pl.BlockSpec((_BN, 128), lambda i: (i, 0)),
        pl.BlockSpec((128, 128), lambda i: (0, 0)),
        pl.BlockSpec((128, 16), lambda i: (0, 0)),
        pl.BlockSpec((128, 16), lambda i: (0, 0)),
    ],
    out_specs=[
        pl.BlockSpec((_BN, 144), lambda i: (i, 0)),
        pl.BlockSpec((_BN, 16), lambda i: (i, 0)),
        pl.BlockSpec((2, 16), lambda i: (0, 0)),
    ],
    out_shape=[
        jax.ShapeDtypeStruct((_N, 144), jnp.float32),
        jax.ShapeDtypeStruct((_N, 16), jnp.float32),
        jax.ShapeDtypeStruct((2, 16), jnp.float32),
    ],
)


def _proj2_body(a_ref, b_ref, w_ref, al_ref, ar_ref, r_ref,
                tab_ref, er_ref, mx_ref):
    i = pl.program_id(0)
    acc = a_ref[...] + b_ref[...]
    numer = acc[:, 0:128]
    den8 = acc[:, 128:136]
    den = jnp.dot(den8, r_ref[...], preferred_element_type=jnp.float32)
    h = jnp.where(den > 0.0, numer / den, 0.0)
    h = jnp.maximum(h, 0.0)
    feat = jnp.dot(h, w_ref[...], preferred_element_type=jnp.float32)
    el = jnp.dot(feat, al_ref[...], preferred_element_type=jnp.float32)
    er = jnp.dot(feat, ar_ref[...], preferred_element_type=jnp.float32)
    tab_ref[:, 0:32] = feat
    tab_ref[:, 32:48] = el
    er_ref[...] = er
    cur = jnp.concatenate([jnp.max(el, axis=0, keepdims=True),
                           jnp.max(er, axis=0, keepdims=True)], axis=0)
    prev = jnp.where(i == 0, jnp.full((2, 16), -3e38, jnp.float32), mx_ref[...])
    mx_ref[...] = jnp.maximum(prev, cur)


_proj2 = pl.pallas_call(
    _proj2_body,
    grid=(_GRID,),
    in_specs=[
        pl.BlockSpec((_BN, 144), lambda i: (i, 0)),
        pl.BlockSpec((_BN, 144), lambda i: (i, 0)),
        pl.BlockSpec((128, 32), lambda i: (0, 0)),
        pl.BlockSpec((32, 16), lambda i: (0, 0)),
        pl.BlockSpec((32, 16), lambda i: (0, 0)),
        pl.BlockSpec((8, 128), lambda i: (0, 0)),
    ],
    out_specs=[
        pl.BlockSpec((_BN, 48), lambda i: (i, 0)),
        pl.BlockSpec((_BN, 16), lambda i: (i, 0)),
        pl.BlockSpec((2, 16), lambda i: (0, 0)),
    ],
    out_shape=[
        jax.ShapeDtypeStruct((_N, 48), jnp.float32),
        jax.ShapeDtypeStruct((_N, 16), jnp.float32),
        jax.ShapeDtypeStruct((2, 16), jnp.float32),
    ],
)


def _final_body(a_ref, b_ref, r_ref, out_ref):
    acc = a_ref[...] + b_ref[...]
    numer = acc[:, 0:32]
    den1 = acc[:, 32:33]
    den = jnp.dot(den1, r_ref[...], preferred_element_type=jnp.float32)
    out_ref[...] = jnp.where(den > 0.0, numer / den, 0.0)


_final = pl.pallas_call(
    _final_body,
    grid=(_GRID,),
    in_specs=[
        pl.BlockSpec((_BN, 48), lambda i: (i, 0)),
        pl.BlockSpec((_BN, 48), lambda i: (i, 0)),
        pl.BlockSpec((1, 32), lambda i: (0, 0)),
    ],
    out_specs=pl.BlockSpec((_BN, 32), lambda i: (i, 0)),
    out_shape=jax.ShapeDtypeStruct((_N, 32), jnp.float32),
)



def _make_sc_edge(d, heads, tw, m):
    nvec = d // 16
    grp_per_core = _CH_PER_CORE
    nslots = -(-grp_per_core // m)
    ntrips = -(-nslots // _NSUB)
    mesh = plsc.VectorSubcoreMesh(core_axis_name="c", subcore_axis_name="s")

    def body(tab_hbm, ertab_hbm, src_hbm, dst_hbm, mx_hbm, out_hbm,
             src_v, dst_v, tab_v, er_v, mx_v, b_v, acc,
             s_src, s_dst, s_tab, s_er, s_sc):
        cid = lax.axis_index("c")
        sid = lax.axis_index("s")

        def gid_of(t, g):
            return (t * _NSUB + sid) * m + g

        def for_groups(t, fn):
            for g in range(m):
                @pl.when(gid_of(t, g) < grp_per_core)
                def _():
                    fn(g)

        def issue_idx(t, q):
            def one(g):
                e0 = (cid * grp_per_core + gid_of(t, g)) * _C
                pltpu.async_copy(src_hbm.at[pl.ds(e0, _C)], src_v.at[q, g],
                                 s_src.at[q])
                pltpu.async_copy(dst_hbm.at[pl.ds(e0, _C)], dst_v.at[q, g],
                                 s_dst.at[q])
            for_groups(t, one)

        def wait_idx(t, q):
            def one(g):
                pltpu.make_async_copy(src_hbm.at[pl.ds(0, _C)],
                                      src_v.at[q, g], s_src.at[q]).wait()
                pltpu.make_async_copy(dst_hbm.at[pl.ds(0, _C)],
                                      dst_v.at[q, g], s_dst.at[q]).wait()
            for_groups(t, one)

        def issue_tab(t, q, p):
            def one(g):
                pltpu.async_copy(tab_hbm.at[src_v.at[q, g]], tab_v.at[p, g],
                                 s_tab.at[p])
            for_groups(t, one)

        def wait_tab(t, q, p):
            def one(g):
                pltpu.make_async_copy(tab_hbm.at[src_v.at[q, g]],
                                      tab_v.at[p, g], s_tab.at[p]).wait()
            for_groups(t, one)

        def issue_er(t, q):
            def one(g):
                pltpu.async_copy(ertab_hbm.at[dst_v.at[q, g]],
                                 er_v.at[g], s_er)
            for_groups(t, one)

        def wait_er(t, q):
            def one(g):
                pltpu.make_async_copy(ertab_hbm.at[dst_v.at[q, g]],
                                      er_v.at[g], s_er).wait()
            for_groups(t, one)

        def issue_scat(t, q, p):
            def one(g):
                pltpu.async_copy(tab_v.at[p, g], acc.at[dst_v.at[q, g]],
                                 s_sc.at[p], add=True)
            for_groups(t, one)

        def wait_scat(t, q, p):
            def one(g):
                pltpu.make_async_copy(tab_v.at[p, g],
                                      acc.at[dst_v.at[q, g]],
                                      s_sc.at[p]).wait()
            for_groups(t, one)

        def trip_valid(t):
            return gid_of(t, 0) < grp_per_core

        @pl.when(trip_valid(0))
        def _pre():
            issue_idx(0, 0)

            @pl.when(trip_valid(1))
            def _():
                issue_idx(1, 1)

        zv = jnp.zeros((16,), jnp.float32)

        @pl.loop(0, _ZROWS)
        def _zero_rows(r):
            for c0 in range(0, tw, 16):
                tab_v[0, 0, r, pl.ds(c0, 16)] = zv

        @pl.loop(0, _ZTRIPS)
        def _zero_acc(z):
            ch = z * _NSUB + sid

            @pl.when(ch < _ZCH)
            def _():
                pltpu.sync_copy(tab_v.at[0, 0, pl.ds(0, _ZROWS)],
                                acc.at[pl.ds(ch * _ZROWS, _ZROWS)])

        pltpu.sync_copy(mx_hbm, mx_v)
        s = mx_v[0, :] + mx_v[1, :]
        b_v[...] = jnp.where(s > 0.0, s, 0.2 * s)

        plsc.subcore_barrier()

        @pl.when(trip_valid(0))
        def _prologue():
            wait_idx(0, 0)
            issue_tab(0, 0, 0)
            issue_er(0, 0)

        @pl.loop(0, ntrips)
        def _chunks(t):
            @pl.when(trip_valid(t))
            def _():
                p = lax.rem(t, 2)
                pn = lax.rem(t + 1, 2)
                q = lax.rem(t, 4)
                qn = lax.rem(t + 1, 4)
                q2 = lax.rem(t + 2, 4)

                @pl.when(t >= 2)
                def _():
                    wait_scat(t - 2, q2, p)

                issue_idx(t + 2, q2)
                wait_idx(t + 1, qn)
                issue_tab(t + 1, qn, pn)
                wait_tab(t, q, p)
                wait_er(t, q)
                bvec = b_v[...]

                for g in range(m):
                    @pl.when(gid_of(t, g) < grp_per_core)
                    def _():
                        @plsc.parallel_loop(0, _C, unroll=4)
                        def _wpass(j):
                            el = tab_v[p, g, j, pl.ds(d, 16)]
                            er = er_v[g, j, :]
                            sv = el + er
                            lv = jnp.where(sv > 0.0, sv, 0.2 * sv) - bvec
                            tab_v[p, g, j, pl.ds(d, 16)] = jnp.exp(lv)

                issue_er(t + 1, qn)

                for g in range(m):
                    @pl.when(gid_of(t, g) < grp_per_core)
                    def _():
                        @plsc.parallel_loop(0, _C, unroll=2)
                        def _spass(j):
                            w = tab_v[p, g, j, pl.ds(d, 16)]
                            for v in range(nvec):
                                hh = (v * 16 * heads) // d
                                tab_v[p, g, j, pl.ds(v * 16, 16)] = (
                                    tab_v[p, g, j, pl.ds(v * 16, 16)]
                                    * w[hh])

                issue_scat(t, q, p)

        myk = (nslots - sid + _NSUB - 1) // _NSUB

        @pl.when(myk >= 1)
        def _():
            wait_scat(myk - 1, lax.rem(myk - 1, 4), lax.rem(myk - 1, 2))

        @pl.when(myk >= 2)
        def _():
            wait_scat(myk - 2, lax.rem(myk - 2, 4), lax.rem(myk - 2, 2))

        plsc.subcore_barrier()

        @pl.loop(0, _ZTRIPS)
        def _drain(z):
            ch = z * _NSUB + sid

            @pl.when(ch < _ZCH)
            def _():
                base = ch * _ZROWS
                pltpu.sync_copy(acc.at[pl.ds(base, _ZROWS)],
                                out_hbm.at[pl.ds(cid * _N + base, _ZROWS)])

    return pl.kernel(
        body,
        out_type=jax.ShapeDtypeStruct((_NCORE * _N, tw), jnp.float32),
        mesh=mesh,
        compiler_params=pltpu.CompilerParams(use_tc_tiling_on_sc=False),
        scratch_types=[
            pltpu.VMEM((4, m, _C), jnp.int32),
            pltpu.VMEM((4, m, _C), jnp.int32),
            pltpu.VMEM((2, m, _C, tw), jnp.float32),
            pltpu.VMEM((m, _C, 16), jnp.float32),
            pltpu.VMEM((2, 16), jnp.float32),
            pltpu.VMEM((16,), jnp.float32),
            pltpu.VMEM_SHARED((_N, tw), jnp.float32),
            pltpu.SemaphoreType.DMA((4,)),
            pltpu.SemaphoreType.DMA((4,)),
            pltpu.SemaphoreType.DMA((2,)),
            pltpu.SemaphoreType.DMA,
            pltpu.SemaphoreType.DMA((2,)),
        ],
    )


@functools.lru_cache(maxsize=None)
def _sc_edge(d, heads, tw, m):
    return _make_sc_edge(d, heads, tw, m)



@jax.jit
def kernel(x, edge_index, W1, al1, ar1, W2, al2, ar2):
    src = edge_index[0].astype(jnp.int32)
    dst = edge_index[1].astype(jnp.int32)

    eye8 = jnp.eye(8, dtype=jnp.float32)
    al1e = jnp.pad((eye8[:, None, :] * al1[:, :, None]).reshape(128, 8),
                   ((0, 0), (0, 8)))
    ar1e = jnp.pad((eye8[:, None, :] * ar1[:, :, None]).reshape(128, 8),
                   ((0, 0), (0, 8)))
    al2e = jnp.pad(al2.T, ((0, 0), (0, 15)))
    ar2e = jnp.pad(ar2.T, ((0, 0), (0, 15)))
    r1 = jnp.repeat(eye8, 16, axis=1)
    r2 = jnp.ones((1, 32), jnp.float32)

    tab1, ertab1, mx1 = _proj1(x, W1, al1e, ar1e)
    acc1 = _sc_edge(128, 8, 144, 1)(tab1, ertab1, src, dst, mx1)
    tab2, ertab2, mx2 = _proj2(acc1[:_N], acc1[_N:], W2, al2e, ar2e, r1)
    acc2 = _sc_edge(32, 1, 48, 4)(tab2, ertab2, src, dst, mx2)
    return _final(acc2[:_N], acc2[_N:], r2)

# --- scband reference (transcript-rebuilt; emitter-appended) ---
"""Pipeline reference for scband-gat-71365176590742 (READ-ONLY COPY).

The authoritative reference and input builder live on the scoring server;
editing this copy changes nothing except your own understanding.
"""

import jax, jax.numpy as jnp
import numpy as np

N = 10000
E = 320000
D_IN = 128
HID = 16
HEADS = 8
NC = 32


def gat_layer(x, src, dst, W, attn_l, attn_r, heads, out_dim, n_nodes, activation=None):
    # DGL GATConv semantics (homogeneous graph, dst nodes == all nodes):
    feat = (x @ W).reshape(n_nodes, heads, out_dim)          # fc projection
    el = jnp.sum(feat * attn_l[None, :, :], axis=-1)         # [N, H]
    er = jnp.sum(feat * attn_r[None, :, :], axis=-1)         # [N, H]
    e = jax.nn.leaky_relu(el[src] + er[dst], negative_slope=0.2)  # [E, H]
    # edge softmax over incoming edges of each dst node
    emax = jax.ops.segment_max(e, dst, num_segments=n_nodes)
    emax = jnp.where(jnp.isfinite(emax), emax, 0.0)
    ee = jnp.exp(e - emax[dst])
    denom = jax.ops.segment_sum(ee, dst, num_segments=n_nodes)
    alpha = ee / (denom[dst] + 1e-9)                          # [E, H]
    msg = feat[src] * alpha[:, :, None]                       # [E, H, out]
    out = jax.ops.segment_sum(msg, dst, num_segments=n_nodes)  # [N, H, out]
    if activation is not None:
        out = activation(out)
    return out.reshape(n_nodes, heads * out_dim)


def setup_inputs(seed: int = 0) -> dict:
    key = jax.random.key(seed)
    ks = jax.random.split(key, 8)
    x = jax.random.normal(ks[0], (N, D_IN), dtype=jnp.float32)
    edge_index = jax.random.randint(ks[1], (2, E), 0, N, dtype=jnp.int64)
    s = 1.0 / np.sqrt(D_IN)
    W1 = jax.random.normal(ks[2], (D_IN, HEADS * HID), dtype=jnp.float32) * s
    al1 = jax.random.normal(ks[3], (HEADS, HID), dtype=jnp.float32) * 0.1
    ar1 = jax.random.normal(ks[4], (HEADS, HID), dtype=jnp.float32) * 0.1
    W2 = jax.random.normal(ks[5], (HEADS * HID, 1 * NC), dtype=jnp.float32) * s
    al2 = jax.random.normal(ks[6], (1, NC), dtype=jnp.float32) * 0.1
    ar2 = jax.random.normal(ks[7], (1, NC), dtype=jnp.float32) * 0.1
    return {"x": x, "edge_index": edge_index, "W1": W1, "al1": al1, "ar1": ar1,
            "W2": W2, "al2": al2, "ar2": ar2}


def reference(x, edge_index, W1, al1, ar1, W2, al2, ar2):
    src = edge_index[0]
    dst = edge_index[1]
    # layer 0: GATConv(128 -> 16, 8 heads, relu), flatten(1) -> [N, 128]
    h = gat_layer(x, src, dst, W1, al1, ar1, HEADS, HID, N, activation=jax.nn.relu)
    # layer 1: GATConv(128 -> 32, 1 head), flatten(1) -> [N, 32]
    out = gat_layer(h, src, dst, W2, al2, ar2, 1, NC, N, activation=None)
    return out

if __name__ == "__main__":
    import jax
    _d = setup_inputs()
    print(jax.jit(kernel)(*tuple(_d.values())))

</pallas_src>

<mosaic_0001>
#map = affine_map<(d0, d1) -> (0, 0)>
#map1 = affine_map<(d0, d1) -> (0)>
module attributes {stable_mosaic.version = 14 : i64} {
  func.func @body(%arg0: i32, %arg1: i32, %arg2: memref<10000x48xf32, #tpu.memory_space<hbm>>, %arg3: memref<10000x16xf32, #tpu.memory_space<hbm>>, %arg4: memref<320000xi32, #tpu.memory_space<hbm>>, %arg5: memref<320000xi32, #tpu.memory_space<hbm>>, %arg6: memref<2x16xf32, #tpu.memory_space<hbm>>, %arg7: memref<20000x48xf32, #tpu.memory_space<hbm>>, %arg8: memref<4x4x128xi32, #tpu.memory_space<vmem>>, %arg9: memref<4x4x128xi32, #tpu.memory_space<vmem>>, %arg10: memref<2x4x128x48xf32, #tpu.memory_space<vmem>>, %arg11: memref<4x128x16xf32, #tpu.memory_space<vmem>>, %arg12: memref<2x16xf32, #tpu.memory_space<vmem>>, %arg13: memref<16xf32, #tpu.memory_space<vmem>>, %arg14: memref<10000x48xf32, #tpu.memory_space<vmem_shared>>, %arg15: memref<4x!tpu.dma_semaphore, #tpu.memory_space<semaphore_mem>>, %arg16: memref<4x!tpu.dma_semaphore, #tpu.memory_space<semaphore_mem>>, %arg17: memref<2x!tpu.dma_semaphore, #tpu.memory_space<semaphore_mem>>, %arg18: memref<!tpu.dma_semaphore, #tpu.memory_space<semaphore_mem>>, %arg19: memref<2x!tpu.dma_semaphore, #tpu.memory_space<semaphore_mem>>) attributes {dimension_semantics = [#tpu.dimension_semantics<core_parallel>, #tpu.dimension_semantics<subcore_parallel>], iteration_bounds = array<i64: 2, 16>, scalar_prefetch = 0 : i64, scratch_operands = 12 : i64, tpu.core_type = #tpu.core_type<sc_vector_subcore>, window_params = [{transform_indices = #map}, {transform_indices = #map}, {transform_indices = #map1}, {transform_indices = #map1}, {transform_indices = #map}, {transform_indices = #map}]} {
    %add3A = arith.constant 0 : i32
    %add3A_0 = arith.addi %add3A, %arg1 : i32
    %mul3A = arith.constant 4 : i32
    %mul3A_1 = arith.muli %add3A_0, %mul3A : i32
    %add3A_2 = arith.constant 0 : i32
    %add3A_3 = arith.addi %mul3A_1, %add3A_2 : i32
    %lt3A = arith.constant 1250 : i32
    %lt3A_4 = arith.cmpi slt, %add3A_3, %lt3A : i32
    %convert_element_type3A = arith.extui %lt3A_4 : i1 to i32
    %cond3A = arith.constant 0 : i32
    %cond3A_5 = arith.cmpi ne, %convert_element_type3A, %cond3A : i32
    scf.if %cond3A_5 {
      %add3A_88 = arith.constant 0 : i32
      %add3A_89 = arith.addi %add3A_88, %arg1 : i32
      %mul3A_90 = arith.constant 4 : i32
      %mul3A_91 = arith.muli %add3A_89, %mul3A_90 : i32
      %add3A_92 = arith.constant 0 : i32
      %add3A_93 = arith.addi %mul3A_91, %add3A_92 : i32
      %lt3A_94 = arith.constant 1250 : i32
      %lt3A_95 = arith.cmpi slt, %add3A_93, %lt3A_94 : i32
      %convert_element_type3A_96 = arith.extui %lt3A_95 : i1 to i32
      %cond3A_97 = arith.constant 0 : i32
      %cond3A_98 = arith.cmpi ne, %convert_element_type3A_96, %cond3A_97 : i32
      scf.if %cond3A_98 {
        %mul3A_143 = arith.constant 1250 : i32
        %mul3A_144 = arith.muli %arg0, %mul3A_143 : i32
        %add3A_145 = arith.constant 0 : i32
        %add3A_146 = arith.addi %add3A_145, %arg1 : i32
        %mul3A_147 = arith.constant 4 : i32
        %mul3A_148 = arith.muli %add3A_146, %mul3A_147 : i32
        %add3A_149 = arith.constant 0 : i32
        %add3A_150 = arith.addi %mul3A_148, %add3A_149 : i32
        %add3A_151 = arith.addi %mul3A_144, %add3A_150 : i32
        %mul3A_152 = arith.constant 128 : i32
        %mul3A_153 = arith.muli %add3A_151, %mul3A_152 : i32
        %dma_start3A = arith.constant 0 : i32
        %dma_start3A_154 = arith.constant 0 : i32
        %dma_start3A_155 = arith.constant 0 : i32
        %dma_start3A_156 = arith.constant 0 : i32
        %dma_start3A_157 = tpu.memref_slice %arg8[%dma_start3A, %dma_start3A_154, %dma_start3A_156] : memref<4x4x128xi32, #tpu.memory_space<vmem>> -> memref<1x1x128xi32, #tpu.memory_space<vmem>>
        %dma_start3A_158 = tpu.memref_squeeze %dma_start3A_157 : memref<1x1x128xi32, #tpu.memory_space<vmem>> -> memref<128xi32, #tpu.memory_space<vmem>>
        %dma_start3A_159 = tpu.memref_slice %arg4[%mul3A_153] : memref<320000xi32, #tpu.memory_space<hbm>> -> memref<128xi32, #tpu.memory_space<hbm>>
        %dma_start3A_160 = tpu.memref_slice %arg15[%dma_start3A_155] : memref<4x!tpu.dma_semaphore, #tpu.memory_space<semaphore_mem>> -> memref<1x!tpu.dma_semaphore, #tpu.memory_space<semaphore_mem>>
        %dma_start3A_161 = tpu.memref_squeeze %dma_start3A_160 : memref<1x!tpu.dma_semaphore, #tpu.memory_space<semaphore_mem>> -> memref<!tpu.dma_semaphore, #tpu.memory_space<semaphore_mem>>
        %dma_start3A_162 = arith.constant 0 : i32
        %dma_start3A_163 = tpu.memref_slice %arg8[%dma_start3A, %dma_start3A_154, %dma_start3A_162] : memref<4x4x128xi32, #tpu.memory_space<vmem>> -> memref<1x1x128xi32, #tpu.memory_space<vmem>>
        %dma_start3A_164 = tpu.memref_squeeze %dma_start3A_163 : memref<1x1x128xi32, #tpu.memory_space<vmem>> -> memref<128xi32, #tpu.memory_space<vmem>>
        %dma_start3A_165 = tpu.memref_slice %arg4[%mul3A_153] : memref<320000xi32, #tpu.memory_space<hbm>> -> memref<128xi32, #tpu.memory_space<hbm>>
        tpu.enqueue_dma source(%dma_start3A_165 : memref<128xi32, #tpu.memory_space<hbm>>) target(%dma_start3A_164 : memref<128xi32, #tpu.memory_space<vmem>>) target_semaphore(%dma_start3A_161 : memref<!tpu.dma_semaphore, #tpu.memory_space<semaphore_mem>>)
        %dma_start3A_166 = arith.constant 0 : i32
        %dma_start3A_167 = arith.constant 0 : i32
        %dma_start3A_168 = arith.constant 0 : i32
        %dma_start3A_169 = arith.constant 0 : i32
        %dma_start3A_170 = tpu.memref_slice %arg9[%dma_start3A_166, %dma_start3A_167, %dma_start3A_169] : memref<4x4x128xi32, #tpu.memory_space<vmem>> -> memref<1x1x128xi32, #tpu.memory_space<vmem>>
        %dma_start3A_171 = tpu.memref_squeeze %dma_start3A_170 : memref<1x1x128xi32, #tpu.memory_space<vmem>> -> memref<128xi32, #tpu.memory_space<vmem>>
        %dma_start3A_172 = tpu.memref_slice %arg5[%mul3A_153] : memref<320000xi32, #tpu.memory_space<hbm>> -> memref<128xi32, #tpu.memory_space<hbm>>
        %dma_start3A_173 = tpu.memref_slice %arg16[%dma_start3A_168] : memref<4x!tpu.dma_semaphore, #tpu.memory_space<semaphore_mem>> -> memref<1x!tpu.dma_semaphore, #tpu.memory_space<semaphore_mem>>
        %dma_start3A_174 = tpu.memref_squeeze %dma_start3A_173 : memref<1x!tpu.dma_semaphore, #tpu.memory_space<semaphore_mem>> -> memref<!tpu.dma_semaphore, #tpu.memory_space<semaphore_mem>>
        %dma_start3A_175 = arith.constant 0 : i32
        %dma_start3A_176 = tpu.memref_slice %arg9[%dma_start3A_166, %dma_start3A_167, %dma_start3A_175] : memref<4x4x128xi32, #tpu.memory_space<vmem>> -> memref<1x1x128xi32, #tpu.memory_space<vmem>>
        %dma_start3A_177 = tpu.memref_squeeze %dma_start3A_176 : memref<1x1x128xi32, #tpu.memory_space<vmem>> -> memref<128xi32, #tpu.memory_space<vmem>>
        %dma_start3A_178 = tpu.memref_slice %arg5[%mul3A_153] : memref<320000xi32, #tpu.memory_space<hbm>> -> memref<128xi32, #tpu.memory_space<hbm>>
        tpu.enqueue_dma source(%dma_start3A_178 : memref<128xi32, #tpu.memory_space<hbm>>) target(%dma_start3A_177 : memref<128xi32, #tpu.memory_space<vmem>>) target_semaphore(%dma_start3A_174 : memref<!tpu.dma_semaphore, #tpu.memory_space<semaphore_mem>>)
      } else {
      }
      %add3A_99 = arith.constant 0 : i32
      %add3A_100 = arith.addi %add3A_99, %arg1 : i32
      %mul3A_101 = arith.constant 4 : i32
      %mul3A_102 = arith.muli %add3A_100, %mul3A_101 : i32
      %add3A_103 = arith.constant 1 : i32
      %add3A_104 = arith.addi %mul3A_102, %add3A_103 : i32
      %lt3A_105 = arith.constant 1250 : i32
      %lt3A_106 = arith.cmpi slt, %add3A_104, %lt3A_105 : i32
      %convert_element_type3A_107 = arith.extui %lt3A_106 : i1 to i32
      %cond3A_108 = arith.constant 0 : i32
      %cond3A_109 = arith.cmpi ne, %convert_element_type3A_107, %cond3A_108 : i32
      scf.if %cond3A_109 {
        %mul3A_143 = arith.constant 1250 : i32
        %mul3A_144 = arith.muli %arg0, %mul3A_143 : i32
        %add3A_145 = arith.constant 0 : i32
        %add3A_146 = arith.addi %add3A_145, %arg1 : i32
        %mul3A_147 = arith.constant 4 : i32
        %mul3A_148 = arith.muli %add3A_146, %mul3A_147 : i32
        %add3A_149 = arith.constant 1 : i32
        %add3A_150 = arith.addi %mul3A_148, %add3A_149 : i32
        %add3A_151 = arith.addi %mul3A_144, %add3A_150 : i32
        %mul3A_152 = arith.constant 128 : i32
        %mul3A_153 = arith.muli %add3A_151, %mul3A_152 : i32
        %dma_start3A = arith.constant 0 : i32
        %dma_start3A_154 = arith.constant 1 : i32
        %dma_start3A_155 = arith.constant 0 : i32
        %dma_start3A_156 = arith.constant 0 : i32
        %dma_start3A_157 = tpu.memref_slice %arg8[%dma_start3A, %dma_start3A_154, %dma_start3A_156] : memref<4x4x128xi32, #tpu.memory_space<vmem>> -> memref<1x1x128xi32, #tpu.memory_space<vmem>>
        %dma_start3A_158 = tpu.memref_squeeze %dma_start3A_157 : memref<1x1x128xi32, #tpu.memory_space<vmem>> -> memref<128xi32, #tpu.memory_space<vmem>>
        %dma_start3A_159 = tpu.memref_slice %arg4[%mul3A_153] : memref<320000xi32, #tpu.memory_space<hbm>> -> memref<128xi32, #tpu.memory_space<hbm>>
        %dma_start3A_160 = tpu.memref_slice %arg15[%dma_start3A_155] : memref<4x!tpu.dma_semaphore, #tpu.memory_space<semaphore_mem>> -> memref<1x!tpu.dma_semaphore, #tpu.memory_space<semaphore_mem>>
        %dma_start3A_161 = tpu.memref_squeeze %dma_start3A_160 : memref<1x!tpu.dma_semaphore, #tpu.memory_space<semaphore_mem>> -> memref<!tpu.dma_semaphore, #tpu.memory_space<semaphore_mem>>
        %dma_start3A_162 = arith.constant 0 : i32
        %dma_start3A_163 = tpu.memref_slice %arg8[%dma_start3A, %dma_start3A_154, %dma_start3A_162] : memref<4x4x128xi32, #tpu.memory_space<vmem>> -> memref<1x1x128xi32, #tpu.memory_space<vmem>>
        %dma_start3A_164 = tpu.memref_squeeze %dma_start3A_163 : memref<1x1x128xi32, #tpu.memory_space<vmem>> -> memref<128xi32, #tpu.memory_space<vmem>>
        %dma_start3A_165 = tpu.memref_slice %arg4[%mul3A_153] : memref<320000xi32, #tpu.memory_space<hbm>> -> memref<128xi32, #tpu.memory_space<hbm>>
        tpu.enqueue_dma source(%dma_start3A_165 : memref<128xi32, #tpu.memory_space<hbm>>) target(%dma_start3A_164 : memref<128xi32, #tpu.memory_space<vmem>>) target_semaphore(%dma_start3A_161 : memref<!tpu.dma_semaphore, #tpu.memory_space<semaphore_mem>>)
        %dma_start3A_166 = arith.constant 0 : i32
        %dma_start3A_167 = arith.constant 1 : i32
        %dma_start3A_168 = arith.constant 0 : i32
        %dma_start3A_169 = arith.constant 0 : i32
        %dma_start3A_170 = tpu.memref_slice %arg9[%dma_start3A_166, %dma_start3A_167, %dma_start3A_169] : memref<4x4x128xi32, #tpu.memory_space<vmem>> -> memref<1x1x128xi32, #tpu.memory_space<vmem>>
        %dma_start3A_171 = tpu.memref_squeeze %dma_start3A_170 : memref<1x1x128xi32, #tpu.memory_space<vmem>> -> memref<128xi32, #tpu.memory_space<vmem>>
        %dma_start3A_172 = tpu.memref_slice %arg5[%mul3A_153] : memref<320000xi32, #tpu.memory_space<hbm>> -> memref<128xi32, #tpu.memory_space<hbm>>
        %dma_start3A_173 = tpu.memref_slice %arg16[%dma_start3A_168] : memref<4x!tpu.dma_semaphore, #tpu.memory_space<semaphore_mem>> -> memref<1x!tpu.dma_semaphore, #tpu.memory_space<semaphore_mem>>
        %dma_start3A_174 = tpu.memref_squeeze %dma_start3A_173 : memref<1x!tpu.dma_semaphore, #tpu.memory_space<semaphore_mem>> -> memref<!tpu.dma_semaphore, #tpu.memory_space<semaphore_mem>>
        %dma_start3A_175 = arith.constant 0 : i32
        %dma_start3A_176 = tpu.memref_slice %arg9[%dma_start3A_166, %dma_start3A_167, %dma_start3A_175] : memref<4x4x128xi32, #tpu.memory_space<vmem>> -> memref<1x1x128xi32, #tpu.memory_space<vmem>>
        %dma_start3A_177 = tpu.memref_squeeze %dma_start3A_176 : memref<1x1x128xi32, #tpu.memory_space<vmem>> -> memref<128xi32, #tpu.memory_space<vmem>>
        %dma_start3A_178 = tpu.memref_slice %arg5[%mul3A_153] : memref<320000xi32, #tpu.memory_space<hbm>> -> memref<128xi32, #tpu.memory_space<hbm>>
        tpu.enqueue_dma source(%dma_start3A_178 : memref<128xi32, #tpu.memory_space<hbm>>) target(%dma_start3A_177 : memref<128xi32, #tpu.memory_space<vmem>>) target_semaphore(%dma_start3A_174 : memref<!tpu.dma_semaphore, #tpu.memory_space<semaphore_mem>>)
      } else {
      }
      %add3A_110 = arith.constant 0 : i32
      %add3A_111 = arith.addi %add3A_110, %arg1 : i32
      %mul3A_112 = arith.constant 4 : i32
      %mul3A_113 = arith.muli %add3A_111, %mul3A_112 : i32
      %add3A_114 = arith.constant 2 : i32
      %add3A_115 = arith.addi %mul3A_113, %add3A_114 : i32
      %lt3A_116 = arith.constant 1250 : i32
      %lt3A_117 = arith.cmpi slt, %add3A_115, %lt3A_116 : i32
      %convert_element_type3A_118 = arith.extui %lt3A_117 : i1 to i32
      %cond3A_119 = arith.constant 0 : i32
      %cond3A_120 = arith.cmpi ne, %convert_element_type3A_118, %cond3A_119 : i32
      scf.if %cond3A_120 {
        %mul3A_143 = arith.constant 1250 : i32
        %mul3A_144 = arith.muli %arg0, %mul3A_143 : i32
        %add3A_145 = arith.constant 0 : i32
        %add3A_146 = arith.addi %add3A_145, %arg1 : i32
        %mul3A_147 = arith.constant 4 : i32
        %mul3A_148 = arith.muli %add3A_146, %mul3A_147 : i32
        %add3A_149 = arith.constant 2 : i32
        %add3A_150 = arith.addi %mul3A_148, %add3A_149 : i32
        %add3A_151 = arith.addi %mul3A_144, %add3A_150 : i32
        %mul3A_152 = arith.constant 128 : i32
        %mul3A_153 = arith.muli %add3A_151, %mul3A_152 : i32
        %dma_start3A = arith.constant 0 : i32
        %dma_start3A_154 = arith.constant 2 : i32
        %dma_start3A_155 = arith.constant 0 : i32
        %dma_start3A_156 = arith.constant 0 : i32
        %dma_start3A_157 = tpu.memref_slice %arg8[%dma_start3A, %dma_start3A_154, %dma_start3A_156] : memref<4x4x128xi32, #tpu.memory_space<vmem>> -> memref<1x1x128xi32, #tpu.memory_space<vmem>>
        %dma_start3A_158 = tpu.memref_squeeze %dma_start3A_157 : memref<1x1x128xi32, #tpu.memory_space<vmem>> -> memref<128xi32, #tpu.memory_space<vmem>>
        %dma_start3A_159 = tpu.memref_slice %arg4[%mul3A_153] : memref<320000xi32, #tpu.memory_space<hbm>> -> memref<128xi32, #tpu.memory_space<hbm>>
        %dma_start3A_160 = tpu.memref_slice %arg15[%dma_start3A_155] : memref<4x!tpu.dma_semaphore, #tpu.memory_space<semaphore_mem>> -> memref<1x!tpu.dma_semaphore, #tpu.memory_space<semaphore_mem>>
        %dma_start3A_161 = tpu.memref_squeeze %dma_start3A_160 : memref<1x!tpu.dma_semaphore, #tpu.memory_space<semaphore_mem>> -> memref<!tpu.dma_semaphore, #tpu.memory_space<semaphore_mem>>
        %dma_start3A_162 = arith.constant 0 : i32
        %dma_start3A_163 = tpu.memref_slice %arg8[%dma_start3A, %dma_start3A_154, %dma_start3A_162] : memref<4x4x128xi32, #tpu.memory_space<vmem>> -> memref<1x1x128xi32, #tpu.memory_space<vmem>>
        %dma_start3A_164 = tpu.memref_squeeze %dma_start3A_163 : memref<1x1x128xi32, #tpu.memory_space<vmem>> -> memref<128xi32, #tpu.memory_space<vmem>>
        %dma_start3A_165 = tpu.memref_slice %arg4[%mul3A_153] : memref<320000xi32, #tpu.memory_space<hbm>> -> memref<128xi32, #tpu.memory_space<hbm>>
        tpu.enqueue_dma source(%dma_start3A_165 : memref<128xi32, #tpu.memory_space<hbm>>) target(%dma_start3A_164 : memref<128xi32, #tpu.memory_space<vmem>>) target_semaphore(%dma_start3A_161 : memref<!tpu.dma_semaphore, #tpu.memory_space<semaphore_mem>>)
        %dma_start3A_166 = arith.constant 0 : i32
        %dma_start3A_167 = arith.constant 2 : i32
        %dma_start3A_168 = arith.constant 0 : i32
        %dma_start3A_169 = arith.constant 0 : i32
        %dma_start3A_170 = tpu.memref_slice %arg9[%dma_start3A_166, %dma_start3A_167, %dma_start3A_169] : memref<4x4x128xi32, #tpu.memory_space<vmem>> -> memref<1x1x128xi32, #tpu.memory_space<vmem>>
        %dma_start3A_171 = tpu.memref_squeeze %dma_start3A_170 : memref<1x1x128xi32, #tpu.memory_space<vmem>> -> memref<128xi32, #tpu.memory_space<vmem>>
        %dma_start3A_172 = tpu.memref_slice %arg5[%mul3A_153] : memref<320000xi32, #tpu.memory_space<hbm>> -> memref<128xi32, #tpu.memory_space<hbm>>
        %dma_start3A_173 = tpu.memref_slice %arg16[%dma_start3A_168] : memref<4x!tpu.dma_semaphore, #tpu.memory_space<semaphore_mem>> -> memref<1x!tpu.dma_semaphore, #tpu.memory_space<semaphore_mem>>
        %dma_start3A_174 = tpu.memref_squeeze %dma_start3A_173 : memref<1x!tpu.dma_semaphore, #tpu.memory_space<semaphore_mem>> -> memref<!tpu.dma_semaphore, #tpu.memory_space<semaphore_mem>>
        %dma_start3A_175 = arith.constant 0 : i32
        %dma_start3A_176 = tpu.memref_slice %arg9[%dma_start3A_166, %dma_start3A_167, %dma_start3A_175] : memref<4x4x128xi32, #tpu.memory_space<vmem>> -> memref<1x1x128xi32, #tpu.memory_space<vmem>>
        %dma_start3A_177 = tpu.memref_squeeze %dma_start3A_176 : memref<1x1x128xi32, #tpu.memory_space<vmem>> -> memref<128xi32, #tpu.memory_space<vmem>>
        %dma_start3A_178 = tpu.memref_slice %arg5[%mul3A_153] : memref<320000xi32, #tpu.memory_space<hbm>> -> memref<128xi32, #tpu.memory_space<hbm>>
        tpu.enqueue_dma source(%dma_start3A_178 : memref<128xi32, #tpu.memory_space<hbm>>) target(%dma_start3A_177 : memref<128xi32, #tpu.memory_space<vmem>>) target_semaphore(%dma_start3A_174 : memref<!tpu.dma_semaphore, #tpu.memory_space<semaphore_mem>>)
      } else {
      }
      %add3A_121 = arith.constant 0 : i32
      %add3A_122 = arith.addi %add3A_121, %arg1 : i32
      %mul3A_123 = arith.constant 4 : i32
      %mul3A_124 = arith.muli %add3A_122, %mul3A_123 : i32
      %add3A_125 = arith.constant 3 : i32
      %add3A_126 = arith.addi %mul3A_124, %add3A_125 : i32
      %lt3A_127 = arith.constant 1250 : i32
      %lt3A_128 = arith.cmpi slt, %add3A_126, %lt3A_127 : i32
      %convert_element_type3A_129 = arith.extui %lt3A_128 : i1 to i32
      %cond3A_130 = arith.constant 0 : i32
      %cond3A_131 = arith.cmpi ne, %convert_element_type3A_129, %cond3A_130 : i32
      scf.if %cond3A_131 {
        %mul3A_143 = arith.constant 1250 : i32
        %mul3A_144 = arith.muli %arg0, %mul3A_143 : i32
        %add3A_145 = arith.constant 0 : i32
        %add3A_146 = arith.addi %add3A_145, %arg1 : i32
        %mul3A_147 = arith.constant 4 : i32
        %mul3A_148 = arith.muli %add3A_146, %mul3A_147 : i32
        %add3A_149 = arith.constant 3 : i32
        %add3A_150 = arith.addi %mul3A_148, %add3A_149 : i32
        %add3A_151 = arith.addi %mul3A_144, %add3A_150 : i32
        %mul3A_152 = arith.constant 128 : i32
        %mul3A_153 = arith.muli %add3A_151, %mul3A_152 : i32
        %dma_start3A = arith.constant 0 : i32
        %dma_start3A_154 = arith.constant 3 : i32
        %dma_start3A_155 = arith.constant 0 : i32
        %dma_start3A_156 = arith.constant 0 : i32
        %dma_start3A_157 = tpu.memref_slice %arg8[%dma_start3A, %dma_start3A_154, %dma_start3A_156] : memref<4x4x128xi32, #tpu.memory_space<vmem>> -> memref<1x1x128xi32, #tpu.memory_space<vmem>>
        %dma_start3A_158 = tpu.memref_squeeze %dma_start3A_157 : memref<1x1x128xi32, #tpu.memory_space<vmem>> -> memref<128xi32, #tpu.memory_space<vmem>>
        %dma_start3A_159 = tpu.memref_slice %arg4[%mul3A_153] : memref<320000xi32, #tpu.memory_space<hbm>> -> memref<128xi32, #tpu.memory_space<hbm>>
        %dma_start3A_160 = tpu.memref_slice %arg15[%dma_start3A_155] : memref<4x!tpu.dma_semaphore, #tpu.memory_space<semaphore_mem>> -> memref<1x!tpu.dma_semaphore, #tpu.memory_space<semaphore_mem>>
        %dma_start3A_161 = tpu.memref_squeeze %dma_start3A_160 : memref<1x!tpu.dma_semaphore, #tpu.memory_space<semaphore_mem>> -> memref<!tpu.dma_semaphore, #tpu.memory_space<semaphore_mem>>
        %dma_start3A_162 = arith.constant 0 : i32
        %dma_start3A_163 = tpu.memref_slice %arg8[%dma_start3A, %dma_start3A_154, %dma_start3A_162] : memref<4x4x128xi32, #tpu.memory_space<vmem>> -> memref<1x1x128xi32, #tpu.memory_space<vmem>>
        %dma_start3A_164 = tpu.memref_squeeze %dma_start3A_163 : memref<1x1x128xi32, #tpu.memory_space<vmem>> -> memref<128xi32, #tpu.memory_space<vmem>>
        %dma_start3A_165 = tpu.memref_slice %arg4[%mul3A_153] : memref<320000xi32, #tpu.memory_space<hbm>> -> memref<128xi32, #tpu.memory_space<hbm>>
        tpu.enqueue_dma source(%dma_start3A_165 : memref<128xi32, #tpu.memory_space<hbm>>) target(%dma_start3A_164 : memref<128xi32, #tpu.memory_space<vmem>>) target_semaphore(%dma_start3A_161 : memref<!tpu.dma_semaphore, #tpu.memory_space<semaphore_mem>>)
        %dma_start3A_166 = arith.constant 0 : i32
        %dma_start3A_167 = arith.constant 3 : i32
        %dma_start3A_168 = arith.constant 0 : i32
        %dma_start3A_169 = arith.constant 0 : i32
        %dma_start3A_170 = tpu.memref_slice %arg9[%dma_start3A_166, %dma_start3A_167, %dma_start3A_169] : memref<4x4x128xi32, #tpu.memory_space<vmem>> -> memref<1x1x128xi32, #tpu.memory_space<vmem>>
        %dma_start3A_171 = tpu.memref_squeeze %dma_start3A_170 : memref<1x1x128xi32, #tpu.memory_space<vmem>> -> memref<128xi32, #tpu.memory_space<vmem>>
        %dma_start3A_172 = tpu.memref_slice %arg5[%mul3A_153] : memref<320000xi32, #tpu.memory_space<hbm>> -> memref<128xi32, #tpu.memory_space<hbm>>
        %dma_start3A_173 = tpu.memref_slice %arg16[%dma_start3A_168] : memref<4x!tpu.dma_semaphore, #tpu.memory_space<semaphore_mem>> -> memref<1x!tpu.dma_semaphore, #tpu.memory_space<semaphore_mem>>
        %dma_start3A_174 = tpu.memref_squeeze %dma_start3A_173 : memref<1x!tpu.dma_semaphore, #tpu.memory_space<semaphore_mem>> -> memref<!tpu.dma_semaphore, #tpu.memory_space<semaphore_mem>>
        %dma_start3A_175 = arith.constant 0 : i32
        %dma_start3A_176 = tpu.memref_slice %arg9[%dma_start3A_166, %dma_start3A_167, %dma_start3A_175] : memref<4x4x128xi32, #tpu.memory_space<vmem>> -> memref<1x1x128xi32, #tpu.memory_space<vmem>>
        %dma_start3A_177 = tpu.memref_squeeze %dma_start3A_176 : memref<1x1x128xi32, #tpu.memory_space<vmem>> -> memref<128xi32, #tpu.memory_space<vmem>>
        %dma_start3A_178 = tpu.memref_slice %arg5[%mul3A_153] : memref<320000xi32, #tpu.memory_space<hbm>> -> memref<128xi32, #tpu.memory_space<hbm>>
        tpu.enqueue_dma source(%dma_start3A_178 : memref<128xi32, #tpu.memory_space<hbm>>) target(%dma_start3A_177 : memref<128xi32, #tpu.memory_space<vmem>>) target_semaphore(%dma_start3A_174 : memref<!tpu.dma_semaphore, #tpu.memory_space<semaphore_mem>>)
      } else {
      }
      %add3A_132 = arith.constant 16 : i32
      %add3A_133 = arith.addi %add3A_132, %arg1 : i32
      %mul3A_134 = arith.constant 4 : i32
      %mul3A_135 = arith.muli %add3A_133, %mul3A_134 : i32
      %add3A_136 = arith.constant 0 : i32
      %add3A_137 = arith.addi %mul3A_135, %add3A_136 : i32
      %lt3A_138 = arith.constant 1250 : i32
      %lt3A_139 = arith.cmpi slt, %add3A_137, %lt3A_138 : i32
      %convert_element_type3A_140 = arith.extui %lt3A_139 : i1 to i32
      %cond3A_141 = arith.constant 0 : i32
      %cond3A_142 = arith.cmpi ne, %convert_element_type3A_140, %cond3A_141 : i32
      scf.if %cond3A_142 {
        %add3A_143 = arith.constant 16 : i32
        %add3A_144 = arith.addi %add3A_143, %arg1 : i32
        %mul3A_145 = arith.constant 4 : i32
        %mul3A_146 = arith.muli %add3A_144, %mul3A_145 : i32
        %add3A_147 = arith.constant 0 : i32
        %add3A_148 = arith.addi %mul3A_146, %add3A_147 : i32
        %lt3A_149 = arith.constant 1250 : i32
        %lt3A_150 = arith.cmpi slt, %add3A_148, %lt3A_149 : i32
        %convert_element_type3A_151 = arith.extui %lt3A_150 : i1 to i32
        %cond3A_152 = arith.constant 0 : i32
        %cond3A_153 = arith.cmpi ne, %convert_element_type3A_151, %cond3A_152 : i32
        scf.if %cond3A_153 {
          %mul3A_187 = arith.constant 1250 : i32
          %mul3A_188 = arith.muli %arg0, %mul3A_187 : i32
          %add3A_189 = arith.constant 16 : i32
          %add3A_190 = arith.addi %add3A_189, %arg1 : i32
          %mul3A_191 = arith.constant 4 : i32
          %mul3A_192 = arith.muli %add3A_190, %mul3A_191 : i32
          %add3A_193 = arith.constant 0 : i32
          %add3A_194 = arith.addi %mul3A_192, %add3A_193 : i32
          %add3A_195 = arith.addi %mul3A_188, %add3A_194 : i32
          %mul3A_196 = arith.constant 128 : i32
          %mul3A_197 = arith.muli %add3A_195, %mul3A_196 : i32
          %dma_start3A = arith.constant 1 : i32
          %dma_start3A_198 = arith.constant 0 : i32
          %dma_start3A_199 = arith.constant 1 : i32
          %dma_start3A_200 = arith.constant 0 : i32
          %dma_start3A_201 = tpu.memref_slice %arg8[%dma_start3A, %dma_start3A_198, %dma_start3A_200] : memref<4x4x128xi32, #tpu.memory_space<vmem>> -> memref<1x1x128xi32, #tpu.memory_space<vmem>>
          %dma_start3A_202 = tpu.memref_squeeze %dma_start3A_201 : memref<1x1x128xi32, #tpu.memory_space<vmem>> -> memref<128xi32, #tpu.memory_space<vmem>>
          %dma_start3A_203 = tpu.memref_slice %arg4[%mul3A_197] : memref<320000xi32, #tpu.memory_space<hbm>> -> memref<128xi32, #tpu.memory_space<hbm>>
          %dma_start3A_204 = tpu.memref_slice %arg15[%dma_start3A_199] : memref<4x!tpu.dma_semaphore, #tpu.memory_space<semaphore_mem>> -> memref<1x!tpu.dma_semaphore, #tpu.memory_space<semaphore_mem>>
          %dma_start3A_205 = tpu.memref_squeeze %dma_start3A_204 : memref<1x!tpu.dma_semaphore, #tpu.memory_space<semaphore_mem>> -> memref<!tpu.dma_semaphore, #tpu.memory_space<semaphore_mem>>
          %dma_start3A_206 = arith.constant 0 : i32
          %dma_start3A_207 = tpu.memref_slice %arg8[%dma_start3A, %dma_start3A_198, %dma_start3A_206] : memref<4x4x128xi32, #tpu.memory_space<vmem>> -> memref<1x1x128xi32, #tpu.memory_space<vmem>>
          %dma_start3A_208 = tpu.memref_squeeze %dma_start3A_207 : memref<1x1x128xi32, #tpu.memory_space<vmem>> -> memref<128xi32, #tpu.memory_space<vmem>>
          %dma_start3A_209 = tpu.memref_slice %arg4[%mul3A_197] : memref<320000xi32, #tpu.memory_space<hbm>> -> memref<128xi32, #tpu.memory_space<hbm>>
          tpu.enqueue_dma source(%dma_start3A_209 : memref<128xi32, #tpu.memory_space<hbm>>) target(%dma_start3A_208 : memref<128xi32, #tpu.memory_space<vmem>>) target_semaphore(%dma_start3A_205 : memref<!tpu.dma_semaphore, #tpu.memory_space<semaphore_mem>>)
          %dma_start3A_210 = arith.constant 1 : i32
          %dma_start3A_211 = arith.constant 0 : i32
          %dma_start3A_212 = arith.constant 1 : i32
          %dma_start3A_213 = arith.constant 0 : i32
          %dma_start3A_214 = tpu.memref_slice %arg9[%dma_start3A_210, %dma_start3A_211, %dma_start3A_213] : memref<4x4x128xi32, #tpu.memory_space<vmem>> -> memref<1x1x128xi32, #tpu.memory_space<vmem>>
          %dma_start3A_215 = tpu.memref_squeeze %dma_start3A_214 : memref<1x1x128xi32, #tpu.memory_space<vmem>> -> memref<128xi32, #tpu.memory_space<vmem>>
          %dma_start3A_216 = tpu.memref_slice %arg5[%mul3A_197] : memref<320000xi32, #tpu.memory_space<hbm>> -> memref<128xi32, #tpu.memory_space<hbm>>
          %dma_start3A_217 = tpu.memref_slice %arg16[%dma_start3A_212] : memref<4x!tpu.dma_semaphore, #tpu.memory_space<semaphore_mem>> -> memref<1x!tpu.dma_semaphore, #tpu.memory_space<semaphore_mem>>
          %dma_start3A_218 = tpu.memref_squeeze %dma_start3A_217 : memref<1x!tpu.dma_semaphore, #tpu.memory_space<semaphore_mem>> -> memref<!tpu.dma_semaphore, #tpu.memory_space<semaphore_mem>>
          %dma_start3A_219 = arith.constant 0 : i32
          %dma_start3A_220 = tpu.memref_slice %arg9[%dma_start3A_210, %dma_start3A_211, %dma_start3A_219] : memref<4x4x128xi32, #tpu.memory_space<vmem>> -> memref<1x1x128xi32, #tpu.memory_space<vmem>>
          %dma_start3A_221 = tpu.memref_squeeze %dma_start3A_220 : memref<1x1x128xi32, #tpu.memory_space<vmem>> -> memref<128xi32, #tpu.memory_space<vmem>>
          %dma_start3A_222 = tpu.memref_slice %arg5[%mul3A_197] : memref<320000xi32, #tpu.memory_space<hbm>> -> memref<128xi32, #tpu.memory_space<hbm>>
          tpu.enqueue_dma source(%dma_start3A_222 : memref<128xi32, #tpu.memory_space<hbm>>) target(%dma_start3A_221 : memref<128xi32, #tpu.memory_space<vmem>>) target_semaphore(%dma_start3A_218 : memref<!tpu.dma_semaphore, #tpu.memory_space<semaphore_mem>>)
        } else {
        }
        %add3A_154 = arith.constant 16 : i32
        %add3A_155 = arith.addi %add3A_154, %arg1 : i32
        %mul3A_156 = arith.constant 4 : i32
        %mul3A_157 = arith.muli %add3A_155, %mul3A_156 : i32
        %add3A_158 = arith.constant 1 : i32
        %add3A_159 = arith.addi %mul3A_157, %add3A_158 : i32
        %lt3A_160 = arith.constant 1250 : i32
        %lt3A_161 = arith.cmpi slt, %add3A_159, %lt3A_160 : i32
        %convert_element_type3A_162 = arith.extui %lt3A_161 : i1 to i32
        %cond3A_163 = arith.constant 0 : i32
        %cond3A_164 = arith.cmpi ne, %convert_element_type3A_162, %cond3A_163 : i32
        scf.if %cond3A_164 {
          %mul3A_187 = arith.constant 1250 : i32
          %mul3A_188 = arith.muli %arg0, %mul3A_187 : i32
          %add3A_189 = arith.constant 16 : i32
          %add3A_190 = arith.addi %add3A_189, %arg1 : i32
          %mul3A_191 = arith.constant 4 : i32
          %mul3A_192 = arith.muli %add3A_190, %mul3A_191 : i32
          %add3A_193 = arith.constant 1 : i32
          %add3A_194 = arith.addi %mul3A_192, %add3A_193 : i32
          %add3A_195 = arith.addi %mul3A_188, %add3A_194 : i32
          %mul3A_196 = arith.constant 128 : i32
          %mul3A_197 = arith.muli %add3A_195, %mul3A_196 : i32
          %dma_start3A = arith.constant 1 : i32
          %dma_start3A_198 = arith.constant 1 : i32
          %dma_start3A_199 = arith.constant 1 : i32
          %dma_start3A_200 = arith.constant 0 : i32
          %dma_start3A_201 = tpu.memref_slice %arg8[%dma_start3A, %dma_start3A_198, %dma_start3A_200] : memref<4x4x128xi32, #tpu.memory_space<vmem>> -> memref<1x1x128xi32, #tpu.memory_space<vmem>>
          %dma_start3A_202 = tpu.memref_squeeze %dma_start3A_201 : memref<1x1x128xi32, #tpu.memory_space<vmem>> -> memref<128xi32, #tpu.memory_space<vmem>>
          %dma_start3A_203 = tpu.memref_slice %arg4[%mul3A_197] : memref<320000xi32, #tpu.memory_space<hbm>> -> memref<128xi32, #tpu.memory_space<hbm>>
          %dma_start3A_204 = tpu.memref_slice %arg15[%dma_start3A_199] : memref<4x!tpu.dma_semaphore, #tpu.memory_space<semaphore_mem>> -> memref<1x!tpu.dma_semaphore, #tpu.memory_space<semaphore_mem>>
          %dma_start3A_205 = tpu.memref_squeeze %dma_start3A_204 : memref<1x!tpu.dma_semaphore, #tpu.memory_space<semaphore_mem>> -> memref<!tpu.dma_semaphore, #tpu.memory_space<semaphore_mem>>
          %dma_start3A_206 = arith.constant 0 : i32
          %dma_start3A_207 = tpu.memref_slice %arg8[%dma_start3A, %dma_start3A_198, %dma_start3A_206] : memref<4x4x128xi32, #tpu.memory_space<vmem>> -> memref<1x1x128xi32, #tpu.memory_space<vmem>>
          %dma_start3A_208 = tpu.memref_squeeze %dma_start3A_207 : memref<1x1x128xi32, #tpu.memory_space<vmem>> -> memref<128xi32, #tpu.memory_space<vmem>>
          %dma_start3A_209 = tpu.memref_slice %arg4[%mul3A_197] : memref<320000xi32, #tpu.memory_space<hbm>> -> memref<128xi32, #tpu.memory_space<hbm>>
          tpu.enqueue_dma source(%dma_start3A_209 : memref<128xi32, #tpu.memory_space<hbm>>) target(%dma_start3A_208 : memref<128xi32, #tpu.memory_space<vmem>>) target_semaphore(%dma_start3A_205 : memref<!tpu.dma_semaphore, #tpu.memory_space<semaphore_mem>>)
          %dma_start3A_210 = arith.constant 1 : i32
          %dma_start3A_211 = arith.constant 1 : i32
          %dma_start3A_212 = arith.constant 1 : i32
          %dma_start3A_213 = arith.constant 0 : i32
          %dma_start3A_214 = tpu.memref_slice %arg9[%dma_start3A_210, %dma_start3A_211, %dma_start3A_213] : memref<4x4x128xi32, #tpu.memory_space<vmem>> -> memref<1x1x128xi32, #tpu.memory_space<vmem>>
          %dma_start3A_215 = tpu.memref_squeeze %dma_start3A_214 : memref<1x1x128xi32, #tpu.memory_space<vmem>> -> memref<128xi32, #tpu.memory_space<vmem>>
          %dma_start3A_216 = tpu.memref_slice %arg5[%mul3A_197] : memref<320000xi32, #tpu.memory_space<hbm>> -> memref<128xi32, #tpu.memory_space<hbm>>
          %dma_start3A_217 = tpu.memref_slice %arg16[%dma_start3A_212] : memref<4x!tpu.dma_semaphore, #tpu.memory_space<semaphore_mem>> -> memref<1x!tpu.dma_semaphore, #tpu.memory_space<semaphore_mem>>
          %dma_start3A_218 = tpu.memref_squeeze %dma_start3A_217 : memref<1x!tpu.dma_semaphore, #tpu.memory_space<semaphore_mem>> -> memref<!tpu.dma_semaphore, #tpu.memory_space<semaphore_mem>>
          %dma_start3A_219 = arith.constant 0 : i32
          %dma_start3A_220 = tpu.memref_slice %arg9[%dma_start3A_210, %dma_start3A_211, %dma_start3A_219] : memref<4x4x128xi32, #tpu.memory_space<vmem>> -> memref<1x1x128xi32, #tpu.memory_space<vmem>>
          %dma_start3A_221 = tpu.memref_squeeze %dma_start3A_220 : memref<1x1x128xi32, #tpu.memory_space<vmem>> -> memref<128xi32, #tpu.memory_space<vmem>>
          %dma_start3A_222 = tpu.memref_slice %arg5[%mul3A_197] : memref<320000xi32, #tpu.memory_space<hbm>> -> memref<128xi32, #tpu.memory_space<hbm>>
          tpu.enqueue_dma source(%dma_start3A_222 : memref<128xi32, #tpu.memory_space<hbm>>) target(%dma_start3A_221 : memref<128xi32, #tpu.memory_space<vmem>>) target_semaphore(%dma_start3A_218 : memref<!tpu.dma_semaphore, #tpu.memory_space<semaphore_mem>>)
        } else {
        }
        %add3A_165 = arith.constant 16 : i32
        %add3A_166 = arith.addi %add3A_165, %arg1 : i32
        %mul3A_167 = arith.constant 4 : i32
        %mul3A_168 = arith.muli %add3A_166, %mul3A_167 : i32
        %add3A_169 = arith.constant 2 : i32
        %add3A_170 = arith.addi %mul3A_168, %add3A_169 : i32
        %lt3A_171 = arith.constant 1250 : i32
        %lt3A_172 = arith.cmpi slt, %add3A_170, %lt3A_171 : i32
        %convert_element_type3A_173 = arith.extui %lt3A_172 : i1 to i32
        %cond3A_174 = arith.constant 0 : i32
        %cond3A_175 = arith.cmpi ne, %convert_element_type3A_173, %cond3A_174 : i32
        scf.if %cond3A_175 {
          %mul3A_187 = arith.constant 1250 : i32
          %mul3A_188 = arith.muli %arg0, %mul3A_187 : i32
          %add3A_189 = arith.constant 16 : i32
          %add3A_190 = arith.addi %add3A_189, %arg1 : i32
          %mul3A_191 = arith.constant 4 : i32
          %mul3A_192 = arith.muli %add3A_190, %mul3A_191 : i32
          %add3A_193 = arith.constant 2 : i32
          %add3A_194 = arith.addi %mul3A_192, %add3A_193 : i32
          %add3A_195 = arith.addi %mul3A_188, %add3A_194 : i32
          %mul3A_196 = arith.constant 128 : i32
          %mul3A_197 = arith.muli %add3A_195, %mul3A_196 : i32
          %dma_start3A = arith.constant 1 : i32
          %dma_start3A_198 = arith.constant 2 : i32
          %dma_start3A_199 = arith.constant 1 : i32
          %dma_start3A_200 = arith.constant 0 : i32
          %dma_start3A_201 = tpu.memref_slice %arg8[%dma_start3A, %dma_start3A_198, %dma_start3A_200] : memref<4x4x128xi32, #tpu.memory_space<vmem>> -> memref<1x1x128xi32, #tpu.memory_space<vmem>>
          %dma_start3A_202 = tpu.memref_squeeze %dma_start3A_201 : memref<1x1x128xi32, #tpu.memory_space<vmem>> -> memref<128xi32, #tpu.memory_space<vmem>>
          %dma_start3A_203 = tpu.memref_slice %arg4[%mul3A_197] : memref<320000xi32, #tpu.memory_space<hbm>> -> memref<128xi32, #tpu.memory_space<hbm>>
          %dma_start3A_204 = tpu.memref_slice %arg15[%dma_start3A_199] : memref<4x!tpu.dma_semaphore, #tpu.memory_space<semaphore_mem>> -> memref<1x!tpu.dma_semaphore, #tpu.memory_space<semaphore_mem>>
          %dma_start3A_205 = tpu.memref_squeeze %dma_start3A_204 : memref<1x!tpu.dma_semaphore, #tpu.memory_space<semaphore_mem>> -> memref<!tpu.dma_semaphore, #tpu.memory_space<semaphore_mem>>
          %dma_start3A_206 = arith.constant 0 : i32
          %dma_start3A_207 = tpu.memref_slice %arg8[%dma_start3A, %dma_start3A_198, %dma_start3A_206] : memref<4x4x128xi32, #tpu.memory_space<vmem>> -> memref<1x1x128xi32, #tpu.memory_space<vmem>>
          %dma_start3A_208 = tpu.memref_squeeze %dma_start3A_207 : memref<1x1x128xi32, #tpu.memory_space<vmem>> -> memref<128xi32, #tpu.memory_space<vmem>>
          %dma_start3A_209 = tpu.memref_slice %arg4[%mul3A_197] : memref<320000xi32, #tpu.memory_space<hbm>> -> memref<128xi32, #tpu.memory_space<hbm>>
          tpu.enqueue_dma source(%dma_start3A_209 : memref<128xi32, #tpu.memory_space<hbm>>) target(%dma_start3A_208 : memref<128xi32, #tpu.memory_space<vmem>>) target_semaphore(%dma_start3A_205 : memref<!tpu.dma_semaphore, #tpu.memory_space<semaphore_mem>>)
          %dma_start3A_210 = arith.constant 1 : i32
          %dma_start3A_211 = arith.constant 2 : i32
          %dma_start3A_212 = arith.constant 1 : i32
          %dma_start3A_213 = arith.constant 0 : i32
          %dma_start3A_214 = tpu.memref_slice %arg9[%dma_start3A_210, %dma_start3A_211, %dma_start3A_213] : memref<4x4x128xi32, #tpu.memory_space<vmem>> -> memref<1x1x128xi32, #tpu.memory_space<vmem>>
          %dma_start3A_215 = tpu.memref_squeeze %dma_start3A_214 : memref<1x1x128xi32, #tpu.memory_space<vmem>> -> memref<128xi32, #tpu.memory_space<vmem>>
          %dma_start3A_216 = tpu.memref_slice %arg5[%mul3A_197] : memref<320000xi32, #tpu.memory_space<hbm>> -> memref<128xi32, #tpu.memory_space<hbm>>
          %dma_start3A_217 = tpu.memref_slice %arg16[%dma_start3A_212] : memref<4x!tpu.dma_semaphore, #tpu.memory_space<semaphore_mem>> -> memref<1x!tpu.dma_semaphore, #tpu.memory_space<semaphore_mem>>
          %dma_start3A_218 = tpu.memref_squeeze %dma_start3A_217 : memref<1x!tpu.dma_semaphore, #tpu.memory_space<semaphore_mem>> -> memref<!tpu.dma_semaphore, #tpu.memory_space<semaphore_mem>>
          %dma_start3A_219 = arith.constant 0 : i32
          %dma_start3A_220 = tpu.memref_slice %arg9[%dma_start3A_210, %dma_start3A_211, %dma_start3A_219] : memref<4x4x128xi32, #tpu.memory_space<vmem>> -> memref<1x1x128xi32, #tpu.memory_space<vmem>>
          %dma_start3A_221 = tpu.memref_squeeze %dma_start3A_220 : memref<1x1x128xi32, #tpu.memory_space<vmem>> -> memref<128xi32, #tpu.memory_space<vmem>>
          %dma_start3A_222 = tpu.memref_slice %arg5[%mul3A_197] : memref<320000xi32, #tpu.memory_space<hbm>> -> memref<128xi32, #tpu.memory_space<hbm>>
          tpu.enqueue_dma source(%dma_start3A_222 : memref<128xi32, #tpu.memory_space<hbm>>) target(%dma_start3A_221 : memref<128xi32, #tpu.memory_space<vmem>>) target_semaphore(%dma_start3A_218 : memref<!tpu.dma_semaphore, #tpu.memory_space<semaphore_mem>>)
        } else {
        }
        %add3A_176 = arith.constant 16 : i32
        %add3A_177 = arith.addi %add3A_176, %arg1 : i32
        %mul3A_178 = arith.constant 4 : i32
        %mul3A_179 = arith.muli %add3A_177, %mul3A_178 : i32
        %add3A_180 = arith.constant 3 : i32
        %add3A_181 = arith.addi %mul3A_179, %add3A_180 : i32
        %lt3A_182 = arith.constant 1250 : i32
        %lt3A_183 = arith.cmpi slt, %add3A_181, %lt3A_182 : i32
        %convert_element_type3A_184 = arith.extui %lt3A_183 : i1 to i32
        %cond3A_185 = arith.constant 0 : i32
        %cond3A_186 = arith.cmpi ne, %convert_element_type3A_184, %cond3A_185 : i32
        scf.if %cond3A_186 {
          %mul3A_187 = arith.constant 1250 : i32
          %mul3A_188 = arith.muli %arg0, %mul3A_187 : i32
          %add3A_189 = arith.constant 16 : i32
          %add3A_190 = arith.addi %add3A_189, %arg1 : i32
          %mul3A_191 = arith.constant 4 : i32
          %mul3A_192 = arith.muli %add3A_190, %mul3A_191 : i32
          %add3A_193 = arith.constant 3 : i32
          %add3A_194 = arith.addi %mul3A_192, %add3A_193 : i32
          %add3A_195 = arith.addi %mul3A_188, %add3A_194 : i32
          %mul3A_196 = arith.constant 128 : i32
          %mul3A_197 = arith.muli %add3A_195, %mul3A_196 : i32
          %dma_start3A = arith.constant 1 : i32
          %dma_start3A_198 = arith.constant 3 : i32
          %dma_start3A_199 = arith.constant 1 : i32
          %dma_start3A_200 = arith.constant 0 : i32
          %dma_start3A_201 = tpu.memref_slice %arg8[%dma_start3A, %dma_start3A_198, %dma_start3A_200] : memref<4x4x128xi32, #tpu.memory_space<vmem>> -> memref<1x1x128xi32, #tpu.memory_space<vmem>>
          %dma_start3A_202 = tpu.memref_squeeze %dma_start3A_201 : memref<1x1x128xi32, #tpu.memory_space<vmem>> -> memref<128xi32, #tpu.memory_space<vmem>>
          %dma_start3A_203 = tpu.memref_slice %arg4[%mul3A_197] : memref<320000xi32, #tpu.memory_space<hbm>> -> memref<128xi32, #tpu.memory_space<hbm>>
          %dma_start3A_204 = tpu.memref_slice %arg15[%dma_start3A_199] : memref<4x!tpu.dma_semaphore, #tpu.memory_space<semaphore_mem>> -> memref<1x!tpu.dma_semaphore, #tpu.memory_space<semaphore_mem>>
          %dma_start3A_205 = tpu.memref_squeeze %dma_start3A_204 : memref<1x!tpu.dma_semaphore, #tpu.memory_space<semaphore_mem>> -> memref<!tpu.dma_semaphore, #tpu.memory_space<semaphore_mem>>
          %dma_start3A_206 = arith.constant 0 : i32
          %dma_start3A_207 = tpu.memref_slice %arg8[%dma_start3A, %dma_start3A_198, %dma_start3A_206] : memref<4x4x128xi32, #tpu.memory_space<vmem>> -> memref<1x1x128xi32, #tpu.memory_space<vmem>>
          %dma_start3A_208 = tpu.memref_squeeze %dma_start3A_207 : memref<1x1x128xi32, #tpu.memory_space<vmem>> -> memref<128xi32, #tpu.memory_space<vmem>>
          %dma_start3A_209 = tpu.memref_slice %arg4[%mul3A_197] : memref<320000xi32, #tpu.memory_space<hbm>> -> memref<128xi32, #tpu.memory_space<hbm>>
          tpu.enqueue_dma source(%dma_start3A_209 : memref<128xi32, #tpu.memory_space<hbm>>) target(%dma_start3A_208 : memref<128xi32, #tpu.memory_space<vmem>>) target_semaphore(%dma_start3A_205 : memref<!tpu.dma_semaphore, #tpu.memory_space<semaphore_mem>>)
          %dma_start3A_210 = arith.constant 1 : i32
          %dma_start3A_211 = arith.constant 3 : i32
          %dma_start3A_212 = arith.constant 1 : i32
          %dma_start3A_213 = arith.constant 0 : i32
          %dma_start3A_214 = tpu.memref_slice %arg9[%dma_start3A_210, %dma_start3A_211, %dma_start3A_213] : memref<4x4x128xi32, #tpu.memory_space<vmem>> -> memref<1x1x128xi32, #tpu.memory_space<vmem>>
          %dma_start3A_215 = tpu.memref_squeeze %dma_start3A_214 : memref<1x1x128xi32, #tpu.memory_space<vmem>> -> memref<128xi32, #tpu.memory_space<vmem>>
          %dma_start3A_216 = tpu.memref_slice %arg5[%mul3A_197] : memref<320000xi32, #tpu.memory_space<hbm>> -> memref<128xi32, #tpu.memory_space<hbm>>
          %dma_start3A_217 = tpu.memref_slice %arg16[%dma_start3A_212] : memref<4x!tpu.dma_semaphore, #tpu.memory_space<semaphore_mem>> -> memref<1x!tpu.dma_semaphore, #tpu.memory_space<semaphore_mem>>
          %dma_start3A_218 = tpu.memref_squeeze %dma_start3A_217 : memref<1x!tpu.dma_semaphore, #tpu.memory_space<semaphore_mem>> -> memref<!tpu.dma_semaphore, #tpu.memory_space<semaphore_mem>>
          %dma_start3A_219 = arith.constant 0 : i32
          %dma_start3A_220 = tpu.memref_slice %arg9[%dma_start3A_210, %dma_start3A_211, %dma_start3A_219] : memref<4x4x128xi32, #tpu.memory_space<vmem>> -> memref<1x1x128xi32, #tpu.memory_space<vmem>>
          %dma_start3A_221 = tpu.memref_squeeze %dma_start3A_220 : memref<1x1x128xi32, #tpu.memory_space<vmem>> -> memref<128xi32, #tpu.memory_space<vmem>>
          %dma_start3A_222 = tpu.memref_slice %arg5[%mul3A_197] : memref<320000xi32, #tpu.memory_space<hbm>> -> memref<128xi32, #tpu.memory_space<hbm>>
          tpu.enqueue_dma source(%dma_start3A_222 : memref<128xi32, #tpu.memory_space<hbm>>) target(%dma_start3A_221 : memref<128xi32, #tpu.memory_space<vmem>>) target_semaphore(%dma_start3A_218 : memref<!tpu.dma_semaphore, #tpu.memory_space<semaphore_mem>>)
        } else {
        }
      } else {
      }
    } else {
    }
    %broadcast_in_dim3A = arith.constant 0.000000e+00 : f32
    %broadcast_in_dim3A_6 = vector.broadcast %broadcast_in_dim3A : f32 to vector<16xf32>
    %scan3A = arith.constant 0 : i32
    %scan3A_7 = arith.constant 80 : i32
    %scan3A_8 = arith.addi %scan3A, %scan3A_7 : i32
    %scan3A_9 = arith.constant 1 : i32
    scf.for %scan3A_88 = %scan3A to %scan3A_8 step %scan3A_9  : i32 {
      %mul3A_89 = arith.constant 1 : i32
      %mul3A_90 = arith.muli %scan3A_88, %mul3A_89 : i32
      %add3A_91 = arith.constant 0 : i32
      %add3A_92 = arith.addi %add3A_91, %mul3A_90 : i32
      %swap3A_93 = arith.constant 0 : i32
      %swap3A_94 = arith.constant 0 : i32
      %swap3A_95 = arith.index_cast %swap3A_93 : i32 to index
      %swap3A_96 = arith.index_cast %swap3A_94 : i32 to index
      %swap3A_97 = arith.index_cast %add3A_92 : i32 to index
      %swap3A_98 = arith.constant 0 : index
      %swap3A_99 = tpu.vector_load %arg10[%swap3A_95, %swap3A_96, %swap3A_97, %swap3A_98] {strides = array<i32>} : memref<2x4x128x48xf32, #tpu.memory_space<vmem>>, vector<1x1x1x16xf32>,
      %swap3A_100 = vector.shape_cast %swap3A_99 : vector<1x1x1x16xf32> to vector<16xf32>
      %swap3A_101 = vector.shape_cast %broadcast_in_dim3A_6 : vector<16xf32> to vector<1x1x1x16xf32>
      tpu.vector_store %arg10[%swap3A_95, %swap3A_96, %swap3A_97, %swap3A_98], %swap3A_101 {strides = array<i32>} : memref<2x4x128x48xf32, #tpu.memory_space<vmem>>, vector<1x1x1x16xf32>,
      %swap3A_102 = arith.constant 0 : i32
      %swap3A_103 = arith.constant 0 : i32
      %swap3A_104 = arith.index_cast %swap3A_102 : i32 to index
      %swap3A_105 = arith.index_cast %swap3A_103 : i32 to index
      %swap3A_106 = arith.index_cast %add3A_92 : i32 to index
      %swap3A_107 = arith.constant 16 : index
      %swap3A_108 = tpu.vector_load %arg10[%swap3A_104, %swap3A_105, %swap3A_106, %swap3A_107] {strides = array<i32>} : memref<2x4x128x48xf32, #tpu.memory_space<vmem>>, vector<1x1x1x16xf32>,
      %swap3A_109 = vector.shape_cast %swap3A_108 : vector<1x1x1x16xf32> to vector<16xf32>
      %swap3A_110 = vector.shape_cast %broadcast_in_dim3A_6 : vector<16xf32> to vector<1x1x1x16xf32>
      tpu.vector_store %arg10[%swap3A_104, %swap3A_105, %swap3A_106, %swap3A_107], %swap3A_110 {strides = array<i32>} : memref<2x4x128x48xf32, #tpu.memory_space<vmem>>, vector<1x1x1x16xf32>,
      %swap3A_111 = arith.constant 0 : i32
      %swap3A_112 = arith.constant 0 : i32
      %swap3A_113 = arith.index_cast %swap3A_111 : i32 to index
      %swap3A_114 = arith.index_cast %swap3A_112 : i32 to index
      %swap3A_115 = arith.index_cast %add3A_92 : i32 to index
      %swap3A_116 = arith.constant 32 : index
      %swap3A_117 = tpu.vector_load %arg10[%swap3A_113, %swap3A_114, %swap3A_115, %swap3A_116] {strides = array<i32>} : memref<2x4x128x48xf32, #tpu.memory_space<vmem>>, vector<1x1x1x16xf32>,
      %swap3A_118 = vector.shape_cast %swap3A_117 : vector<1x1x1x16xf32> to vector<16xf32>
      %swap3A_119 = vector.shape_cast %broadcast_in_dim3A_6 : vector<16xf32> to vector<1x1x1x16xf32>
      tpu.vector_store %arg10[%swap3A_113, %swap3A_114, %swap3A_115, %swap3A_116], %swap3A_119 {strides = array<i32>} : memref<2x4x128x48xf32, #tpu.memory_space<vmem>>, vector<1x1x1x16xf32>,
    }
    %scan3A_10 = arith.constant 80 : i32
    %scan3A_11 = arith.constant 0 : i32
    %scan3A_12 = arith.constant 8 : i32
    %scan3A_13 = arith.addi %scan3A_11, %scan3A_12 : i32
    %scan3A_14 = arith.constant 1 : i32
    scf.for %scan3A_88 = %scan3A_11 to %scan3A_13 step %scan3A_14  : i32 {
      %mul3A_89 = arith.constant 1 : i32
      %mul3A_90 = arith.muli %scan3A_88, %mul3A_89 : i32
      %add3A_91 = arith.constant 0 : i32
      %add3A_92 = arith.addi %add3A_91, %mul3A_90 : i32
      %mul3A_93 = arith.constant 16 : i32
      %mul3A_94 = arith.muli %add3A_92, %mul3A_93 : i32
      %add3A_95 = arith.addi %mul3A_94, %arg1 : i32
      %lt3A_96 = arith.constant 125 : i32
      %lt3A_97 = arith.cmpi slt, %add3A_95, %lt3A_96 : i32
      %convert_element_type3A_98 = arith.extui %lt3A_97 : i1 to i32
      %cond3A_99 = arith.constant 0 : i32
      %cond3A_100 = arith.cmpi ne, %convert_element_type3A_98, %cond3A_99 : i32
      scf.if %cond3A_100 {
        %mul3A_101 = arith.constant 80 : i32
        %mul3A_102 = arith.muli %add3A_95, %mul3A_101 : i32
        %run_scoped3A = arith.constant 0 : i32
        %run_scoped3A_103 = arith.constant 0 : i32
        "tpu.region"() ({
          %run_scoped3A_104 = tpu.sem_alloc : memref<!tpu.dma_semaphore, #tpu.memory_space<semaphore_mem>>
          %dma_start3A = arith.constant 0 : i32
          %dma_start3A_105 = arith.constant 0 : i32
          %dma_start3A_106 = tpu.memref_slice %arg10[%run_scoped3A, %run_scoped3A_103, %dma_start3A, %dma_start3A_105] : memref<2x4x128x48xf32, #tpu.memory_space<vmem>> -> memref<1x1x80x48xf32, #tpu.memory_space<vmem>>
          %dma_start3A_107 = tpu.memref_squeeze %dma_start3A_106 : memref<1x1x80x48xf32, #tpu.memory_space<vmem>> -> memref<80x48xf32, #tpu.memory_space<vmem>>
          %dma_start3A_108 = arith.constant 0 : i32
          %dma_start3A_109 = tpu.memref_slice %arg14[%mul3A_102, %dma_start3A_108] : memref<10000x48xf32, #tpu.memory_space<vmem_shared>> -> memref<80x48xf32, #tpu.memory_space<vmem_shared>>
          %dma_start3A_110 = arith.constant 0 : i32
          %dma_start3A_111 = tpu.memref_slice %arg14[%mul3A_102, %dma_start3A_110] : memref<10000x48xf32, #tpu.memory_space<vmem_shared>> -> memref<80x48xf32, #tpu.memory_space<vmem_shared>>
          %dma_start3A_112 = arith.constant 0 : i32
          %dma_start3A_113 = arith.constant 0 : i32
          %dma_start3A_114 = tpu.memref_slice %arg10[%run_scoped3A, %run_scoped3A_103, %dma_start3A_112, %dma_start3A_113] : memref<2x4x128x48xf32, #tpu.memory_space<vmem>> -> memref<1x1x80x48xf32, #tpu.memory_space<vmem>>
          %dma_start3A_115 = tpu.memref_squeeze %dma_start3A_114 : memref<1x1x80x48xf32, #tpu.memory_space<vmem>> -> memref<80x48xf32, #tpu.memory_space<vmem>>
          tpu.enqueue_dma source(%dma_start3A_115 : memref<80x48xf32, #tpu.memory_space<vmem>>) target(%dma_start3A_111 : memref<80x48xf32, #tpu.memory_space<vmem_shared>>) target_semaphore(%run_scoped3A_104 : memref<!tpu.dma_semaphore, #tpu.memory_space<semaphore_mem>>)
          %dma_wait3A = arith.constant 0 : i32
          %dma_wait3A_116 = arith.constant 0 : i32
          %dma_wait3A_117 = tpu.memref_slice %arg10[%run_scoped3A, %run_scoped3A_103, %dma_wait3A, %dma_wait3A_116] : memref<2x4x128x48xf32, #tpu.memory_space<vmem>> -> memref<1x1x80x48xf32, #tpu.memory_space<vmem>>
          %dma_wait3A_118 = tpu.memref_squeeze %dma_wait3A_117 : memref<1x1x80x48xf32, #tpu.memory_space<vmem>> -> memref<80x48xf32, #tpu.memory_space<vmem>>
          %dma_wait3A_119 = arith.constant 0 : i32
          %dma_wait3A_120 = tpu.memref_slice %arg14[%mul3A_102, %dma_wait3A_119] : memref<10000x48xf32, #tpu.memory_space<vmem_shared>> -> memref<80x48xf32, #tpu.memory_space<vmem_shared>>
          %dma_wait3A_121 = arith.constant 0 : i32
          %dma_wait3A_122 = tpu.memref_slice %arg14[%mul3A_102, %dma_wait3A_121] : memref<10000x48xf32, #tpu.memory_space<vmem_shared>> -> memref<80x48xf32, #tpu.memory_space<vmem_shared>>
          %dma_wait3A_123 = arith.constant 0 : i32
          %dma_wait3A_124 = arith.constant 0 : i32
          %dma_wait3A_125 = tpu.memref_slice %arg10[%run_scoped3A, %run_scoped3A_103, %dma_wait3A_123, %dma_wait3A_124] : memref<2x4x128x48xf32, #tpu.memory_space<vmem>> -> memref<1x1x80x48xf32, #tpu.memory_space<vmem>>
          %dma_wait3A_126 = tpu.memref_squeeze %dma_wait3A_125 : memref<1x1x80x48xf32, #tpu.memory_space<vmem>> -> memref<80x48xf32, #tpu.memory_space<vmem>>
          tpu.wait_dma2 semaphore(%run_scoped3A_104 : memref<!tpu.dma_semaphore, #tpu.memory_space<semaphore_mem>>) src(%dma_wait3A_126 : memref<80x48xf32, #tpu.memory_space<vmem>>) dst(%dma_wait3A_122 : memref<80x48xf32, #tpu.memory_space<vmem_shared>>)
          tpu.yield
        }) : () -> ()
      } else {
      }
    }
    %scan3A_15 = arith.constant 8 : i32
    "tpu.region"() ({
      %run_scoped3A = tpu.sem_alloc : memref<!tpu.dma_semaphore, #tpu.memory_space<semaphore_mem>>
      tpu.enqueue_dma source(%arg6 : memref<2x16xf32, #tpu.memory_space<hbm>>) target(%arg12 : memref<2x16xf32, #tpu.memory_space<vmem>>) target_semaphore(%run_scoped3A : memref<!tpu.dma_semaphore, #tpu.memory_space<semaphore_mem>>)
      tpu.wait_dma2 semaphore(%run_scoped3A : memref<!tpu.dma_semaphore, #tpu.memory_space<semaphore_mem>>) src(%arg6 : memref<2x16xf32, #tpu.memory_space<hbm>>) dst(%arg12 : memref<2x16xf32, #tpu.memory_space<vmem>>)
      tpu.yield
    }) : () -> ()
    %get3A = arith.constant 0 : i32
    %get3A_16 = arith.index_cast %get3A : i32 to index
    %get3A_17 = arith.constant 0 : index
    %get3A_18 = tpu.vector_load %arg12[%get3A_16, %get3A_17] {strides = array<i32>} : memref<2x16xf32, #tpu.memory_space<vmem>>, vector<1x16xf32>,
    %get3A_19 = vector.shape_cast %get3A_18 : vector<1x16xf32> to vector<16xf32>
    %get3A_20 = arith.constant 1 : i32
    %get3A_21 = arith.index_cast %get3A_20 : i32 to index
    %get3A_22 = arith.constant 0 : index
    %get3A_23 = tpu.vector_load %arg12[%get3A_21, %get3A_22] {strides = array<i32>} : memref<2x16xf32, #tpu.memory_space<vmem>>, vector<1x16xf32>,
    %get3A_24 = vector.shape_cast %get3A_23 : vector<1x16xf32> to vector<16xf32>
    %add3A_25 = arith.addf %get3A_19, %get3A_24 : vector<16xf32>
    %gt3A = arith.constant 0.000000e+00 : f32
    %gt3A_26 = vector.broadcast %gt3A : f32 to vector<16xf32>
    %gt3A_27 = arith.cmpf ogt, %add3A_25, %gt3A_26 : vector<16xf32>
    %mul3A_28 = arith.constant 2.000000e-01 : f32
    %mul3A_29 = vector.broadcast %mul3A_28 : f32 to vector<16xf32>
    %mul3A_30 = arith.mulf %mul3A_29, %add3A_25 : vector<16xf32>
    %select_n3A = arith.select %gt3A_27, %add3A_25, %mul3A_30 : vector<16xi1>, vector<16xf32>
    %swap3A = arith.constant 0 : index
    %swap3A_31 = tpu.vector_load %arg13[%swap3A] {strides = array<i32>} : memref<16xf32, #tpu.memory_space<vmem>>, vector<16xf32>,
    %swap3A_32 = vector.shape_cast %swap3A_31 : vector<16xf32> to vector<16xf32>
    %swap3A_33 = vector.shape_cast %select_n3A : vector<16xf32> to vector<16xf32>
    tpu.vector_store %arg13[%swap3A], %swap3A_33 {strides = array<i32>} : memref<16xf32, #tpu.memory_space<vmem>>, vector<16xf32>,
    %barrier3A = arith.constant 0 : index
    tpu.barrier barrier_id(%barrier3A)
    %add3A_34 = arith.constant 0 : i32
    %add3A_35 = arith.addi %add3A_34, %arg1 : i32
    %mul3A_36 = arith.constant 4 : i32
    %mul3A_37 = arith.muli %add3A_35, %mul3A_36 : i32
    %add3A_38 = arith.constant 0 : i32
    %add3A_39 = arith.addi %mul3A_37, %add3A_38 : i32
    %lt3A_40 = arith.constant 1250 : i32
    %lt3A_41 = arith.cmpi slt, %add3A_39, %lt3A_40 : i32
    %convert_element_type3A_42 = arith.extui %lt3A_41 : i1 to i32
    %cond3A_43 = arith.constant 0 : i32
    %cond3A_44 = arith.cmpi ne, %convert_element_type3A_42, %cond3A_43 : i32
    scf.if %cond3A_44 {
      %add3A_88 = arith.constant 0 : i32
      %add3A_89 = arith.addi %add3A_88, %arg1 : i32
      %mul3A_90 = arith.constant 4 : i32
      %mul3A_91 = arith.muli %add3A_89, %mul3A_90 : i32
      %add3A_92 = arith.constant 0 : i32
      %add3A_93 = arith.addi %mul3A_91, %add3A_92 : i32
      %lt3A_94 = arith.constant 1250 : i32
      %lt3A_95 = arith.cmpi slt, %add3A_93, %lt3A_94 : i32
      %convert_element_type3A_96 = arith.extui %lt3A_95 : i1 to i32
      %cond3A_97 = arith.constant 0 : i32
      %cond3A_98 = arith.cmpi ne, %convert_element_type3A_96, %cond3A_97 : i32
      scf.if %cond3A_98 {
        %dma_wait3A = arith.constant 0 : i32
        %dma_wait3A_220 = arith.constant 0 : i32
        %dma_wait3A_221 = arith.constant 0 : i32
        %dma_wait3A_222 = arith.constant 0 : i32
        %dma_wait3A_223 = tpu.memref_slice %arg8[%dma_wait3A, %dma_wait3A_220, %dma_wait3A_222] : memref<4x4x128xi32, #tpu.memory_space<vmem>> -> memref<1x1x128xi32, #tpu.memory_space<vmem>>
        %dma_wait3A_224 = tpu.memref_squeeze %dma_wait3A_223 : memref<1x1x128xi32, #tpu.memory_space<vmem>> -> memref<128xi32, #tpu.memory_space<vmem>>
        %dma_wait3A_225 = arith.constant 0 : i32
        %dma_wait3A_226 = tpu.memref_slice %arg4[%dma_wait3A_225] : memref<320000xi32, #tpu.memory_space<hbm>> -> memref<128xi32, #tpu.memory_space<hbm>>
        %dma_wait3A_227 = tpu.memref_slice %arg15[%dma_wait3A_221] : memref<4x!tpu.dma_semaphore, #tpu.memory_space<semaphore_mem>> -> memref<1x!tpu.dma_semaphore, #tpu.memory_space<semaphore_mem>>
        %dma_wait3A_228 = tpu.memref_squeeze %dma_wait3A_227 : memref<1x!tpu.dma_semaphore, #tpu.memory_space<semaphore_mem>> -> memref<!tpu.dma_semaphore, #tpu.memory_space<semaphore_mem>>
        %dma_wait3A_229 = arith.constant 0 : i32
        %dma_wait3A_230 = tpu.memref_slice %arg8[%dma_wait3A, %dma_wait3A_220, %dma_wait3A_229] : memref<4x4x128xi32, #tpu.memory_space<vmem>> -> memref<1x1x128xi32, #tpu.memory_space<vmem>>
        %dma_wait3A_231 = tpu.memref_squeeze %dma_wait3A_230 : memref<1x1x128xi32, #tpu.memory_space<vmem>> -> memref<128xi32, #tpu.memory_space<vmem>>
        %dma_wait3A_232 = arith.constant 0 : i32
        %dma_wait3A_233 = tpu.memref_slice %arg4[%dma_wait3A_232] : memref<320000xi32, #tpu.memory_space<hbm>> -> memref<128xi32, #tpu.memory_space<hbm>>
        tpu.wait_dma2 semaphore(%dma_wait3A_228 : memref<!tpu.dma_semaphore, #tpu.memory_space<semaphore_mem>>) src(%dma_wait3A_233 : memref<128xi32, #tpu.memory_space<hbm>>) dst(%dma_wait3A_231 : memref<128xi32, #tpu.memory_space<vmem>>)
        %dma_wait3A_234 = arith.constant 0 : i32
        %dma_wait3A_235 = arith.constant 0 : i32
        %dma_wait3A_236 = arith.constant 0 : i32
        %dma_wait3A_237 = arith.constant 0 : i32
        %dma_wait3A_238 = tpu.memref_slice %arg9[%dma_wait3A_234, %dma_wait3A_235, %dma_wait3A_237] : memref<4x4x128xi32, #tpu.memory_space<vmem>> -> memref<1x1x128xi32, #tpu.memory_space<vmem>>
        %dma_wait3A_239 = tpu.memref_squeeze %dma_wait3A_238 : memref<1x1x128xi32, #tpu.memory_space<vmem>> -> memref<128xi32, #tpu.memory_space<vmem>>
        %dma_wait3A_240 = arith.constant 0 : i32
        %dma_wait3A_241 = tpu.memref_slice %arg5[%dma_wait3A_240] : memref<320000xi32, #tpu.memory_space<hbm>> -> memref<128xi32, #tpu.memory_space<hbm>>
        %dma_wait3A_242 = tpu.memref_slice %arg16[%dma_wait3A_236] : memref<4x!tpu.dma_semaphore, #tpu.memory_space<semaphore_mem>> -> memref<1x!tpu.dma_semaphore, #tpu.memory_space<semaphore_mem>>
        %dma_wait3A_243 = tpu.memref_squeeze %dma_wait3A_242 : memref<1x!tpu.dma_semaphore, #tpu.memory_space<semaphore_mem>> -> memref<!tpu.dma_semaphore, #tpu.memory_space<semaphore_mem>>
        %dma_wait3A_244 = arith.constant 0 : i32
        %dma_wait3A_245 = tpu.memref_slice %arg9[%dma_wait3A_234, %dma_wait3A_235, %dma_wait3A_244] : memref<4x4x128xi32, #tpu.memory_space<vmem>> -> memref<1x1x128xi32, #tpu.memory_space<vmem>>
        %dma_wait3A_246 = tpu.memref_squeeze %dma_wait3A_245 : memref<1x1x128xi32, #tpu.memory_space<vmem>> -> memref<128xi32, #tpu.memory_space<vmem>>
        %dma_wait3A_247 = arith.constant 0 : i32
        %dma_wait3A_248 = tpu.memref_slice %arg5[%dma_wait3A_247] : memref<320000xi32, #tpu.memory_space<hbm>> -> memref<128xi32, #tpu.memory_space<hbm>>
        tpu.wait_dma2 semaphore(%dma_wait3A_243 : memref<!tpu.dma_semaphore, #tpu.memory_space<semaphore_mem>>) src(%dma_wait3A_248 : memref<128xi32, #tpu.memory_space<hbm>>) dst(%dma_wait3A_246 : memref<128xi32, #tpu.memory_space<vmem>>)
      } else {
      }
      %add3A_99 = arith.constant 0 : i32
      %add3A_100 = arith.addi %add3A_99, %arg1 : i32
      %mul3A_101 = arith.constant 4 : i32
      %mul3A_102 = arith.muli %add3A_100, %mul3A_101 : i32
      %add3A_103 = arith.constant 1 : i32
      %add3A_104 = arith.addi %mul3A_102, %add3A_103 : i32
      %lt3A_105 = arith.constant 1250 : i32
      %lt3A_106 = arith.cmpi slt, %add3A_104, %lt3A_105 : i32
      %convert_element_type3A_107 = arith.extui %lt3A_106 : i1 to i32
      %cond3A_108 = arith.constant 0 : i32
      %cond3A_109 = arith.cmpi ne, %convert_element_type3A_107, %cond3A_108 : i32
      scf.if %cond3A_109 {
        %dma_wait3A = arith.constant 0 : i32
        %dma_wait3A_220 = arith.constant 1 : i32
        %dma_wait3A_221 = arith.constant 0 : i32
        %dma_wait3A_222 = arith.constant 0 : i32
        %dma_wait3A_223 = tpu.memref_slice %arg8[%dma_wait3A, %dma_wait3A_220, %dma_wait3A_222] : memref<4x4x128xi32, #tpu.memory_space<vmem>> -> memref<1x1x128xi32, #tpu.memory_space<vmem>>
        %dma_wait3A_224 = tpu.memref_squeeze %dma_wait3A_223 : memref<1x1x128xi32, #tpu.memory_space<vmem>> -> memref<128xi32, #tpu.memory_space<vmem>>
        %dma_wait3A_225 = arith.constant 0 : i32
        %dma_wait3A_226 = tpu.memref_slice %arg4[%dma_wait3A_225] : memref<320000xi32, #tpu.memory_space<hbm>> -> memref<128xi32, #tpu.memory_space<hbm>>
        %dma_wait3A_227 = tpu.memref_slice %arg15[%dma_wait3A_221] : memref<4x!tpu.dma_semaphore, #tpu.memory_space<semaphore_mem>> -> memref<1x!tpu.dma_semaphore, #tpu.memory_space<semaphore_mem>>
        %dma_wait3A_228 = tpu.memref_squeeze %dma_wait3A_227 : memref<1x!tpu.dma_semaphore, #tpu.memory_space<semaphore_mem>> -> memref<!tpu.dma_semaphore, #tpu.memory_space<semaphore_mem>>
        %dma_wait3A_229 = arith.constant 0 : i32
        %dma_wait3A_230 = tpu.memref_slice %arg8[%dma_wait3A, %dma_wait3A_220, %dma_wait3A_229] : memref<4x4x128xi32, #tpu.memory_space<vmem>> -> memref<1x1x128xi32, #tpu.memory_space<vmem>>
        %dma_wait3A_231 = tpu.memref_squeeze %dma_wait3A_230 : memref<1x1x128xi32, #tpu.memory_space<vmem>> -> memref<128xi32, #tpu.memory_space<vmem>>
        %dma_wait3A_232 = arith.constant 0 : i32
        %dma_wait3A_233 = tpu.memref_slice %arg4[%dma_wait3A_232] : memref<320000xi32, #tpu.memory_space<hbm>> -> memref<128xi32, #tpu.memory_space<hbm>>
        tpu.wait_dma2 semaphore(%dma_wait3A_228 : memref<!tpu.dma_semaphore, #tpu.memory_space<semaphore_mem>>) src(%dma_wait3A_233 : memref<128xi32, #tpu.memory_space<hbm>>) dst(%dma_wait3A_231 : memref<128xi32, #tpu.memory_space<vmem>>)
        %dma_wait3A_234 = arith.constant 0 : i32
        %dma_wait3A_235 = arith.constant 1 : i32
        %dma_wait3A_236 = arith.constant 0 : i32
        %dma_wait3A_237 = arith.constant 0 : i32
        %dma_wait3A_238 = tpu.memref_slice %arg9[%dma_wait3A_234, %dma_wait3A_235, %dma_wait3A_237] : memref<4x4x128xi32, #tpu.memory_space<vmem>> -> memref<1x1x128xi32, #tpu.memory_space<vmem>>
        %dma_wait3A_239 = tpu.memref_squeeze %dma_wait3A_238 : memref<1x1x128xi32, #tpu.memory_space<vmem>> -> memref<128xi32, #tpu.memory_space<vmem>>
        %dma_wait3A_240 = arith.constant 0 : i32
        %dma_wait3A_241 = tpu.memref_slice %arg5[%dma_wait3A_240] : memref<320000xi32, #tpu.memory_space<hbm>> -> memref<128xi32, #tpu.memory_space<hbm>>
        %dma_wait3A_242 = tpu.memref_slice %arg16[%dma_wait3A_236] : memref<4x!tpu.dma_semaphore, #tpu.memory_space<semaphore_mem>> -> memref<1x!tpu.dma_semaphore, #tpu.memory_space<semaphore_mem>>
        %dma_wait3A_243 = tpu.memref_squeeze %dma_wait3A_242 : memref<1x!tpu.dma_semaphore, #tpu.memory_space<semaphore_mem>> -> memref<!tpu.dma_semaphore, #tpu.memory_space<semaphore_mem>>
        %dma_wait3A_244 = arith.constant 0 : i32
        %dma_wait3A_245 = tpu.memref_slice %arg9[%dma_wait3A_234, %dma_wait3A_235, %dma_wait3A_244] : memref<4x4x128xi32, #tpu.memory_space<vmem>> -> memref<1x1x128xi32, #tpu.memory_space<vmem>>
        %dma_wait3A_246 = tpu.memref_squeeze %dma_wait3A_245 : memref<1x1x128xi32, #tpu.memory_space<vmem>> -> memref<128xi32, #tpu.memory_space<vmem>>
        %dma_wait3A_247 = arith.constant 0 : i32
        %dma_wait3A_248 = tpu.memref_slice %arg5[%dma_wait3A_247] : memref<320000xi32, #tpu.memory_space<hbm>> -> memref<128xi32, #tpu.memory_space<hbm>>
        tpu.wait_dma2 semaphore(%dma_wait3A_243 : memref<!tpu.dma_semaphore, #tpu.memory_space<semaphore_mem>>) src(%dma_wait3A_248 : memref<128xi32, #tpu.memory_space<hbm>>) dst(%dma_wait3A_246 : memref<128xi32, #tpu.memory_space<vmem>>)
      } else {
      }
      %add3A_110 = arith.constant 0 : i32
      %add3A_111 = arith.addi %add3A_110, %arg1 : i32
      %mul3A_112 = arith.constant 4 : i32
      %mul3A_113 = arith.muli %add3A_111, %mul3A_112 : i32
      %add3A_114 = arith.constant 2 : i32
      %add3A_115 = arith.addi %mul3A_113, %add3A_114 : i32
      %lt3A_116 = arith.constant 1250 : i32
      %lt3A_117 = arith.cmpi slt, %add3A_115, %lt3A_116 : i32
      %convert_element_type3A_118 = arith.extui %lt3A_117 : i1 to i32
      %cond3A_119 = arith.constant 0 : i32
      %cond3A_120 = arith.cmpi ne, %convert_element_type3A_118, %cond3A_119 : i32
      scf.if %cond3A_120 {
        %dma_wait3A = arith.constant 0 : i32
        %dma_wait3A_220 = arith.constant 2 : i32
        %dma_wait3A_221 = arith.constant 0 : i32
        %dma_wait3A_222 = arith.constant 0 : i32
        %dma_wait3A_223 = tpu.memref_slice %arg8[%dma_wait3A, %dma_wait3A_220, %dma_wait3A_222] : memref<4x4x128xi32, #tpu.memory_space<vmem>> -> memref<1x1x128xi32, #tpu.memory_space<vmem>>
        %dma_wait3A_224 = tpu.memref_squeeze %dma_wait3A_223 : memref<1x1x128xi32, #tpu.memory_space<vmem>> -> memref<128xi32, #tpu.memory_space<vmem>>
        %dma_wait3A_225 = arith.constant 0 : i32
        %dma_wait3A_226 = tpu.memref_slice %arg4[%dma_wait3A_225] : memref<320000xi32, #tpu.memory_space<hbm>> -> memref<128xi32, #tpu.memory_space<hbm>>
        %dma_wait3A_227 = tpu.memref_slice %arg15[%dma_wait3A_221] : memref<4x!tpu.dma_semaphore, #tpu.memory_space<semaphore_mem>> -> memref<1x!tpu.dma_semaphore, #tpu.memory_space<semaphore_mem>>
        %dma_wait3A_228 = tpu.memref_squeeze %dma_wait3A_227 : memref<1x!tpu.dma_semaphore, #tpu.memory_space<semaphore_mem>> -> memref<!tpu.dma_semaphore, #tpu.memory_space<semaphore_mem>>
        %dma_wait3A_229 = arith.constant 0 : i32
        %dma_wait3A_230 = tpu.memref_slice %arg8[%dma_wait3A, %dma_wait3A_220, %dma_wait3A_229] : memref<4x4x128xi32, #tpu.memory_space<vmem>> -> memref<1x1x128xi32, #tpu.memory_space<vmem>>
        %dma_wait3A_231 = tpu.memref_squeeze %dma_wait3A_230 : memref<1x1x128xi32, #tpu.memory_space<vmem>> -> memref<128xi32, #tpu.memory_space<vmem>>
        %dma_wait3A_232 = arith.constant 0 : i32
        %dma_wait3A_233 = tpu.memref_slice %arg4[%dma_wait3A_232] : memref<320000xi32, #tpu.memory_space<hbm>> -> memref<128xi32, #tpu.memory_space<hbm>>
        tpu.wait_dma2 semaphore(%dma_wait3A_228 : memref<!tpu.dma_semaphore, #tpu.memory_space<semaphore_mem>>) src(%dma_wait3A_233 : memref<128xi32, #tpu.memory_space<hbm>>) dst(%dma_wait3A_231 : memref<128xi32, #tpu.memory_space<vmem>>)
        %dma_wait3A_234 = arith.constant 0 : i32
        %dma_wait3A_235 = arith.constant 2 : i32
        %dma_wait3A_236 = arith.constant 0 : i32
        %dma_wait3A_237 = arith.constant 0 : i32
        %dma_wait3A_238 = tpu.memref_slice %arg9[%dma_wait3A_234, %dma_wait3A_235, %dma_wait3A_237] : memref<4x4x128xi32, #tpu.memory_space<vmem>> -> memref<1x1x128xi32, #tpu.memory_space<vmem>>
        %dma_wait3A_239 = tpu.memref_squeeze %dma_wait3A_238 : memref<1x1x128xi32, #tpu.memory_space<vmem>> -> memref<128xi32, #tpu.memory_space<vmem>>
        %dma_wait3A_240 = arith.constant 0 : i32
        %dma_wait3A_241 = tpu.memref_slice %arg5[%dma_wait3A_240] : memref<320000xi32, #tpu.memory_space<hbm>> -> memref<128xi32, #tpu.memory_space<hbm>>
        %dma_wait3A_242 = tpu.memref_slice %arg16[%dma_wait3A_236] : memref<4x!tpu.dma_semaphore, #tpu.memory_space<semaphore_mem>> -> memref<1x!tpu.dma_semaphore, #tpu.memory_space<semaphore_mem>>
        %dma_wait3A_243 = tpu.memref_squeeze %dma_wait3A_242 : memref<1x!tpu.dma_semaphore, #tpu.memory_space<semaphore_mem>> -> memref<!tpu.dma_semaphore, #tpu.memory_space<semaphore_mem>>
        %dma_wait3A_244 = arith.constant 0 : i32
        %dma_wait3A_245 = tpu.memref_slice %arg9[%dma_wait3A_234, %dma_wait3A_235, %dma_wait3A_244] : memref<4x4x128xi32, #tpu.memory_space<vmem>> -> memref<1x1x128xi32, #tpu.memory_space<vmem>>
        %dma_wait3A_246 = tpu.memref_squeeze %dma_wait3A_245 : memref<1x1x128xi32, #tpu.memory_space<vmem>> -> memref<128xi32, #tpu.memory_space<vmem>>
        %dma_wait3A_247 = arith.constant 0 : i32
        %dma_wait3A_248 = tpu.memref_slice %arg5[%dma_wait3A_247] : memref<320000xi32, #tpu.memory_space<hbm>> -> memref<128xi32, #tpu.memory_space<hbm>>
        tpu.wait_dma2 semaphore(%dma_wait3A_243 : memref<!tpu.dma_semaphore, #tpu.memory_space<semaphore_mem>>) src(%dma_wait3A_248 : memref<128xi32, #tpu.memory_space<hbm>>) dst(%dma_wait3A_246 : memref<128xi32, #tpu.memory_space<vmem>>)
      } else {
      }
      %add3A_121 = arith.constant 0 : i32
      %add3A_122 = arith.addi %add3A_121, %arg1 : i32
      %mul3A_123 = arith.constant 4 : i32
      %mul3A_124 = arith.muli %add3A_122, %mul3A_123 : i32
      %add3A_125 = arith.constant 3 : i32
      %add3A_126 = arith.addi %mul3A_124, %add3A_125 : i32
      %lt3A_127 = arith.constant 1250 : i32
      %lt3A_128 = arith.cmpi slt, %add3A_126, %lt3A_127 : i32
      %convert_element_type3A_129 = arith.extui %lt3A_128 : i1 to i32
      %cond3A_130 = arith.constant 0 : i32
      %cond3A_131 = arith.cmpi ne, %convert_element_type3A_129, %cond3A_130 : i32
      scf.if %cond3A_131 {
        %dma_wait3A = arith.constant 0 : i32
        %dma_wait3A_220 = arith.constant 3 : i32
        %dma_wait3A_221 = arith.constant 0 : i32
        %dma_wait3A_222 = arith.constant 0 : i32
        %dma_wait3A_223 = tpu.memref_slice %arg8[%dma_wait3A, %dma_wait3A_220, %dma_wait3A_222] : memref<4x4x128xi32, #tpu.memory_space<vmem>> -> memref<1x1x128xi32, #tpu.memory_space<vmem>>
        %dma_wait3A_224 = tpu.memref_squeeze %dma_wait3A_223 : memref<1x1x128xi32, #tpu.memory_space<vmem>> -> memref<128xi32, #tpu.memory_space<vmem>>
        %dma_wait3A_225 = arith.constant 0 : i32
        %dma_wait3A_226 = tpu.memref_slice %arg4[%dma_wait3A_225] : memref<320000xi32, #tpu.memory_space<hbm>> -> memref<128xi32, #tpu.memory_space<hbm>>
        %dma_wait3A_227 = tpu.memref_slice %arg15[%dma_wait3A_221] : memref<4x!tpu.dma_semaphore, #tpu.memory_space<semaphore_mem>> -> memref<1x!tpu.dma_semaphore, #tpu.memory_space<semaphore_mem>>
        %dma_wait3A_228 = tpu.memref_squeeze %dma_wait3A_227 : memref<1x!tpu.dma_semaphore, #tpu.memory_space<semaphore_mem>> -> memref<!tpu.dma_semaphore, #tpu.memory_space<semaphore_mem>>
        %dma_wait3A_229 = arith.constant 0 : i32
        %dma_wait3A_230 = tpu.memref_slice %arg8[%dma_wait3A, %dma_wait3A_220, %dma_wait3A_229] : memref<4x4x128xi32, #tpu.memory_space<vmem>> -> memref<1x1x128xi32, #tpu.memory_space<vmem>>
        %dma_wait3A_231 = tpu.memref_squeeze %dma_wait3A_230 : memref<1x1x128xi32, #tpu.memory_space<vmem>> -> memref<128xi32, #tpu.memory_space<vmem>>
        %dma_wait3A_232 = arith.constant 0 : i32
        %dma_wait3A_233 = tpu.memref_slice %arg4[%dma_wait3A_232] : memref<320000xi32, #tpu.memory_space<hbm>> -> memref<128xi32, #tpu.memory_space<hbm>>
        tpu.wait_dma2 semaphore(%dma_wait3A_228 : memref<!tpu.dma_semaphore, #tpu.memory_space<semaphore_mem>>) src(%dma_wait3A_233 : memref<128xi32, #tpu.memory_space<hbm>>) dst(%dma_wait3A_231 : memref<128xi32, #tpu.memory_space<vmem>>)
        %dma_wait3A_234 = arith.constant 0 : i32
        %dma_wait3A_235 = arith.constant 3 : i32
        %dma_wait3A_236 = arith.constant 0 : i32
        %dma_wait3A_237 = arith.constant 0 : i32
        %dma_wait3A_238 = tpu.memref_slice %arg9[%dma_wait3A_234, %dma_wait3A_235, %dma_wait3A_237] : memref<4x4x128xi32, #tpu.memory_space<vmem>> -> memref<1x1x128xi32, #tpu.memory_space<vmem>>
        %dma_wait3A_239 = tpu.memref_squeeze %dma_wait3A_238 : memref<1x1x128xi32, #tpu.memory_space<vmem>> -> memref<128xi32, #tpu.memory_space<vmem>>
        %dma_wait3A_240 = arith.constant 0 : i32
        %dma_wait3A_241 = tpu.memref_slice %arg5[%dma_wait3A_240] : memref<320000xi32, #tpu.memory_space<hbm>> -> memref<128xi32, #tpu.memory_space<hbm>>
        %dma_wait3A_242 = tpu.memref_slice %arg16[%dma_wait3A_236] : memref<4x!tpu.dma_semaphore, #tpu.memory_space<semaphore_mem>> -> memref<1x!tpu.dma_semaphore, #tpu.memory_space<semaphore_mem>>
        %dma_wait3A_243 = tpu.memref_squeeze %dma_wait3A_242 : memref<1x!tpu.dma_semaphore, #tpu.memory_space<semaphore_mem>> -> memref<!tpu.dma_semaphore, #tpu.memory_space<semaphore_mem>>
        %dma_wait3A_244 = arith.constant 0 : i32
        %dma_wait3A_245 = tpu.memref_slice %arg9[%dma_wait3A_234, %dma_wait3A_235, %dma_wait3A_244] : memref<4x4x128xi32, #tpu.memory_space<vmem>> -> memref<1x1x128xi32, #tpu.memory_space<vmem>>
        %dma_wait3A_246 = tpu.memref_squeeze %dma_wait3A_245 : memref<1x1x128xi32, #tpu.memory_space<vmem>> -> memref<128xi32, #tpu.memory_space<vmem>>
        %dma_wait3A_247 = arith.constant 0 : i32
        %dma_wait3A_248 = tpu.memref_slice %arg5[%dma_wait3A_247] : memref<320000xi32, #tpu.memory_space<hbm>> -> memref<128xi32, #tpu.memory_space<hbm>>
        tpu.wait_dma2 semaphore(%dma_wait3A_243 : memref<!tpu.dma_semaphore, #tpu.memory_space<semaphore_mem>>) src(%dma_wait3A_248 : memref<128xi32, #tpu.memory_space<hbm>>) dst(%dma_wait3A_246 : memref<128xi32, #tpu.memory_space<vmem>>)
      } else {
      }
      %add3A_132 = arith.constant 0 : i32
      %add3A_133 = arith.addi %add3A_132, %arg1 : i32
      %mul3A_134 = arith.constant 4 : i32
      %mul3A_135 = arith.muli %add3A_133, %mul3A_134 : i32
      %add3A_136 = arith.constant 0 : i32
      %add3A_137 = arith.addi %mul3A_135, %add3A_136 : i32
      %lt3A_138 = arith.constant 1250 : i32
      %lt3A_139 = arith.cmpi slt, %add3A_137, %lt3A_138 : i32
      %convert_element_type3A_140 = arith.extui %lt3A_139 : i1 to i32
      %cond3A_141 = arith.constant 0 : i32
      %cond3A_142 = arith.cmpi ne, %convert_element_type3A_140, %cond3A_141 : i32
      scf.if %cond3A_142 {
        %dma_start3A = arith.constant 0 : i32
        %dma_start3A_220 = arith.constant 0 : i32
        %dma_start3A_221 = arith.constant 0 : i32
        %dma_start3A_222 = arith.constant 0 : i32
        %dma_start3A_223 = arith.constant 0 : i32
        %dma_start3A_224 = arith.constant 0 : i32
        %dma_start3A_225 = arith.constant 0 : i32
        %dma_start3A_226 = tpu.memref_slice %arg10[%dma_start3A_221, %dma_start3A_222, %dma_start3A_224, %dma_start3A_225] : memref<2x4x128x48xf32, #tpu.memory_space<vmem>> -> memref<1x1x128x48xf32, #tpu.memory_space<vmem>>
        %dma_start3A_227 = tpu.memref_squeeze %dma_start3A_226 : memref<1x1x128x48xf32, #tpu.memory_space<vmem>> -> memref<128x48xf32, #tpu.memory_space<vmem>>
        %dma_start3A_228 = arith.constant 0 : i32
        %dma_start3A_229 = tpu.memref_slice %arg8[%dma_start3A, %dma_start3A_220, %dma_start3A_228] : memref<4x4x128xi32, #tpu.memory_space<vmem>> -> memref<1x1x128xi32, #tpu.memory_space<vmem>>
        %dma_start3A_230 = tpu.memref_squeeze %dma_start3A_229 : memref<1x1x128xi32, #tpu.memory_space<vmem>> -> memref<128xi32, #tpu.memory_space<vmem>>
        %dma_start3A_231 = arith.constant 0 : i32
        %dma_start3A_232 = arith.constant 0 : i32
        %dma_start3A_233 = tpu.memref_slice %arg2[%dma_start3A_231, %dma_start3A_232] : memref<10000x48xf32, #tpu.memory_space<hbm>> -> memref<10000x48xf32, #tpu.memory_space<hbm>>
        %dma_start3A_234 = tpu.memref_slice %arg17[%dma_start3A_223] : memref<2x!tpu.dma_semaphore, #tpu.memory_space<semaphore_mem>> -> memref<1x!tpu.dma_semaphore, #tpu.memory_space<semaphore_mem>>
        %dma_start3A_235 = tpu.memref_squeeze %dma_start3A_234 : memref<1x!tpu.dma_semaphore, #tpu.memory_space<semaphore_mem>> -> memref<!tpu.dma_semaphore, #tpu.memory_space<semaphore_mem>>
        tpu.enqueue_indirect_dma source(%dma_start3A_233 : memref<10000x48xf32, #tpu.memory_space<hbm>>) target(%dma_start3A_227 : memref<128x48xf32, #tpu.memory_space<vmem>>) offsets(%dma_start3A_230 : memref<128xi32, #tpu.memory_space<vmem>>) semaphore(%dma_start3A_235 : memref<!tpu.dma_semaphore, #tpu.memory_space<semaphore_mem>>)
      } else {
      }
      %add3A_143 = arith.constant 0 : i32
      %add3A_144 = arith.addi %add3A_143, %arg1 : i32
      %mul3A_145 = arith.constant 4 : i32
      %mul3A_146 = arith.muli %add3A_144, %mul3A_145 : i32
      %add3A_147 = arith.constant 1 : i32
      %add3A_148 = arith.addi %mul3A_146, %add3A_147 : i32
      %lt3A_149 = arith.constant 1250 : i32
      %lt3A_150 = arith.cmpi slt, %add3A_148, %lt3A_149 : i32
      %convert_element_type3A_151 = arith.extui %lt3A_150 : i1 to i32
      %cond3A_152 = arith.constant 0 : i32
      %cond3A_153 = arith.cmpi ne, %convert_element_type3A_151, %cond3A_152 : i32
      scf.if %cond3A_153 {
        %dma_start3A = arith.constant 0 : i32
        %dma_start3A_220 = arith.constant 1 : i32
        %dma_start3A_221 = arith.constant 0 : i32
        %dma_start3A_222 = arith.constant 1 : i32
        %dma_start3A_223 = arith.constant 0 : i32
        %dma_start3A_224 = arith.constant 0 : i32
        %dma_start3A_225 = arith.constant 0 : i32
        %dma_start3A_226 = tpu.memref_slice %arg10[%dma_start3A_221, %dma_start3A_222, %dma_start3A_224, %dma_start3A_225] : memref<2x4x128x48xf32, #tpu.memory_space<vmem>> -> memref<1x1x128x48xf32, #tpu.memory_space<vmem>>
        %dma_start3A_227 = tpu.memref_squeeze %dma_start3A_226 : memref<1x1x128x48xf32, #tpu.memory_space<vmem>> -> memref<128x48xf32, #tpu.memory_space<vmem>>
        %dma_start3A_228 = arith.constant 0 : i32
        %dma_start3A_229 = tpu.memref_slice %arg8[%dma_start3A, %dma_start3A_220, %dma_start3A_228] : memref<4x4x128xi32, #tpu.memory_space<vmem>> -> memref<1x1x128xi32, #tpu.memory_space<vmem>>
        %dma_start3A_230 = tpu.memref_squeeze %dma_start3A_229 : memref<1x1x128xi32, #tpu.memory_space<vmem>> -> memref<128xi32, #tpu.memory_space<vmem>>
        %dma_start3A_231 = arith.constant 0 : i32
        %dma_start3A_232 = arith.constant 0 : i32
        %dma_start3A_233 = tpu.memref_slice %arg2[%dma_start3A_231, %dma_start3A_232] : memref<10000x48xf32, #tpu.memory_space<hbm>> -> memref<10000x48xf32, #tpu.memory_space<hbm>>
        %dma_start3A_234 = tpu.memref_slice %arg17[%dma_start3A_223] : memref<2x!tpu.dma_semaphore, #tpu.memory_space<semaphore_mem>> -> memref<1x!tpu.dma_semaphore, #tpu.memory_space<semaphore_mem>>
        %dma_start3A_235 = tpu.memref_squeeze %dma_start3A_234 : memref<1x!tpu.dma_semaphore, #tpu.memory_space<semaphore_mem>> -> memref<!tpu.dma_semaphore, #tpu.memory_space<semaphore_mem>>
        tpu.enqueue_indirect_dma source(%dma_start3A_233 : memref<10000x48xf32, #tpu.memory_space<hbm>>) target(%dma_start3A_227 : memref<128x48xf32, #tpu.memory_space<vmem>>) offsets(%dma_start3A_230 : memref<128xi32, #tpu.memory_space<vmem>>) semaphore(%dma_start3A_235 : memref<!tpu.dma_semaphore, #tpu.memory_space<semaphore_mem>>)
      } else {
      }
      %add3A_154 = arith.constant 0 : i32
      %add3A_155 = arith.addi %add3A_154, %arg1 : i32
      %mul3A_156 = arith.constant 4 : i32
      %mul3A_157 = arith.muli %add3A_155, %mul3A_156 : i32
      %add3A_158 = arith.constant 2 : i32
      %add3A_159 = arith.addi %mul3A_157, %add3A_158 : i32
      %lt3A_160 = arith.constant 1250 : i32
      %lt3A_161 = arith.cmpi slt, %add3A_159, %lt3A_160 : i32
      %convert_element_type3A_162 = arith.extui %lt3A_161 : i1 to i32
      %cond3A_163 = arith.constant 0 : i32
      %cond3A_164 = arith.cmpi ne, %convert_element_type3A_162, %cond3A_163 : i32
      scf.if %cond3A_164 {
        %dma_start3A = arith.constant 0 : i32
        %dma_start3A_220 = arith.constant 2 : i32
        %dma_start3A_221 = arith.constant 0 : i32
        %dma_start3A_222 = arith.constant 2 : i32
        %dma_start3A_223 = arith.constant 0 : i32
        %dma_start3A_224 = arith.constant 0 : i32
        %dma_start3A_225 = arith.constant 0 : i32
        %dma_start3A_226 = tpu.memref_slice %arg10[%dma_start3A_221, %dma_start3A_222, %dma_start3A_224, %dma_start3A_225] : memref<2x4x128x48xf32, #tpu.memory_space<vmem>> -> memref<1x1x128x48xf32, #tpu.memory_space<vmem>>
        %dma_start3A_227 = tpu.memref_squeeze %dma_start3A_226 : memref<1x1x128x48xf32, #tpu.memory_space<vmem>> -> memref<128x48xf32, #tpu.memory_space<vmem>>
        %dma_start3A_228 = arith.constant 0 : i32
        %dma_start3A_229 = tpu.memref_slice %arg8[%dma_start3A, %dma_start3A_220, %dma_start3A_228] : memref<4x4x128xi32, #tpu.memory_space<vmem>> -> memref<1x1x128xi32, #tpu.memory_space<vmem>>
        %dma_start3A_230 = tpu.memref_squeeze %dma_start3A_229 : memref<1x1x128xi32, #tpu.memory_space<vmem>> -> memref<128xi32, #tpu.memory_space<vmem>>
        %dma_start3A_231 = arith.constant 0 : i32
        %dma_start3A_232 = arith.constant 0 : i32
        %dma_start3A_233 = tpu.memref_slice %arg2[%dma_start3A_231, %dma_start3A_232] : memref<10000x48xf32, #tpu.memory_space<hbm>> -> memref<10000x48xf32, #tpu.memory_space<hbm>>
        %dma_start3A_234 = tpu.memref_slice %arg17[%dma_start3A_223] : memref<2x!tpu.dma_semaphore, #tpu.memory_space<semaphore_mem>> -> memref<1x!tpu.dma_semaphore, #tpu.memory_space<semaphore_mem>>
        %dma_start3A_235 = tpu.memref_squeeze %dma_start3A_234 : memref<1x!tpu.dma_semaphore, #tpu.memory_space<semaphore_mem>> -> memref<!tpu.dma_semaphore, #tpu.memory_space<semaphore_mem>>
        tpu.enqueue_indirect_dma source(%dma_start3A_233 : memref<10000x48xf32, #tpu.memory_space<hbm>>) target(%dma_start3A_227 : memref<128x48xf32, #tpu.memory_space<vmem>>) offsets(%dma_start3A_230 : memref<128xi32, #tpu.memory_space<vmem>>) semaphore(%dma_start3A_235 : memref<!tpu.dma_semaphore, #tpu.memory_space<semaphore_mem>>)
      } else {
      }
      %add3A_165 = arith.constant 0 : i32
      %add3A_166 = arith.addi %add3A_165, %arg1 : i32
      %mul3A_167 = arith.constant 4 : i32
      %mul3A_168 = arith.muli %add3A_166, %mul3A_167 : i32
      %add3A_169 = arith.constant 3 : i32
      %add3A_170 = arith.addi %mul3A_168, %add3A_169 : i32
      %lt3A_171 = arith.constant 1250 : i32
      %lt3A_172 = arith.cmpi slt, %add3A_170, %lt3A_171 : i32
      %convert_element_type3A_173 = arith.extui %lt3A_172 : i1 to i32
      %cond3A_174 = arith.constant 0 : i32
      %cond3A_175 = arith.cmpi ne, %convert_element_type3A_173, %cond3A_174 : i32
      scf.if %cond3A_175 {
        %dma_start3A = arith.constant 0 : i32
        %dma_start3A_220 = arith.constant 3 : i32
        %dma_start3A_221 = arith.constant 0 : i32
        %dma_start3A_222 = arith.constant 3 : i32
        %dma_start3A_223 = arith.constant 0 : i32
        %dma_start3A_224 = arith.constant 0 : i32
        %dma_start3A_225 = arith.constant 0 : i32
        %dma_start3A_226 = tpu.memref_slice %arg10[%dma_start3A_221, %dma_start3A_222, %dma_start3A_224, %dma_start3A_225] : memref<2x4x128x48xf32, #tpu.memory_space<vmem>> -> memref<1x1x128x48xf32, #tpu.memory_space<vmem>>
        %dma_start3A_227 = tpu.memref_squeeze %dma_start3A_226 : memref<1x1x128x48xf32, #tpu.memory_space<vmem>> -> memref<128x48xf32, #tpu.memory_space<vmem>>
        %dma_start3A_228 = arith.constant 0 : i32
        %dma_start3A_229 = tpu.memref_slice %arg8[%dma_start3A, %dma_start3A_220, %dma_start3A_228] : memref<4x4x128xi32, #tpu.memory_space<vmem>> -> memref<1x1x128xi32, #tpu.memory_space<vmem>>
        %dma_start3A_230 = tpu.memref_squeeze %dma_start3A_229 : memref<1x1x128xi32, #tpu.memory_space<vmem>> -> memref<128xi32, #tpu.memory_space<vmem>>
        %dma_start3A_231 = arith.constant 0 : i32
        %dma_start3A_232 = arith.constant 0 : i32
        %dma_start3A_233 = tpu.memref_slice %arg2[%dma_start3A_231, %dma_start3A_232] : memref<10000x48xf32, #tpu.memory_space<hbm>> -> memref<10000x48xf32, #tpu.memory_space<hbm>>
        %dma_start3A_234 = tpu.memref_slice %arg17[%dma_start3A_223] : memref<2x!tpu.dma_semaphore, #tpu.memory_space<semaphore_mem>> -> memref<1x!tpu.dma_semaphore, #tpu.memory_space<semaphore_mem>>
        %dma_start3A_235 = tpu.memref_squeeze %dma_start3A_234 : memref<1x!tpu.dma_semaphore, #tpu.memory_space<semaphore_mem>> -> memref<!tpu.dma_semaphore, #tpu.memory_space<semaphore_mem>>
        tpu.enqueue_indirect_dma source(%dma_start3A_233 : memref<10000x48xf32, #tpu.memory_space<hbm>>) target(%dma_start3A_227 : memref<128x48xf32, #tpu.memory_space<vmem>>) offsets(%dma_start3A_230 : memref<128xi32, #tpu.memory_space<vmem>>) semaphore(%dma_start3A_235 : memref<!tpu.dma_semaphore, #tpu.memory_space<semaphore_mem>>)
      } else {
      }
      %add3A_176 = arith.constant 0 : i32
      %add3A_177 = arith.addi %add3A_176, %arg1 : i32
      %mul3A_178 = arith.constant 4 : i32
      %mul3A_179 = arith.muli %add3A_177, %mul3A_178 : i32
      %add3A_180 = arith.constant 0 : i32
      %add3A_181 = arith.addi %mul3A_179, %add3A_180 : i32
      %lt3A_182 = arith.constant 1250 : i32
      %lt3A_183 = arith.cmpi slt, %add3A_181, %lt3A_182 : i32
      %convert_element_type3A_184 = arith.extui %lt3A_183 : i1 to i32
      %cond3A_185 = arith.constant 0 : i32
      %cond3A_186 = arith.cmpi ne, %convert_element_type3A_184, %cond3A_185 : i32
      scf.if %cond3A_186 {
        %dma_start3A = arith.constant 0 : i32
        %dma_start3A_220 = arith.constant 0 : i32
        %dma_start3A_221 = arith.constant 0 : i32
        %dma_start3A_222 = arith.constant 0 : i32
        %dma_start3A_223 = arith.constant 0 : i32
        %dma_start3A_224 = tpu.memref_slice %arg11[%dma_start3A_221, %dma_start3A_222, %dma_start3A_223] : memref<4x128x16xf32, #tpu.memory_space<vmem>> -> memref<1x128x16xf32, #tpu.memory_space<vmem>>
        %dma_start3A_225 = tpu.memref_squeeze %dma_start3A_224 : memref<1x128x16xf32, #tpu.memory_space<vmem>> -> memref<128x16xf32, #tpu.memory_space<vmem>>
        %dma_start3A_226 = arith.constant 0 : i32
        %dma_start3A_227 = tpu.memref_slice %arg9[%dma_start3A, %dma_start3A_220, %dma_start3A_226] : memref<4x4x128xi32, #tpu.memory_space<vmem>> -> memref<1x1x128xi32, #tpu.memory_space<vmem>>
        %dma_start3A_228 = tpu.memref_squeeze %dma_start3A_227 : memref<1x1x128xi32, #tpu.memory_space<vmem>> -> memref<128xi32, #tpu.memory_space<vmem>>
        %dma_start3A_229 = arith.constant 0 : i32
        %dma_start3A_230 = arith.constant 0 : i32
        %dma_start3A_231 = tpu.memref_slice %arg3[%dma_start3A_229, %dma_start3A_230] : memref<10000x16xf32, #tpu.memory_space<hbm>> -> memref<10000x16xf32, #tpu.memory_space<hbm>>
        tpu.enqueue_indirect_dma source(%dma_start3A_231 : memref<10000x16xf32, #tpu.memory_space<hbm>>) target(%dma_start3A_225 : memref<128x16xf32, #tpu.memory_space<vmem>>) offsets(%dma_start3A_228 : memref<128xi32, #tpu.memory_space<vmem>>) semaphore(%arg18 : memref<!tpu.dma_semaphore, #tpu.memory_space<semaphore_mem>>)
      } else {
      }
      %add3A_187 = arith.constant 0 : i32
      %add3A_188 = arith.addi %add3A_187, %arg1 : i32
      %mul3A_189 = arith.constant 4 : i32
      %mul3A_190 = arith.muli %add3A_188, %mul3A_189 : i32
      %add3A_191 = arith.constant 1 : i32
      %add3A_192 = arith.addi %mul3A_190, %add3A_191 : i32
      %lt3A_193 = arith.constant 1250 : i32
      %lt3A_194 = arith.cmpi slt, %add3A_192, %lt3A_193 : i32
      %convert_element_type3A_195 = arith.extui %lt3A_194 : i1 to i32
      %cond3A_196 = arith.constant 0 : i32
      %cond3A_197 = arith.cmpi ne, %convert_element_type3A_195, %cond3A_196 : i32
      scf.if %cond3A_197 {
        %dma_start3A = arith.constant 0 : i32
        %dma_start3A_220 = arith.constant 1 : i32
        %dma_start3A_221 = arith.constant 1 : i32
        %dma_start3A_222 = arith.constant 0 : i32
        %dma_start3A_223 = arith.constant 0 : i32
        %dma_start3A_224 = tpu.memref_slice %arg11[%dma_start3A_221, %dma_start3A_222, %dma_start3A_223] : memref<4x128x16xf32, #tpu.memory_space<vmem>> -> memref<1x128x16xf32, #tpu.memory_space<vmem>>
        %dma_start3A_225 = tpu.memref_squeeze %dma_start3A_224 : memref<1x128x16xf32, #tpu.memory_space<vmem>> -> memref<128x16xf32, #tpu.memory_space<vmem>>
        %dma_start3A_226 = arith.constant 0 : i32
        %dma_start3A_227 = tpu.memref_slice %arg9[%dma_start3A, %dma_start3A_220, %dma_start3A_226] : memref<4x4x128xi32, #tpu.memory_space<vmem>> -> memref<1x1x128xi32, #tpu.memory_space<vmem>>
        %dma_start3A_228 = tpu.memref_squeeze %dma_start3A_227 : memref<1x1x128xi32, #tpu.memory_space<vmem>> -> memref<128xi32, #tpu.memory_space<vmem>>
        %dma_start3A_229 = arith.constant 0 : i32
        %dma_start3A_230 = arith.constant 0 : i32
        %dma_start3A_231 = tpu.memref_slice %arg3[%dma_start3A_229, %dma_start3A_230] : memref<10000x16xf32, #tpu.memory_space<hbm>> -> memref<10000x16xf32, #tpu.memory_space<hbm>>
        tpu.enqueue_indirect_dma source(%dma_start3A_231 : memref<10000x16xf32, #tpu.memory_space<hbm>>) target(%dma_start3A_225 : memref<128x16xf32, #tpu.memory_space<vmem>>) offsets(%dma_start3A_228 : memref<128xi32, #tpu.memory_space<vmem>>) semaphore(%arg18 : memref<!tpu.dma_semaphore, #tpu.memory_space<semaphore_mem>>)
      } else {
      }
      %add3A_198 = arith.constant 0 : i32
      %add3A_199 = arith.addi %add3A_198, %arg1 : i32
      %mul3A_200 = arith.constant 4 : i32
      %mul3A_201 = arith.muli %add3A_199, %mul3A_200 : i32
      %add3A_202 = arith.constant 2 : i32
      %add3A_203 = arith.addi %mul3A_201, %add3A_202 : i32
      %lt3A_204 = arith.constant 1250 : i32
      %lt3A_205 = arith.cmpi slt, %add3A_203, %lt3A_204 : i32
      %convert_element_type3A_206 = arith.extui %lt3A_205 : i1 to i32
      %cond3A_207 = arith.constant 0 : i32
      %cond3A_208 = arith.cmpi ne, %convert_element_type3A_206, %cond3A_207 : i32
      scf.if %cond3A_208 {
        %dma_start3A = arith.constant 0 : i32
        %dma_start3A_220 = arith.constant 2 : i32
        %dma_start3A_221 = arith.constant 2 : i32
        %dma_start3A_222 = arith.constant 0 : i32
        %dma_start3A_223 = arith.constant 0 : i32
        %dma_start3A_224 = tpu.memref_slice %arg11[%dma_start3A_221, %dma_start3A_222, %dma_start3A_223] : memref<4x128x16xf32, #tpu.memory_space<vmem>> -> memref<1x128x16xf32, #tpu.memory_space<vmem>>
        %dma_start3A_225 = tpu.memref_squeeze %dma_start3A_224 : memref<1x128x16xf32, #tpu.memory_space<vmem>> -> memref<128x16xf32, #tpu.memory_space<vmem>>
        %dma_start3A_226 = arith.constant 0 : i32
        %dma_start3A_227 = tpu.memref_slice %arg9[%dma_start3A, %dma_start3A_220, %dma_start3A_226] : memref<4x4x128xi32, #tpu.memory_space<vmem>> -> memref<1x1x128xi32, #tpu.memory_space<vmem>>
        %dma_start3A_228 = tpu.memref_squeeze %dma_start3A_227 : memref<1x1x128xi32, #tpu.memory_space<vmem>> -> memref<128xi32, #tpu.memory_space<vmem>>
        %dma_start3A_229 = arith.constant 0 : i32
        %dma_start3A_230 = arith.constant 0 : i32
        %dma_start3A_231 = tpu.memref_slice %arg3[%dma_start3A_229, %dma_start3A_230] : memref<10000x16xf32, #tpu.memory_space<hbm>> -> memref<10000x16xf32, #tpu.memory_space<hbm>>
        tpu.enqueue_indirect_dma source(%dma_start3A_231 : memref<10000x16xf32, #tpu.memory_space<hbm>>) target(%dma_start3A_225 : memref<128x16xf32, #tpu.memory_space<vmem>>) offsets(%dma_start3A_228 : memref<128xi32, #tpu.memory_space<vmem>>) semaphore(%arg18 : memref<!tpu.dma_semaphore, #tpu.memory_space<semaphore_mem>>)
      } else {
      }
      %add3A_209 = arith.constant 0 : i32
      %add3A_210 = arith.addi %add3A_209, %arg1 : i32
      %mul3A_211 = arith.constant 4 : i32
      %mul3A_212 = arith.muli %add3A_210, %mul3A_211 : i32
      %add3A_213 = arith.constant 3 : i32
      %add3A_214 = arith.addi %mul3A_212, %add3A_213 : i32
      %lt3A_215 = arith.constant 1250 : i32
      %lt3A_216 = arith.cmpi slt, %add3A_214, %lt3A_215 : i32
      %convert_element_type3A_217 = arith.extui %lt3A_216 : i1 to i32
      %cond3A_218 = arith.constant 0 : i32
      %cond3A_219 = arith.cmpi ne, %convert_element_type3A_217, %cond3A_218 : i32
      scf.if %cond3A_219 {
        %dma_start3A = arith.constant 0 : i32
        %dma_start3A_220 = arith.constant 3 : i32
        %dma_start3A_221 = arith.constant 3 : i32
        %dma_start3A_222 = arith.constant 0 : i32
        %dma_start3A_223 = arith.constant 0 : i32
        %dma_start3A_224 = tpu.memref_slice %arg11[%dma_start3A_221, %dma_start3A_222, %dma_start3A_223] : memref<4x128x16xf32, #tpu.memory_space<vmem>> -> memref<1x128x16xf32, #tpu.memory_space<vmem>>
        %dma_start3A_225 = tpu.memref_squeeze %dma_start3A_224 : memref<1x128x16xf32, #tpu.memory_space<vmem>> -> memref<128x16xf32, #tpu.memory_space<vmem>>
        %dma_start3A_226 = arith.constant 0 : i32
        %dma_start3A_227 = tpu.memref_slice %arg9[%dma_start3A, %dma_start3A_220, %dma_start3A_226] : memref<4x4x128xi32, #tpu.memory_space<vmem>> -> memref<1x1x128xi32, #tpu.memory_space<vmem>>
        %dma_start3A_228 = tpu.memref_squeeze %dma_start3A_227 : memref<1x1x128xi32, #tpu.memory_space<vmem>> -> memref<128xi32, #tpu.memory_space<vmem>>
        %dma_start3A_229 = arith.constant 0 : i32
        %dma_start3A_230 = arith.constant 0 : i32
        %dma_start3A_231 = tpu.memref_slice %arg3[%dma_start3A_229, %dma_start3A_230] : memref<10000x16xf32, #tpu.memory_space<hbm>> -> memref<10000x16xf32, #tpu.memory_space<hbm>>
        tpu.enqueue_indirect_dma source(%dma_start3A_231 : memref<10000x16xf32, #tpu.memory_space<hbm>>) target(%dma_start3A_225 : memref<128x16xf32, #tpu.memory_space<vmem>>) offsets(%dma_start3A_228 : memref<128xi32, #tpu.memory_space<vmem>>) semaphore(%arg18 : memref<!tpu.dma_semaphore, #tpu.memory_space<semaphore_mem>>)
      } else {
      }
    } else {
    }
    %scan3A_45 = arith.constant 0 : i32
    %scan3A_46 = arith.constant 20 : i32
    %scan3A_47 = arith.addi %scan3A_45, %scan3A_46 : i32
    %scan3A_48 = arith.constant 1 : i32
    scf.for %scan3A_88 = %scan3A_45 to %scan3A_47 step %scan3A_48  : i32 {
      %mul3A_89 = arith.constant 1 : i32
      %mul3A_90 = arith.muli %scan3A_88, %mul3A_89 : i32
      %add3A_91 = arith.constant 0 : i32
      %add3A_92 = arith.addi %add3A_91, %mul3A_90 : i32
      %mul3A_93 = arith.constant 16 : i32
      %mul3A_94 = arith.muli %add3A_92, %mul3A_93 : i32
      %add3A_95 = arith.addi %mul3A_94, %arg1 : i32
      %mul3A_96 = arith.constant 4 : i32
      %mul3A_97 = arith.muli %add3A_95, %mul3A_96 : i32
      %add3A_98 = arith.constant 0 : i32
      %add3A_99 = arith.addi %mul3A_97, %add3A_98 : i32
      %lt3A_100 = arith.constant 1250 : i32
      %lt3A_101 = arith.cmpi slt, %add3A_99, %lt3A_100 : i32
      %convert_element_type3A_102 = arith.extui %lt3A_101 : i1 to i32
      %cond3A_103 = arith.constant 0 : i32
      %cond3A_104 = arith.cmpi ne, %convert_element_type3A_102, %cond3A_103 : i32
      scf.if %cond3A_104 {
        %rem3A_105 = arith.constant 2 : i32
        %rem3A_106 = arith.remsi %add3A_92, %rem3A_105 : i32
        %add3A_107 = arith.constant 1 : i32
        %add3A_108 = arith.addi %add3A_92, %add3A_107 : i32
        %rem3A_109 = arith.constant 2 : i32
        %rem3A_110 = arith.remsi %add3A_108, %rem3A_109 : i32
        %rem3A_111 = arith.constant 4 : i32
        %rem3A_112 = arith.remsi %add3A_92, %rem3A_111 : i32
        %add3A_113 = arith.constant 1 : i32
        %add3A_114 = arith.addi %add3A_92, %add3A_113 : i32
        %rem3A_115 = arith.constant 4 : i32
        %rem3A_116 = arith.remsi %add3A_114, %rem3A_115 : i32
        %add3A_117 = arith.constant 2 : i32
        %add3A_118 = arith.addi %add3A_92, %add3A_117 : i32
        %rem3A_119 = arith.constant 4 : i32
        %rem3A_120 = arith.remsi %add3A_118, %rem3A_119 : i32
        %ge3A_121 = arith.constant 2 : i32
        %ge3A_122 = arith.cmpi sge, %add3A_92, %ge3A_121 : i32
        %convert_element_type3A_123 = arith.extui %ge3A_122 : i1 to i32
        %cond3A_124 = arith.constant 0 : i32
        %cond3A_125 = arith.cmpi ne, %convert_element_type3A_123, %cond3A_124 : i32
        scf.if %cond3A_125 {
          %sub3A_569 = arith.constant 2 : i32
          %sub3A_570 = arith.subi %add3A_92, %sub3A_569 : i32
          %mul3A_571 = arith.constant 16 : i32
          %mul3A_572 = arith.muli %sub3A_570, %mul3A_571 : i32
          %add3A_573 = arith.addi %mul3A_572, %arg1 : i32
          %mul3A_574 = arith.constant 4 : i32
          %mul3A_575 = arith.muli %add3A_573, %mul3A_574 : i32
          %add3A_576 = arith.constant 0 : i32
          %add3A_577 = arith.addi %mul3A_575, %add3A_576 : i32
          %lt3A_578 = arith.constant 1250 : i32
          %lt3A_579 = arith.cmpi slt, %add3A_577, %lt3A_578 : i32
          %convert_element_type3A_580 = arith.extui %lt3A_579 : i1 to i32
          %cond3A_581 = arith.constant 0 : i32
          %cond3A_582 = arith.cmpi ne, %convert_element_type3A_580, %cond3A_581 : i32
          scf.if %cond3A_582 {
            %dma_wait3A = arith.constant 0 : i32
            %dma_wait3A_619 = arith.constant 0 : i32
            %dma_wait3A_620 = arith.constant 0 : i32
            %dma_wait3A_621 = arith.constant 0 : i32
            %dma_wait3A_622 = tpu.memref_slice %arg10[%rem3A_106, %dma_wait3A, %dma_wait3A_620, %dma_wait3A_621] : memref<2x4x128x48xf32, #tpu.memory_space<vmem>> -> memref<1x1x128x48xf32, #tpu.memory_space<vmem>>
            %dma_wait3A_623 = tpu.memref_squeeze %dma_wait3A_622 : memref<1x1x128x48xf32, #tpu.memory_space<vmem>> -> memref<128x48xf32, #tpu.memory_space<vmem>>
            %dma_wait3A_624 = arith.constant 0 : i32
            %dma_wait3A_625 = tpu.memref_slice %arg9[%rem3A_120, %dma_wait3A_619, %dma_wait3A_624] : memref<4x4x128xi32, #tpu.memory_space<vmem>> -> memref<1x1x128xi32, #tpu.memory_space<vmem>>
            %dma_wait3A_626 = tpu.memref_squeeze %dma_wait3A_625 : memref<1x1x128xi32, #tpu.memory_space<vmem>> -> memref<128xi32, #tpu.memory_space<vmem>>
            %dma_wait3A_627 = arith.constant 0 : i32
            %dma_wait3A_628 = arith.constant 0 : i32
            %dma_wait3A_629 = tpu.memref_slice %arg14[%dma_wait3A_627, %dma_wait3A_628] : memref<10000x48xf32, #tpu.memory_space<vmem_shared>> -> memref<10000x48xf32, #tpu.memory_space<vmem_shared>>
            %dma_wait3A_630 = tpu.memref_slice %arg19[%rem3A_106] : memref<2x!tpu.dma_semaphore, #tpu.memory_space<semaphore_mem>> -> memref<1x!tpu.dma_semaphore, #tpu.memory_space<semaphore_mem>>
            %dma_wait3A_631 = tpu.memref_squeeze %dma_wait3A_630 : memref<1x!tpu.dma_semaphore, #tpu.memory_space<semaphore_mem>> -> memref<!tpu.dma_semaphore, #tpu.memory_space<semaphore_mem>>
            tpu.wait_indirect_dma semaphore(%dma_wait3A_631 : memref<!tpu.dma_semaphore, #tpu.memory_space<semaphore_mem>>) src(%dma_wait3A_623 : memref<128x48xf32, #tpu.memory_space<vmem>>) dst(%dma_wait3A_629 : memref<10000x48xf32, #tpu.memory_space<vmem_shared>>)
          } else {
          }
          %mul3A_583 = arith.constant 16 : i32
          %mul3A_584 = arith.muli %sub3A_570, %mul3A_583 : i32
          %add3A_585 = arith.addi %mul3A_584, %arg1 : i32
          %mul3A_586 = arith.constant 4 : i32
          %mul3A_587 = arith.muli %add3A_585, %mul3A_586 : i32
          %add3A_588 = arith.constant 1 : i32
          %add3A_589 = arith.addi %mul3A_587, %add3A_588 : i32
          %lt3A_590 = arith.constant 1250 : i32
          %lt3A_591 = arith.cmpi slt, %add3A_589, %lt3A_590 : i32
          %convert_element_type3A_592 = arith.extui %lt3A_591 : i1 to i32
          %cond3A_593 = arith.constant 0 : i32
          %cond3A_594 = arith.cmpi ne, %convert_element_type3A_592, %cond3A_593 : i32
          scf.if %cond3A_594 {
            %dma_wait3A = arith.constant 1 : i32
            %dma_wait3A_619 = arith.constant 1 : i32
            %dma_wait3A_620 = arith.constant 0 : i32
            %dma_wait3A_621 = arith.constant 0 : i32
            %dma_wait3A_622 = tpu.memref_slice %arg10[%rem3A_106, %dma_wait3A, %dma_wait3A_620, %dma_wait3A_621] : memref<2x4x128x48xf32, #tpu.memory_space<vmem>> -> memref<1x1x128x48xf32, #tpu.memory_space<vmem>>
            %dma_wait3A_623 = tpu.memref_squeeze %dma_wait3A_622 : memref<1x1x128x48xf32, #tpu.memory_space<vmem>> -> memref<128x48xf32, #tpu.memory_space<vmem>>
            %dma_wait3A_624 = arith.constant 0 : i32
            %dma_wait3A_625 = tpu.memref_slice %arg9[%rem3A_120, %dma_wait3A_619, %dma_wait3A_624] : memref<4x4x128xi32, #tpu.memory_space<vmem>> -> memref<1x1x128xi32, #tpu.memory_space<vmem>>
            %dma_wait3A_626 = tpu.memref_squeeze %dma_wait3A_625 : memref<1x1x128xi32, #tpu.memory_space<vmem>> -> memref<128xi32, #tpu.memory_space<vmem>>
            %dma_wait3A_627 = arith.constant 0 : i32
            %dma_wait3A_628 = arith.constant 0 : i32
            %dma_wait3A_629 = tpu.memref_slice %arg14[%dma_wait3A_627, %dma_wait3A_628] : memref<10000x48xf32, #tpu.memory_space<vmem_shared>> -> memref<10000x48xf32, #tpu.memory_space<vmem_shared>>
            %dma_wait3A_630 = tpu.memref_slice %arg19[%rem3A_106] : memref<2x!tpu.dma_semaphore, #tpu.memory_space<semaphore_mem>> -> memref<1x!tpu.dma_semaphore, #tpu.memory_space<semaphore_mem>>
            %dma_wait3A_631 = tpu.memref_squeeze %dma_wait3A_630 : memref<1x!tpu.dma_semaphore, #tpu.memory_space<semaphore_mem>> -> memref<!tpu.dma_semaphore, #tpu.memory_space<semaphore_mem>>
            tpu.wait_indirect_dma semaphore(%dma_wait3A_631 : memref<!tpu.dma_semaphore, #tpu.memory_space<semaphore_mem>>) src(%dma_wait3A_623 : memref<128x48xf32, #tpu.memory_space<vmem>>) dst(%dma_wait3A_629 : memref<10000x48xf32, #tpu.memory_space<vmem_shared>>)
          } else {
          }
          %mul3A_595 = arith.constant 16 : i32
          %mul3A_596 = arith.muli %sub3A_570, %mul3A_595 : i32
          %add3A_597 = arith.addi %mul3A_596, %arg1 : i32
          %mul3A_598 = arith.constant 4 : i32
          %mul3A_599 = arith.muli %add3A_597, %mul3A_598 : i32
          %add3A_600 = arith.constant 2 : i32
          %add3A_601 = arith.addi %mul3A_599, %add3A_600 : i32
          %lt3A_602 = arith.constant 1250 : i32
          %lt3A_603 = arith.cmpi slt, %add3A_601, %lt3A_602 : i32
          %convert_element_type3A_604 = arith.extui %lt3A_603 : i1 to i32
          %cond3A_605 = arith.constant 0 : i32
          %cond3A_606 = arith.cmpi ne, %convert_element_type3A_604, %cond3A_605 : i32
          scf.if %cond3A_606 {
            %dma_wait3A = arith.constant 2 : i32
            %dma_wait3A_619 = arith.constant 2 : i32
            %dma_wait3A_620 = arith.constant 0 : i32
            %dma_wait3A_621 = arith.constant 0 : i32
            %dma_wait3A_622 = tpu.memref_slice %arg10[%rem3A_106, %dma_wait3A, %dma_wait3A_620, %dma_wait3A_621] : memref<2x4x128x48xf32, #tpu.memory_space<vmem>> -> memref<1x1x128x48xf32, #tpu.memory_space<vmem>>
            %dma_wait3A_623 = tpu.memref_squeeze %dma_wait3A_622 : memref<1x1x128x48xf32, #tpu.memory_space<vmem>> -> memref<128x48xf32, #tpu.memory_space<vmem>>
            %dma_wait3A_624 = arith.constant 0 : i32
            %dma_wait3A_625 = tpu.memref_slice %arg9[%rem3A_120, %dma_wait3A_619, %dma_wait3A_624] : memref<4x4x128xi32, #tpu.memory_space<vmem>> -> memref<1x1x128xi32, #tpu.memory_space<vmem>>
            %dma_wait3A_626 = tpu.memref_squeeze %dma_wait3A_625 : memref<1x1x128xi32, #tpu.memory_space<vmem>> -> memref<128xi32, #tpu.memory_space<vmem>>
            %dma_wait3A_627 = arith.constant 0 : i32
            %dma_wait3A_628 = arith.constant 0 : i32
            %dma_wait3A_629 = tpu.memref_slice %arg14[%dma_wait3A_627, %dma_wait3A_628] : memref<10000x48xf32, #tpu.memory_space<vmem_shared>> -> memref<10000x48xf32, #tpu.memory_space<vmem_shared>>
            %dma_wait3A_630 = tpu.memref_slice %arg19[%rem3A_106] : memref<2x!tpu.dma_semaphore, #tpu.memory_space<semaphore_mem>> -> memref<1x!tpu.dma_semaphore, #tpu.memory_space<semaphore_mem>>
            %dma_wait3A_631 = tpu.memref_squeeze %dma_wait3A_630 : memref<1x!tpu.dma_semaphore, #tpu.memory_space<semaphore_mem>> -> memref<!tpu.dma_semaphore, #tpu.memory_space<semaphore_mem>>
            tpu.wait_indirect_dma semaphore(%dma_wait3A_631 : memref<!tpu.dma_semaphore, #tpu.memory_space<semaphore_mem>>) src(%dma_wait3A_623 : memref<128x48xf32, #tpu.memory_space<vmem>>) dst(%dma_wait3A_629 : memref<10000x48xf32, #tpu.memory_space<vmem_shared>>)
          } else {
          }
          %mul3A_607 = arith.constant 16 : i32
          %mul3A_608 = arith.muli %sub3A_570, %mul3A_607 : i32
          %add3A_609 = arith.addi %mul3A_608, %arg1 : i32
          %mul3A_610 = arith.constant 4 : i32
          %mul3A_611 = arith.muli %add3A_609, %mul3A_610 : i32
          %add3A_612 = arith.constant 3 : i32
          %add3A_613 = arith.addi %mul3A_611, %add3A_612 : i32
          %lt3A_614 = arith.constant 1250 : i32
          %lt3A_615 = arith.cmpi slt, %add3A_613, %lt3A_614 : i32
          %convert_element_type3A_616 = arith.extui %lt3A_615 : i1 to i32
          %cond3A_617 = arith.constant 0 : i32
          %cond3A_618 = arith.cmpi ne, %convert_element_type3A_616, %cond3A_617 : i32
          scf.if %cond3A_618 {
            %dma_wait3A = arith.constant 3 : i32
            %dma_wait3A_619 = arith.constant 3 : i32
            %dma_wait3A_620 = arith.constant 0 : i32
            %dma_wait3A_621 = arith.constant 0 : i32
            %dma_wait3A_622 = tpu.memref_slice %arg10[%rem3A_106, %dma_wait3A, %dma_wait3A_620, %dma_wait3A_621] : memref<2x4x128x48xf32, #tpu.memory_space<vmem>> -> memref<1x1x128x48xf32, #tpu.memory_space<vmem>>
            %dma_wait3A_623 = tpu.memref_squeeze %dma_wait3A_622 : memref<1x1x128x48xf32, #tpu.memory_space<vmem>> -> memref<128x48xf32, #tpu.memory_space<vmem>>
            %dma_wait3A_624 = arith.constant 0 : i32
            %dma_wait3A_625 = tpu.memref_slice %arg9[%rem3A_120, %dma_wait3A_619, %dma_wait3A_624] : memref<4x4x128xi32, #tpu.memory_space<vmem>> -> memref<1x1x128xi32, #tpu.memory_space<vmem>>
            %dma_wait3A_626 = tpu.memref_squeeze %dma_wait3A_625 : memref<1x1x128xi32, #tpu.memory_space<vmem>> -> memref<128xi32, #tpu.memory_space<vmem>>
            %dma_wait3A_627 = arith.constant 0 : i32
            %dma_wait3A_628 = arith.constant 0 : i32
            %dma_wait3A_629 = tpu.memref_slice %arg14[%dma_wait3A_627, %dma_wait3A_628] : memref<10000x48xf32, #tpu.memory_space<vmem_shared>> -> memref<10000x48xf32, #tpu.memory_space<vmem_shared>>
            %dma_wait3A_630 = tpu.memref_slice %arg19[%rem3A_106] : memref<2x!tpu.dma_semaphore, #tpu.memory_space<semaphore_mem>> -> memref<1x!tpu.dma_semaphore, #tpu.memory_space<semaphore_mem>>
            %dma_wait3A_631 = tpu.memref_squeeze %dma_wait3A_630 : memref<1x!tpu.dma_semaphore, #tpu.memory_space<semaphore_mem>> -> memref<!tpu.dma_semaphore, #tpu.memory_space<semaphore_mem>>
            tpu.wait_indirect_dma semaphore(%dma_wait3A_631 : memref<!tpu.dma_semaphore, #tpu.memory_space<semaphore_mem>>) src(%dma_wait3A_623 : memref<128x48xf32, #tpu.memory_space<vmem>>) dst(%dma_wait3A_629 : memref<10000x48xf32, #tpu.memory_space<vmem_shared>>)
          } else {
          }
        } else {
        }
        %add3A_126 = arith.constant 2 : i32
        %add3A_127 = arith.addi %add3A_92, %add3A_126 : i32
        %mul3A_128 = arith.constant 16 : i32
        %mul3A_129 = arith.muli %add3A_127, %mul3A_128 : i32
        %add3A_130 = arith.addi %mul3A_129, %arg1 : i32
        %mul3A_131 = arith.constant 4 : i32
        %mul3A_132 = arith.muli %add3A_130, %mul3A_131 : i32
        %add3A_133 = arith.constant 0 : i32
        %add3A_134 = arith.addi %mul3A_132, %add3A_133 : i32
        %lt3A_135 = arith.constant 1250 : i32
        %lt3A_136 = arith.cmpi slt, %add3A_134, %lt3A_135 : i32
        %convert_element_type3A_137 = arith.extui %lt3A_136 : i1 to i32
        %cond3A_138 = arith.constant 0 : i32
        %cond3A_139 = arith.cmpi ne, %convert_element_type3A_137, %cond3A_138 : i32
        scf.if %cond3A_139 {
          %mul3A_569 = arith.constant 1250 : i32
          %mul3A_570 = arith.muli %arg0, %mul3A_569 : i32
          %mul3A_571 = arith.constant 16 : i32
          %mul3A_572 = arith.muli %add3A_127, %mul3A_571 : i32
          %add3A_573 = arith.addi %mul3A_572, %arg1 : i32
          %mul3A_574 = arith.constant 4 : i32
          %mul3A_575 = arith.muli %add3A_573, %mul3A_574 : i32
          %add3A_576 = arith.constant 0 : i32
          %add3A_577 = arith.addi %mul3A_575, %add3A_576 : i32
          %add3A_578 = arith.addi %mul3A_570, %add3A_577 : i32
          %mul3A_579 = arith.constant 128 : i32
          %mul3A_580 = arith.muli %add3A_578, %mul3A_579 : i32
          %dma_start3A = arith.constant 0 : i32
          %dma_start3A_581 = arith.constant 0 : i32
          %dma_start3A_582 = tpu.memref_slice %arg8[%rem3A_120, %dma_start3A, %dma_start3A_581] : memref<4x4x128xi32, #tpu.memory_space<vmem>> -> memref<1x1x128xi32, #tpu.memory_space<vmem>>
          %dma_start3A_583 = tpu.memref_squeeze %dma_start3A_582 : memref<1x1x128xi32, #tpu.memory_space<vmem>> -> memref<128xi32, #tpu.memory_space<vmem>>
          %dma_start3A_584 = tpu.memref_slice %arg4[%mul3A_580] : memref<320000xi32, #tpu.memory_space<hbm>> -> memref<128xi32, #tpu.memory_space<hbm>>
          %dma_start3A_585 = tpu.memref_slice %arg15[%rem3A_120] : memref<4x!tpu.dma_semaphore, #tpu.memory_space<semaphore_mem>> -> memref<1x!tpu.dma_semaphore, #tpu.memory_space<semaphore_mem>>
          %dma_start3A_586 = tpu.memref_squeeze %dma_start3A_585 : memref<1x!tpu.dma_semaphore, #tpu.memory_space<semaphore_mem>> -> memref<!tpu.dma_semaphore, #tpu.memory_space<semaphore_mem>>
          %dma_start3A_587 = arith.constant 0 : i32
          %dma_start3A_588 = tpu.memref_slice %arg8[%rem3A_120, %dma_start3A, %dma_start3A_587] : memref<4x4x128xi32, #tpu.memory_space<vmem>> -> memref<1x1x128xi32, #tpu.memory_space<vmem>>
          %dma_start3A_589 = tpu.memref_squeeze %dma_start3A_588 : memref<1x1x128xi32, #tpu.memory_space<vmem>> -> memref<128xi32, #tpu.memory_space<vmem>>
          %dma_start3A_590 = tpu.memref_slice %arg4[%mul3A_580] : memref<320000xi32, #tpu.memory_space<hbm>> -> memref<128xi32, #tpu.memory_space<hbm>>
          tpu.enqueue_dma source(%dma_start3A_590 : memref<128xi32, #tpu.memory_space<hbm>>) target(%dma_start3A_589 : memref<128xi32, #tpu.memory_space<vmem>>) target_semaphore(%dma_start3A_586 : memref<!tpu.dma_semaphore, #tpu.memory_space<semaphore_mem>>)
          %dma_start3A_591 = arith.constant 0 : i32
          %dma_start3A_592 = arith.constant 0 : i32
          %dma_start3A_593 = tpu.memref_slice %arg9[%rem3A_120, %dma_start3A_591, %dma_start3A_592] : memref<4x4x128xi32, #tpu.memory_space<vmem>> -> memref<1x1x128xi32, #tpu.memory_space<vmem>>
          %dma_start3A_594 = tpu.memref_squeeze %dma_start3A_593 : memref<1x1x128xi32, #tpu.memory_space<vmem>> -> memref<128xi32, #tpu.memory_space<vmem>>
          %dma_start3A_595 = tpu.memref_slice %arg5[%mul3A_580] : memref<320000xi32, #tpu.memory_space<hbm>> -> memref<128xi32, #tpu.memory_space<hbm>>
          %dma_start3A_596 = tpu.memref_slice %arg16[%rem3A_120] : memref<4x!tpu.dma_semaphore, #tpu.memory_space<semaphore_mem>> -> memref<1x!tpu.dma_semaphore, #tpu.memory_space<semaphore_mem>>
          %dma_start3A_597 = tpu.memref_squeeze %dma_start3A_596 : memref<1x!tpu.dma_semaphore, #tpu.memory_space<semaphore_mem>> -> memref<!tpu.dma_semaphore, #tpu.memory_space<semaphore_mem>>
          %dma_start3A_598 = arith.constant 0 : i32
          %dma_start3A_599 = tpu.memref_slice %arg9[%rem3A_120, %dma_start3A_591, %dma_start3A_598] : memref<4x4x128xi32, #tpu.memory_space<vmem>> -> memref<1x1x128xi32, #tpu.memory_space<vmem>>
          %dma_start3A_600 = tpu.memref_squeeze %dma_start3A_599 : memref<1x1x128xi32, #tpu.memory_space<vmem>> -> memref<128xi32, #tpu.memory_space<vmem>>
          %dma_start3A_601 = tpu.memref_slice %arg5[%mul3A_580] : memref<320000xi32, #tpu.memory_space<hbm>> -> memref<128xi32, #tpu.memory_space<hbm>>
          tpu.enqueue_dma source(%dma_start3A_601 : memref<128xi32, #tpu.memory_space<hbm>>) target(%dma_start3A_600 : memref<128xi32, #tpu.memory_space<vmem>>) target_semaphore(%dma_start3A_597 : memref<!tpu.dma_semaphore, #tpu.memory_space<semaphore_mem>>)
        } else {
        }
        %mul3A_140 = arith.constant 16 : i32
        %mul3A_141 = arith.muli %add3A_127, %mul3A_140 : i32
        %add3A_142 = arith.addi %mul3A_141, %arg1 : i32
        %mul3A_143 = arith.constant 4 : i32
        %mul3A_144 = arith.muli %add3A_142, %mul3A_143 : i32
        %add3A_145 = arith.constant 1 : i32
        %add3A_146 = arith.addi %mul3A_144, %add3A_145 : i32
        %lt3A_147 = arith.constant 1250 : i32
        %lt3A_148 = arith.cmpi slt, %add3A_146, %lt3A_147 : i32
        %convert_element_type3A_149 = arith.extui %lt3A_148 : i1 to i32
        %cond3A_150 = arith.constant 0 : i32
        %cond3A_151 = arith.cmpi ne, %convert_element_type3A_149, %cond3A_150 : i32
        scf.if %cond3A_151 {
          %mul3A_569 = arith.constant 1250 : i32
          %mul3A_570 = arith.muli %arg0, %mul3A_569 : i32
          %mul3A_571 = arith.constant 16 : i32
          %mul3A_572 = arith.muli %add3A_127, %mul3A_571 : i32
          %add3A_573 = arith.addi %mul3A_572, %arg1 : i32
          %mul3A_574 = arith.constant 4 : i32
          %mul3A_575 = arith.muli %add3A_573, %mul3A_574 : i32
          %add3A_576 = arith.constant 1 : i32
          %add3A_577 = arith.addi %mul3A_575, %add3A_576 : i32
          %add3A_578 = arith.addi %mul3A_570, %add3A_577 : i32
          %mul3A_579 = arith.constant 128 : i32
          %mul3A_580 = arith.muli %add3A_578, %mul3A_579 : i32
          %dma_start3A = arith.constant 1 : i32
          %dma_start3A_581 = arith.constant 0 : i32
          %dma_start3A_582 = tpu.memref_slice %arg8[%rem3A_120, %dma_start3A, %dma_start3A_581] : memref<4x4x128xi32, #tpu.memory_space<vmem>> -> memref<1x1x128xi32, #tpu.memory_space<vmem>>
          %dma_start3A_583 = tpu.memref_squeeze %dma_start3A_582 : memref<1x1x128xi32, #tpu.memory_space<vmem>> -> memref<128xi32, #tpu.memory_space<vmem>>
          %dma_start3A_584 = tpu.memref_slice %arg4[%mul3A_580] : memref<320000xi32, #tpu.memory_space<hbm>> -> memref<128xi32, #tpu.memory_space<hbm>>
          %dma_start3A_585 = tpu.memref_slice %arg15[%rem3A_120] : memref<4x!tpu.dma_semaphore, #tpu.memory_space<semaphore_mem>> -> memref<1x!tpu.dma_semaphore, #tpu.memory_space<semaphore_mem>>
          %dma_start3A_586 = tpu.memref_squeeze %dma_start3A_585 : memref<1x!tpu.dma_semaphore, #tpu.memory_space<semaphore_mem>> -> memref<!tpu.dma_semaphore, #tpu.memory_space<semaphore_mem>>
          %dma_start3A_587 = arith.constant 0 : i32
          %dma_start3A_588 = tpu.memref_slice %arg8[%rem3A_120, %dma_start3A, %dma_start3A_587] : memref<4x4x128xi32, #tpu.memory_space<vmem>> -> memref<1x1x128xi32, #tpu.memory_space<vmem>>
          %dma_start3A_589 = tpu.memref_squeeze %dma_start3A_588 : memref<1x1x128xi32, #tpu.memory_space<vmem>> -> memref<128xi32, #tpu.memory_space<vmem>>
          %dma_start3A_590 = tpu.memref_slice %arg4[%mul3A_580] : memref<320000xi32, #tpu.memory_space<hbm>> -> memref<128xi32, #tpu.memory_space<hbm>>
          tpu.enqueue_dma source(%dma_start3A_590 : memref<128xi32, #tpu.memory_space<hbm>>) target(%dma_start3A_589 : memref<128xi32, #tpu.memory_space<vmem>>) target_semaphore(%dma_start3A_586 : memref<!tpu.dma_semaphore, #tpu.memory_space<semaphore_mem>>)
          %dma_start3A_591 = arith.constant 1 : i32
          %dma_start3A_592 = arith.constant 0 : i32
          %dma_start3A_593 = tpu.memref_slice %arg9[%rem3A_120, %dma_start3A_591, %dma_start3A_592] : memref<4x4x128xi32, #tpu.memory_space<vmem>> -> memref<1x1x128xi32, #tpu.memory_space<vmem>>
          %dma_start3A_594 = tpu.memref_squeeze %dma_start3A_593 : memref<1x1x128xi32, #tpu.memory_space<vmem>> -> memref<128xi32, #tpu.memory_space<vmem>>
          %dma_start3A_595 = tpu.memref_slice %arg5[%mul3A_580] : memref<320000xi32, #tpu.memory_space<hbm>> -> memref<128xi32, #tpu.memory_space<hbm>>
          %dma_start3A_596 = tpu.memref_slice %arg16[%rem3A_120] : memref<4x!tpu.dma_semaphore, #tpu.memory_space<semaphore_mem>> -> memref<1x!tpu.dma_semaphore, #tpu.memory_space<semaphore_mem>>
          %dma_start3A_597 = tpu.memref_squeeze %dma_start3A_596 : memref<1x!tpu.dma_semaphore, #tpu.memory_space<semaphore_mem>> -> memref<!tpu.dma_semaphore, #tpu.memory_space<semaphore_mem>>
          %dma_start3A_598 = arith.constant 0 : i32
          %dma_start3A_599 = tpu.memref_slice %arg9[%rem3A_120, %dma_start3A_591, %dma_start3A_598] : memref<4x4x128xi32, #tpu.memory_space<vmem>> -> memref<1x1x128xi32, #tpu.memory_space<vmem>>
          %dma_start3A_600 = tpu.memref_squeeze %dma_start3A_599 : memref<1x1x128xi32, #tpu.memory_space<vmem>> -> memref<128xi32, #tpu.memory_space<vmem>>
          %dma_start3A_601 = tpu.memref_slice %arg5[%mul3A_580] : memref<320000xi32, #tpu.memory_space<hbm>> -> memref<128xi32, #tpu.memory_space<hbm>>
          tpu.enqueue_dma source(%dma_start3A_601 : memref<128xi32, #tpu.memory_space<hbm>>) target(%dma_start3A_600 : memref<128xi32, #tpu.memory_space<vmem>>) target_semaphore(%dma_start3A_597 : memref<!tpu.dma_semaphore, #tpu.memory_space<semaphore_mem>>)
        } else {
        }
        %mul3A_152 = arith.constant 16 : i32
        %mul3A_153 = arith.muli %add3A_127, %mul3A_152 : i32
        %add3A_154 = arith.addi %mul3A_153, %arg1 : i32
        %mul3A_155 = arith.constant 4 : i32
        %mul3A_156 = arith.muli %add3A_154, %mul3A_155 : i32
        %add3A_157 = arith.constant 2 : i32
        %add3A_158 = arith.addi %mul3A_156, %add3A_157 : i32
        %lt3A_159 = arith.constant 1250 : i32
        %lt3A_160 = arith.cmpi slt, %add3A_158, %lt3A_159 : i32
        %convert_element_type3A_161 = arith.extui %lt3A_160 : i1 to i32
        %cond3A_162 = arith.constant 0 : i32
        %cond3A_163 = arith.cmpi ne, %convert_element_type3A_161, %cond3A_162 : i32
        scf.if %cond3A_163 {
          %mul3A_569 = arith.constant 1250 : i32
          %mul3A_570 = arith.muli %arg0, %mul3A_569 : i32
          %mul3A_571 = arith.constant 16 : i32
          %mul3A_572 = arith.muli %add3A_127, %mul3A_571 : i32
          %add3A_573 = arith.addi %mul3A_572, %arg1 : i32
          %mul3A_574 = arith.constant 4 : i32
          %mul3A_575 = arith.muli %add3A_573, %mul3A_574 : i32
          %add3A_576 = arith.constant 2 : i32
          %add3A_577 = arith.addi %mul3A_575, %add3A_576 : i32
          %add3A_578 = arith.addi %mul3A_570, %add3A_577 : i32
          %mul3A_579 = arith.constant 128 : i32
          %mul3A_580 = arith.muli %add3A_578, %mul3A_579 : i32
          %dma_start3A = arith.constant 2 : i32
          %dma_start3A_581 = arith.constant 0 : i32
          %dma_start3A_582 = tpu.memref_slice %arg8[%rem3A_120, %dma_start3A, %dma_start3A_581] : memref<4x4x128xi32, #tpu.memory_space<vmem>> -> memref<1x1x128xi32, #tpu.memory_space<vmem>>
          %dma_start3A_583 = tpu.memref_squeeze %dma_start3A_582 : memref<1x1x128xi32, #tpu.memory_space<vmem>> -> memref<128xi32, #tpu.memory_space<vmem>>
          %dma_start3A_584 = tpu.memref_slice %arg4[%mul3A_580] : memref<320000xi32, #tpu.memory_space<hbm>> -> memref<128xi32, #tpu.memory_space<hbm>>
          %dma_start3A_585 = tpu.memref_slice %arg15[%rem3A_120] : memref<4x!tpu.dma_semaphore, #tpu.memory_space<semaphore_mem>> -> memref<1x!tpu.dma_semaphore, #tpu.memory_space<semaphore_mem>>
          %dma_start3A_586 = tpu.memref_squeeze %dma_start3A_585 : memref<1x!tpu.dma_semaphore, #tpu.memory_space<semaphore_mem>> -> memref<!tpu.dma_semaphore, #tpu.memory_space<semaphore_mem>>
          %dma_start3A_587 = arith.constant 0 : i32
          %dma_start3A_588 = tpu.memref_slice %arg8[%rem3A_120, %dma_start3A, %dma_start3A_587] : memref<4x4x128xi32, #tpu.memory_space<vmem>> -> memref<1x1x128xi32, #tpu.memory_space<vmem>>
          %dma_start3A_589 = tpu.memref_squeeze %dma_start3A_588 : memref<1x1x128xi32, #tpu.memory_space<vmem>> -> memref<128xi32, #tpu.memory_space<vmem>>
          %dma_start3A_590 = tpu.memref_slice %arg4[%mul3A_580] : memref<320000xi32, #tpu.memory_space<hbm>> -> memref<128xi32, #tpu.memory_space<hbm>>
          tpu.enqueue_dma source(%dma_start3A_590 : memref<128xi32, #tpu.memory_space<hbm>>) target(%dma_start3A_589 : memref<128xi32, #tpu.memory_space<vmem>>) target_semaphore(%dma_start3A_586 : memref<!tpu.dma_semaphore, #tpu.memory_space<semaphore_mem>>)
          %dma_start3A_591 = arith.constant 2 : i32
          %dma_start3A_592 = arith.constant 0 : i32
          %dma_start3A_593 = tpu.memref_slice %arg9[%rem3A_120, %dma_start3A_591, %dma_start3A_592] : memref<4x4x128xi32, #tpu.memory_space<vmem>> -> memref<1x1x128xi32, #tpu.memory_space<vmem>>
          %dma_start3A_594 = tpu.memref_squeeze %dma_start3A_593 : memref<1x1x128xi32, #tpu.memory_space<vmem>> -> memref<128xi32, #tpu.memory_space<vmem>>
          %dma_start3A_595 = tpu.memref_slice %arg5[%mul3A_580] : memref<320000xi32, #tpu.memory_space<hbm>> -> memref<128xi32, #tpu.memory_space<hbm>>
          %dma_start3A_596 = tpu.memref_slice %arg16[%rem3A_120] : memref<4x!tpu.dma_semaphore, #tpu.memory_space<semaphore_mem>> -> memref<1x!tpu.dma_semaphore, #tpu.memory_space<semaphore_mem>>
          %dma_start3A_597 = tpu.memref_squeeze %dma_start3A_596 : memref<1x!tpu.dma_semaphore, #tpu.memory_space<semaphore_mem>> -> memref<!tpu.dma_semaphore, #tpu.memory_space<semaphore_mem>>
          %dma_start3A_598 = arith.constant 0 : i32
          %dma_start3A_599 = tpu.memref_slice %arg9[%rem3A_120, %dma_start3A_591, %dma_start3A_598] : memref<4x4x128xi32, #tpu.memory_space<vmem>> -> memref<1x1x128xi32, #tpu.memory_space<vmem>>
          %dma_start3A_600 = tpu.memref_squeeze %dma_start3A_599 : memref<1x1x128xi32, #tpu.memory_space<vmem>> -> memref<128xi32, #tpu.memory_space<vmem>>
          %dma_start3A_601 = tpu.memref_slice %arg5[%mul3A_580] : memref<320000xi32, #tpu.memory_space<hbm>> -> memref<128xi32, #tpu.memory_space<hbm>>
          tpu.enqueue_dma source(%dma_start3A_601 : memref<128xi32, #tpu.memory_space<hbm>>) target(%dma_start3A_600 : memref<128xi32, #tpu.memory_space<vmem>>) target_semaphore(%dma_start3A_597 : memref<!tpu.dma_semaphore, #tpu.memory_space<semaphore_mem>>)
        } else {
        }
        %mul3A_164 = arith.constant 16 : i32
        %mul3A_165 = arith.muli %add3A_127, %mul3A_164 : i32
        %add3A_166 = arith.addi %mul3A_165, %arg1 : i32
        %mul3A_167 = arith.constant 4 : i32
        %mul3A_168 = arith.muli %add3A_166, %mul3A_167 : i32
        %add3A_169 = arith.constant 3 : i32
        %add3A_170 = arith.addi %mul3A_168, %add3A_169 : i32
        %lt3A_171 = arith.constant 1250 : i32
        %lt3A_172 = arith.cmpi slt, %add3A_170, %lt3A_171 : i32
        %convert_element_type3A_173 = arith.extui %lt3A_172 : i1 to i32
        %cond3A_174 = arith.constant 0 : i32
        %cond3A_175 = arith.cmpi ne, %convert_element_type3A_173, %cond3A_174 : i32
        scf.if %cond3A_175 {
          %mul3A_569 = arith.constant 1250 : i32
          %mul3A_570 = arith.muli %arg0, %mul3A_569 : i32
          %mul3A_571 = arith.constant 16 : i32
          %mul3A_572 = arith.muli %add3A_127, %mul3A_571 : i32
          %add3A_573 = arith.addi %mul3A_572, %arg1 : i32
          %mul3A_574 = arith.constant 4 : i32
          %mul3A_575 = arith.muli %add3A_573, %mul3A_574 : i32
          %add3A_576 = arith.constant 3 : i32
          %add3A_577 = arith.addi %mul3A_575, %add3A_576 : i32
          %add3A_578 = arith.addi %mul3A_570, %add3A_577 : i32
          %mul3A_579 = arith.constant 128 : i32
          %mul3A_580 = arith.muli %add3A_578, %mul3A_579 : i32
          %dma_start3A = arith.constant 3 : i32
          %dma_start3A_581 = arith.constant 0 : i32
          %dma_start3A_582 = tpu.memref_slice %arg8[%rem3A_120, %dma_start3A, %dma_start3A_581] : memref<4x4x128xi32, #tpu.memory_space<vmem>> -> memref<1x1x128xi32, #tpu.memory_space<vmem>>
          %dma_start3A_583 = tpu.memref_squeeze %dma_start3A_582 : memref<1x1x128xi32, #tpu.memory_space<vmem>> -> memref<128xi32, #tpu.memory_space<vmem>>
          %dma_start3A_584 = tpu.memref_slice %arg4[%mul3A_580] : memref<320000xi32, #tpu.memory_space<hbm>> -> memref<128xi32, #tpu.memory_space<hbm>>
          %dma_start3A_585 = tpu.memref_slice %arg15[%rem3A_120] : memref<4x!tpu.dma_semaphore, #tpu.memory_space<semaphore_mem>> -> memref<1x!tpu.dma_semaphore, #tpu.memory_space<semaphore_mem>>
          %dma_start3A_586 = tpu.memref_squeeze %dma_start3A_585 : memref<1x!tpu.dma_semaphore, #tpu.memory_space<semaphore_mem>> -> memref<!tpu.dma_semaphore, #tpu.memory_space<semaphore_mem>>
          %dma_start3A_587 = arith.constant 0 : i32
          %dma_start3A_588 = tpu.memref_slice %arg8[%rem3A_120, %dma_start3A, %dma_start3A_587] : memref<4x4x128xi32, #tpu.memory_space<vmem>> -> memref<1x1x128xi32, #tpu.memory_space<vmem>>
          %dma_start3A_589 = tpu.memref_squeeze %dma_start3A_588 : memref<1x1x128xi32, #tpu.memory_space<vmem>> -> memref<128xi32, #tpu.memory_space<vmem>>
          %dma_start3A_590 = tpu.memref_slice %arg4[%mul3A_580] : memref<320000xi32, #tpu.memory_space<hbm>> -> memref<128xi32, #tpu.memory_space<hbm>>
          tpu.enqueue_dma source(%dma_start3A_590 : memref<128xi32, #tpu.memory_space<hbm>>) target(%dma_start3A_589 : memref<128xi32, #tpu.memory_space<vmem>>) target_semaphore(%dma_start3A_586 : memref<!tpu.dma_semaphore, #tpu.memory_space<semaphore_mem>>)
          %dma_start3A_591 = arith.constant 3 : i32
          %dma_start3A_592 = arith.constant 0 : i32
          %dma_start3A_593 = tpu.memref_slice %arg9[%rem3A_120, %dma_start3A_591, %dma_start3A_592] : memref<4x4x128xi32, #tpu.memory_space<vmem>> -> memref<1x1x128xi32, #tpu.memory_space<vmem>>
          %dma_start3A_594 = tpu.memref_squeeze %dma_start3A_593 : memref<1x1x128xi32, #tpu.memory_space<vmem>> -> memref<128xi32, #tpu.memory_space<vmem>>
          %dma_start3A_595 = tpu.memref_slice %arg5[%mul3A_580] : memref<320000xi32, #tpu.memory_space<hbm>> -> memref<128xi32, #tpu.memory_space<hbm>>
          %dma_start3A_596 = tpu.memref_slice %arg16[%rem3A_120] : memref<4x!tpu.dma_semaphore, #tpu.memory_space<semaphore_mem>> -> memref<1x!tpu.dma_semaphore, #tpu.memory_space<semaphore_mem>>
          %dma_start3A_597 = tpu.memref_squeeze %dma_start3A_596 : memref<1x!tpu.dma_semaphore, #tpu.memory_space<semaphore_mem>> -> memref<!tpu.dma_semaphore, #tpu.memory_space<semaphore_mem>>
          %dma_start3A_598 = arith.constant 0 : i32
          %dma_start3A_599 = tpu.memref_slice %arg9[%rem3A_120, %dma_start3A_591, %dma_start3A_598] : memref<4x4x128xi32, #tpu.memory_space<vmem>> -> memref<1x1x128xi32, #tpu.memory_space<vmem>>
          %dma_start3A_600 = tpu.memref_squeeze %dma_start3A_599 : memref<1x1x128xi32, #tpu.memory_space<vmem>> -> memref<128xi32, #tpu.memory_space<vmem>>
          %dma_start3A_601 = tpu.memref_slice %arg5[%mul3A_580] : memref<320000xi32, #tpu.memory_space<hbm>> -> memref<128xi32, #tpu.memory_space<hbm>>
          tpu.enqueue_dma source(%dma_start3A_601 : memref<128xi32, #tpu.memory_space<hbm>>) target(%dma_start3A_600 : memref<128xi32, #tpu.memory_space<vmem>>) target_semaphore(%dma_start3A_597 : memref<!tpu.dma_semaphore, #tpu.memory_space<semaphore_mem>>)
        } else {
        }
        %add3A_176 = arith.constant 1 : i32
        %add3A_177 = arith.addi %add3A_92, %add3A_176 : i32
        %mul3A_178 = arith.constant 16 : i32
        %mul3A_179 = arith.muli %add3A_177, %mul3A_178 : i32
        %add3A_180 = arith.addi %mul3A_179, %arg1 : i32
        %mul3A_181 = arith.constant 4 : i32
        %mul3A_182 = arith.muli %add3A_180, %mul3A_181 : i32
        %add3A_183 = arith.constant 0 : i32
        %add3A_184 = arith.addi %mul3A_182, %add3A_183 : i32
        %lt3A_185 = arith.constant 1250 : i32
        %lt3A_186 = arith.cmpi slt, %add3A_184, %lt3A_185 : i32
        %convert_element_type3A_187 = arith.extui %lt3A_186 : i1 to i32
        %cond3A_188 = arith.constant 0 : i32
        %cond3A_189 = arith.cmpi ne, %convert_element_type3A_187, %cond3A_188 : i32
        scf.if %cond3A_189 {
          %dma_wait3A = arith.constant 0 : i32
          %dma_wait3A_569 = arith.constant 0 : i32
          %dma_wait3A_570 = tpu.memref_slice %arg8[%rem3A_116, %dma_wait3A, %dma_wait3A_569] : memref<4x4x128xi32, #tpu.memory_space<vmem>> -> memref<1x1x128xi32, #tpu.memory_space<vmem>>
          %dma_wait3A_571 = tpu.memref_squeeze %dma_wait3A_570 : memref<1x1x128xi32, #tpu.memory_space<vmem>> -> memref<128xi32, #tpu.memory_space<vmem>>
          %dma_wait3A_572 = arith.constant 0 : i32
          %dma_wait3A_573 = tpu.memref_slice %arg4[%dma_wait3A_572] : memref<320000xi32, #tpu.memory_space<hbm>> -> memref<128xi32, #tpu.memory_space<hbm>>
          %dma_wait3A_574 = tpu.memref_slice %arg15[%rem3A_116] : memref<4x!tpu.dma_semaphore, #tpu.memory_space<semaphore_mem>> -> memref<1x!tpu.dma_semaphore, #tpu.memory_space<semaphore_mem>>
          %dma_wait3A_575 = tpu.memref_squeeze %dma_wait3A_574 : memref<1x!tpu.dma_semaphore, #tpu.memory_space<semaphore_mem>> -> memref<!tpu.dma_semaphore, #tpu.memory_space<semaphore_mem>>
          %dma_wait3A_576 = arith.constant 0 : i32
          %dma_wait3A_577 = tpu.memref_slice %arg8[%rem3A_116, %dma_wait3A, %dma_wait3A_576] : memref<4x4x128xi32, #tpu.memory_space<vmem>> -> memref<1x1x128xi32, #tpu.memory_space<vmem>>
          %dma_wait3A_578 = tpu.memref_squeeze %dma_wait3A_577 : memref<1x1x128xi32, #tpu.memory_space<vmem>> -> memref<128xi32, #tpu.memory_space<vmem>>
          %dma_wait3A_579 = arith.constant 0 : i32
          %dma_wait3A_580 = tpu.memref_slice %arg4[%dma_wait3A_579] : memref<320000xi32, #tpu.memory_space<hbm>> -> memref<128xi32, #tpu.memory_space<hbm>>
          tpu.wait_dma2 semaphore(%dma_wait3A_575 : memref<!tpu.dma_semaphore, #tpu.memory_space<semaphore_mem>>) src(%dma_wait3A_580 : memref<128xi32, #tpu.memory_space<hbm>>) dst(%dma_wait3A_578 : memref<128xi32, #tpu.memory_space<vmem>>)
          %dma_wait3A_581 = arith.constant 0 : i32
          %dma_wait3A_582 = arith.constant 0 : i32
          %dma_wait3A_583 = tpu.memref_slice %arg9[%rem3A_116, %dma_wait3A_581, %dma_wait3A_582] : memref<4x4x128xi32, #tpu.memory_space<vmem>> -> memref<1x1x128xi32, #tpu.memory_space<vmem>>
          %dma_wait3A_584 = tpu.memref_squeeze %dma_wait3A_583 : memref<1x1x128xi32, #tpu.memory_space<vmem>> -> memref<128xi32, #tpu.memory_space<vmem>>
          %dma_wait3A_585 = arith.constant 0 : i32
          %dma_wait3A_586 = tpu.memref_slice %arg5[%dma_wait3A_585] : memref<320000xi32, #tpu.memory_space<hbm>> -> memref<128xi32, #tpu.memory_space<hbm>>
          %dma_wait3A_587 = tpu.memref_slice %arg16[%rem3A_116] : memref<4x!tpu.dma_semaphore, #tpu.memory_space<semaphore_mem>> -> memref<1x!tpu.dma_semaphore, #tpu.memory_space<semaphore_mem>>
          %dma_wait3A_588 = tpu.memref_squeeze %dma_wait3A_587 : memref<1x!tpu.dma_semaphore, #tpu.memory_space<semaphore_mem>> -> memref<!tpu.dma_semaphore, #tpu.memory_space<semaphore_mem>>
          %dma_wait3A_589 = arith.constant 0 : i32
          %dma_wait3A_590 = tpu.memref_slice %arg9[%rem3A_116, %dma_wait3A_581, %dma_wait3A_589] : memref<4x4x128xi32, #tpu.memory_space<vmem>> -> memref<1x1x128xi32, #tpu.memory_space<vmem>>
          %dma_wait3A_591 = tpu.memref_squeeze %dma_wait3A_590 : memref<1x1x128xi32, #tpu.memory_space<vmem>> -> memref<128xi32, #tpu.memory_space<vmem>>
          %dma_wait3A_592 = arith.constant 0 : i32
          %dma_wait3A_593 = tpu.memref_slice %arg5[%dma_wait3A_592] : memref<320000xi32, #tpu.memory_space<hbm>> -> memref<128xi32, #tpu.memory_space<hbm>>
          tpu.wait_dma2 semaphore(%dma_wait3A_588 : memref<!tpu.dma_semaphore, #tpu.memory_space<semaphore_mem>>) src(%dma_wait3A_593 : memref<128xi32, #tpu.memory_space<hbm>>) dst(%dma_wait3A_591 : memref<128xi32, #tpu.memory_space<vmem>>)
        } else {
        }
        %mul3A_190 = arith.constant 16 : i32
        %mul3A_191 = arith.muli %add3A_177, %mul3A_190 : i32
        %add3A_192 = arith.addi %mul3A_191, %arg1 : i32
        %mul3A_193 = arith.constant 4 : i32
        %mul3A_194 = arith.muli %add3A_192, %mul3A_193 : i32
        %add3A_195 = arith.constant 1 : i32
        %add3A_196 = arith.addi %mul3A_194, %add3A_195 : i32
        %lt3A_197 = arith.constant 1250 : i32
        %lt3A_198 = arith.cmpi slt, %add3A_196, %lt3A_197 : i32
        %convert_element_type3A_199 = arith.extui %lt3A_198 : i1 to i32
        %cond3A_200 = arith.constant 0 : i32
        %cond3A_201 = arith.cmpi ne, %convert_element_type3A_199, %cond3A_200 : i32
        scf.if %cond3A_201 {
          %dma_wait3A = arith.constant 1 : i32
          %dma_wait3A_569 = arith.constant 0 : i32
          %dma_wait3A_570 = tpu.memref_slice %arg8[%rem3A_116, %dma_wait3A, %dma_wait3A_569] : memref<4x4x128xi32, #tpu.memory_space<vmem>> -> memref<1x1x128xi32, #tpu.memory_space<vmem>>
          %dma_wait3A_571 = tpu.memref_squeeze %dma_wait3A_570 : memref<1x1x128xi32, #tpu.memory_space<vmem>> -> memref<128xi32, #tpu.memory_space<vmem>>
          %dma_wait3A_572 = arith.constant 0 : i32
          %dma_wait3A_573 = tpu.memref_slice %arg4[%dma_wait3A_572] : memref<320000xi32, #tpu.memory_space<hbm>> -> memref<128xi32, #tpu.memory_space<hbm>>
          %dma_wait3A_574 = tpu.memref_slice %arg15[%rem3A_116] : memref<4x!tpu.dma_semaphore, #tpu.memory_space<semaphore_mem>> -> memref<1x!tpu.dma_semaphore, #tpu.memory_space<semaphore_mem>>
          %dma_wait3A_575 = tpu.memref_squeeze %dma_wait3A_574 : memref<1x!tpu.dma_semaphore, #tpu.memory_space<semaphore_mem>> -> memref<!tpu.dma_semaphore, #tpu.memory_space<semaphore_mem>>
          %dma_wait3A_576 = arith.constant 0 : i32
          %dma_wait3A_577 = tpu.memref_slice %arg8[%rem3A_116, %dma_wait3A, %dma_wait3A_576] : memref<4x4x128xi32, #tpu.memory_space<vmem>> -> memref<1x1x128xi32, #tpu.memory_space<vmem>>
          %dma_wait3A_578 = tpu.memref_squeeze %dma_wait3A_577 : memref<1x1x128xi32, #tpu.memory_space<vmem>> -> memref<128xi32, #tpu.memory_space<vmem>>
          %dma_wait3A_579 = arith.constant 0 : i32
          %dma_wait3A_580 = tpu.memref_slice %arg4[%dma_wait3A_579] : memref<320000xi32, #tpu.memory_space<hbm>> -> memref<128xi32, #tpu.memory_space<hbm>>
          tpu.wait_dma2 semaphore(%dma_wait3A_575 : memref<!tpu.dma_semaphore, #tpu.memory_space<semaphore_mem>>) src(%dma_wait3A_580 : memref<128xi32, #tpu.memory_space<hbm>>) dst(%dma_wait3A_578 : memref<128xi32, #tpu.memory_space<vmem>>)
          %dma_wait3A_581 = arith.constant 1 : i32
          %dma_wait3A_582 = arith.constant 0 : i32
          %dma_wait3A_583 = tpu.memref_slice %arg9[%rem3A_116, %dma_wait3A_581, %dma_wait3A_582] : memref<4x4x128xi32, #tpu.memory_space<vmem>> -> memref<1x1x128xi32, #tpu.memory_space<vmem>>
          %dma_wait3A_584 = tpu.memref_squeeze %dma_wait3A_583 : memref<1x1x128xi32, #tpu.memory_space<vmem>> -> memref<128xi32, #tpu.memory_space<vmem>>
          %dma_wait3A_585 = arith.constant 0 : i32
          %dma_wait3A_586 = tpu.memref_slice %arg5[%dma_wait3A_585] : memref<320000xi32, #tpu.memory_space<hbm>> -> memref<128xi32, #tpu.memory_space<hbm>>
          %dma_wait3A_587 = tpu.memref_slice %arg16[%rem3A_116] : memref<4x!tpu.dma_semaphore, #tpu.memory_space<semaphore_mem>> -> memref<1x!tpu.dma_semaphore, #tpu.memory_space<semaphore_mem>>
          %dma_wait3A_588 = tpu.memref_squeeze %dma_wait3A_587 : memref<1x!tpu.dma_semaphore, #tpu.memory_space<semaphore_mem>> -> memref<!tpu.dma_semaphore, #tpu.memory_space<semaphore_mem>>
          %dma_wait3A_589 = arith.constant 0 : i32
          %dma_wait3A_590 = tpu.memref_slice %arg9[%rem3A_116, %dma_wait3A_581, %dma_wait3A_589] : memref<4x4x128xi32, #tpu.memory_space<vmem>> -> memref<1x1x128xi32, #tpu.memory_space<vmem>>
          %dma_wait3A_591 = tpu.memref_squeeze %dma_wait3A_590 : memref<1x1x128xi32, #tpu.memory_space<vmem>> -> memref<128xi32, #tpu.memory_space<vmem>>
          %dma_wait3A_592 = arith.constant 0 : i32
          %dma_wait3A_593 = tpu.memref_slice %arg5[%dma_wait3A_592] : memref<320000xi32, #tpu.memory_space<hbm>> -> memref<128xi32, #tpu.memory_space<hbm>>
          tpu.wait_dma2 semaphore(%dma_wait3A_588 : memref<!tpu.dma_semaphore, #tpu.memory_space<semaphore_mem>>) src(%dma_wait3A_593 : memref<128xi32, #tpu.memory_space<hbm>>) dst(%dma_wait3A_591 : memref<128xi32, #tpu.memory_space<vmem>>)
        } else {
        }
        %mul3A_202 = arith.constant 16 : i32
        %mul3A_203 = arith.muli %add3A_177, %mul3A_202 : i32
        %add3A_204 = arith.addi %mul3A_203, %arg1 : i32
        %mul3A_205 = arith.constant 4 : i32
        %mul3A_206 = arith.muli %add3A_204, %mul3A_205 : i32
        %add3A_207 = arith.constant 2 : i32
        %add3A_208 = arith.addi %mul3A_206, %add3A_207 : i32
        %lt3A_209 = arith.constant 1250 : i32
        %lt3A_210 = arith.cmpi slt, %add3A_208, %lt3A_209 : i32
        %convert_element_type3A_211 = arith.extui %lt3A_210 : i1 to i32
        %cond3A_212 = arith.constant 0 : i32
        %cond3A_213 = arith.cmpi ne, %convert_element_type3A_211, %cond3A_212 : i32
        scf.if %cond3A_213 {
          %dma_wait3A = arith.constant 2 : i32
          %dma_wait3A_569 = arith.constant 0 : i32
          %dma_wait3A_570 = tpu.memref_slice %arg8[%rem3A_116, %dma_wait3A, %dma_wait3A_569] : memref<4x4x128xi32, #tpu.memory_space<vmem>> -> memref<1x1x128xi32, #tpu.memory_space<vmem>>
          %dma_wait3A_571 = tpu.memref_squeeze %dma_wait3A_570 : memref<1x1x128xi32, #tpu.memory_space<vmem>> -> memref<128xi32, #tpu.memory_space<vmem>>
          %dma_wait3A_572 = arith.constant 0 : i32
          %dma_wait3A_573 = tpu.memref_slice %arg4[%dma_wait3A_572] : memref<320000xi32, #tpu.memory_space<hbm>> -> memref<128xi32, #tpu.memory_space<hbm>>
          %dma_wait3A_574 = tpu.memref_slice %arg15[%rem3A_116] : memref<4x!tpu.dma_semaphore, #tpu.memory_space<semaphore_mem>> -> memref<1x!tpu.dma_semaphore, #tpu.memory_space<semaphore_mem>>
          %dma_wait3A_575 = tpu.memref_squeeze %dma_wait3A_574 : memref<1x!tpu.dma_semaphore, #tpu.memory_space<semaphore_mem>> -> memref<!tpu.dma_semaphore, #tpu.memory_space<semaphore_mem>>
          %dma_wait3A_576 = arith.constant 0 : i32
          %dma_wait3A_577 = tpu.memref_slice %arg8[%rem3A_116, %dma_wait3A, %dma_wait3A_576] : memref<4x4x128xi32, #tpu.memory_space<vmem>> -> memref<1x1x128xi32, #tpu.memory_space<vmem>>
          %dma_wait3A_578 = tpu.memref_squeeze %dma_wait3A_577 : memref<1x1x128xi32, #tpu.memory_space<vmem>> -> memref<128xi32, #tpu.memory_space<vmem>>
          %dma_wait3A_579 = arith.constant 0 : i32
          %dma_wait3A_580 = tpu.memref_slice %arg4[%dma_wait3A_579] : memref<320000xi32, #tpu.memory_space<hbm>> -> memref<128xi32, #tpu.memory_space<hbm>>
          tpu.wait_dma2 semaphore(%dma_wait3A_575 : memref<!tpu.dma_semaphore, #tpu.memory_space<semaphore_mem>>) src(%dma_wait3A_580 : memref<128xi32, #tpu.memory_space<hbm>>) dst(%dma_wait3A_578 : memref<128xi32, #tpu.memory_space<vmem>>)
          %dma_wait3A_581 = arith.constant 2 : i32
          %dma_wait3A_582 = arith.constant 0 : i32
          %dma_wait3A_583 = tpu.memref_slice %arg9[%rem3A_116, %dma_wait3A_581, %dma_wait3A_582] : memref<4x4x128xi32, #tpu.memory_space<vmem>> -> memref<1x1x128xi32, #tpu.memory_space<vmem>>
          %dma_wait3A_584 = tpu.memref_squeeze %dma_wait3A_583 : memref<1x1x128xi32, #tpu.memory_space<vmem>> -> memref<128xi32, #tpu.memory_space<vmem>>
          %dma_wait3A_585 = arith.constant 0 : i32
          %dma_wait3A_586 = tpu.memref_slice %arg5[%dma_wait3A_585] : memref<320000xi32, #tpu.memory_space<hbm>> -> memref<128xi32, #tpu.memory_space<hbm>>
          %dma_wait3A_587 = tpu.memref_slice %arg16[%rem3A_116] : memref<4x!tpu.dma_semaphore, #tpu.memory_space<semaphore_mem>> -> memref<1x!tpu.dma_semaphore, #tpu.memory_space<semaphore_mem>>
          %dma_wait3A_588 = tpu.memref_squeeze %dma_wait3A_587 : memref<1x!tpu.dma_semaphore, #tpu.memory_space<semaphore_mem>> -> memref<!tpu.dma_semaphore, #tpu.memory_space<semaphore_mem>>
          %dma_wait3A_589 = arith.constant 0 : i32
          %dma_wait3A_590 = tpu.memref_slice %arg9[%rem3A_116, %dma_wait3A_581, %dma_wait3A_589] : memref<4x4x128xi32, #tpu.memory_space<vmem>> -> memref<1x1x128xi32, #tpu.memory_space<vmem>>
          %dma_wait3A_591 = tpu.memref_squeeze %dma_wait3A_590 : memref<1x1x128xi32, #tpu.memory_space<vmem>> -> memref<128xi32, #tpu.memory_space<vmem>>
          %dma_wait3A_592 = arith.constant 0 : i32
          %dma_wait3A_593 = tpu.memref_slice %arg5[%dma_wait3A_592] : memref<320000xi32, #tpu.memory_space<hbm>> -> memref<128xi32, #tpu.memory_space<hbm>>
          tpu.wait_dma2 semaphore(%dma_wait3A_588 : memref<!tpu.dma_semaphore, #tpu.memory_space<semaphore_mem>>) src(%dma_wait3A_593 : memref<128xi32, #tpu.memory_space<hbm>>) dst(%dma_wait3A_591 : memref<128xi32, #tpu.memory_space<vmem>>)
        } else {
        }
        %mul3A_214 = arith.constant 16 : i32
        %mul3A_215 = arith.muli %add3A_177, %mul3A_214 : i32
        %add3A_216 = arith.addi %mul3A_215, %arg1 : i32
        %mul3A_217 = arith.constant 4 : i32
        %mul3A_218 = arith.muli %add3A_216, %mul3A_217 : i32
        %add3A_219 = arith.constant 3 : i32
        %add3A_220 = arith.addi %mul3A_218, %add3A_219 : i32
        %lt3A_221 = arith.constant 1250 : i32
        %lt3A_222 = arith.cmpi slt, %add3A_220, %lt3A_221 : i32
        %convert_element_type3A_223 = arith.extui %lt3A_222 : i1 to i32
        %cond3A_224 = arith.constant 0 : i32
        %cond3A_225 = arith.cmpi ne, %convert_element_type3A_223, %cond3A_224 : i32
        scf.if %cond3A_225 {
          %dma_wait3A = arith.constant 3 : i32
          %dma_wait3A_569 = arith.constant 0 : i32
          %dma_wait3A_570 = tpu.memref_slice %arg8[%rem3A_116, %dma_wait3A, %dma_wait3A_569] : memref<4x4x128xi32, #tpu.memory_space<vmem>> -> memref<1x1x128xi32, #tpu.memory_space<vmem>>
          %dma_wait3A_571 = tpu.memref_squeeze %dma_wait3A_570 : memref<1x1x128xi32, #tpu.memory_space<vmem>> -> memref<128xi32, #tpu.memory_space<vmem>>
          %dma_wait3A_572 = arith.constant 0 : i32
          %dma_wait3A_573 = tpu.memref_slice %arg4[%dma_wait3A_572] : memref<320000xi32, #tpu.memory_space<hbm>> -> memref<128xi32, #tpu.memory_space<hbm>>
          %dma_wait3A_574 = tpu.memref_slice %arg15[%rem3A_116] : memref<4x!tpu.dma_semaphore, #tpu.memory_space<semaphore_mem>> -> memref<1x!tpu.dma_semaphore, #tpu.memory_space<semaphore_mem>>
          %dma_wait3A_575 = tpu.memref_squeeze %dma_wait3A_574 : memref<1x!tpu.dma_semaphore, #tpu.memory_space<semaphore_mem>> -> memref<!tpu.dma_semaphore, #tpu.memory_space<semaphore_mem>>
          %dma_wait3A_576 = arith.constant 0 : i32
          %dma_wait3A_577 = tpu.memref_slice %arg8[%rem3A_116, %dma_wait3A, %dma_wait3A_576] : memref<4x4x128xi32, #tpu.memory_space<vmem>> -> memref<1x1x128xi32, #tpu.memory_space<vmem>>
          %dma_wait3A_578 = tpu.memref_squeeze %dma_wait3A_577 : memref<1x1x128xi32, #tpu.memory_space<vmem>> -> memref<128xi32, #tpu.memory_space<vmem>>
          %dma_wait3A_579 = arith.constant 0 : i32
          %dma_wait3A_580 = tpu.memref_slice %arg4[%dma_wait3A_579] : memref<320000xi32, #tpu.memory_space<hbm>> -> memref<128xi32, #tpu.memory_space<hbm>>
          tpu.wait_dma2 semaphore(%dma_wait3A_575 : memref<!tpu.dma_semaphore, #tpu.memory_space<semaphore_mem>>) src(%dma_wait3A_580 : memref<128xi32, #tpu.memory_space<hbm>>) dst(%dma_wait3A_578 : memref<128xi32, #tpu.memory_space<vmem>>)
          %dma_wait3A_581 = arith.constant 3 : i32
          %dma_wait3A_582 = arith.constant 0 : i32
          %dma_wait3A_583 = tpu.memref_slice %arg9[%rem3A_116, %dma_wait3A_581, %dma_wait3A_582] : memref<4x4x128xi32, #tpu.memory_space<vmem>> -> memref<1x1x128xi32, #tpu.memory_space<vmem>>
          %dma_wait3A_584 = tpu.memref_squeeze %dma_wait3A_583 : memref<1x1x128xi32, #tpu.memory_space<vmem>> -> memref<128xi32, #tpu.memory_space<vmem>>
          %dma_wait3A_585 = arith.constant 0 : i32
          %dma_wait3A_586 = tpu.memref_slice %arg5[%dma_wait3A_585] : memref<320000xi32, #tpu.memory_space<hbm>> -> memref<128xi32, #tpu.memory_space<hbm>>
          %dma_wait3A_587 = tpu.memref_slice %arg16[%rem3A_116] : memref<4x!tpu.dma_semaphore, #tpu.memory_space<semaphore_mem>> -> memref<1x!tpu.dma_semaphore, #tpu.memory_space<semaphore_mem>>
          %dma_wait3A_588 = tpu.memref_squeeze %dma_wait3A_587 : memref<1x!tpu.dma_semaphore, #tpu.memory_space<semaphore_mem>> -> memref<!tpu.dma_semaphore, #tpu.memory_space<semaphore_mem>>
          %dma_wait3A_589 = arith.constant 0 : i32
          %dma_wait3A_590 = tpu.memref_slice %arg9[%rem3A_116, %dma_wait3A_581, %dma_wait3A_589] : memref<4x4x128xi32, #tpu.memory_space<vmem>> -> memref<1x1x128xi32, #tpu.memory_space<vmem>>
          %dma_wait3A_591 = tpu.memref_squeeze %dma_wait3A_590 : memref<1x1x128xi32, #tpu.memory_space<vmem>> -> memref<128xi32, #tpu.memory_space<vmem>>
          %dma_wait3A_592 = arith.constant 0 : i32
          %dma_wait3A_593 = tpu.memref_slice %arg5[%dma_wait3A_592] : memref<320000xi32, #tpu.memory_space<hbm>> -> memref<128xi32, #tpu.memory_space<hbm>>
          tpu.wait_dma2 semaphore(%dma_wait3A_588 : memref<!tpu.dma_semaphore, #tpu.memory_space<semaphore_mem>>) src(%dma_wait3A_593 : memref<128xi32, #tpu.memory_space<hbm>>) dst(%dma_wait3A_591 : memref<128xi32, #tpu.memory_space<vmem>>)
        } else {
        }
        %add3A_226 = arith.constant 1 : i32
        %add3A_227 = arith.addi %add3A_92, %add3A_226 : i32
        %mul3A_228 = arith.constant 16 : i32
        %mul3A_229 = arith.muli %add3A_227, %mul3A_228 : i32
        %add3A_230 = arith.addi %mul3A_229, %arg1 : i32
        %mul3A_231 = arith.constant 4 : i32
        %mul3A_232 = arith.muli %add3A_230, %mul3A_231 : i32
        %add3A_233 = arith.constant 0 : i32
        %add3A_234 = arith.addi %mul3A_232, %add3A_233 : i32
        %lt3A_235 = arith.constant 1250 : i32
        %lt3A_236 = arith.cmpi slt, %add3A_234, %lt3A_235 : i32
        %convert_element_type3A_237 = arith.extui %lt3A_236 : i1 to i32
        %cond3A_238 = arith.constant 0 : i32
        %cond3A_239 = arith.cmpi ne, %convert_element_type3A_237, %cond3A_238 : i32
        scf.if %cond3A_239 {
          %dma_start3A = arith.constant 0 : i32
          %dma_start3A_569 = arith.constant 0 : i32
          %dma_start3A_570 = arith.constant 0 : i32
          %dma_start3A_571 = arith.constant 0 : i32
          %dma_start3A_572 = tpu.memref_slice %arg10[%rem3A_110, %dma_start3A_569, %dma_start3A_570, %dma_start3A_571] : memref<2x4x128x48xf32, #tpu.memory_space<vmem>> -> memref<1x1x128x48xf32, #tpu.memory_space<vmem>>
          %dma_start3A_573 = tpu.memref_squeeze %dma_start3A_572 : memref<1x1x128x48xf32, #tpu.memory_space<vmem>> -> memref<128x48xf32, #tpu.memory_space<vmem>>
          %dma_start3A_574 = arith.constant 0 : i32
          %dma_start3A_575 = tpu.memref_slice %arg8[%rem3A_116, %dma_start3A, %dma_start3A_574] : memref<4x4x128xi32, #tpu.memory_space<vmem>> -> memref<1x1x128xi32, #tpu.memory_space<vmem>>
          %dma_start3A_576 = tpu.memref_squeeze %dma_start3A_575 : memref<1x1x128xi32, #tpu.memory_space<vmem>> -> memref<128xi32, #tpu.memory_space<vmem>>
          %dma_start3A_577 = arith.constant 0 : i32
          %dma_start3A_578 = arith.constant 0 : i32
          %dma_start3A_579 = tpu.memref_slice %arg2[%dma_start3A_577, %dma_start3A_578] : memref<10000x48xf32, #tpu.memory_space<hbm>> -> memref<10000x48xf32, #tpu.memory_space<hbm>>
          %dma_start3A_580 = tpu.memref_slice %arg17[%rem3A_110] : memref<2x!tpu.dma_semaphore, #tpu.memory_space<semaphore_mem>> -> memref<1x!tpu.dma_semaphore, #tpu.memory_space<semaphore_mem>>
          %dma_start3A_581 = tpu.memref_squeeze %dma_start3A_580 : memref<1x!tpu.dma_semaphore, #tpu.memory_space<semaphore_mem>> -> memref<!tpu.dma_semaphore, #tpu.memory_space<semaphore_mem>>
          tpu.enqueue_indirect_dma source(%dma_start3A_579 : memref<10000x48xf32, #tpu.memory_space<hbm>>) target(%dma_start3A_573 : memref<128x48xf32, #tpu.memory_space<vmem>>) offsets(%dma_start3A_576 : memref<128xi32, #tpu.memory_space<vmem>>) semaphore(%dma_start3A_581 : memref<!tpu.dma_semaphore, #tpu.memory_space<semaphore_mem>>)
        } else {
        }
        %mul3A_240 = arith.constant 16 : i32
        %mul3A_241 = arith.muli %add3A_227, %mul3A_240 : i32
        %add3A_242 = arith.addi %mul3A_241, %arg1 : i32
        %mul3A_243 = arith.constant 4 : i32
        %mul3A_244 = arith.muli %add3A_242, %mul3A_243 : i32
        %add3A_245 = arith.constant 1 : i32
        %add3A_246 = arith.addi %mul3A_244, %add3A_245 : i32
        %lt3A_247 = arith.constant 1250 : i32
        %lt3A_248 = arith.cmpi slt, %add3A_246, %lt3A_247 : i32
        %convert_element_type3A_249 = arith.extui %lt3A_248 : i1 to i32
        %cond3A_250 = arith.constant 0 : i32
        %cond3A_251 = arith.cmpi ne, %convert_element_type3A_249, %cond3A_250 : i32
        scf.if %cond3A_251 {
          %dma_start3A = arith.constant 1 : i32
          %dma_start3A_569 = arith.constant 1 : i32
          %dma_start3A_570 = arith.constant 0 : i32
          %dma_start3A_571 = arith.constant 0 : i32
          %dma_start3A_572 = tpu.memref_slice %arg10[%rem3A_110, %dma_start3A_569, %dma_start3A_570, %dma_start3A_571] : memref<2x4x128x48xf32, #tpu.memory_space<vmem>> -> memref<1x1x128x48xf32, #tpu.memory_space<vmem>>
          %dma_start3A_573 = tpu.memref_squeeze %dma_start3A_572 : memref<1x1x128x48xf32, #tpu.memory_space<vmem>> -> memref<128x48xf32, #tpu.memory_space<vmem>>
          %dma_start3A_574 = arith.constant 0 : i32
          %dma_start3A_575 = tpu.memref_slice %arg8[%rem3A_116, %dma_start3A, %dma_start3A_574] : memref<4x4x128xi32, #tpu.memory_space<vmem>> -> memref<1x1x128xi32, #tpu.memory_space<vmem>>
          %dma_start3A_576 = tpu.memref_squeeze %dma_start3A_575 : memref<1x1x128xi32, #tpu.memory_space<vmem>> -> memref<128xi32, #tpu.memory_space<vmem>>
          %dma_start3A_577 = arith.constant 0 : i32
          %dma_start3A_578 = arith.constant 0 : i32
          %dma_start3A_579 = tpu.memref_slice %arg2[%dma_start3A_577, %dma_start3A_578] : memref<10000x48xf32, #tpu.memory_space<hbm>> -> memref<10000x48xf32, #tpu.memory_space<hbm>>
          %dma_start3A_580 = tpu.memref_slice %arg17[%rem3A_110] : memref<2x!tpu.dma_semaphore, #tpu.memory_space<semaphore_mem>> -> memref<1x!tpu.dma_semaphore, #tpu.memory_space<semaphore_mem>>
          %dma_start3A_581 = tpu.memref_squeeze %dma_start3A_580 : memref<1x!tpu.dma_semaphore, #tpu.memory_space<semaphore_mem>> -> memref<!tpu.dma_semaphore, #tpu.memory_space<semaphore_mem>>
          tpu.enqueue_indirect_dma source(%dma_start3A_579 : memref<10000x48xf32, #tpu.memory_space<hbm>>) target(%dma_start3A_573 : memref<128x48xf32, #tpu.memory_space<vmem>>) offsets(%dma_start3A_576 : memref<128xi32, #tpu.memory_space<vmem>>) semaphore(%dma_start3A_581 : memref<!tpu.dma_semaphore, #tpu.memory_space<semaphore_mem>>)
        } else {
        }
        %mul3A_252 = arith.constant 16 : i32
        %mul3A_253 = arith.muli %add3A_227, %mul3A_252 : i32
        %add3A_254 = arith.addi %mul3A_253, %arg1 : i32
        %mul3A_255 = arith.constant 4 : i32
        %mul3A_256 = arith.muli %add3A_254, %mul3A_255 : i32
        %add3A_257 = arith.constant 2 : i32
        %add3A_258 = arith.addi %mul3A_256, %add3A_257 : i32
        %lt3A_259 = arith.constant 1250 : i32
        %lt3A_260 = arith.cmpi slt, %add3A_258, %lt3A_259 : i32
        %convert_element_type3A_261 = arith.extui %lt3A_260 : i1 to i32
        %cond3A_262 = arith.constant 0 : i32
        %cond3A_263 = arith.cmpi ne, %convert_element_type3A_261, %cond3A_262 : i32
        scf.if %cond3A_263 {
          %dma_start3A = arith.constant 2 : i32
          %dma_start3A_569 = arith.constant 2 : i32
          %dma_start3A_570 = arith.constant 0 : i32
          %dma_start3A_571 = arith.constant 0 : i32
          %dma_start3A_572 = tpu.memref_slice %arg10[%rem3A_110, %dma_start3A_569, %dma_start3A_570, %dma_start3A_571] : memref<2x4x128x48xf32, #tpu.memory_space<vmem>> -> memref<1x1x128x48xf32, #tpu.memory_space<vmem>>
          %dma_start3A_573 = tpu.memref_squeeze %dma_start3A_572 : memref<1x1x128x48xf32, #tpu.memory_space<vmem>> -> memref<128x48xf32, #tpu.memory_space<vmem>>
          %dma_start3A_574 = arith.constant 0 : i32
          %dma_start3A_575 = tpu.memref_slice %arg8[%rem3A_116, %dma_start3A, %dma_start3A_574] : memref<4x4x128xi32, #tpu.memory_space<vmem>> -> memref<1x1x128xi32, #tpu.memory_space<vmem>>
          %dma_start3A_576 = tpu.memref_squeeze %dma_start3A_575 : memref<1x1x128xi32, #tpu.memory_space<vmem>> -> memref<128xi32, #tpu.memory_space<vmem>>
          %dma_start3A_577 = arith.constant 0 : i32
          %dma_start3A_578 = arith.constant 0 : i32
          %dma_start3A_579 = tpu.memref_slice %arg2[%dma_start3A_577, %dma_start3A_578] : memref<10000x48xf32, #tpu.memory_space<hbm>> -> memref<10000x48xf32, #tpu.memory_space<hbm>>
          %dma_start3A_580 = tpu.memref_slice %arg17[%rem3A_110] : memref<2x!tpu.dma_semaphore, #tpu.memory_space<semaphore_mem>> -> memref<1x!tpu.dma_semaphore, #tpu.memory_space<semaphore_mem>>
          %dma_start3A_581 = tpu.memref_squeeze %dma_start3A_580 : memref<1x!tpu.dma_semaphore, #tpu.memory_space<semaphore_mem>> -> memref<!tpu.dma_semaphore, #tpu.memory_space<semaphore_mem>>
          tpu.enqueue_indirect_dma source(%dma_start3A_579 : memref<10000x48xf32, #tpu.memory_space<hbm>>) target(%dma_start3A_573 : memref<128x48xf32, #tpu.memory_space<vmem>>) offsets(%dma_start3A_576 : memref<128xi32, #tpu.memory_space<vmem>>) semaphore(%dma_start3A_581 : memref<!tpu.dma_semaphore, #tpu.memory_space<semaphore_mem>>)
        } else {
        }
        %mul3A_264 = arith.constant 16 : i32
        %mul3A_265 = arith.muli %add3A_227, %mul3A_264 : i32
        %add3A_266 = arith.addi %mul3A_265, %arg1 : i32
        %mul3A_267 = arith.constant 4 : i32
        %mul3A_268 = arith.muli %add3A_266, %mul3A_267 : i32
        %add3A_269 = arith.constant 3 : i32
        %add3A_270 = arith.addi %mul3A_268, %add3A_269 : i32
        %lt3A_271 = arith.constant 1250 : i32
        %lt3A_272 = arith.cmpi slt, %add3A_270, %lt3A_271 : i32
        %convert_element_type3A_273 = arith.extui %lt3A_272 : i1 to i32
        %cond3A_274 = arith.constant 0 : i32
        %cond3A_275 = arith.cmpi ne, %convert_element_type3A_273, %cond3A_274 : i32
        scf.if %cond3A_275 {
          %dma_start3A = arith.constant 3 : i32
          %dma_start3A_569 = arith.constant 3 : i32
          %dma_start3A_570 = arith.constant 0 : i32
          %dma_start3A_571 = arith.constant 0 : i32
          %dma_start3A_572 = tpu.memref_slice %arg10[%rem3A_110, %dma_start3A_569, %dma_start3A_570, %dma_start3A_571] : memref<2x4x128x48xf32, #tpu.memory_space<vmem>> -> memref<1x1x128x48xf32, #tpu.memory_space<vmem>>
          %dma_start3A_573 = tpu.memref_squeeze %dma_start3A_572 : memref<1x1x128x48xf32, #tpu.memory_space<vmem>> -> memref<128x48xf32, #tpu.memory_space<vmem>>
          %dma_start3A_574 = arith.constant 0 : i32
          %dma_start3A_575 = tpu.memref_slice %arg8[%rem3A_116, %dma_start3A, %dma_start3A_574] : memref<4x4x128xi32, #tpu.memory_space<vmem>> -> memref<1x1x128xi32, #tpu.memory_space<vmem>>
          %dma_start3A_576 = tpu.memref_squeeze %dma_start3A_575 : memref<1x1x128xi32, #tpu.memory_space<vmem>> -> memref<128xi32, #tpu.memory_space<vmem>>
          %dma_start3A_577 = arith.constant 0 : i32
          %dma_start3A_578 = arith.constant 0 : i32
          %dma_start3A_579 = tpu.memref_slice %arg2[%dma_start3A_577, %dma_start3A_578] : memref<10000x48xf32, #tpu.memory_space<hbm>> -> memref<10000x48xf32, #tpu.memory_space<hbm>>
          %dma_start3A_580 = tpu.memref_slice %arg17[%rem3A_110] : memref<2x!tpu.dma_semaphore, #tpu.memory_space<semaphore_mem>> -> memref<1x!tpu.dma_semaphore, #tpu.memory_space<semaphore_mem>>
          %dma_start3A_581 = tpu.memref_squeeze %dma_start3A_580 : memref<1x!tpu.dma_semaphore, #tpu.memory_space<semaphore_mem>> -> memref<!tpu.dma_semaphore, #tpu.memory_space<semaphore_mem>>
          tpu.enqueue_indirect_dma source(%dma_start3A_579 : memref<10000x48xf32, #tpu.memory_space<hbm>>) target(%dma_start3A_573 : memref<128x48xf32, #tpu.memory_space<vmem>>) offsets(%dma_start3A_576 : memref<128xi32, #tpu.memory_space<vmem>>) semaphore(%dma_start3A_581 : memref<!tpu.dma_semaphore, #tpu.memory_space<semaphore_mem>>)
        } else {
        }
        %mul3A_276 = arith.constant 16 : i32
        %mul3A_277 = arith.muli %add3A_92, %mul3A_276 : i32
        %add3A_278 = arith.addi %mul3A_277, %arg1 : i32
        %mul3A_279 = arith.constant 4 : i32
        %mul3A_280 = arith.muli %add3A_278, %mul3A_279 : i32
        %add3A_281 = arith.constant 0 : i32
        %add3A_282 = arith.addi %mul3A_280, %add3A_281 : i32
        %lt3A_283 = arith.constant 1250 : i32
        %lt3A_284 = arith.cmpi slt, %add3A_282, %lt3A_283 : i32
        %convert_element_type3A_285 = arith.extui %lt3A_284 : i1 to i32
        %cond3A_286 = arith.constant 0 : i32
        %cond3A_287 = arith.cmpi ne, %convert_element_type3A_285, %cond3A_286 : i32
        scf.if %cond3A_287 {
          %dma_wait3A = arith.constant 0 : i32
          %dma_wait3A_569 = arith.constant 0 : i32
          %dma_wait3A_570 = arith.constant 0 : i32
          %dma_wait3A_571 = arith.constant 0 : i32
          %dma_wait3A_572 = tpu.memref_slice %arg10[%rem3A_106, %dma_wait3A_569, %dma_wait3A_570, %dma_wait3A_571] : memref<2x4x128x48xf32, #tpu.memory_space<vmem>> -> memref<1x1x128x48xf32, #tpu.memory_space<vmem>>
          %dma_wait3A_573 = tpu.memref_squeeze %dma_wait3A_572 : memref<1x1x128x48xf32, #tpu.memory_space<vmem>> -> memref<128x48xf32, #tpu.memory_space<vmem>>
          %dma_wait3A_574 = arith.constant 0 : i32
          %dma_wait3A_575 = tpu.memref_slice %arg8[%rem3A_112, %dma_wait3A, %dma_wait3A_574] : memref<4x4x128xi32, #tpu.memory_space<vmem>> -> memref<1x1x128xi32, #tpu.memory_space<vmem>>
          %dma_wait3A_576 = tpu.memref_squeeze %dma_wait3A_575 : memref<1x1x128xi32, #tpu.memory_space<vmem>> -> memref<128xi32, #tpu.memory_space<vmem>>
          %dma_wait3A_577 = arith.constant 0 : i32
          %dma_wait3A_578 = arith.constant 0 : i32
          %dma_wait3A_579 = tpu.memref_slice %arg2[%dma_wait3A_577, %dma_wait3A_578] : memref<10000x48xf32, #tpu.memory_space<hbm>> -> memref<10000x48xf32, #tpu.memory_space<hbm>>
          %dma_wait3A_580 = tpu.memref_slice %arg17[%rem3A_106] : memref<2x!tpu.dma_semaphore, #tpu.memory_space<semaphore_mem>> -> memref<1x!tpu.dma_semaphore, #tpu.memory_space<semaphore_mem>>
          %dma_wait3A_581 = tpu.memref_squeeze %dma_wait3A_580 : memref<1x!tpu.dma_semaphore, #tpu.memory_space<semaphore_mem>> -> memref<!tpu.dma_semaphore, #tpu.memory_space<semaphore_mem>>
          tpu.wait_indirect_dma semaphore(%dma_wait3A_581 : memref<!tpu.dma_semaphore, #tpu.memory_space<semaphore_mem>>) src(%dma_wait3A_579 : memref<10000x48xf32, #tpu.memory_space<hbm>>) dst(%dma_wait3A_573 : memref<128x48xf32, #tpu.memory_space<vmem>>)
        } else {
        }
        %mul3A_288 = arith.constant 16 : i32
        %mul3A_289 = arith.muli %add3A_92, %mul3A_288 : i32
        %add3A_290 = arith.addi %mul3A_289, %arg1 : i32
        %mul3A_291 = arith.constant 4 : i32
        %mul3A_292 = arith.muli %add3A_290, %mul3A_291 : i32
        %add3A_293 = arith.constant 1 : i32
        %add3A_294 = arith.addi %mul3A_292, %add3A_293 : i32
        %lt3A_295 = arith.constant 1250 : i32
        %lt3A_296 = arith.cmpi slt, %add3A_294, %lt3A_295 : i32
        %convert_element_type3A_297 = arith.extui %lt3A_296 : i1 to i32
        %cond3A_298 = arith.constant 0 : i32
        %cond3A_299 = arith.cmpi ne, %convert_element_type3A_297, %cond3A_298 : i32
        scf.if %cond3A_299 {
          %dma_wait3A = arith.constant 1 : i32
          %dma_wait3A_569 = arith.constant 1 : i32
          %dma_wait3A_570 = arith.constant 0 : i32
          %dma_wait3A_571 = arith.constant 0 : i32
          %dma_wait3A_572 = tpu.memref_slice %arg10[%rem3A_106, %dma_wait3A_569, %dma_wait3A_570, %dma_wait3A_571] : memref<2x4x128x48xf32, #tpu.memory_space<vmem>> -> memref<1x1x128x48xf32, #tpu.memory_space<vmem>>
          %dma_wait3A_573 = tpu.memref_squeeze %dma_wait3A_572 : memref<1x1x128x48xf32, #tpu.memory_space<vmem>> -> memref<128x48xf32, #tpu.memory_space<vmem>>
          %dma_wait3A_574 = arith.constant 0 : i32
          %dma_wait3A_575 = tpu.memref_slice %arg8[%rem3A_112, %dma_wait3A, %dma_wait3A_574] : memref<4x4x128xi32, #tpu.memory_space<vmem>> -> memref<1x1x128xi32, #tpu.memory_space<vmem>>
          %dma_wait3A_576 = tpu.memref_squeeze %dma_wait3A_575 : memref<1x1x128xi32, #tpu.memory_space<vmem>> -> memref<128xi32, #tpu.memory_space<vmem>>
          %dma_wait3A_577 = arith.constant 0 : i32
          %dma_wait3A_578 = arith.constant 0 : i32
          %dma_wait3A_579 = tpu.memref_slice %arg2[%dma_wait3A_577, %dma_wait3A_578] : memref<10000x48xf32, #tpu.memory_space<hbm>> -> memref<10000x48xf32, #tpu.memory_space<hbm>>
          %dma_wait3A_580 = tpu.memref_slice %arg17[%rem3A_106] : memref<2x!tpu.dma_semaphore, #tpu.memory_space<semaphore_mem>> -> memref<1x!tpu.dma_semaphore, #tpu.memory_space<semaphore_mem>>
          %dma_wait3A_581 = tpu.memref_squeeze %dma_wait3A_580 : memref<1x!tpu.dma_semaphore, #tpu.memory_space<semaphore_mem>> -> memref<!tpu.dma_semaphore, #tpu.memory_space<semaphore_mem>>
          tpu.wait_indirect_dma semaphore(%dma_wait3A_581 : memref<!tpu.dma_semaphore, #tpu.memory_space<semaphore_mem>>) src(%dma_wait3A_579 : memref<10000x48xf32, #tpu.memory_space<hbm>>) dst(%dma_wait3A_573 : memref<128x48xf32, #tpu.memory_space<vmem>>)
        } else {
        }
        %mul3A_300 = arith.constant 16 : i32
        %mul3A_301 = arith.muli %add3A_92, %mul3A_300 : i32
        %add3A_302 = arith.addi %mul3A_301, %arg1 : i32
        %mul3A_303 = arith.constant 4 : i32
        %mul3A_304 = arith.muli %add3A_302, %mul3A_303 : i32
        %add3A_305 = arith.constant 2 : i32
        %add3A_306 = arith.addi %mul3A_304, %add3A_305 : i32
        %lt3A_307 = arith.constant 1250 : i32
        %lt3A_308 = arith.cmpi slt, %add3A_306, %lt3A_307 : i32
        %convert_element_type3A_309 = arith.extui %lt3A_308 : i1 to i32
        %cond3A_310 = arith.constant 0 : i32
        %cond3A_311 = arith.cmpi ne, %convert_element_type3A_309, %cond3A_310 : i32
        scf.if %cond3A_311 {
          %dma_wait3A = arith.constant 2 : i32
          %dma_wait3A_569 = arith.constant 2 : i32
          %dma_wait3A_570 = arith.constant 0 : i32
          %dma_wait3A_571 = arith.constant 0 : i32
          %dma_wait3A_572 = tpu.memref_slice %arg10[%rem3A_106, %dma_wait3A_569, %dma_wait3A_570, %dma_wait3A_571] : memref<2x4x128x48xf32, #tpu.memory_space<vmem>> -> memref<1x1x128x48xf32, #tpu.memory_space<vmem>>
          %dma_wait3A_573 = tpu.memref_squeeze %dma_wait3A_572 : memref<1x1x128x48xf32, #tpu.memory_space<vmem>> -> memref<128x48xf32, #tpu.memory_space<vmem>>
          %dma_wait3A_574 = arith.constant 0 : i32
          %dma_wait3A_575 = tpu.memref_slice %arg8[%rem3A_112, %dma_wait3A, %dma_wait3A_574] : memref<4x4x128xi32, #tpu.memory_space<vmem>> -> memref<1x1x128xi32, #tpu.memory_space<vmem>>
          %dma_wait3A_576 = tpu.memref_squeeze %dma_wait3A_575 : memref<1x1x128xi32, #tpu.memory_space<vmem>> -> memref<128xi32, #tpu.memory_space<vmem>>
          %dma_wait3A_577 = arith.constant 0 : i32
          %dma_wait3A_578 = arith.constant 0 : i32
          %dma_wait3A_579 = tpu.memref_slice %arg2[%dma_wait3A_577, %dma_wait3A_578] : memref<10000x48xf32, #tpu.memory_space<hbm>> -> memref<10000x48xf32, #tpu.memory_space<hbm>>
          %dma_wait3A_580 = tpu.memref_slice %arg17[%rem3A_106] : memref<2x!tpu.dma_semaphore, #tpu.memory_space<semaphore_mem>> -> memref<1x!tpu.dma_semaphore, #tpu.memory_space<semaphore_mem>>
          %dma_wait3A_581 = tpu.memref_squeeze %dma_wait3A_580 : memref<1x!tpu.dma_semaphore, #tpu.memory_space<semaphore_mem>> -> memref<!tpu.dma_semaphore, #tpu.memory_space<semaphore_mem>>
          tpu.wait_indirect_dma semaphore(%dma_wait3A_581 : memref<!tpu.dma_semaphore, #tpu.memory_space<semaphore_mem>>) src(%dma_wait3A_579 : memref<10000x48xf32, #tpu.memory_space<hbm>>) dst(%dma_wait3A_573 : memref<128x48xf32, #tpu.memory_space<vmem>>)
        } else {
        }
        %mul3A_312 = arith.constant 16 : i32
        %mul3A_313 = arith.muli %add3A_92, %mul3A_312 : i32
        %add3A_314 = arith.addi %mul3A_313, %arg1 : i32
        %mul3A_315 = arith.constant 4 : i32
        %mul3A_316 = arith.muli %add3A_314, %mul3A_315 : i32
        %add3A_317 = arith.constant 3 : i32
        %add3A_318 = arith.addi %mul3A_316, %add3A_317 : i32
        %lt3A_319 = arith.constant 1250 : i32
        %lt3A_320 = arith.cmpi slt, %add3A_318, %lt3A_319 : i32
        %convert_element_type3A_321 = arith.extui %lt3A_320 : i1 to i32
        %cond3A_322 = arith.constant 0 : i32
        %cond3A_323 = arith.cmpi ne, %convert_element_type3A_321, %cond3A_322 : i32
        scf.if %cond3A_323 {
          %dma_wait3A = arith.constant 3 : i32
          %dma_wait3A_569 = arith.constant 3 : i32
          %dma_wait3A_570 = arith.constant 0 : i32
          %dma_wait3A_571 = arith.constant 0 : i32
          %dma_wait3A_572 = tpu.memref_slice %arg10[%rem3A_106, %dma_wait3A_569, %dma_wait3A_570, %dma_wait3A_571] : memref<2x4x128x48xf32, #tpu.memory_space<vmem>> -> memref<1x1x128x48xf32, #tpu.memory_space<vmem>>
          %dma_wait3A_573 = tpu.memref_squeeze %dma_wait3A_572 : memref<1x1x128x48xf32, #tpu.memory_space<vmem>> -> memref<128x48xf32, #tpu.memory_space<vmem>>
          %dma_wait3A_574 = arith.constant 0 : i32
          %dma_wait3A_575 = tpu.memref_slice %arg8[%rem3A_112, %dma_wait3A, %dma_wait3A_574] : memref<4x4x128xi32, #tpu.memory_space<vmem>> -> memref<1x1x128xi32, #tpu.memory_space<vmem>>
          %dma_wait3A_576 = tpu.memref_squeeze %dma_wait3A_575 : memref<1x1x128xi32, #tpu.memory_space<vmem>> -> memref<128xi32, #tpu.memory_space<vmem>>
          %dma_wait3A_577 = arith.constant 0 : i32
          %dma_wait3A_578 = arith.constant 0 : i32
          %dma_wait3A_579 = tpu.memref_slice %arg2[%dma_wait3A_577, %dma_wait3A_578] : memref<10000x48xf32, #tpu.memory_space<hbm>> -> memref<10000x48xf32, #tpu.memory_space<hbm>>
          %dma_wait3A_580 = tpu.memref_slice %arg17[%rem3A_106] : memref<2x!tpu.dma_semaphore, #tpu.memory_space<semaphore_mem>> -> memref<1x!tpu.dma_semaphore, #tpu.memory_space<semaphore_mem>>
          %dma_wait3A_581 = tpu.memref_squeeze %dma_wait3A_580 : memref<1x!tpu.dma_semaphore, #tpu.memory_space<semaphore_mem>> -> memref<!tpu.dma_semaphore, #tpu.memory_space<semaphore_mem>>
          tpu.wait_indirect_dma semaphore(%dma_wait3A_581 : memref<!tpu.dma_semaphore, #tpu.memory_space<semaphore_mem>>) src(%dma_wait3A_579 : memref<10000x48xf32, #tpu.memory_space<hbm>>) dst(%dma_wait3A_573 : memref<128x48xf32, #tpu.memory_space<vmem>>)
        } else {
        }
        %mul3A_324 = arith.constant 16 : i32
        %mul3A_325 = arith.muli %add3A_92, %mul3A_324 : i32
        %add3A_326 = arith.addi %mul3A_325, %arg1 : i32
        %mul3A_327 = arith.constant 4 : i32
        %mul3A_328 = arith.muli %add3A_326, %mul3A_327 : i32
        %add3A_329 = arith.constant 0 : i32
        %add3A_330 = arith.addi %mul3A_328, %add3A_329 : i32
        %lt3A_331 = arith.constant 1250 : i32
        %lt3A_332 = arith.cmpi slt, %add3A_330, %lt3A_331 : i32
        %convert_element_type3A_333 = arith.extui %lt3A_332 : i1 to i32
        %cond3A_334 = arith.constant 0 : i32
        %cond3A_335 = arith.cmpi ne, %convert_element_type3A_333, %cond3A_334 : i32
        scf.if %cond3A_335 {
          %dma_wait3A = arith.constant 0 : i32
          %dma_wait3A_569 = arith.constant 0 : i32
          %dma_wait3A_570 = arith.constant 0 : i32
          %dma_wait3A_571 = arith.constant 0 : i32
          %dma_wait3A_572 = tpu.memref_slice %arg11[%dma_wait3A_569, %dma_wait3A_570, %dma_wait3A_571] : memref<4x128x16xf32, #tpu.memory_space<vmem>> -> memref<1x128x16xf32, #tpu.memory_space<vmem>>
          %dma_wait3A_573 = tpu.memref_squeeze %dma_wait3A_572 : memref<1x128x16xf32, #tpu.memory_space<vmem>> -> memref<128x16xf32, #tpu.memory_space<vmem>>
          %dma_wait3A_574 = arith.constant 0 : i32
          %dma_wait3A_575 = tpu.memref_slice %arg9[%rem3A_112, %dma_wait3A, %dma_wait3A_574] : memref<4x4x128xi32, #tpu.memory_space<vmem>> -> memref<1x1x128xi32, #tpu.memory_space<vmem>>
          %dma_wait3A_576 = tpu.memref_squeeze %dma_wait3A_575 : memref<1x1x128xi32, #tpu.memory_space<vmem>> -> memref<128xi32, #tpu.memory_space<vmem>>
          %dma_wait3A_577 = arith.constant 0 : i32
          %dma_wait3A_578 = arith.constant 0 : i32
          %dma_wait3A_579 = tpu.memref_slice %arg3[%dma_wait3A_577, %dma_wait3A_578] : memref<10000x16xf32, #tpu.memory_space<hbm>> -> memref<10000x16xf32, #tpu.memory_space<hbm>>
          tpu.wait_indirect_dma semaphore(%arg18 : memref<!tpu.dma_semaphore, #tpu.memory_space<semaphore_mem>>) src(%dma_wait3A_579 : memref<10000x16xf32, #tpu.memory_space<hbm>>) dst(%dma_wait3A_573 : memref<128x16xf32, #tpu.memory_space<vmem>>)
        } else {
        }
        %mul3A_336 = arith.constant 16 : i32
        %mul3A_337 = arith.muli %add3A_92, %mul3A_336 : i32
        %add3A_338 = arith.addi %mul3A_337, %arg1 : i32
        %mul3A_339 = arith.constant 4 : i32
        %mul3A_340 = arith.muli %add3A_338, %mul3A_339 : i32
        %add3A_341 = arith.constant 1 : i32
        %add3A_342 = arith.addi %mul3A_340, %add3A_341 : i32
        %lt3A_343 = arith.constant 1250 : i32
        %lt3A_344 = arith.cmpi slt, %add3A_342, %lt3A_343 : i32
        %convert_element_type3A_345 = arith.extui %lt3A_344 : i1 to i32
        %cond3A_346 = arith.constant 0 : i32
        %cond3A_347 = arith.cmpi ne, %convert_element_type3A_345, %cond3A_346 : i32
        scf.if %cond3A_347 {
          %dma_wait3A = arith.constant 1 : i32
          %dma_wait3A_569 = arith.constant 1 : i32
          %dma_wait3A_570 = arith.constant 0 : i32
          %dma_wait3A_571 = arith.constant 0 : i32
          %dma_wait3A_572 = tpu.memref_slice %arg11[%dma_wait3A_569, %dma_wait3A_570, %dma_wait3A_571] : memref<4x128x16xf32, #tpu.memory_space<vmem>> -> memref<1x128x16xf32, #tpu.memory_space<vmem>>
          %dma_wait3A_573 = tpu.memref_squeeze %dma_wait3A_572 : memref<1x128x16xf32, #tpu.memory_space<vmem>> -> memref<128x16xf32, #tpu.memory_space<vmem>>
          %dma_wait3A_574 = arith.constant 0 : i32
          %dma_wait3A_575 = tpu.memref_slice %arg9[%rem3A_112, %dma_wait3A, %dma_wait3A_574] : memref<4x4x128xi32, #tpu.memory_space<vmem>> -> memref<1x1x128xi32, #tpu.memory_space<vmem>>
          %dma_wait3A_576 = tpu.memref_squeeze %dma_wait3A_575 : memref<1x1x128xi32, #tpu.memory_space<vmem>> -> memref<128xi32, #tpu.memory_space<vmem>>
          %dma_wait3A_577 = arith.constant 0 : i32
          %dma_wait3A_578 = arith.constant 0 : i32
          %dma_wait3A_579 = tpu.memref_slice %arg3[%dma_wait3A_577, %dma_wait3A_578] : memref<10000x16xf32, #tpu.memory_space<hbm>> -> memref<10000x16xf32, #tpu.memory_space<hbm>>
          tpu.wait_indirect_dma semaphore(%arg18 : memref<!tpu.dma_semaphore, #tpu.memory_space<semaphore_mem>>) src(%dma_wait3A_579 : memref<10000x16xf32, #tpu.memory_space<hbm>>) dst(%dma_wait3A_573 : memref<128x16xf32, #tpu.memory_space<vmem>>)
        } else {
        }
        %mul3A_348 = arith.constant 16 : i32
        %mul3A_349 = arith.muli %add3A_92, %mul3A_348 : i32
        %add3A_350 = arith.addi %mul3A_349, %arg1 : i32
        %mul3A_351 = arith.constant 4 : i32
        %mul3A_352 = arith.muli %add3A_350, %mul3A_351 : i32
        %add3A_353 = arith.constant 2 : i32
        %add3A_354 = arith.addi %mul3A_352, %add3A_353 : i32
        %lt3A_355 = arith.constant 1250 : i32
        %lt3A_356 = arith.cmpi slt, %add3A_354, %lt3A_355 : i32
        %convert_element_type3A_357 = arith.extui %lt3A_356 : i1 to i32
        %cond3A_358 = arith.constant 0 : i32
        %cond3A_359 = arith.cmpi ne, %convert_element_type3A_357, %cond3A_358 : i32
        scf.if %cond3A_359 {
          %dma_wait3A = arith.constant 2 : i32
          %dma_wait3A_569 = arith.constant 2 : i32
          %dma_wait3A_570 = arith.constant 0 : i32
          %dma_wait3A_571 = arith.constant 0 : i32
          %dma_wait3A_572 = tpu.memref_slice %arg11[%dma_wait3A_569, %dma_wait3A_570, %dma_wait3A_571] : memref<4x128x16xf32, #tpu.memory_space<vmem>> -> memref<1x128x16xf32, #tpu.memory_space<vmem>>
          %dma_wait3A_573 = tpu.memref_squeeze %dma_wait3A_572 : memref<1x128x16xf32, #tpu.memory_space<vmem>> -> memref<128x16xf32, #tpu.memory_space<vmem>>
          %dma_wait3A_574 = arith.constant 0 : i32
          %dma_wait3A_575 = tpu.memref_slice %arg9[%rem3A_112, %dma_wait3A, %dma_wait3A_574] : memref<4x4x128xi32, #tpu.memory_space<vmem>> -> memref<1x1x128xi32, #tpu.memory_space<vmem>>
          %dma_wait3A_576 = tpu.memref_squeeze %dma_wait3A_575 : memref<1x1x128xi32, #tpu.memory_space<vmem>> -> memref<128xi32, #tpu.memory_space<vmem>>
          %dma_wait3A_577 = arith.constant 0 : i32
          %dma_wait3A_578 = arith.constant 0 : i32
          %dma_wait3A_579 = tpu.memref_slice %arg3[%dma_wait3A_577, %dma_wait3A_578] : memref<10000x16xf32, #tpu.memory_space<hbm>> -> memref<10000x16xf32, #tpu.memory_space<hbm>>
          tpu.wait_indirect_dma semaphore(%arg18 : memref<!tpu.dma_semaphore, #tpu.memory_space<semaphore_mem>>) src(%dma_wait3A_579 : memref<10000x16xf32, #tpu.memory_space<hbm>>) dst(%dma_wait3A_573 : memref<128x16xf32, #tpu.memory_space<vmem>>)
        } else {
        }
        %mul3A_360 = arith.constant 16 : i32
        %mul3A_361 = arith.muli %add3A_92, %mul3A_360 : i32
        %add3A_362 = arith.addi %mul3A_361, %arg1 : i32
        %mul3A_363 = arith.constant 4 : i32
        %mul3A_364 = arith.muli %add3A_362, %mul3A_363 : i32
        %add3A_365 = arith.constant 3 : i32
        %add3A_366 = arith.addi %mul3A_364, %add3A_365 : i32
        %lt3A_367 = arith.constant 1250 : i32
        %lt3A_368 = arith.cmpi slt, %add3A_366, %lt3A_367 : i32
        %convert_element_type3A_369 = arith.extui %lt3A_368 : i1 to i32
        %cond3A_370 = arith.constant 0 : i32
        %cond3A_371 = arith.cmpi ne, %convert_element_type3A_369, %cond3A_370 : i32
        scf.if %cond3A_371 {
          %dma_wait3A = arith.constant 3 : i32
          %dma_wait3A_569 = arith.constant 3 : i32
          %dma_wait3A_570 = arith.constant 0 : i32
          %dma_wait3A_571 = arith.constant 0 : i32
          %dma_wait3A_572 = tpu.memref_slice %arg11[%dma_wait3A_569, %dma_wait3A_570, %dma_wait3A_571] : memref<4x128x16xf32, #tpu.memory_space<vmem>> -> memref<1x128x16xf32, #tpu.memory_space<vmem>>
          %dma_wait3A_573 = tpu.memref_squeeze %dma_wait3A_572 : memref<1x128x16xf32, #tpu.memory_space<vmem>> -> memref<128x16xf32, #tpu.memory_space<vmem>>
          %dma_wait3A_574 = arith.constant 0 : i32
          %dma_wait3A_575 = tpu.memref_slice %arg9[%rem3A_112, %dma_wait3A, %dma_wait3A_574] : memref<4x4x128xi32, #tpu.memory_space<vmem>> -> memref<1x1x128xi32, #tpu.memory_space<vmem>>
          %dma_wait3A_576 = tpu.memref_squeeze %dma_wait3A_575 : memref<1x1x128xi32, #tpu.memory_space<vmem>> -> memref<128xi32, #tpu.memory_space<vmem>>
          %dma_wait3A_577 = arith.constant 0 : i32
          %dma_wait3A_578 = arith.constant 0 : i32
          %dma_wait3A_579 = tpu.memref_slice %arg3[%dma_wait3A_577, %dma_wait3A_578] : memref<10000x16xf32, #tpu.memory_space<hbm>> -> memref<10000x16xf32, #tpu.memory_space<hbm>>
          tpu.wait_indirect_dma semaphore(%arg18 : memref<!tpu.dma_semaphore, #tpu.memory_space<semaphore_mem>>) src(%dma_wait3A_579 : memref<10000x16xf32, #tpu.memory_space<hbm>>) dst(%dma_wait3A_573 : memref<128x16xf32, #tpu.memory_space<vmem>>)
        } else {
        }
        %get3A_372 = arith.constant 0 : index
        %get3A_373 = tpu.vector_load %arg13[%get3A_372] {strides = array<i32>} : memref<16xf32, #tpu.memory_space<vmem>>, vector<16xf32>,
        %get3A_374 = vector.shape_cast %get3A_373 : vector<16xf32> to vector<16xf32>
        %mul3A_375 = arith.constant 16 : i32
        %mul3A_376 = arith.muli %add3A_92, %mul3A_375 : i32
        %add3A_377 = arith.addi %mul3A_376, %arg1 : i32
        %mul3A_378 = arith.constant 4 : i32
        %mul3A_379 = arith.muli %add3A_377, %mul3A_378 : i32
        %add3A_380 = arith.constant 0 : i32
        %add3A_381 = arith.addi %mul3A_379, %add3A_380 : i32
        %lt3A_382 = arith.constant 1250 : i32
        %lt3A_383 = arith.cmpi slt, %add3A_381, %lt3A_382 : i32
        %convert_element_type3A_384 = arith.extui %lt3A_383 : i1 to i32
        %cond3A_385 = arith.constant 0 : i32
        %cond3A_386 = arith.cmpi ne, %convert_element_type3A_384, %cond3A_385 : i32
        scf.if %cond3A_386 {
          %parallel_loop3A = arith.constant 0 : i32
          %parallel_loop3A_569 = arith.constant 128 : i32
          %parallel_loop3A_570 = arith.constant 1 : i32
          scf.for %parallel_loop3A_571 = %parallel_loop3A to %parallel_loop3A_569 step %parallel_loop3A_570  : i32 {
            %parallel_loop3A_572 = arith.constant 0 : i32
            %parallel_loop3A_573 = arith.index_cast %rem3A_106 : i32 to index
            %parallel_loop3A_574 = arith.index_cast %parallel_loop3A_572 : i32 to index
            %parallel_loop3A_575 = arith.index_cast %parallel_loop3A_571 : i32 to index
            %parallel_loop3A_576 = arith.constant 32 : index
            %parallel_loop3A_577 = tpu.vector_load %arg10[%parallel_loop3A_573, %parallel_loop3A_574, %parallel_loop3A_575, %parallel_loop3A_576] {strides = array<i32>} : memref<2x4x128x48xf32, #tpu.memory_space<vmem>>, vector<1x1x1x16xf32>,
            %parallel_loop3A_578 = vector.shape_cast %parallel_loop3A_577 : vector<1x1x1x16xf32> to vector<16xf32>
            %parallel_loop3A_579 = arith.constant 0 : i32
            %parallel_loop3A_580 = arith.index_cast %parallel_loop3A_579 : i32 to index
            %parallel_loop3A_581 = arith.index_cast %parallel_loop3A_571 : i32 to index
            %parallel_loop3A_582 = arith.constant 0 : index
            %parallel_loop3A_583 = tpu.vector_load %arg11[%parallel_loop3A_580, %parallel_loop3A_581, %parallel_loop3A_582] {strides = array<i32>} : memref<4x128x16xf32, #tpu.memory_space<vmem>>, vector<1x1x16xf32>,
            %parallel_loop3A_584 = vector.shape_cast %parallel_loop3A_583 : vector<1x1x16xf32> to vector<16xf32>
            %parallel_loop3A_585 = arith.addf %parallel_loop3A_578, %parallel_loop3A_584 : vector<16xf32>
            %parallel_loop3A_586 = arith.constant 0.000000e+00 : f32
            %parallel_loop3A_587 = vector.broadcast %parallel_loop3A_586 : f32 to vector<16xf32>
            %parallel_loop3A_588 = arith.cmpf ogt, %parallel_loop3A_585, %parallel_loop3A_587 : vector<16xf32>
            %parallel_loop3A_589 = arith.constant 2.000000e-01 : f32
            %parallel_loop3A_590 = vector.broadcast %parallel_loop3A_589 : f32 to vector<16xf32>
            %parallel_loop3A_591 = arith.mulf %parallel_loop3A_590, %parallel_loop3A_585 : vector<16xf32>
            %parallel_loop3A_592 = arith.select %parallel_loop3A_588, %parallel_loop3A_585, %parallel_loop3A_591 : vector<16xi1>, vector<16xf32>
            %parallel_loop3A_593 = arith.subf %parallel_loop3A_592, %get3A_374 : vector<16xf32>
            %parallel_loop3A_594 = math.exp %parallel_loop3A_593 : vector<16xf32>
            %parallel_loop3A_595 = arith.constant 0 : i32
            %parallel_loop3A_596 = arith.index_cast %rem3A_106 : i32 to index
            %parallel_loop3A_597 = arith.index_cast %parallel_loop3A_595 : i32 to index
            %parallel_loop3A_598 = arith.index_cast %parallel_loop3A_571 : i32 to index
            %parallel_loop3A_599 = arith.constant 32 : index
            %parallel_loop3A_600 = tpu.vector_load %arg10[%parallel_loop3A_596, %parallel_loop3A_597, %parallel_loop3A_598, %parallel_loop3A_599] {strides = array<i32>} : memref<2x4x128x48xf32, #tpu.memory_space<vmem>>, vector<1x1x1x16xf32>,
            %parallel_loop3A_601 = vector.shape_cast %parallel_loop3A_600 : vector<1x1x1x16xf32> to vector<16xf32>
            %parallel_loop3A_602 = vector.shape_cast %parallel_loop3A_594 : vector<16xf32> to vector<1x1x1x16xf32>
            tpu.vector_store %arg10[%parallel_loop3A_596, %parallel_loop3A_597, %parallel_loop3A_598, %parallel_loop3A_599], %parallel_loop3A_602 {strides = array<i32>} : memref<2x4x128x48xf32, #tpu.memory_space<vmem>>, vector<1x1x1x16xf32>,
          } {sc.loop_unroll_factor = 4 : i64, sc.parallel_access}
        } else {
        }
        %mul3A_387 = arith.constant 16 : i32
        %mul3A_388 = arith.muli %add3A_92, %mul3A_387 : i32
        %add3A_389 = arith.addi %mul3A_388, %arg1 : i32
        %mul3A_390 = arith.constant 4 : i32
        %mul3A_391 = arith.muli %add3A_389, %mul3A_390 : i32
        %add3A_392 = arith.constant 1 : i32
        %add3A_393 = arith.addi %mul3A_391, %add3A_392 : i32
        %lt3A_394 = arith.constant 1250 : i32
        %lt3A_395 = arith.cmpi slt, %add3A_393, %lt3A_394 : i32
        %convert_element_type3A_396 = arith.extui %lt3A_395 : i1 to i32
        %cond3A_397 = arith.constant 0 : i32
        %cond3A_398 = arith.cmpi ne, %convert_element_type3A_396, %cond3A_397 : i32
        scf.if %cond3A_398 {
          %parallel_loop3A = arith.constant 0 : i32
          %parallel_loop3A_569 = arith.constant 128 : i32
          %parallel_loop3A_570 = arith.constant 1 : i32
          scf.for %parallel_loop3A_571 = %parallel_loop3A to %parallel_loop3A_569 step %parallel_loop3A_570  : i32 {
            %parallel_loop3A_572 = arith.constant 1 : i32
            %parallel_loop3A_573 = arith.index_cast %rem3A_106 : i32 to index
            %parallel_loop3A_574 = arith.index_cast %parallel_loop3A_572 : i32 to index
            %parallel_loop3A_575 = arith.index_cast %parallel_loop3A_571 : i32 to index
            %parallel_loop3A_576 = arith.constant 32 : index
            %parallel_loop3A_577 = tpu.vector_load %arg10[%parallel_loop3A_573, %parallel_loop3A_574, %parallel_loop3A_575, %parallel_loop3A_576] {strides = array<i32>} : memref<2x4x128x48xf32, #tpu.memory_space<vmem>>, vector<1x1x1x16xf32>,
            %parallel_loop3A_578 = vector.shape_cast %parallel_loop3A_577 : vector<1x1x1x16xf32> to vector<16xf32>
            %parallel_loop3A_579 = arith.constant 1 : i32
            %parallel_loop3A_580 = arith.index_cast %parallel_loop3A_579 : i32 to index
            %parallel_loop3A_581 = arith.index_cast %parallel_loop3A_571 : i32 to index
            %parallel_loop3A_582 = arith.constant 0 : index
            %parallel_loop3A_583 = tpu.vector_load %arg11[%parallel_loop3A_580, %parallel_loop3A_581, %parallel_loop3A_582] {strides = array<i32>} : memref<4x128x16xf32, #tpu.memory_space<vmem>>, vector<1x1x16xf32>,
            %parallel_loop3A_584 = vector.shape_cast %parallel_loop3A_583 : vector<1x1x16xf32> to vector<16xf32>
            %parallel_loop3A_585 = arith.addf %parallel_loop3A_578, %parallel_loop3A_584 : vector<16xf32>
            %parallel_loop3A_586 = arith.constant 0.000000e+00 : f32
            %parallel_loop3A_587 = vector.broadcast %parallel_loop3A_586 : f32 to vector<16xf32>
            %parallel_loop3A_588 = arith.cmpf ogt, %parallel_loop3A_585, %parallel_loop3A_587 : vector<16xf32>
            %parallel_loop3A_589 = arith.constant 2.000000e-01 : f32
            %parallel_loop3A_590 = vector.broadcast %parallel_loop3A_589 : f32 to vector<16xf32>
            %parallel_loop3A_591 = arith.mulf %parallel_loop3A_590, %parallel_loop3A_585 : vector<16xf32>
            %parallel_loop3A_592 = arith.select %parallel_loop3A_588, %parallel_loop3A_585, %parallel_loop3A_591 : vector<16xi1>, vector<16xf32>
            %parallel_loop3A_593 = arith.subf %parallel_loop3A_592, %get3A_374 : vector<16xf32>
            %parallel_loop3A_594 = math.exp %parallel_loop3A_593 : vector<16xf32>
            %parallel_loop3A_595 = arith.constant 1 : i32
            %parallel_loop3A_596 = arith.index_cast %rem3A_106 : i32 to index
            %parallel_loop3A_597 = arith.index_cast %parallel_loop3A_595 : i32 to index
            %parallel_loop3A_598 = arith.index_cast %parallel_loop3A_571 : i32 to index
            %parallel_loop3A_599 = arith.constant 32 : index
            %parallel_loop3A_600 = tpu.vector_load %arg10[%parallel_loop3A_596, %parallel_loop3A_597, %parallel_loop3A_598, %parallel_loop3A_599] {strides = array<i32>} : memref<2x4x128x48xf32, #tpu.memory_space<vmem>>, vector<1x1x1x16xf32>,
            %parallel_loop3A_601 = vector.shape_cast %parallel_loop3A_600 : vector<1x1x1x16xf32> to vector<16xf32>
            %parallel_loop3A_602 = vector.shape_cast %parallel_loop3A_594 : vector<16xf32> to vector<1x1x1x16xf32>
            tpu.vector_store %arg10[%parallel_loop3A_596, %parallel_loop3A_597, %parallel_loop3A_598, %parallel_loop3A_599], %parallel_loop3A_602 {strides = array<i32>} : memref<2x4x128x48xf32, #tpu.memory_space<vmem>>, vector<1x1x1x16xf32>,
          } {sc.loop_unroll_factor = 4 : i64, sc.parallel_access}
        } else {
        }
        %mul3A_399 = arith.constant 16 : i32
        %mul3A_400 = arith.muli %add3A_92, %mul3A_399 : i32
        %add3A_401 = arith.addi %mul3A_400, %arg1 : i32
        %mul3A_402 = arith.constant 4 : i32
        %mul3A_403 = arith.muli %add3A_401, %mul3A_402 : i32
        %add3A_404 = arith.constant 2 : i32
        %add3A_405 = arith.addi %mul3A_403, %add3A_404 : i32
        %lt3A_406 = arith.constant 1250 : i32
        %lt3A_407 = arith.cmpi slt, %add3A_405, %lt3A_406 : i32
        %convert_element_type3A_408 = arith.extui %lt3A_407 : i1 to i32
        %cond3A_409 = arith.constant 0 : i32
        %cond3A_410 = arith.cmpi ne, %convert_element_type3A_408, %cond3A_409 : i32
        scf.if %cond3A_410 {
          %parallel_loop3A = arith.constant 0 : i32
          %parallel_loop3A_569 = arith.constant 128 : i32
          %parallel_loop3A_570 = arith.constant 1 : i32
          scf.for %parallel_loop3A_571 = %parallel_loop3A to %parallel_loop3A_569 step %parallel_loop3A_570  : i32 {
            %parallel_loop3A_572 = arith.constant 2 : i32
            %parallel_loop3A_573 = arith.index_cast %rem3A_106 : i32 to index
            %parallel_loop3A_574 = arith.index_cast %parallel_loop3A_572 : i32 to index
            %parallel_loop3A_575 = arith.index_cast %parallel_loop3A_571 : i32 to index
            %parallel_loop3A_576 = arith.constant 32 : index
            %parallel_loop3A_577 = tpu.vector_load %arg10[%parallel_loop3A_573, %parallel_loop3A_574, %parallel_loop3A_575, %parallel_loop3A_576] {strides = array<i32>} : memref<2x4x128x48xf32, #tpu.memory_space<vmem>>, vector<1x1x1x16xf32>,
            %parallel_loop3A_578 = vector.shape_cast %parallel_loop3A_577 : vector<1x1x1x16xf32> to vector<16xf32>
            %parallel_loop3A_579 = arith.constant 2 : i32
            %parallel_loop3A_580 = arith.index_cast %parallel_loop3A_579 : i32 to index
            %parallel_loop3A_581 = arith.index_cast %parallel_loop3A_571 : i32 to index
            %parallel_loop3A_582 = arith.constant 0 : index
            %parallel_loop3A_583 = tpu.vector_load %arg11[%parallel_loop3A_580, %parallel_loop3A_581, %parallel_loop3A_582] {strides = array<i32>} : memref<4x128x16xf32, #tpu.memory_space<vmem>>, vector<1x1x16xf32>,
            %parallel_loop3A_584 = vector.shape_cast %parallel_loop3A_583 : vector<1x1x16xf32> to vector<16xf32>
            %parallel_loop3A_585 = arith.addf %parallel_loop3A_578, %parallel_loop3A_584 : vector<16xf32>
            %parallel_loop3A_586 = arith.constant 0.000000e+00 : f32
            %parallel_loop3A_587 = vector.broadcast %parallel_loop3A_586 : f32 to vector<16xf32>
            %parallel_loop3A_588 = arith.cmpf ogt, %parallel_loop3A_585, %parallel_loop3A_587 : vector<16xf32>
            %parallel_loop3A_589 = arith.constant 2.000000e-01 : f32
            %parallel_loop3A_590 = vector.broadcast %parallel_loop3A_589 : f32 to vector<16xf32>
            %parallel_loop3A_591 = arith.mulf %parallel_loop3A_590, %parallel_loop3A_585 : vector<16xf32>
            %parallel_loop3A_592 = arith.select %parallel_loop3A_588, %parallel_loop3A_585, %parallel_loop3A_591 : vector<16xi1>, vector<16xf32>
            %parallel_loop3A_593 = arith.subf %parallel_loop3A_592, %get3A_374 : vector<16xf32>
            %parallel_loop3A_594 = math.exp %parallel_loop3A_593 : vector<16xf32>
            %parallel_loop3A_595 = arith.constant 2 : i32
            %parallel_loop3A_596 = arith.index_cast %rem3A_106 : i32 to index
            %parallel_loop3A_597 = arith.index_cast %parallel_loop3A_595 : i32 to index
            %parallel_loop3A_598 = arith.index_cast %parallel_loop3A_571 : i32 to index
            %parallel_loop3A_599 = arith.constant 32 : index
            %parallel_loop3A_600 = tpu.vector_load %arg10[%parallel_loop3A_596, %parallel_loop3A_597, %parallel_loop3A_598, %parallel_loop3A_599] {strides = array<i32>} : memref<2x4x128x48xf32, #tpu.memory_space<vmem>>, vector<1x1x1x16xf32>,
            %parallel_loop3A_601 = vector.shape_cast %parallel_loop3A_600 : vector<1x1x1x16xf32> to vector<16xf32>
            %parallel_loop3A_602 = vector.shape_cast %parallel_loop3A_594 : vector<16xf32> to vector<1x1x1x16xf32>
            tpu.vector_store %arg10[%parallel_loop3A_596, %parallel_loop3A_597, %parallel_loop3A_598, %parallel_loop3A_599], %parallel_loop3A_602 {strides = array<i32>} : memref<2x4x128x48xf32, #tpu.memory_space<vmem>>, vector<1x1x1x16xf32>,
          } {sc.loop_unroll_factor = 4 : i64, sc.parallel_access}
        } else {
        }
        %mul3A_411 = arith.constant 16 : i32
        %mul3A_412 = arith.muli %add3A_92, %mul3A_411 : i32
        %add3A_413 = arith.addi %mul3A_412, %arg1 : i32
        %mul3A_414 = arith.constant 4 : i32
        %mul3A_415 = arith.muli %add3A_413, %mul3A_414 : i32
        %add3A_416 = arith.constant 3 : i32
        %add3A_417 = arith.addi %mul3A_415, %add3A_416 : i32
        %lt3A_418 = arith.constant 1250 : i32
        %lt3A_419 = arith.cmpi slt, %add3A_417, %lt3A_418 : i32
        %convert_element_type3A_420 = arith.extui %lt3A_419 : i1 to i32
        %cond3A_421 = arith.constant 0 : i32
        %cond3A_422 = arith.cmpi ne, %convert_element_type3A_420, %cond3A_421 : i32
        scf.if %cond3A_422 {
          %parallel_loop3A = arith.constant 0 : i32
          %parallel_loop3A_569 = arith.constant 128 : i32
          %parallel_loop3A_570 = arith.constant 1 : i32
          scf.for %parallel_loop3A_571 = %parallel_loop3A to %parallel_loop3A_569 step %parallel_loop3A_570  : i32 {
            %parallel_loop3A_572 = arith.constant 3 : i32
            %parallel_loop3A_573 = arith.index_cast %rem3A_106 : i32 to index
            %parallel_loop3A_574 = arith.index_cast %parallel_loop3A_572 : i32 to index
            %parallel_loop3A_575 = arith.index_cast %parallel_loop3A_571 : i32 to index
            %parallel_loop3A_576 = arith.constant 32 : index
            %parallel_loop3A_577 = tpu.vector_load %arg10[%parallel_loop3A_573, %parallel_loop3A_574, %parallel_loop3A_575, %parallel_loop3A_576] {strides = array<i32>} : memref<2x4x128x48xf32, #tpu.memory_space<vmem>>, vector<1x1x1x16xf32>,
            %parallel_loop3A_578 = vector.shape_cast %parallel_loop3A_577 : vector<1x1x1x16xf32> to vector<16xf32>
            %parallel_loop3A_579 = arith.constant 3 : i32
            %parallel_loop3A_580 = arith.index_cast %parallel_loop3A_579 : i32 to index
            %parallel_loop3A_581 = arith.index_cast %parallel_loop3A_571 : i32 to index
            %parallel_loop3A_582 = arith.constant 0 : index
            %parallel_loop3A_583 = tpu.vector_load %arg11[%parallel_loop3A_580, %parallel_loop3A_581, %parallel_loop3A_582] {strides = array<i32>} : memref<4x128x16xf32, #tpu.memory_space<vmem>>, vector<1x1x16xf32>,
            %parallel_loop3A_584 = vector.shape_cast %parallel_loop3A_583 : vector<1x1x16xf32> to vector<16xf32>
            %parallel_loop3A_585 = arith.addf %parallel_loop3A_578, %parallel_loop3A_584 : vector<16xf32>
            %parallel_loop3A_586 = arith.constant 0.000000e+00 : f32
            %parallel_loop3A_587 = vector.broadcast %parallel_loop3A_586 : f32 to vector<16xf32>
            %parallel_loop3A_588 = arith.cmpf ogt, %parallel_loop3A_585, %parallel_loop3A_587 : vector<16xf32>
            %parallel_loop3A_589 = arith.constant 2.000000e-01 : f32
            %parallel_loop3A_590 = vector.broadcast %parallel_loop3A_589 : f32 to vector<16xf32>
            %parallel_loop3A_591 = arith.mulf %parallel_loop3A_590, %parallel_loop3A_585 : vector<16xf32>
            %parallel_loop3A_592 = arith.select %parallel_loop3A_588, %parallel_loop3A_585, %parallel_loop3A_591 : vector<16xi1>, vector<16xf32>
            %parallel_loop3A_593 = arith.subf %parallel_loop3A_592, %get3A_374 : vector<16xf32>
            %parallel_loop3A_594 = math.exp %parallel_loop3A_593 : vector<16xf32>
            %parallel_loop3A_595 = arith.constant 3 : i32
            %parallel_loop3A_596 = arith.index_cast %rem3A_106 : i32 to index
            %parallel_loop3A_597 = arith.index_cast %parallel_loop3A_595 : i32 to index
            %parallel_loop3A_598 = arith.index_cast %parallel_loop3A_571 : i32 to index
            %parallel_loop3A_599 = arith.constant 32 : index
            %parallel_loop3A_600 = tpu.vector_load %arg10[%parallel_loop3A_596, %parallel_loop3A_597, %parallel_loop3A_598, %parallel_loop3A_599] {strides = array<i32>} : memref<2x4x128x48xf32, #tpu.memory_space<vmem>>, vector<1x1x1x16xf32>,
            %parallel_loop3A_601 = vector.shape_cast %parallel_loop3A_600 : vector<1x1x1x16xf32> to vector<16xf32>
            %parallel_loop3A_602 = vector.shape_cast %parallel_loop3A_594 : vector<16xf32> to vector<1x1x1x16xf32>
            tpu.vector_store %arg10[%parallel_loop3A_596, %parallel_loop3A_597, %parallel_loop3A_598, %parallel_loop3A_599], %parallel_loop3A_602 {strides = array<i32>} : memref<2x4x128x48xf32, #tpu.memory_space<vmem>>, vector<1x1x1x16xf32>,
          } {sc.loop_unroll_factor = 4 : i64, sc.parallel_access}
        } else {
        }
        %add3A_423 = arith.constant 1 : i32
        %add3A_424 = arith.addi %add3A_92, %add3A_423 : i32
        %mul3A_425 = arith.constant 16 : i32
        %mul3A_426 = arith.muli %add3A_424, %mul3A_425 : i32
        %add3A_427 = arith.addi %mul3A_426, %arg1 : i32
        %mul3A_428 = arith.constant 4 : i32
        %mul3A_429 = arith.muli %add3A_427, %mul3A_428 : i32
        %add3A_430 = arith.constant 0 : i32
        %add3A_431 = arith.addi %mul3A_429, %add3A_430 : i32
        %lt3A_432 = arith.constant 1250 : i32
        %lt3A_433 = arith.cmpi slt, %add3A_431, %lt3A_432 : i32
        %convert_element_type3A_434 = arith.extui %lt3A_433 : i1 to i32
        %cond3A_435 = arith.constant 0 : i32
        %cond3A_436 = arith.cmpi ne, %convert_element_type3A_434, %cond3A_435 : i32
        scf.if %cond3A_436 {
          %dma_start3A = arith.constant 0 : i32
          %dma_start3A_569 = arith.constant 0 : i32
          %dma_start3A_570 = arith.constant 0 : i32
          %dma_start3A_571 = arith.constant 0 : i32
          %dma_start3A_572 = tpu.memref_slice %arg11[%dma_start3A_569, %dma_start3A_570, %dma_start3A_571] : memref<4x128x16xf32, #tpu.memory_space<vmem>> -> memref<1x128x16xf32, #tpu.memory_space<vmem>>
          %dma_start3A_573 = tpu.memref_squeeze %dma_start3A_572 : memref<1x128x16xf32, #tpu.memory_space<vmem>> -> memref<128x16xf32, #tpu.memory_space<vmem>>
          %dma_start3A_574 = arith.constant 0 : i32
          %dma_start3A_575 = tpu.memref_slice %arg9[%rem3A_116, %dma_start3A, %dma_start3A_574] : memref<4x4x128xi32, #tpu.memory_space<vmem>> -> memref<1x1x128xi32, #tpu.memory_space<vmem>>
          %dma_start3A_576 = tpu.memref_squeeze %dma_start3A_575 : memref<1x1x128xi32, #tpu.memory_space<vmem>> -> memref<128xi32, #tpu.memory_space<vmem>>
          %dma_start3A_577 = arith.constant 0 : i32
          %dma_start3A_578 = arith.constant 0 : i32
          %dma_start3A_579 = tpu.memref_slice %arg3[%dma_start3A_577, %dma_start3A_578] : memref<10000x16xf32, #tpu.memory_space<hbm>> -> memref<10000x16xf32, #tpu.memory_space<hbm>>
          tpu.enqueue_indirect_dma source(%dma_start3A_579 : memref<10000x16xf32, #tpu.memory_space<hbm>>) target(%dma_start3A_573 : memref<128x16xf32, #tpu.memory_space<vmem>>) offsets(%dma_start3A_576 : memref<128xi32, #tpu.memory_space<vmem>>) semaphore(%arg18 : memref<!tpu.dma_semaphore, #tpu.memory_space<semaphore_mem>>)
        } else {
        }
        %mul3A_437 = arith.constant 16 : i32
        %mul3A_438 = arith.muli %add3A_424, %mul3A_437 : i32
        %add3A_439 = arith.addi %mul3A_438, %arg1 : i32
        %mul3A_440 = arith.constant 4 : i32
        %mul3A_441 = arith.muli %add3A_439, %mul3A_440 : i32
        %add3A_442 = arith.constant 1 : i32
        %add3A_443 = arith.addi %mul3A_441, %add3A_442 : i32
        %lt3A_444 = arith.constant 1250 : i32
        %lt3A_445 = arith.cmpi slt, %add3A_443, %lt3A_444 : i32
        %convert_element_type3A_446 = arith.extui %lt3A_445 : i1 to i32
        %cond3A_447 = arith.constant 0 : i32
        %cond3A_448 = arith.cmpi ne, %convert_element_type3A_446, %cond3A_447 : i32
        scf.if %cond3A_448 {
          %dma_start3A = arith.constant 1 : i32
          %dma_start3A_569 = arith.constant 1 : i32
          %dma_start3A_570 = arith.constant 0 : i32
          %dma_start3A_571 = arith.constant 0 : i32
          %dma_start3A_572 = tpu.memref_slice %arg11[%dma_start3A_569, %dma_start3A_570, %dma_start3A_571] : memref<4x128x16xf32, #tpu.memory_space<vmem>> -> memref<1x128x16xf32, #tpu.memory_space<vmem>>
          %dma_start3A_573 = tpu.memref_squeeze %dma_start3A_572 : memref<1x128x16xf32, #tpu.memory_space<vmem>> -> memref<128x16xf32, #tpu.memory_space<vmem>>
          %dma_start3A_574 = arith.constant 0 : i32
          %dma_start3A_575 = tpu.memref_slice %arg9[%rem3A_116, %dma_start3A, %dma_start3A_574] : memref<4x4x128xi32, #tpu.memory_space<vmem>> -> memref<1x1x128xi32, #tpu.memory_space<vmem>>
          %dma_start3A_576 = tpu.memref_squeeze %dma_start3A_575 : memref<1x1x128xi32, #tpu.memory_space<vmem>> -> memref<128xi32, #tpu.memory_space<vmem>>
          %dma_start3A_577 = arith.constant 0 : i32
          %dma_start3A_578 = arith.constant 0 : i32
          %dma_start3A_579 = tpu.memref_slice %arg3[%dma_start3A_577, %dma_start3A_578] : memref<10000x16xf32, #tpu.memory_space<hbm>> -> memref<10000x16xf32, #tpu.memory_space<hbm>>
          tpu.enqueue_indirect_dma source(%dma_start3A_579 : memref<10000x16xf32, #tpu.memory_space<hbm>>) target(%dma_start3A_573 : memref<128x16xf32, #tpu.memory_space<vmem>>) offsets(%dma_start3A_576 : memref<128xi32, #tpu.memory_space<vmem>>) semaphore(%arg18 : memref<!tpu.dma_semaphore, #tpu.memory_space<semaphore_mem>>)
        } else {
        }
        %mul3A_449 = arith.constant 16 : i32
        %mul3A_450 = arith.muli %add3A_424, %mul3A_449 : i32
        %add3A_451 = arith.addi %mul3A_450, %arg1 : i32
        %mul3A_452 = arith.constant 4 : i32
        %mul3A_453 = arith.muli %add3A_451, %mul3A_452 : i32
        %add3A_454 = arith.constant 2 : i32
        %add3A_455 = arith.addi %mul3A_453, %add3A_454 : i32
        %lt3A_456 = arith.constant 1250 : i32
        %lt3A_457 = arith.cmpi slt, %add3A_455, %lt3A_456 : i32
        %convert_element_type3A_458 = arith.extui %lt3A_457 : i1 to i32
        %cond3A_459 = arith.constant 0 : i32
        %cond3A_460 = arith.cmpi ne, %convert_element_type3A_458, %cond3A_459 : i32
        scf.if %cond3A_460 {
          %dma_start3A = arith.constant 2 : i32
          %dma_start3A_569 = arith.constant 2 : i32
          %dma_start3A_570 = arith.constant 0 : i32
          %dma_start3A_571 = arith.constant 0 : i32
          %dma_start3A_572 = tpu.memref_slice %arg11[%dma_start3A_569, %dma_start3A_570, %dma_start3A_571] : memref<4x128x16xf32, #tpu.memory_space<vmem>> -> memref<1x128x16xf32, #tpu.memory_space<vmem>>
          %dma_start3A_573 = tpu.memref_squeeze %dma_start3A_572 : memref<1x128x16xf32, #tpu.memory_space<vmem>> -> memref<128x16xf32, #tpu.memory_space<vmem>>
          %dma_start3A_574 = arith.constant 0 : i32
          %dma_start3A_575 = tpu.memref_slice %arg9[%rem3A_116, %dma_start3A, %dma_start3A_574] : memref<4x4x128xi32, #tpu.memory_space<vmem>> -> memref<1x1x128xi32, #tpu.memory_space<vmem>>
          %dma_start3A_576 = tpu.memref_squeeze %dma_start3A_575 : memref<1x1x128xi32, #tpu.memory_space<vmem>> -> memref<128xi32, #tpu.memory_space<vmem>>
          %dma_start3A_577 = arith.constant 0 : i32
          %dma_start3A_578 = arith.constant 0 : i32
          %dma_start3A_579 = tpu.memref_slice %arg3[%dma_start3A_577, %dma_start3A_578] : memref<10000x16xf32, #tpu.memory_space<hbm>> -> memref<10000x16xf32, #tpu.memory_space<hbm>>
          tpu.enqueue_indirect_dma source(%dma_start3A_579 : memref<10000x16xf32, #tpu.memory_space<hbm>>) target(%dma_start3A_573 : memref<128x16xf32, #tpu.memory_space<vmem>>) offsets(%dma_start3A_576 : memref<128xi32, #tpu.memory_space<vmem>>) semaphore(%arg18 : memref<!tpu.dma_semaphore, #tpu.memory_space<semaphore_mem>>)
        } else {
        }
        %mul3A_461 = arith.constant 16 : i32
        %mul3A_462 = arith.muli %add3A_424, %mul3A_461 : i32
        %add3A_463 = arith.addi %mul3A_462, %arg1 : i32
        %mul3A_464 = arith.constant 4 : i32
        %mul3A_465 = arith.muli %add3A_463, %mul3A_464 : i32
        %add3A_466 = arith.constant 3 : i32
        %add3A_467 = arith.addi %mul3A_465, %add3A_466 : i32
        %lt3A_468 = arith.constant 1250 : i32
        %lt3A_469 = arith.cmpi slt, %add3A_467, %lt3A_468 : i32
        %convert_element_type3A_470 = arith.extui %lt3A_469 : i1 to i32
        %cond3A_471 = arith.constant 0 : i32
        %cond3A_472 = arith.cmpi ne, %convert_element_type3A_470, %cond3A_471 : i32
        scf.if %cond3A_472 {
          %dma_start3A = arith.constant 3 : i32
          %dma_start3A_569 = arith.constant 3 : i32
          %dma_start3A_570 = arith.constant 0 : i32
          %dma_start3A_571 = arith.constant 0 : i32
          %dma_start3A_572 = tpu.memref_slice %arg11[%dma_start3A_569, %dma_start3A_570, %dma_start3A_571] : memref<4x128x16xf32, #tpu.memory_space<vmem>> -> memref<1x128x16xf32, #tpu.memory_space<vmem>>
          %dma_start3A_573 = tpu.memref_squeeze %dma_start3A_572 : memref<1x128x16xf32, #tpu.memory_space<vmem>> -> memref<128x16xf32, #tpu.memory_space<vmem>>
          %dma_start3A_574 = arith.constant 0 : i32
          %dma_start3A_575 = tpu.memref_slice %arg9[%rem3A_116, %dma_start3A, %dma_start3A_574] : memref<4x4x128xi32, #tpu.memory_space<vmem>> -> memref<1x1x128xi32, #tpu.memory_space<vmem>>
          %dma_start3A_576 = tpu.memref_squeeze %dma_start3A_575 : memref<1x1x128xi32, #tpu.memory_space<vmem>> -> memref<128xi32, #tpu.memory_space<vmem>>
          %dma_start3A_577 = arith.constant 0 : i32
          %dma_start3A_578 = arith.constant 0 : i32
          %dma_start3A_579 = tpu.memref_slice %arg3[%dma_start3A_577, %dma_start3A_578] : memref<10000x16xf32, #tpu.memory_space<hbm>> -> memref<10000x16xf32, #tpu.memory_space<hbm>>
          tpu.enqueue_indirect_dma source(%dma_start3A_579 : memref<10000x16xf32, #tpu.memory_space<hbm>>) target(%dma_start3A_573 : memref<128x16xf32, #tpu.memory_space<vmem>>) offsets(%dma_start3A_576 : memref<128xi32, #tpu.memory_space<vmem>>) semaphore(%arg18 : memref<!tpu.dma_semaphore, #tpu.memory_space<semaphore_mem>>)
        } else {
        }
        %mul3A_473 = arith.constant 16 : i32
        %mul3A_474 = arith.muli %add3A_92, %mul3A_473 : i32
        %add3A_475 = arith.addi %mul3A_474, %arg1 : i32
        %mul3A_476 = arith.constant 4 : i32
        %mul3A_477 = arith.muli %add3A_475, %mul3A_476 : i32
        %add3A_478 = arith.constant 0 : i32
        %add3A_479 = arith.addi %mul3A_477, %add3A_478 : i32
        %lt3A_480 = arith.constant 1250 : i32
        %lt3A_481 = arith.cmpi slt, %add3A_479, %lt3A_480 : i32
        %convert_element_type3A_482 = arith.extui %lt3A_481 : i1 to i32
        %cond3A_483 = arith.constant 0 : i32
        %cond3A_484 = arith.cmpi ne, %convert_element_type3A_482, %cond3A_483 : i32
        scf.if %cond3A_484 {
          %parallel_loop3A = arith.constant 0 : i32
          %parallel_loop3A_569 = arith.constant 128 : i32
          %parallel_loop3A_570 = arith.constant 1 : i32
          scf.for %parallel_loop3A_571 = %parallel_loop3A to %parallel_loop3A_569 step %parallel_loop3A_570  : i32 {
            %parallel_loop3A_572 = arith.constant 0 : i32
            %parallel_loop3A_573 = arith.index_cast %rem3A_106 : i32 to index
            %parallel_loop3A_574 = arith.index_cast %parallel_loop3A_572 : i32 to index
            %parallel_loop3A_575 = arith.index_cast %parallel_loop3A_571 : i32 to index
            %parallel_loop3A_576 = arith.constant 32 : index
            %parallel_loop3A_577 = tpu.vector_load %arg10[%parallel_loop3A_573, %parallel_loop3A_574, %parallel_loop3A_575, %parallel_loop3A_576] {strides = array<i32>} : memref<2x4x128x48xf32, #tpu.memory_space<vmem>>, vector<1x1x1x16xf32>,
            %parallel_loop3A_578 = vector.shape_cast %parallel_loop3A_577 : vector<1x1x1x16xf32> to vector<16xf32>
            %parallel_loop3A_579 = arith.constant 0 : i32
            %parallel_loop3A_580 = arith.index_cast %rem3A_106 : i32 to index
            %parallel_loop3A_581 = arith.index_cast %parallel_loop3A_579 : i32 to index
            %parallel_loop3A_582 = arith.index_cast %parallel_loop3A_571 : i32 to index
            %parallel_loop3A_583 = arith.constant 0 : index
            %parallel_loop3A_584 = tpu.vector_load %arg10[%parallel_loop3A_580, %parallel_loop3A_581, %parallel_loop3A_582, %parallel_loop3A_583] {strides = array<i32>} : memref<2x4x128x48xf32, #tpu.memory_space<vmem>>, vector<1x1x1x16xf32>,
            %parallel_loop3A_585 = vector.shape_cast %parallel_loop3A_584 : vector<1x1x1x16xf32> to vector<16xf32>
            %parallel_loop3A_586 = vector.extract_strided_slice %parallel_loop3A_578 {offsets = [0], sizes = [1], strides = [1]} : vector<16xf32> to vector<1xf32>
            %parallel_loop3A_587 = vector.extract %parallel_loop3A_586[0] : f32 from vector<1xf32>
            %parallel_loop3A_588 = vector.broadcast %parallel_loop3A_587 : f32 to vector<16xf32>
            %parallel_loop3A_589 = arith.mulf %parallel_loop3A_585, %parallel_loop3A_588 : vector<16xf32>
            %parallel_loop3A_590 = arith.constant 0 : i32
            %parallel_loop3A_591 = arith.index_cast %rem3A_106 : i32 to index
            %parallel_loop3A_592 = arith.index_cast %parallel_loop3A_590 : i32 to index
            %parallel_loop3A_593 = arith.index_cast %parallel_loop3A_571 : i32 to index
            %parallel_loop3A_594 = arith.constant 0 : index
            %parallel_loop3A_595 = tpu.vector_load %arg10[%parallel_loop3A_591, %parallel_loop3A_592, %parallel_loop3A_593, %parallel_loop3A_594] {strides = array<i32>} : memref<2x4x128x48xf32, #tpu.memory_space<vmem>>, vector<1x1x1x16xf32>,
            %parallel_loop3A_596 = vector.shape_cast %parallel_loop3A_595 : vector<1x1x1x16xf32> to vector<16xf32>
            %parallel_loop3A_597 = vector.shape_cast %parallel_loop3A_589 : vector<16xf32> to vector<1x1x1x16xf32>
            tpu.vector_store %arg10[%parallel_loop3A_591, %parallel_loop3A_592, %parallel_loop3A_593, %parallel_loop3A_594], %parallel_loop3A_597 {strides = array<i32>} : memref<2x4x128x48xf32, #tpu.memory_space<vmem>>, vector<1x1x1x16xf32>,
            %parallel_loop3A_598 = arith.constant 0 : i32
            %parallel_loop3A_599 = arith.index_cast %rem3A_106 : i32 to index
            %parallel_loop3A_600 = arith.index_cast %parallel_loop3A_598 : i32 to index
            %parallel_loop3A_601 = arith.index_cast %parallel_loop3A_571 : i32 to index
            %parallel_loop3A_602 = arith.constant 16 : index
            %parallel_loop3A_603 = tpu.vector_load %arg10[%parallel_loop3A_599, %parallel_loop3A_600, %parallel_loop3A_601, %parallel_loop3A_602] {strides = array<i32>} : memref<2x4x128x48xf32, #tpu.memory_space<vmem>>, vector<1x1x1x16xf32>,
            %parallel_loop3A_604 = vector.shape_cast %parallel_loop3A_603 : vector<1x1x1x16xf32> to vector<16xf32>
            %parallel_loop3A_605 = vector.extract_strided_slice %parallel_loop3A_578 {offsets = [0], sizes = [1], strides = [1]} : vector<16xf32> to vector<1xf32>
            %parallel_loop3A_606 = vector.extract %parallel_loop3A_605[0] : f32 from vector<1xf32>
            %parallel_loop3A_607 = vector.broadcast %parallel_loop3A_606 : f32 to vector<16xf32>
            %parallel_loop3A_608 = arith.mulf %parallel_loop3A_604, %parallel_loop3A_607 : vector<16xf32>
            %parallel_loop3A_609 = arith.constant 0 : i32
            %parallel_loop3A_610 = arith.index_cast %rem3A_106 : i32 to index
            %parallel_loop3A_611 = arith.index_cast %parallel_loop3A_609 : i32 to index
            %parallel_loop3A_612 = arith.index_cast %parallel_loop3A_571 : i32 to index
            %parallel_loop3A_613 = arith.constant 16 : index
            %parallel_loop3A_614 = tpu.vector_load %arg10[%parallel_loop3A_610, %parallel_loop3A_611, %parallel_loop3A_612, %parallel_loop3A_613] {strides = array<i32>} : memref<2x4x128x48xf32, #tpu.memory_space<vmem>>, vector<1x1x1x16xf32>,
            %parallel_loop3A_615 = vector.shape_cast %parallel_loop3A_614 : vector<1x1x1x16xf32> to vector<16xf32>
            %parallel_loop3A_616 = vector.shape_cast %parallel_loop3A_608 : vector<16xf32> to vector<1x1x1x16xf32>
            tpu.vector_store %arg10[%parallel_loop3A_610, %parallel_loop3A_611, %parallel_loop3A_612, %parallel_loop3A_613], %parallel_loop3A_616 {strides = array<i32>} : memref<2x4x128x48xf32, #tpu.memory_space<vmem>>, vector<1x1x1x16xf32>,
          } {sc.loop_unroll_factor = 2 : i64, sc.parallel_access}
        } else {
        }
        %mul3A_485 = arith.constant 16 : i32
        %mul3A_486 = arith.muli %add3A_92, %mul3A_485 : i32
        %add3A_487 = arith.addi %mul3A_486, %arg1 : i32
        %mul3A_488 = arith.constant 4 : i32
        %mul3A_489 = arith.muli %add3A_487, %mul3A_488 : i32
        %add3A_490 = arith.constant 1 : i32
        %add3A_491 = arith.addi %mul3A_489, %add3A_490 : i32
        %lt3A_492 = arith.constant 1250 : i32
        %lt3A_493 = arith.cmpi slt, %add3A_491, %lt3A_492 : i32
        %convert_element_type3A_494 = arith.extui %lt3A_493 : i1 to i32
        %cond3A_495 = arith.constant 0 : i32
        %cond3A_496 = arith.cmpi ne, %convert_element_type3A_494, %cond3A_495 : i32
        scf.if %cond3A_496 {
          %parallel_loop3A = arith.constant 0 : i32
          %parallel_loop3A_569 = arith.constant 128 : i32
          %parallel_loop3A_570 = arith.constant 1 : i32
          scf.for %parallel_loop3A_571 = %parallel_loop3A to %parallel_loop3A_569 step %parallel_loop3A_570  : i32 {
            %parallel_loop3A_572 = arith.constant 1 : i32
            %parallel_loop3A_573 = arith.index_cast %rem3A_106 : i32 to index
            %parallel_loop3A_574 = arith.index_cast %parallel_loop3A_572 : i32 to index
            %parallel_loop3A_575 = arith.index_cast %parallel_loop3A_571 : i32 to index
            %parallel_loop3A_576 = arith.constant 32 : index
            %parallel_loop3A_577 = tpu.vector_load %arg10[%parallel_loop3A_573, %parallel_loop3A_574, %parallel_loop3A_575, %parallel_loop3A_576] {strides = array<i32>} : memref<2x4x128x48xf32, #tpu.memory_space<vmem>>, vector<1x1x1x16xf32>,
            %parallel_loop3A_578 = vector.shape_cast %parallel_loop3A_577 : vector<1x1x1x16xf32> to vector<16xf32>
            %parallel_loop3A_579 = arith.constant 1 : i32
            %parallel_loop3A_580 = arith.index_cast %rem3A_106 : i32 to index
            %parallel_loop3A_581 = arith.index_cast %parallel_loop3A_579 : i32 to index
            %parallel_loop3A_582 = arith.index_cast %parallel_loop3A_571 : i32 to index
            %parallel_loop3A_583 = arith.constant 0 : index
            %parallel_loop3A_584 = tpu.vector_load %arg10[%parallel_loop3A_580, %parallel_loop3A_581, %parallel_loop3A_582, %parallel_loop3A_583] {strides = array<i32>} : memref<2x4x128x48xf32, #tpu.memory_space<vmem>>, vector<1x1x1x16xf32>,
            %parallel_loop3A_585 = vector.shape_cast %parallel_loop3A_584 : vector<1x1x1x16xf32> to vector<16xf32>
            %parallel_loop3A_586 = vector.extract_strided_slice %parallel_loop3A_578 {offsets = [0], sizes = [1], strides = [1]} : vector<16xf32> to vector<1xf32>
            %parallel_loop3A_587 = vector.extract %parallel_loop3A_586[0] : f32 from vector<1xf32>
            %parallel_loop3A_588 = vector.broadcast %parallel_loop3A_587 : f32 to vector<16xf32>
            %parallel_loop3A_589 = arith.mulf %parallel_loop3A_585, %parallel_loop3A_588 : vector<16xf32>
            %parallel_loop3A_590 = arith.constant 1 : i32
            %parallel_loop3A_591 = arith.index_cast %rem3A_106 : i32 to index
            %parallel_loop3A_592 = arith.index_cast %parallel_loop3A_590 : i32 to index
            %parallel_loop3A_593 = arith.index_cast %parallel_loop3A_571 : i32 to index
            %parallel_loop3A_594 = arith.constant 0 : index
            %parallel_loop3A_595 = tpu.vector_load %arg10[%parallel_loop3A_591, %parallel_loop3A_592, %parallel_loop3A_593, %parallel_loop3A_594] {strides = array<i32>} : memref<2x4x128x48xf32, #tpu.memory_space<vmem>>, vector<1x1x1x16xf32>,
            %parallel_loop3A_596 = vector.shape_cast %parallel_loop3A_595 : vector<1x1x1x16xf32> to vector<16xf32>
            %parallel_loop3A_597 = vector.shape_cast %parallel_loop3A_589 : vector<16xf32> to vector<1x1x1x16xf32>
            tpu.vector_store %arg10[%parallel_loop3A_591, %parallel_loop3A_592, %parallel_loop3A_593, %parallel_loop3A_594], %parallel_loop3A_597 {strides = array<i32>} : memref<2x4x128x48xf32, #tpu.memory_space<vmem>>, vector<1x1x1x16xf32>,
            %parallel_loop3A_598 = arith.constant 1 : i32
            %parallel_loop3A_599 = arith.index_cast %rem3A_106 : i32 to index
            %parallel_loop3A_600 = arith.index_cast %parallel_loop3A_598 : i32 to index
            %parallel_loop3A_601 = arith.index_cast %parallel_loop3A_571 : i32 to index
            %parallel_loop3A_602 = arith.constant 16 : index
            %parallel_loop3A_603 = tpu.vector_load %arg10[%parallel_loop3A_599, %parallel_loop3A_600, %parallel_loop3A_601, %parallel_loop3A_602] {strides = array<i32>} : memref<2x4x128x48xf32, #tpu.memory_space<vmem>>, vector<1x1x1x16xf32>,
            %parallel_loop3A_604 = vector.shape_cast %parallel_loop3A_603 : vector<1x1x1x16xf32> to vector<16xf32>
            %parallel_loop3A_605 = vector.extract_strided_slice %parallel_loop3A_578 {offsets = [0], sizes = [1], strides = [1]} : vector<16xf32> to vector<1xf32>
            %parallel_loop3A_606 = vector.extract %parallel_loop3A_605[0] : f32 from vector<1xf32>
            %parallel_loop3A_607 = vector.broadcast %parallel_loop3A_606 : f32 to vector<16xf32>
            %parallel_loop3A_608 = arith.mulf %parallel_loop3A_604, %parallel_loop3A_607 : vector<16xf32>
            %parallel_loop3A_609 = arith.constant 1 : i32
            %parallel_loop3A_610 = arith.index_cast %rem3A_106 : i32 to index
            %parallel_loop3A_611 = arith.index_cast %parallel_loop3A_609 : i32 to index
            %parallel_loop3A_612 = arith.index_cast %parallel_loop3A_571 : i32 to index
            %parallel_loop3A_613 = arith.constant 16 : index
            %parallel_loop3A_614 = tpu.vector_load %arg10[%parallel_loop3A_610, %parallel_loop3A_611, %parallel_loop3A_612, %parallel_loop3A_613] {strides = array<i32>} : memref<2x4x128x48xf32, #tpu.memory_space<vmem>>, vector<1x1x1x16xf32>,
            %parallel_loop3A_615 = vector.shape_cast %parallel_loop3A_614 : vector<1x1x1x16xf32> to vector<16xf32>
            %parallel_loop3A_616 = vector.shape_cast %parallel_loop3A_608 : vector<16xf32> to vector<1x1x1x16xf32>
            tpu.vector_store %arg10[%parallel_loop3A_610, %parallel_loop3A_611, %parallel_loop3A_612, %parallel_loop3A_613], %parallel_loop3A_616 {strides = array<i32>} : memref<2x4x128x48xf32, #tpu.memory_space<vmem>>, vector<1x1x1x16xf32>,
          } {sc.loop_unroll_factor = 2 : i64, sc.parallel_access}
        } else {
        }
        %mul3A_497 = arith.constant 16 : i32
        %mul3A_498 = arith.muli %add3A_92, %mul3A_497 : i32
        %add3A_499 = arith.addi %mul3A_498, %arg1 : i32
        %mul3A_500 = arith.constant 4 : i32
        %mul3A_501 = arith.muli %add3A_499, %mul3A_500 : i32
        %add3A_502 = arith.constant 2 : i32
        %add3A_503 = arith.addi %mul3A_501, %add3A_502 : i32
        %lt3A_504 = arith.constant 1250 : i32
        %lt3A_505 = arith.cmpi slt, %add3A_503, %lt3A_504 : i32
        %convert_element_type3A_506 = arith.extui %lt3A_505 : i1 to i32
        %cond3A_507 = arith.constant 0 : i32
        %cond3A_508 = arith.cmpi ne, %convert_element_type3A_506, %cond3A_507 : i32
        scf.if %cond3A_508 {
          %parallel_loop3A = arith.constant 0 : i32
          %parallel_loop3A_569 = arith.constant 128 : i32
          %parallel_loop3A_570 = arith.constant 1 : i32
          scf.for %parallel_loop3A_571 = %parallel_loop3A to %parallel_loop3A_569 step %parallel_loop3A_570  : i32 {
            %parallel_loop3A_572 = arith.constant 2 : i32
            %parallel_loop3A_573 = arith.index_cast %rem3A_106 : i32 to index
            %parallel_loop3A_574 = arith.index_cast %parallel_loop3A_572 : i32 to index
            %parallel_loop3A_575 = arith.index_cast %parallel_loop3A_571 : i32 to index
            %parallel_loop3A_576 = arith.constant 32 : index
            %parallel_loop3A_577 = tpu.vector_load %arg10[%parallel_loop3A_573, %parallel_loop3A_574, %parallel_loop3A_575, %parallel_loop3A_576] {strides = array<i32>} : memref<2x4x128x48xf32, #tpu.memory_space<vmem>>, vector<1x1x1x16xf32>,
            %parallel_loop3A_578 = vector.shape_cast %parallel_loop3A_577 : vector<1x1x1x16xf32> to vector<16xf32>
            %parallel_loop3A_579 = arith.constant 2 : i32
            %parallel_loop3A_580 = arith.index_cast %rem3A_106 : i32 to index
            %parallel_loop3A_581 = arith.index_cast %parallel_loop3A_579 : i32 to index
            %parallel_loop3A_582 = arith.index_cast %parallel_loop3A_571 : i32 to index
            %parallel_loop3A_583 = arith.constant 0 : index
            %parallel_loop3A_584 = tpu.vector_load %arg10[%parallel_loop3A_580, %parallel_loop3A_581, %parallel_loop3A_582, %parallel_loop3A_583] {strides = array<i32>} : memref<2x4x128x48xf32, #tpu.memory_space<vmem>>, vector<1x1x1x16xf32>,
            %parallel_loop3A_585 = vector.shape_cast %parallel_loop3A_584 : vector<1x1x1x16xf32> to vector<16xf32>
            %parallel_loop3A_586 = vector.extract_strided_slice %parallel_loop3A_578 {offsets = [0], sizes = [1], strides = [1]} : vector<16xf32> to vector<1xf32>
            %parallel_loop3A_587 = vector.extract %parallel_loop3A_586[0] : f32 from vector<1xf32>
            %parallel_loop3A_588 = vector.broadcast %parallel_loop3A_587 : f32 to vector<16xf32>
            %parallel_loop3A_589 = arith.mulf %parallel_loop3A_585, %parallel_loop3A_588 : vector<16xf32>
            %parallel_loop3A_590 = arith.constant 2 : i32
            %parallel_loop3A_591 = arith.index_cast %rem3A_106 : i32 to index
            %parallel_loop3A_592 = arith.index_cast %parallel_loop3A_590 : i32 to index
            %parallel_loop3A_593 = arith.index_cast %parallel_loop3A_571 : i32 to index
            %parallel_loop3A_594 = arith.constant 0 : index
            %parallel_loop3A_595 = tpu.vector_load %arg10[%parallel_loop3A_591, %parallel_loop3A_592, %parallel_loop3A_593, %parallel_loop3A_594] {strides = array<i32>} : memref<2x4x128x48xf32, #tpu.memory_space<vmem>>, vector<1x1x1x16xf32>,
            %parallel_loop3A_596 = vector.shape_cast %parallel_loop3A_595 : vector<1x1x1x16xf32> to vector<16xf32>
            %parallel_loop3A_597 = vector.shape_cast %parallel_loop3A_589 : vector<16xf32> to vector<1x1x1x16xf32>
            tpu.vector_store %arg10[%parallel_loop3A_591, %parallel_loop3A_592, %parallel_loop3A_593, %parallel_loop3A_594], %parallel_loop3A_597 {strides = array<i32>} : memref<2x4x128x48xf32, #tpu.memory_space<vmem>>, vector<1x1x1x16xf32>,
            %parallel_loop3A_598 = arith.constant 2 : i32
            %parallel_loop3A_599 = arith.index_cast %rem3A_106 : i32 to index
            %parallel_loop3A_600 = arith.index_cast %parallel_loop3A_598 : i32 to index
            %parallel_loop3A_601 = arith.index_cast %parallel_loop3A_571 : i32 to index
            %parallel_loop3A_602 = arith.constant 16 : index
            %parallel_loop3A_603 = tpu.vector_load %arg10[%parallel_loop3A_599, %parallel_loop3A_600, %parallel_loop3A_601, %parallel_loop3A_602] {strides = array<i32>} : memref<2x4x128x48xf32, #tpu.memory_space<vmem>>, vector<1x1x1x16xf32>,
            %parallel_loop3A_604 = vector.shape_cast %parallel_loop3A_603 : vector<1x1x1x16xf32> to vector<16xf32>
            %parallel_loop3A_605 = vector.extract_strided_slice %parallel_loop3A_578 {offsets = [0], sizes = [1], strides = [1]} : vector<16xf32> to vector<1xf32>
            %parallel_loop3A_606 = vector.extract %parallel_loop3A_605[0] : f32 from vector<1xf32>
            %parallel_loop3A_607 = vector.broadcast %parallel_loop3A_606 : f32 to vector<16xf32>
            %parallel_loop3A_608 = arith.mulf %parallel_loop3A_604, %parallel_loop3A_607 : vector<16xf32>
            %parallel_loop3A_609 = arith.constant 2 : i32
            %parallel_loop3A_610 = arith.index_cast %rem3A_106 : i32 to index
            %parallel_loop3A_611 = arith.index_cast %parallel_loop3A_609 : i32 to index
            %parallel_loop3A_612 = arith.index_cast %parallel_loop3A_571 : i32 to index
            %parallel_loop3A_613 = arith.constant 16 : index
            %parallel_loop3A_614 = tpu.vector_load %arg10[%parallel_loop3A_610, %parallel_loop3A_611, %parallel_loop3A_612, %parallel_loop3A_613] {strides = array<i32>} : memref<2x4x128x48xf32, #tpu.memory_space<vmem>>, vector<1x1x1x16xf32>,
            %parallel_loop3A_615 = vector.shape_cast %parallel_loop3A_614 : vector<1x1x1x16xf32> to vector<16xf32>
            %parallel_loop3A_616 = vector.shape_cast %parallel_loop3A_608 : vector<16xf32> to vector<1x1x1x16xf32>
            tpu.vector_store %arg10[%parallel_loop3A_610, %parallel_loop3A_611, %parallel_loop3A_612, %parallel_loop3A_613], %parallel_loop3A_616 {strides = array<i32>} : memref<2x4x128x48xf32, #tpu.memory_space<vmem>>, vector<1x1x1x16xf32>,
          } {sc.loop_unroll_factor = 2 : i64, sc.parallel_access}
        } else {
        }
        %mul3A_509 = arith.constant 16 : i32
        %mul3A_510 = arith.muli %add3A_92, %mul3A_509 : i32
        %add3A_511 = arith.addi %mul3A_510, %arg1 : i32
        %mul3A_512 = arith.constant 4 : i32
        %mul3A_513 = arith.muli %add3A_511, %mul3A_512 : i32
        %add3A_514 = arith.constant 3 : i32
        %add3A_515 = arith.addi %mul3A_513, %add3A_514 : i32
        %lt3A_516 = arith.constant 1250 : i32
        %lt3A_517 = arith.cmpi slt, %add3A_515, %lt3A_516 : i32
        %convert_element_type3A_518 = arith.extui %lt3A_517 : i1 to i32
        %cond3A_519 = arith.constant 0 : i32
        %cond3A_520 = arith.cmpi ne, %convert_element_type3A_518, %cond3A_519 : i32
        scf.if %cond3A_520 {
          %parallel_loop3A = arith.constant 0 : i32
          %parallel_loop3A_569 = arith.constant 128 : i32
          %parallel_loop3A_570 = arith.constant 1 : i32
          scf.for %parallel_loop3A_571 = %parallel_loop3A to %parallel_loop3A_569 step %parallel_loop3A_570  : i32 {
            %parallel_loop3A_572 = arith.constant 3 : i32
            %parallel_loop3A_573 = arith.index_cast %rem3A_106 : i32 to index
            %parallel_loop3A_574 = arith.index_cast %parallel_loop3A_572 : i32 to index
            %parallel_loop3A_575 = arith.index_cast %parallel_loop3A_571 : i32 to index
            %parallel_loop3A_576 = arith.constant 32 : index
            %parallel_loop3A_577 = tpu.vector_load %arg10[%parallel_loop3A_573, %parallel_loop3A_574, %parallel_loop3A_575, %parallel_loop3A_576] {strides = array<i32>} : memref<2x4x128x48xf32, #tpu.memory_space<vmem>>, vector<1x1x1x16xf32>,
            %parallel_loop3A_578 = vector.shape_cast %parallel_loop3A_577 : vector<1x1x1x16xf32> to vector<16xf32>
            %parallel_loop3A_579 = arith.constant 3 : i32
            %parallel_loop3A_580 = arith.index_cast %rem3A_106 : i32 to index
            %parallel_loop3A_581 = arith.index_cast %parallel_loop3A_579 : i32 to index
            %parallel_loop3A_582 = arith.index_cast %parallel_loop3A_571 : i32 to index
            %parallel_loop3A_583 = arith.constant 0 : index
            %parallel_loop3A_584 = tpu.vector_load %arg10[%parallel_loop3A_580, %parallel_loop3A_581, %parallel_loop3A_582, %parallel_loop3A_583] {strides = array<i32>} : memref<2x4x128x48xf32, #tpu.memory_space<vmem>>, vector<1x1x1x16xf32>,
            %parallel_loop3A_585 = vector.shape_cast %parallel_loop3A_584 : vector<1x1x1x16xf32> to vector<16xf32>
            %parallel_loop3A_586 = vector.extract_strided_slice %parallel_loop3A_578 {offsets = [0], sizes = [1], strides = [1]} : vector<16xf32> to vector<1xf32>
            %parallel_loop3A_587 = vector.extract %parallel_loop3A_586[0] : f32 from vector<1xf32>
            %parallel_loop3A_588 = vector.broadcast %parallel_loop3A_587 : f32 to vector<16xf32>
            %parallel_loop3A_589 = arith.mulf %parallel_loop3A_585, %parallel_loop3A_588 : vector<16xf32>
            %parallel_loop3A_590 = arith.constant 3 : i32
            %parallel_loop3A_591 = arith.index_cast %rem3A_106 : i32 to index
            %parallel_loop3A_592 = arith.index_cast %parallel_loop3A_590 : i32 to index
            %parallel_loop3A_593 = arith.index_cast %parallel_loop3A_571 : i32 to index
            %parallel_loop3A_594 = arith.constant 0 : index
            %parallel_loop3A_595 = tpu.vector_load %arg10[%parallel_loop3A_591, %parallel_loop3A_592, %parallel_loop3A_593, %parallel_loop3A_594] {strides = array<i32>} : memref<2x4x128x48xf32, #tpu.memory_space<vmem>>, vector<1x1x1x16xf32>,
            %parallel_loop3A_596 = vector.shape_cast %parallel_loop3A_595 : vector<1x1x1x16xf32> to vector<16xf32>
            %parallel_loop3A_597 = vector.shape_cast %parallel_loop3A_589 : vector<16xf32> to vector<1x1x1x16xf32>
            tpu.vector_store %arg10[%parallel_loop3A_591, %parallel_loop3A_592, %parallel_loop3A_593, %parallel_loop3A_594], %parallel_loop3A_597 {strides = array<i32>} : memref<2x4x128x48xf32, #tpu.memory_space<vmem>>, vector<1x1x1x16xf32>,
            %parallel_loop3A_598 = arith.constant 3 : i32
            %parallel_loop3A_599 = arith.index_cast %rem3A_106 : i32 to index
            %parallel_loop3A_600 = arith.index_cast %parallel_loop3A_598 : i32 to index
            %parallel_loop3A_601 = arith.index_cast %parallel_loop3A_571 : i32 to index
            %parallel_loop3A_602 = arith.constant 16 : index
            %parallel_loop3A_603 = tpu.vector_load %arg10[%parallel_loop3A_599, %parallel_loop3A_600, %parallel_loop3A_601, %parallel_loop3A_602] {strides = array<i32>} : memref<2x4x128x48xf32, #tpu.memory_space<vmem>>, vector<1x1x1x16xf32>,
            %parallel_loop3A_604 = vector.shape_cast %parallel_loop3A_603 : vector<1x1x1x16xf32> to vector<16xf32>
            %parallel_loop3A_605 = vector.extract_strided_slice %parallel_loop3A_578 {offsets = [0], sizes = [1], strides = [1]} : vector<16xf32> to vector<1xf32>
            %parallel_loop3A_606 = vector.extract %parallel_loop3A_605[0] : f32 from vector<1xf32>
            %parallel_loop3A_607 = vector.broadcast %parallel_loop3A_606 : f32 to vector<16xf32>
            %parallel_loop3A_608 = arith.mulf %parallel_loop3A_604, %parallel_loop3A_607 : vector<16xf32>
            %parallel_loop3A_609 = arith.constant 3 : i32
            %parallel_loop3A_610 = arith.index_cast %rem3A_106 : i32 to index
            %parallel_loop3A_611 = arith.index_cast %parallel_loop3A_609 : i32 to index
            %parallel_loop3A_612 = arith.index_cast %parallel_loop3A_571 : i32 to index
            %parallel_loop3A_613 = arith.constant 16 : index
            %parallel_loop3A_614 = tpu.vector_load %arg10[%parallel_loop3A_610, %parallel_loop3A_611, %parallel_loop3A_612, %parallel_loop3A_613] {strides = array<i32>} : memref<2x4x128x48xf32, #tpu.memory_space<vmem>>, vector<1x1x1x16xf32>,
            %parallel_loop3A_615 = vector.shape_cast %parallel_loop3A_614 : vector<1x1x1x16xf32> to vector<16xf32>
            %parallel_loop3A_616 = vector.shape_cast %parallel_loop3A_608 : vector<16xf32> to vector<1x1x1x16xf32>
            tpu.vector_store %arg10[%parallel_loop3A_610, %parallel_loop3A_611, %parallel_loop3A_612, %parallel_loop3A_613], %parallel_loop3A_616 {strides = array<i32>} : memref<2x4x128x48xf32, #tpu.memory_space<vmem>>, vector<1x1x1x16xf32>,
          } {sc.loop_unroll_factor = 2 : i64, sc.parallel_access}
        } else {
        }
        %mul3A_521 = arith.constant 16 : i32
        %mul3A_522 = arith.muli %add3A_92, %mul3A_521 : i32
        %add3A_523 = arith.addi %mul3A_522, %arg1 : i32
        %mul3A_524 = arith.constant 4 : i32
        %mul3A_525 = arith.muli %add3A_523, %mul3A_524 : i32
        %add3A_526 = arith.constant 0 : i32
        %add3A_527 = arith.addi %mul3A_525, %add3A_526 : i32
        %lt3A_528 = arith.constant 1250 : i32
        %lt3A_529 = arith.cmpi slt, %add3A_527, %lt3A_528 : i32
        %convert_element_type3A_530 = arith.extui %lt3A_529 : i1 to i32
        %cond3A_531 = arith.constant 0 : i32
        %cond3A_532 = arith.cmpi ne, %convert_element_type3A_530, %cond3A_531 : i32
        scf.if %cond3A_532 {
          %dma_start3A = arith.constant 0 : i32
          %dma_start3A_569 = arith.constant 0 : i32
          %dma_start3A_570 = arith.constant 0 : i32
          %dma_start3A_571 = arith.constant 0 : i32
          %dma_start3A_572 = tpu.memref_slice %arg10[%rem3A_106, %dma_start3A, %dma_start3A_570, %dma_start3A_571] : memref<2x4x128x48xf32, #tpu.memory_space<vmem>> -> memref<1x1x128x48xf32, #tpu.memory_space<vmem>>
          %dma_start3A_573 = tpu.memref_squeeze %dma_start3A_572 : memref<1x1x128x48xf32, #tpu.memory_space<vmem>> -> memref<128x48xf32, #tpu.memory_space<vmem>>
          %dma_start3A_574 = arith.constant 0 : i32
          %dma_start3A_575 = tpu.memref_slice %arg9[%rem3A_112, %dma_start3A_569, %dma_start3A_574] : memref<4x4x128xi32, #tpu.memory_space<vmem>> -> memref<1x1x128xi32, #tpu.memory_space<vmem>>
          %dma_start3A_576 = tpu.memref_squeeze %dma_start3A_575 : memref<1x1x128xi32, #tpu.memory_space<vmem>> -> memref<128xi32, #tpu.memory_space<vmem>>
          %dma_start3A_577 = arith.constant 0 : i32
          %dma_start3A_578 = arith.constant 0 : i32
          %dma_start3A_579 = tpu.memref_slice %arg14[%dma_start3A_577, %dma_start3A_578] : memref<10000x48xf32, #tpu.memory_space<vmem_shared>> -> memref<10000x48xf32, #tpu.memory_space<vmem_shared>>
          %dma_start3A_580 = tpu.memref_slice %arg19[%rem3A_106] : memref<2x!tpu.dma_semaphore, #tpu.memory_space<semaphore_mem>> -> memref<1x!tpu.dma_semaphore, #tpu.memory_space<semaphore_mem>>
          %dma_start3A_581 = tpu.memref_squeeze %dma_start3A_580 : memref<1x!tpu.dma_semaphore, #tpu.memory_space<semaphore_mem>> -> memref<!tpu.dma_semaphore, #tpu.memory_space<semaphore_mem>>
          tpu.enqueue_indirect_dma source(%dma_start3A_573 : memref<128x48xf32, #tpu.memory_space<vmem>>) target(%dma_start3A_579 : memref<10000x48xf32, #tpu.memory_space<vmem_shared>>) offsets(%dma_start3A_576 : memref<128xi32, #tpu.memory_space<vmem>>) semaphore(%dma_start3A_581 : memref<!tpu.dma_semaphore, #tpu.memory_space<semaphore_mem>>) {add = true}
        } else {
        }
        %mul3A_533 = arith.constant 16 : i32
        %mul3A_534 = arith.muli %add3A_92, %mul3A_533 : i32
        %add3A_535 = arith.addi %mul3A_534, %arg1 : i32
        %mul3A_536 = arith.constant 4 : i32
        %mul3A_537 = arith.muli %add3A_535, %mul3A_536 : i32
        %add3A_538 = arith.constant 1 : i32
        %add3A_539 = arith.addi %mul3A_537, %add3A_538 : i32
        %lt3A_540 = arith.constant 1250 : i32
        %lt3A_541 = arith.cmpi slt, %add3A_539, %lt3A_540 : i32
        %convert_element_type3A_542 = arith.extui %lt3A_541 : i1 to i32
        %cond3A_543 = arith.constant 0 : i32
        %cond3A_544 = arith.cmpi ne, %convert_element_type3A_542, %cond3A_543 : i32
        scf.if %cond3A_544 {
          %dma_start3A = arith.constant 1 : i32
          %dma_start3A_569 = arith.constant 1 : i32
          %dma_start3A_570 = arith.constant 0 : i32
          %dma_start3A_571 = arith.constant 0 : i32
          %dma_start3A_572 = tpu.memref_slice %arg10[%rem3A_106, %dma_start3A, %dma_start3A_570, %dma_start3A_571] : memref<2x4x128x48xf32, #tpu.memory_space<vmem>> -> memref<1x1x128x48xf32, #tpu.memory_space<vmem>>
          %dma_start3A_573 = tpu.memref_squeeze %dma_start3A_572 : memref<1x1x128x48xf32, #tpu.memory_space<vmem>> -> memref<128x48xf32, #tpu.memory_space<vmem>>
          %dma_start3A_574 = arith.constant 0 : i32
          %dma_start3A_575 = tpu.memref_slice %arg9[%rem3A_112, %dma_start3A_569, %dma_start3A_574] : memref<4x4x128xi32, #tpu.memory_space<vmem>> -> memref<1x1x128xi32, #tpu.memory_space<vmem>>
          %dma_start3A_576 = tpu.memref_squeeze %dma_start3A_575 : memref<1x1x128xi32, #tpu.memory_space<vmem>> -> memref<128xi32, #tpu.memory_space<vmem>>
          %dma_start3A_577 = arith.constant 0 : i32
          %dma_start3A_578 = arith.constant 0 : i32
          %dma_start3A_579 = tpu.memref_slice %arg14[%dma_start3A_577, %dma_start3A_578] : memref<10000x48xf32, #tpu.memory_space<vmem_shared>> -> memref<10000x48xf32, #tpu.memory_space<vmem_shared>>
          %dma_start3A_580 = tpu.memref_slice %arg19[%rem3A_106] : memref<2x!tpu.dma_semaphore, #tpu.memory_space<semaphore_mem>> -> memref<1x!tpu.dma_semaphore, #tpu.memory_space<semaphore_mem>>
          %dma_start3A_581 = tpu.memref_squeeze %dma_start3A_580 : memref<1x!tpu.dma_semaphore, #tpu.memory_space<semaphore_mem>> -> memref<!tpu.dma_semaphore, #tpu.memory_space<semaphore_mem>>
          tpu.enqueue_indirect_dma source(%dma_start3A_573 : memref<128x48xf32, #tpu.memory_space<vmem>>) target(%dma_start3A_579 : memref<10000x48xf32, #tpu.memory_space<vmem_shared>>) offsets(%dma_start3A_576 : memref<128xi32, #tpu.memory_space<vmem>>) semaphore(%dma_start3A_581 : memref<!tpu.dma_semaphore, #tpu.memory_space<semaphore_mem>>) {add = true}
        } else {
        }
        %mul3A_545 = arith.constant 16 : i32
        %mul3A_546 = arith.muli %add3A_92, %mul3A_545 : i32
        %add3A_547 = arith.addi %mul3A_546, %arg1 : i32
        %mul3A_548 = arith.constant 4 : i32
        %mul3A_549 = arith.muli %add3A_547, %mul3A_548 : i32
        %add3A_550 = arith.constant 2 : i32
        %add3A_551 = arith.addi %mul3A_549, %add3A_550 : i32
        %lt3A_552 = arith.constant 1250 : i32
        %lt3A_553 = arith.cmpi slt, %add3A_551, %lt3A_552 : i32
        %convert_element_type3A_554 = arith.extui %lt3A_553 : i1 to i32
        %cond3A_555 = arith.constant 0 : i32
        %cond3A_556 = arith.cmpi ne, %convert_element_type3A_554, %cond3A_555 : i32
        scf.if %cond3A_556 {
          %dma_start3A = arith.constant 2 : i32
          %dma_start3A_569 = arith.constant 2 : i32
          %dma_start3A_570 = arith.constant 0 : i32
          %dma_start3A_571 = arith.constant 0 : i32
          %dma_start3A_572 = tpu.memref_slice %arg10[%rem3A_106, %dma_start3A, %dma_start3A_570, %dma_start3A_571] : memref<2x4x128x48xf32, #tpu.memory_space<vmem>> -> memref<1x1x128x48xf32, #tpu.memory_space<vmem>>
          %dma_start3A_573 = tpu.memref_squeeze %dma_start3A_572 : memref<1x1x128x48xf32, #tpu.memory_space<vmem>> -> memref<128x48xf32, #tpu.memory_space<vmem>>
          %dma_start3A_574 = arith.constant 0 : i32
          %dma_start3A_575 = tpu.memref_slice %arg9[%rem3A_112, %dma_start3A_569, %dma_start3A_574] : memref<4x4x128xi32, #tpu.memory_space<vmem>> -> memref<1x1x128xi32, #tpu.memory_space<vmem>>
          %dma_start3A_576 = tpu.memref_squeeze %dma_start3A_575 : memref<1x1x128xi32, #tpu.memory_space<vmem>> -> memref<128xi32, #tpu.memory_space<vmem>>
          %dma_start3A_577 = arith.constant 0 : i32
          %dma_start3A_578 = arith.constant 0 : i32
          %dma_start3A_579 = tpu.memref_slice %arg14[%dma_start3A_577, %dma_start3A_578] : memref<10000x48xf32, #tpu.memory_space<vmem_shared>> -> memref<10000x48xf32, #tpu.memory_space<vmem_shared>>
          %dma_start3A_580 = tpu.memref_slice %arg19[%rem3A_106] : memref<2x!tpu.dma_semaphore, #tpu.memory_space<semaphore_mem>> -> memref<1x!tpu.dma_semaphore, #tpu.memory_space<semaphore_mem>>
          %dma_start3A_581 = tpu.memref_squeeze %dma_start3A_580 : memref<1x!tpu.dma_semaphore, #tpu.memory_space<semaphore_mem>> -> memref<!tpu.dma_semaphore, #tpu.memory_space<semaphore_mem>>
          tpu.enqueue_indirect_dma source(%dma_start3A_573 : memref<128x48xf32, #tpu.memory_space<vmem>>) target(%dma_start3A_579 : memref<10000x48xf32, #tpu.memory_space<vmem_shared>>) offsets(%dma_start3A_576 : memref<128xi32, #tpu.memory_space<vmem>>) semaphore(%dma_start3A_581 : memref<!tpu.dma_semaphore, #tpu.memory_space<semaphore_mem>>) {add = true}
        } else {
        }
        %mul3A_557 = arith.constant 16 : i32
        %mul3A_558 = arith.muli %add3A_92, %mul3A_557 : i32
        %add3A_559 = arith.addi %mul3A_558, %arg1 : i32
        %mul3A_560 = arith.constant 4 : i32
        %mul3A_561 = arith.muli %add3A_559, %mul3A_560 : i32
        %add3A_562 = arith.constant 3 : i32
        %add3A_563 = arith.addi %mul3A_561, %add3A_562 : i32
        %lt3A_564 = arith.constant 1250 : i32
        %lt3A_565 = arith.cmpi slt, %add3A_563, %lt3A_564 : i32
        %convert_element_type3A_566 = arith.extui %lt3A_565 : i1 to i32
        %cond3A_567 = arith.constant 0 : i32
        %cond3A_568 = arith.cmpi ne, %convert_element_type3A_566, %cond3A_567 : i32
        scf.if %cond3A_568 {
          %dma_start3A = arith.constant 3 : i32
          %dma_start3A_569 = arith.constant 3 : i32
          %dma_start3A_570 = arith.constant 0 : i32
          %dma_start3A_571 = arith.constant 0 : i32
          %dma_start3A_572 = tpu.memref_slice %arg10[%rem3A_106, %dma_start3A, %dma_start3A_570, %dma_start3A_571] : memref<2x4x128x48xf32, #tpu.memory_space<vmem>> -> memref<1x1x128x48xf32, #tpu.memory_space<vmem>>
          %dma_start3A_573 = tpu.memref_squeeze %dma_start3A_572 : memref<1x1x128x48xf32, #tpu.memory_space<vmem>> -> memref<128x48xf32, #tpu.memory_space<vmem>>
          %dma_start3A_574 = arith.constant 0 : i32
          %dma_start3A_575 = tpu.memref_slice %arg9[%rem3A_112, %dma_start3A_569, %dma_start3A_574] : memref<4x4x128xi32, #tpu.memory_space<vmem>> -> memref<1x1x128xi32, #tpu.memory_space<vmem>>
          %dma_start3A_576 = tpu.memref_squeeze %dma_start3A_575 : memref<1x1x128xi32, #tpu.memory_space<vmem>> -> memref<128xi32, #tpu.memory_space<vmem>>
          %dma_start3A_577 = arith.constant 0 : i32
          %dma_start3A_578 = arith.constant 0 : i32
          %dma_start3A_579 = tpu.memref_slice %arg14[%dma_start3A_577, %dma_start3A_578] : memref<10000x48xf32, #tpu.memory_space<vmem_shared>> -> memref<10000x48xf32, #tpu.memory_space<vmem_shared>>
          %dma_start3A_580 = tpu.memref_slice %arg19[%rem3A_106] : memref<2x!tpu.dma_semaphore, #tpu.memory_space<semaphore_mem>> -> memref<1x!tpu.dma_semaphore, #tpu.memory_space<semaphore_mem>>
          %dma_start3A_581 = tpu.memref_squeeze %dma_start3A_580 : memref<1x!tpu.dma_semaphore, #tpu.memory_space<semaphore_mem>> -> memref<!tpu.dma_semaphore, #tpu.memory_space<semaphore_mem>>
          tpu.enqueue_indirect_dma source(%dma_start3A_573 : memref<128x48xf32, #tpu.memory_space<vmem>>) target(%dma_start3A_579 : memref<10000x48xf32, #tpu.memory_space<vmem_shared>>) offsets(%dma_start3A_576 : memref<128xi32, #tpu.memory_space<vmem>>) semaphore(%dma_start3A_581 : memref<!tpu.dma_semaphore, #tpu.memory_space<semaphore_mem>>) {add = true}
        } else {
        }
      } else {
      }
    }
    %scan3A_49 = arith.constant 20 : i32
    %sub3A = arith.constant 313 : i32
    %sub3A_50 = arith.subi %sub3A, %arg1 : i32
    %add3A_51 = arith.constant 16 : i32
    %add3A_52 = arith.addi %sub3A_50, %add3A_51 : i32
    %sub3A_53 = arith.constant 1 : i32
    %sub3A_54 = arith.subi %add3A_52, %sub3A_53 : i32
    %jit3A = arith.constant 16 : i32
    %div3A = arith.divsi %sub3A_54, %jit3A : i32
    %sign3A = arith.constant 0 : i32
    %sign3A_55 = arith.cmpi sgt, %sub3A_54, %sign3A : i32
    %sign3A_56 = arith.extui %sign3A_55 : i1 to i32
    %sign3A_57 = arith.constant 0 : i32
    %sign3A_58 = arith.cmpi slt, %sub3A_54, %sign3A_57 : i32
    %sign3A_59 = arith.extui %sign3A_58 : i1 to i32
    %sign3A_60 = arith.subi %sign3A_56, %sign3A_59 : i32
    %sign3A_61 = arith.constant 0 : i32
    %sign3A_62 = arith.cmpi sgt, %jit3A, %sign3A_61 : i32
    %sign3A_63 = arith.extui %sign3A_62 : i1 to i32
    %sign3A_64 = arith.constant 0 : i32
    %sign3A_65 = arith.cmpi slt, %jit3A, %sign3A_64 : i32
    %sign3A_66 = arith.extui %sign3A_65 : i1 to i32
    %sign3A_67 = arith.subi %sign3A_63, %sign3A_66 : i32
    %ne3A = arith.cmpi ne, %sign3A_60, %sign3A_67 : i32
    %rem3A = arith.remsi %sub3A_54, %jit3A : i32
    %ne3A_68 = arith.constant 0 : i32
    %ne3A_69 = arith.cmpi ne, %rem3A, %ne3A_68 : i32
    %and3A = arith.andi %ne3A, %ne3A_69 : i1
    %sub3A_70 = arith.constant 1 : i32
    %sub3A_71 = arith.subi %div3A, %sub3A_70 : i32
    %select_n3A_72 = arith.select %and3A, %sub3A_71, %div3A : i32
    %ge3A = arith.constant 1 : i32
    %ge3A_73 = arith.cmpi sge, %select_n3A_72, %ge3A : i32
    %convert_element_type3A_74 = arith.extui %ge3A_73 : i1 to i32
    %cond3A_75 = arith.constant 0 : i32
    %cond3A_76 = arith.cmpi ne, %convert_element_type3A_74, %cond3A_75 : i32
    scf.if %cond3A_76 {
      %sub3A_88 = arith.constant 1 : i32
      %sub3A_89 = arith.subi %select_n3A_72, %sub3A_88 : i32
      %sub3A_90 = arith.constant 1 : i32
      %sub3A_91 = arith.subi %select_n3A_72, %sub3A_90 : i32
      %rem3A_92 = arith.constant 4 : i32
      %rem3A_93 = arith.remsi %sub3A_91, %rem3A_92 : i32
      %sub3A_94 = arith.constant 1 : i32
      %sub3A_95 = arith.subi %select_n3A_72, %sub3A_94 : i32
      %rem3A_96 = arith.constant 2 : i32
      %rem3A_97 = arith.remsi %sub3A_95, %rem3A_96 : i32
      %mul3A_98 = arith.constant 16 : i32
      %mul3A_99 = arith.muli %sub3A_89, %mul3A_98 : i32
      %add3A_100 = arith.addi %mul3A_99, %arg1 : i32
      %mul3A_101 = arith.constant 4 : i32
      %mul3A_102 = arith.muli %add3A_100, %mul3A_101 : i32
      %add3A_103 = arith.constant 0 : i32
      %add3A_104 = arith.addi %mul3A_102, %add3A_103 : i32
      %lt3A_105 = arith.constant 1250 : i32
      %lt3A_106 = arith.cmpi slt, %add3A_104, %lt3A_105 : i32
      %convert_element_type3A_107 = arith.extui %lt3A_106 : i1 to i32
      %cond3A_108 = arith.constant 0 : i32
      %cond3A_109 = arith.cmpi ne, %convert_element_type3A_107, %cond3A_108 : i32
      scf.if %cond3A_109 {
        %dma_wait3A = arith.constant 0 : i32
        %dma_wait3A_146 = arith.constant 0 : i32
        %dma_wait3A_147 = arith.constant 0 : i32
        %dma_wait3A_148 = arith.constant 0 : i32
        %dma_wait3A_149 = tpu.memref_slice %arg10[%rem3A_97, %dma_wait3A, %dma_wait3A_147, %dma_wait3A_148] : memref<2x4x128x48xf32, #tpu.memory_space<vmem>> -> memref<1x1x128x48xf32, #tpu.memory_space<vmem>>
        %dma_wait3A_150 = tpu.memref_squeeze %dma_wait3A_149 : memref<1x1x128x48xf32, #tpu.memory_space<vmem>> -> memref<128x48xf32, #tpu.memory_space<vmem>>
        %dma_wait3A_151 = arith.constant 0 : i32
        %dma_wait3A_152 = tpu.memref_slice %arg9[%rem3A_93, %dma_wait3A_146, %dma_wait3A_151] : memref<4x4x128xi32, #tpu.memory_space<vmem>> -> memref<1x1x128xi32, #tpu.memory_space<vmem>>
        %dma_wait3A_153 = tpu.memref_squeeze %dma_wait3A_152 : memref<1x1x128xi32, #tpu.memory_space<vmem>> -> memref<128xi32, #tpu.memory_space<vmem>>
        %dma_wait3A_154 = arith.constant 0 : i32
        %dma_wait3A_155 = arith.constant 0 : i32
        %dma_wait3A_156 = tpu.memref_slice %arg14[%dma_wait3A_154, %dma_wait3A_155] : memref<10000x48xf32, #tpu.memory_space<vmem_shared>> -> memref<10000x48xf32, #tpu.memory_space<vmem_shared>>
        %dma_wait3A_157 = tpu.memref_slice %arg19[%rem3A_97] : memref<2x!tpu.dma_semaphore, #tpu.memory_space<semaphore_mem>> -> memref<1x!tpu.dma_semaphore, #tpu.memory_space<semaphore_mem>>
        %dma_wait3A_158 = tpu.memref_squeeze %dma_wait3A_157 : memref<1x!tpu.dma_semaphore, #tpu.memory_space<semaphore_mem>> -> memref<!tpu.dma_semaphore, #tpu.memory_space<semaphore_mem>>
        tpu.wait_indirect_dma semaphore(%dma_wait3A_158 : memref<!tpu.dma_semaphore, #tpu.memory_space<semaphore_mem>>) src(%dma_wait3A_150 : memref<128x48xf32, #tpu.memory_space<vmem>>) dst(%dma_wait3A_156 : memref<10000x48xf32, #tpu.memory_space<vmem_shared>>)
      } else {
      }
      %mul3A_110 = arith.constant 16 : i32
      %mul3A_111 = arith.muli %sub3A_89, %mul3A_110 : i32
      %add3A_112 = arith.addi %mul3A_111, %arg1 : i32
      %mul3A_113 = arith.constant 4 : i32
      %mul3A_114 = arith.muli %add3A_112, %mul3A_113 : i32
      %add3A_115 = arith.constant 1 : i32
      %add3A_116 = arith.addi %mul3A_114, %add3A_115 : i32
      %lt3A_117 = arith.constant 1250 : i32
      %lt3A_118 = arith.cmpi slt, %add3A_116, %lt3A_117 : i32
      %convert_element_type3A_119 = arith.extui %lt3A_118 : i1 to i32
      %cond3A_120 = arith.constant 0 : i32
      %cond3A_121 = arith.cmpi ne, %convert_element_type3A_119, %cond3A_120 : i32
      scf.if %cond3A_121 {
        %dma_wait3A = arith.constant 1 : i32
        %dma_wait3A_146 = arith.constant 1 : i32
        %dma_wait3A_147 = arith.constant 0 : i32
        %dma_wait3A_148 = arith.constant 0 : i32
        %dma_wait3A_149 = tpu.memref_slice %arg10[%rem3A_97, %dma_wait3A, %dma_wait3A_147, %dma_wait3A_148] : memref<2x4x128x48xf32, #tpu.memory_space<vmem>> -> memref<1x1x128x48xf32, #tpu.memory_space<vmem>>
        %dma_wait3A_150 = tpu.memref_squeeze %dma_wait3A_149 : memref<1x1x128x48xf32, #tpu.memory_space<vmem>> -> memref<128x48xf32, #tpu.memory_space<vmem>>
        %dma_wait3A_151 = arith.constant 0 : i32
        %dma_wait3A_152 = tpu.memref_slice %arg9[%rem3A_93, %dma_wait3A_146, %dma_wait3A_151] : memref<4x4x128xi32, #tpu.memory_space<vmem>> -> memref<1x1x128xi32, #tpu.memory_space<vmem>>
        %dma_wait3A_153 = tpu.memref_squeeze %dma_wait3A_152 : memref<1x1x128xi32, #tpu.memory_space<vmem>> -> memref<128xi32, #tpu.memory_space<vmem>>
        %dma_wait3A_154 = arith.constant 0 : i32
        %dma_wait3A_155 = arith.constant 0 : i32
        %dma_wait3A_156 = tpu.memref_slice %arg14[%dma_wait3A_154, %dma_wait3A_155] : memref<10000x48xf32, #tpu.memory_space<vmem_shared>> -> memref<10000x48xf32, #tpu.memory_space<vmem_shared>>
        %dma_wait3A_157 = tpu.memref_slice %arg19[%rem3A_97] : memref<2x!tpu.dma_semaphore, #tpu.memory_space<semaphore_mem>> -> memref<1x!tpu.dma_semaphore, #tpu.memory_space<semaphore_mem>>
        %dma_wait3A_158 = tpu.memref_squeeze %dma_wait3A_157 : memref<1x!tpu.dma_semaphore, #tpu.memory_space<semaphore_mem>> -> memref<!tpu.dma_semaphore, #tpu.memory_space<semaphore_mem>>
        tpu.wait_indirect_dma semaphore(%dma_wait3A_158 : memref<!tpu.dma_semaphore, #tpu.memory_space<semaphore_mem>>) src(%dma_wait3A_150 : memref<128x48xf32, #tpu.memory_space<vmem>>) dst(%dma_wait3A_156 : memref<10000x48xf32, #tpu.memory_space<vmem_shared>>)
      } else {
      }
      %mul3A_122 = arith.constant 16 : i32
      %mul3A_123 = arith.muli %sub3A_89, %mul3A_122 : i32
      %add3A_124 = arith.addi %mul3A_123, %arg1 : i32
      %mul3A_125 = arith.constant 4 : i32
      %mul3A_126 = arith.muli %add3A_124, %mul3A_125 : i32
      %add3A_127 = arith.constant 2 : i32
      %add3A_128 = arith.addi %mul3A_126, %add3A_127 : i32
      %lt3A_129 = arith.constant 1250 : i32
      %lt3A_130 = arith.cmpi slt, %add3A_128, %lt3A_129 : i32
      %convert_element_type3A_131 = arith.extui %lt3A_130 : i1 to i32
      %cond3A_132 = arith.constant 0 : i32
      %cond3A_133 = arith.cmpi ne, %convert_element_type3A_131, %cond3A_132 : i32
      scf.if %cond3A_133 {
        %dma_wait3A = arith.constant 2 : i32
        %dma_wait3A_146 = arith.constant 2 : i32
        %dma_wait3A_147 = arith.constant 0 : i32
        %dma_wait3A_148 = arith.constant 0 : i32
        %dma_wait3A_149 = tpu.memref_slice %arg10[%rem3A_97, %dma_wait3A, %dma_wait3A_147, %dma_wait3A_148] : memref<2x4x128x48xf32, #tpu.memory_space<vmem>> -> memref<1x1x128x48xf32, #tpu.memory_space<vmem>>
        %dma_wait3A_150 = tpu.memref_squeeze %dma_wait3A_149 : memref<1x1x128x48xf32, #tpu.memory_space<vmem>> -> memref<128x48xf32, #tpu.memory_space<vmem>>
        %dma_wait3A_151 = arith.constant 0 : i32
        %dma_wait3A_152 = tpu.memref_slice %arg9[%rem3A_93, %dma_wait3A_146, %dma_wait3A_151] : memref<4x4x128xi32, #tpu.memory_space<vmem>> -> memref<1x1x128xi32, #tpu.memory_space<vmem>>
        %dma_wait3A_153 = tpu.memref_squeeze %dma_wait3A_152 : memref<1x1x128xi32, #tpu.memory_space<vmem>> -> memref<128xi32, #tpu.memory_space<vmem>>
        %dma_wait3A_154 = arith.constant 0 : i32
        %dma_wait3A_155 = arith.constant 0 : i32
        %dma_wait3A_156 = tpu.memref_slice %arg14[%dma_wait3A_154, %dma_wait3A_155] : memref<10000x48xf32, #tpu.memory_space<vmem_shared>> -> memref<10000x48xf32, #tpu.memory_space<vmem_shared>>
        %dma_wait3A_157 = tpu.memref_slice %arg19[%rem3A_97] : memref<2x!tpu.dma_semaphore, #tpu.memory_space<semaphore_mem>> -> memref<1x!tpu.dma_semaphore, #tpu.memory_space<semaphore_mem>>
        %dma_wait3A_158 = tpu.memref_squeeze %dma_wait3A_157 : memref<1x!tpu.dma_semaphore, #tpu.memory_space<semaphore_mem>> -> memref<!tpu.dma_semaphore, #tpu.memory_space<semaphore_mem>>
        tpu.wait_indirect_dma semaphore(%dma_wait3A_158 : memref<!tpu.dma_semaphore, #tpu.memory_space<semaphore_mem>>) src(%dma_wait3A_150 : memref<128x48xf32, #tpu.memory_space<vmem>>) dst(%dma_wait3A_156 : memref<10000x48xf32, #tpu.memory_space<vmem_shared>>)
      } else {
      }
      %mul3A_134 = arith.constant 16 : i32
      %mul3A_135 = arith.muli %sub3A_89, %mul3A_134 : i32
      %add3A_136 = arith.addi %mul3A_135, %arg1 : i32
      %mul3A_137 = arith.constant 4 : i32
      %mul3A_138 = arith.muli %add3A_136, %mul3A_137 : i32
      %add3A_139 = arith.constant 3 : i32
      %add3A_140 = arith.addi %mul3A_138, %add3A_139 : i32
      %lt3A_141 = arith.constant 1250 : i32
      %lt3A_142 = arith.cmpi slt, %add3A_140, %lt3A_141 : i32
      %convert_element_type3A_143 = arith.extui %lt3A_142 : i1 to i32
      %cond3A_144 = arith.constant 0 : i32
      %cond3A_145 = arith.cmpi ne, %convert_element_type3A_143, %cond3A_144 : i32
      scf.if %cond3A_145 {
        %dma_wait3A = arith.constant 3 : i32
        %dma_wait3A_146 = arith.constant 3 : i32
        %dma_wait3A_147 = arith.constant 0 : i32
        %dma_wait3A_148 = arith.constant 0 : i32
        %dma_wait3A_149 = tpu.memref_slice %arg10[%rem3A_97, %dma_wait3A, %dma_wait3A_147, %dma_wait3A_148] : memref<2x4x128x48xf32, #tpu.memory_space<vmem>> -> memref<1x1x128x48xf32, #tpu.memory_space<vmem>>
        %dma_wait3A_150 = tpu.memref_squeeze %dma_wait3A_149 : memref<1x1x128x48xf32, #tpu.memory_space<vmem>> -> memref<128x48xf32, #tpu.memory_space<vmem>>
        %dma_wait3A_151 = arith.constant 0 : i32
        %dma_wait3A_152 = tpu.memref_slice %arg9[%rem3A_93, %dma_wait3A_146, %dma_wait3A_151] : memref<4x4x128xi32, #tpu.memory_space<vmem>> -> memref<1x1x128xi32, #tpu.memory_space<vmem>>
        %dma_wait3A_153 = tpu.memref_squeeze %dma_wait3A_152 : memref<1x1x128xi32, #tpu.memory_space<vmem>> -> memref<128xi32, #tpu.memory_space<vmem>>
        %dma_wait3A_154 = arith.constant 0 : i32
        %dma_wait3A_155 = arith.constant 0 : i32
        %dma_wait3A_156 = tpu.memref_slice %arg14[%dma_wait3A_154, %dma_wait3A_155] : memref<10000x48xf32, #tpu.memory_space<vmem_shared>> -> memref<10000x48xf32, #tpu.memory_space<vmem_shared>>
        %dma_wait3A_157 = tpu.memref_slice %arg19[%rem3A_97] : memref<2x!tpu.dma_semaphore, #tpu.memory_space<semaphore_mem>> -> memref<1x!tpu.dma_semaphore, #tpu.memory_space<semaphore_mem>>
        %dma_wait3A_158 = tpu.memref_squeeze %dma_wait3A_157 : memref<1x!tpu.dma_semaphore, #tpu.memory_space<semaphore_mem>> -> memref<!tpu.dma_semaphore, #tpu.memory_space<semaphore_mem>>
        tpu.wait_indirect_dma semaphore(%dma_wait3A_158 : memref<!tpu.dma_semaphore, #tpu.memory_space<semaphore_mem>>) src(%dma_wait3A_150 : memref<128x48xf32, #tpu.memory_space<vmem>>) dst(%dma_wait3A_156 : memref<10000x48xf32, #tpu.memory_space<vmem_shared>>)
      } else {
      }
    } else {
    }
    %ge3A_77 = arith.constant 2 : i32
    %ge3A_78 = arith.cmpi sge, %select_n3A_72, %ge3A_77 : i32
    %convert_element_type3A_79 = arith.extui %ge3A_78 : i1 to i32
    %cond3A_80 = arith.constant 0 : i32
    %cond3A_81 = arith.cmpi ne, %convert_element_type3A_79, %cond3A_80 : i32
    scf.if %cond3A_81 {
      %sub3A_88 = arith.constant 2 : i32
      %sub3A_89 = arith.subi %select_n3A_72, %sub3A_88 : i32
      %sub3A_90 = arith.constant 2 : i32
      %sub3A_91 = arith.subi %select_n3A_72, %sub3A_90 : i32
      %rem3A_92 = arith.constant 4 : i32
      %rem3A_93 = arith.remsi %sub3A_91, %rem3A_92 : i32
      %sub3A_94 = arith.constant 2 : i32
      %sub3A_95 = arith.subi %select_n3A_72, %sub3A_94 : i32
      %rem3A_96 = arith.constant 2 : i32
      %rem3A_97 = arith.remsi %sub3A_95, %rem3A_96 : i32
      %mul3A_98 = arith.constant 16 : i32
      %mul3A_99 = arith.muli %sub3A_89, %mul3A_98 : i32
      %add3A_100 = arith.addi %mul3A_99, %arg1 : i32
      %mul3A_101 = arith.constant 4 : i32
      %mul3A_102 = arith.muli %add3A_100, %mul3A_101 : i32
      %add3A_103 = arith.constant 0 : i32
      %add3A_104 = arith.addi %mul3A_102, %add3A_103 : i32
      %lt3A_105 = arith.constant 1250 : i32
      %lt3A_106 = arith.cmpi slt, %add3A_104, %lt3A_105 : i32
      %convert_element_type3A_107 = arith.extui %lt3A_106 : i1 to i32
      %cond3A_108 = arith.constant 0 : i32
      %cond3A_109 = arith.cmpi ne, %convert_element_type3A_107, %cond3A_108 : i32
      scf.if %cond3A_109 {
        %dma_wait3A = arith.constant 0 : i32
        %dma_wait3A_146 = arith.constant 0 : i32
        %dma_wait3A_147 = arith.constant 0 : i32
        %dma_wait3A_148 = arith.constant 0 : i32
        %dma_wait3A_149 = tpu.memref_slice %arg10[%rem3A_97, %dma_wait3A, %dma_wait3A_147, %dma_wait3A_148] : memref<2x4x128x48xf32, #tpu.memory_space<vmem>> -> memref<1x1x128x48xf32, #tpu.memory_space<vmem>>
        %dma_wait3A_150 = tpu.memref_squeeze %dma_wait3A_149 : memref<1x1x128x48xf32, #tpu.memory_space<vmem>> -> memref<128x48xf32, #tpu.memory_space<vmem>>
        %dma_wait3A_151 = arith.constant 0 : i32
        %dma_wait3A_152 = tpu.memref_slice %arg9[%rem3A_93, %dma_wait3A_146, %dma_wait3A_151] : memref<4x4x128xi32, #tpu.memory_space<vmem>> -> memref<1x1x128xi32, #tpu.memory_space<vmem>>
        %dma_wait3A_153 = tpu.memref_squeeze %dma_wait3A_152 : memref<1x1x128xi32, #tpu.memory_space<vmem>> -> memref<128xi32, #tpu.memory_space<vmem>>
        %dma_wait3A_154 = arith.constant 0 : i32
        %dma_wait3A_155 = arith.constant 0 : i32
        %dma_wait3A_156 = tpu.memref_slice %arg14[%dma_wait3A_154, %dma_wait3A_155] : memref<10000x48xf32, #tpu.memory_space<vmem_shared>> -> memref<10000x48xf32, #tpu.memory_space<vmem_shared>>
        %dma_wait3A_157 = tpu.memref_slice %arg19[%rem3A_97] : memref<2x!tpu.dma_semaphore, #tpu.memory_space<semaphore_mem>> -> memref<1x!tpu.dma_semaphore, #tpu.memory_space<semaphore_mem>>
        %dma_wait3A_158 = tpu.memref_squeeze %dma_wait3A_157 : memref<1x!tpu.dma_semaphore, #tpu.memory_space<semaphore_mem>> -> memref<!tpu.dma_semaphore, #tpu.memory_space<semaphore_mem>>
        tpu.wait_indirect_dma semaphore(%dma_wait3A_158 : memref<!tpu.dma_semaphore, #tpu.memory_space<semaphore_mem>>) src(%dma_wait3A_150 : memref<128x48xf32, #tpu.memory_space<vmem>>) dst(%dma_wait3A_156 : memref<10000x48xf32, #tpu.memory_space<vmem_shared>>)
      } else {
      }
      %mul3A_110 = arith.constant 16 : i32
      %mul3A_111 = arith.muli %sub3A_89, %mul3A_110 : i32
      %add3A_112 = arith.addi %mul3A_111, %arg1 : i32
      %mul3A_113 = arith.constant 4 : i32
      %mul3A_114 = arith.muli %add3A_112, %mul3A_113 : i32
      %add3A_115 = arith.constant 1 : i32
      %add3A_116 = arith.addi %mul3A_114, %add3A_115 : i32
      %lt3A_117 = arith.constant 1250 : i32
      %lt3A_118 = arith.cmpi slt, %add3A_116, %lt3A_117 : i32
      %convert_element_type3A_119 = arith.extui %lt3A_118 : i1 to i32
      %cond3A_120 = arith.constant 0 : i32
      %cond3A_121 = arith.cmpi ne, %convert_element_type3A_119, %cond3A_120 : i32
      scf.if %cond3A_121 {
        %dma_wait3A = arith.constant 1 : i32
        %dma_wait3A_146 = arith.constant 1 : i32
        %dma_wait3A_147 = arith.constant 0 : i32
        %dma_wait3A_148 = arith.constant 0 : i32
        %dma_wait3A_149 = tpu.memref_slice %arg10[%rem3A_97, %dma_wait3A, %dma_wait3A_147, %dma_wait3A_148] : memref<2x4x128x48xf32, #tpu.memory_space<vmem>> -> memref<1x1x128x48xf32, #tpu.memory_space<vmem>>
        %dma_wait3A_150 = tpu.memref_squeeze %dma_wait3A_149 : memref<1x1x128x48xf32, #tpu.memory_space<vmem>> -> memref<128x48xf32, #tpu.memory_space<vmem>>
        %dma_wait3A_151 = arith.constant 0 : i32
        %dma_wait3A_152 = tpu.memref_slice %arg9[%rem3A_93, %dma_wait3A_146, %dma_wait3A_151] : memref<4x4x128xi32, #tpu.memory_space<vmem>> -> memref<1x1x128xi32, #tpu.memory_space<vmem>>
        %dma_wait3A_153 = tpu.memref_squeeze %dma_wait3A_152 : memref<1x1x128xi32, #tpu.memory_space<vmem>> -> memref<128xi32, #tpu.memory_space<vmem>>
        %dma_wait3A_154 = arith.constant 0 : i32
        %dma_wait3A_155 = arith.constant 0 : i32
        %dma_wait3A_156 = tpu.memref_slice %arg14[%dma_wait3A_154, %dma_wait3A_155] : memref<10000x48xf32, #tpu.memory_space<vmem_shared>> -> memref<10000x48xf32, #tpu.memory_space<vmem_shared>>
        %dma_wait3A_157 = tpu.memref_slice %arg19[%rem3A_97] : memref<2x!tpu.dma_semaphore, #tpu.memory_space<semaphore_mem>> -> memref<1x!tpu.dma_semaphore, #tpu.memory_space<semaphore_mem>>
        %dma_wait3A_158 = tpu.memref_squeeze %dma_wait3A_157 : memref<1x!tpu.dma_semaphore, #tpu.memory_space<semaphore_mem>> -> memref<!tpu.dma_semaphore, #tpu.memory_space<semaphore_mem>>
        tpu.wait_indirect_dma semaphore(%dma_wait3A_158 : memref<!tpu.dma_semaphore, #tpu.memory_space<semaphore_mem>>) src(%dma_wait3A_150 : memref<128x48xf32, #tpu.memory_space<vmem>>) dst(%dma_wait3A_156 : memref<10000x48xf32, #tpu.memory_space<vmem_shared>>)
      } else {
      }
      %mul3A_122 = arith.constant 16 : i32
      %mul3A_123 = arith.muli %sub3A_89, %mul3A_122 : i32
      %add3A_124 = arith.addi %mul3A_123, %arg1 : i32
      %mul3A_125 = arith.constant 4 : i32
      %mul3A_126 = arith.muli %add3A_124, %mul3A_125 : i32
      %add3A_127 = arith.constant 2 : i32
      %add3A_128 = arith.addi %mul3A_126, %add3A_127 : i32
      %lt3A_129 = arith.constant 1250 : i32
      %lt3A_130 = arith.cmpi slt, %add3A_128, %lt3A_129 : i32
      %convert_element_type3A_131 = arith.extui %lt3A_130 : i1 to i32
      %cond3A_132 = arith.constant 0 : i32
      %cond3A_133 = arith.cmpi ne, %convert_element_type3A_131, %cond3A_132 : i32
      scf.if %cond3A_133 {
        %dma_wait3A = arith.constant 2 : i32
        %dma_wait3A_146 = arith.constant 2 : i32
        %dma_wait3A_147 = arith.constant 0 : i32
        %dma_wait3A_148 = arith.constant 0 : i32
        %dma_wait3A_149 = tpu.memref_slice %arg10[%rem3A_97, %dma_wait3A, %dma_wait3A_147, %dma_wait3A_148] : memref<2x4x128x48xf32, #tpu.memory_space<vmem>> -> memref<1x1x128x48xf32, #tpu.memory_space<vmem>>
        %dma_wait3A_150 = tpu.memref_squeeze %dma_wait3A_149 : memref<1x1x128x48xf32, #tpu.memory_space<vmem>> -> memref<128x48xf32, #tpu.memory_space<vmem>>
        %dma_wait3A_151 = arith.constant 0 : i32
        %dma_wait3A_152 = tpu.memref_slice %arg9[%rem3A_93, %dma_wait3A_146, %dma_wait3A_151] : memref<4x4x128xi32, #tpu.memory_space<vmem>> -> memref<1x1x128xi32, #tpu.memory_space<vmem>>
        %dma_wait3A_153 = tpu.memref_squeeze %dma_wait3A_152 : memref<1x1x128xi32, #tpu.memory_space<vmem>> -> memref<128xi32, #tpu.memory_space<vmem>>
        %dma_wait3A_154 = arith.constant 0 : i32
        %dma_wait3A_155 = arith.constant 0 : i32
        %dma_wait3A_156 = tpu.memref_slice %arg14[%dma_wait3A_154, %dma_wait3A_155] : memref<10000x48xf32, #tpu.memory_space<vmem_shared>> -> memref<10000x48xf32, #tpu.memory_space<vmem_shared>>
        %dma_wait3A_157 = tpu.memref_slice %arg19[%rem3A_97] : memref<2x!tpu.dma_semaphore, #tpu.memory_space<semaphore_mem>> -> memref<1x!tpu.dma_semaphore, #tpu.memory_space<semaphore_mem>>
        %dma_wait3A_158 = tpu.memref_squeeze %dma_wait3A_157 : memref<1x!tpu.dma_semaphore, #tpu.memory_space<semaphore_mem>> -> memref<!tpu.dma_semaphore, #tpu.memory_space<semaphore_mem>>
        tpu.wait_indirect_dma semaphore(%dma_wait3A_158 : memref<!tpu.dma_semaphore, #tpu.memory_space<semaphore_mem>>) src(%dma_wait3A_150 : memref<128x48xf32, #tpu.memory_space<vmem>>) dst(%dma_wait3A_156 : memref<10000x48xf32, #tpu.memory_space<vmem_shared>>)
      } else {
      }
      %mul3A_134 = arith.constant 16 : i32
      %mul3A_135 = arith.muli %sub3A_89, %mul3A_134 : i32
      %add3A_136 = arith.addi %mul3A_135, %arg1 : i32
      %mul3A_137 = arith.constant 4 : i32
      %mul3A_138 = arith.muli %add3A_136, %mul3A_137 : i32
      %add3A_139 = arith.constant 3 : i32
      %add3A_140 = arith.addi %mul3A_138, %add3A_139 : i32
      %lt3A_141 = arith.constant 1250 : i32
      %lt3A_142 = arith.cmpi slt, %add3A_140, %lt3A_141 : i32
      %convert_element_type3A_143 = arith.extui %lt3A_142 : i1 to i32
      %cond3A_144 = arith.constant 0 : i32
      %cond3A_145 = arith.cmpi ne, %convert_element_type3A_143, %cond3A_144 : i32
      scf.if %cond3A_145 {
        %dma_wait3A = arith.constant 3 : i32
        %dma_wait3A_146 = arith.constant 3 : i32
        %dma_wait3A_147 = arith.constant 0 : i32
        %dma_wait3A_148 = arith.constant 0 : i32
        %dma_wait3A_149 = tpu.memref_slice %arg10[%rem3A_97, %dma_wait3A, %dma_wait3A_147, %dma_wait3A_148] : memref<2x4x128x48xf32, #tpu.memory_space<vmem>> -> memref<1x1x128x48xf32, #tpu.memory_space<vmem>>
        %dma_wait3A_150 = tpu.memref_squeeze %dma_wait3A_149 : memref<1x1x128x48xf32, #tpu.memory_space<vmem>> -> memref<128x48xf32, #tpu.memory_space<vmem>>
        %dma_wait3A_151 = arith.constant 0 : i32
        %dma_wait3A_152 = tpu.memref_slice %arg9[%rem3A_93, %dma_wait3A_146, %dma_wait3A_151] : memref<4x4x128xi32, #tpu.memory_space<vmem>> -> memref<1x1x128xi32, #tpu.memory_space<vmem>>
        %dma_wait3A_153 = tpu.memref_squeeze %dma_wait3A_152 : memref<1x1x128xi32, #tpu.memory_space<vmem>> -> memref<128xi32, #tpu.memory_space<vmem>>
        %dma_wait3A_154 = arith.constant 0 : i32
        %dma_wait3A_155 = arith.constant 0 : i32
        %dma_wait3A_156 = tpu.memref_slice %arg14[%dma_wait3A_154, %dma_wait3A_155] : memref<10000x48xf32, #tpu.memory_space<vmem_shared>> -> memref<10000x48xf32, #tpu.memory_space<vmem_shared>>
        %dma_wait3A_157 = tpu.memref_slice %arg19[%rem3A_97] : memref<2x!tpu.dma_semaphore, #tpu.memory_space<semaphore_mem>> -> memref<1x!tpu.dma_semaphore, #tpu.memory_space<semaphore_mem>>
        %dma_wait3A_158 = tpu.memref_squeeze %dma_wait3A_157 : memref<1x!tpu.dma_semaphore, #tpu.memory_space<semaphore_mem>> -> memref<!tpu.dma_semaphore, #tpu.memory_space<semaphore_mem>>
        tpu.wait_indirect_dma semaphore(%dma_wait3A_158 : memref<!tpu.dma_semaphore, #tpu.memory_space<semaphore_mem>>) src(%dma_wait3A_150 : memref<128x48xf32, #tpu.memory_space<vmem>>) dst(%dma_wait3A_156 : memref<10000x48xf32, #tpu.memory_space<vmem_shared>>)
      } else {
      }
    } else {
    }
    %barrier3A_82 = arith.constant 0 : index
    tpu.barrier barrier_id(%barrier3A_82)
    %scan3A_83 = arith.constant 0 : i32
    %scan3A_84 = arith.constant 8 : i32
    %scan3A_85 = arith.addi %scan3A_83, %scan3A_84 : i32
    %scan3A_86 = arith.constant 1 : i32
    scf.for %scan3A_88 = %scan3A_83 to %scan3A_85 step %scan3A_86  : i32 {
      %mul3A_89 = arith.constant 1 : i32
      %mul3A_90 = arith.muli %scan3A_88, %mul3A_89 : i32
      %add3A_91 = arith.constant 0 : i32
      %add3A_92 = arith.addi %add3A_91, %mul3A_90 : i32
      %mul3A_93 = arith.constant 16 : i32
      %mul3A_94 = arith.muli %add3A_92, %mul3A_93 : i32
      %add3A_95 = arith.addi %mul3A_94, %arg1 : i32
      %lt3A_96 = arith.constant 125 : i32
      %lt3A_97 = arith.cmpi slt, %add3A_95, %lt3A_96 : i32
      %convert_element_type3A_98 = arith.extui %lt3A_97 : i1 to i32
      %cond3A_99 = arith.constant 0 : i32
      %cond3A_100 = arith.cmpi ne, %convert_element_type3A_98, %cond3A_99 : i32
      scf.if %cond3A_100 {
        %mul3A_101 = arith.constant 80 : i32
        %mul3A_102 = arith.muli %add3A_95, %mul3A_101 : i32
        %mul3A_103 = arith.constant 10000 : i32
        %mul3A_104 = arith.muli %arg0, %mul3A_103 : i32
        %add3A_105 = arith.addi %mul3A_104, %mul3A_102 : i32
        "tpu.region"() ({
          %run_scoped3A = tpu.sem_alloc : memref<!tpu.dma_semaphore, #tpu.memory_space<semaphore_mem>>
          %dma_start3A = arith.constant 0 : i32
          %dma_start3A_106 = tpu.memref_slice %arg7[%add3A_105, %dma_start3A] : memref<20000x48xf32, #tpu.memory_space<hbm>> -> memref<80x48xf32, #tpu.memory_space<hbm>>
          %dma_start3A_107 = arith.constant 0 : i32
          %dma_start3A_108 = tpu.memref_slice %arg14[%mul3A_102, %dma_start3A_107] : memref<10000x48xf32, #tpu.memory_space<vmem_shared>> -> memref<80x48xf32, #tpu.memory_space<vmem_shared>>
          tpu.enqueue_dma source(%dma_start3A_108 : memref<80x48xf32, #tpu.memory_space<vmem_shared>>) target(%dma_start3A_106 : memref<80x48xf32, #tpu.memory_space<hbm>>) target_semaphore(%run_scoped3A : memref<!tpu.dma_semaphore, #tpu.memory_space<semaphore_mem>>)
          %dma_wait3A = arith.constant 0 : i32
          %dma_wait3A_109 = tpu.memref_slice %arg7[%add3A_105, %dma_wait3A] : memref<20000x48xf32, #tpu.memory_space<hbm>> -> memref<80x48xf32, #tpu.memory_space<hbm>>
          %dma_wait3A_110 = arith.constant 0 : i32
          %dma_wait3A_111 = tpu.memref_slice %arg14[%mul3A_102, %dma_wait3A_110] : memref<10000x48xf32, #tpu.memory_space<vmem_shared>> -> memref<80x48xf32, #tpu.memory_space<vmem_shared>>
          tpu.wait_dma2 semaphore(%run_scoped3A : memref<!tpu.dma_semaphore, #tpu.memory_space<semaphore_mem>>) src(%dma_wait3A_111 : memref<80x48xf32, #tpu.memory_space<vmem_shared>>) dst(%dma_wait3A_109 : memref<80x48xf32, #tpu.memory_space<hbm>>)
          tpu.yield
        }) : () -> ()
      } else {
      }
    }
    %scan3A_87 = arith.constant 8 : i32
    return
  }
}

#map = affine_map<(d0, d1) -> (0, 0)>
#map1 = affine_map<(d0, d1) -> (0)>
module attributes {stable_mosaic.version = 14 : i64} {
  func.func @body(%arg0: i32, %arg1: i32, %arg2: memref<10000x144xf32, #tpu.memory_space<hbm>>, %arg3: memref<10000x16xf32, #tpu.memory_space<hbm>>, %arg4: memref<320000xi32, #tpu.memory_space<hbm>>, %arg5: memref<320000xi32, #tpu.memory_space<hbm>>, %arg6: memref<2x16xf32, #tpu.memory_space<hbm>>, %arg7: memref<20000x144xf32, #tpu.memory_space<hbm>>, %arg8: memref<4x1x128xi32, #tpu.memory_space<vmem>>, %arg9: memref<4x1x128xi32, #tpu.memory_space<vmem>>, %arg10: memref<2x1x128x144xf32, #tpu.memory_space<vmem>>, %arg11: memref<1x128x16xf32, #tpu.memory_space<vmem>>, %arg12: memref<2x16xf32, #tpu.memory_space<vmem>>, %arg13: memref<16xf32, #tpu.memory_space<vmem>>, %arg14: memref<10000x144xf32, #tpu.memory_space<vmem_shared>>, %arg15: memref<4x!tpu.dma_semaphore, #tpu.memory_space<semaphore_mem>>, %arg16: memref<4x!tpu.dma_semaphore, #tpu.memory_space<semaphore_mem>>, %arg17: memref<2x!tpu.dma_semaphore, #tpu.memory_space<semaphore_mem>>, %arg18: memref<!tpu.dma_semaphore, #tpu.memory_space<semaphore_mem>>, %arg19: memref<2x!tpu.dma_semaphore, #tpu.memory_space<semaphore_mem>>) attributes {dimension_semantics = [#tpu.dimension_semantics<core_parallel>, #tpu.dimension_semantics<subcore_parallel>], iteration_bounds = array<i64: 2, 16>, scalar_prefetch = 0 : i64, scratch_operands = 12 : i64, tpu.core_type = #tpu.core_type<sc_vector_subcore>, window_params = [{transform_indices = #map}, {transform_indices = #map}, {transform_indices = #map1}, {transform_indices = #map1}, {transform_indices = #map}, {transform_indices = #map}]} {
    %add3A = arith.constant 0 : i32
    %add3A_0 = arith.addi %add3A, %arg1 : i32
    %mul3A = arith.constant 1 : i32
    %mul3A_1 = arith.muli %add3A_0, %mul3A : i32
    %add3A_2 = arith.constant 0 : i32
    %add3A_3 = arith.addi %mul3A_1, %add3A_2 : i32
    %lt3A = arith.constant 1250 : i32
    %lt3A_4 = arith.cmpi slt, %add3A_3, %lt3A : i32
    %convert_element_type3A = arith.extui %lt3A_4 : i1 to i32
    %cond3A = arith.constant 0 : i32
    %cond3A_5 = arith.cmpi ne, %convert_element_type3A, %cond3A : i32
    scf.if %cond3A_5 {
      %add3A_88 = arith.constant 0 : i32
      %add3A_89 = arith.addi %add3A_88, %arg1 : i32
      %mul3A_90 = arith.constant 1 : i32
      %mul3A_91 = arith.muli %add3A_89, %mul3A_90 : i32
      %add3A_92 = arith.constant 0 : i32
      %add3A_93 = arith.addi %mul3A_91, %add3A_92 : i32
      %lt3A_94 = arith.constant 1250 : i32
      %lt3A_95 = arith.cmpi slt, %add3A_93, %lt3A_94 : i32
      %convert_element_type3A_96 = arith.extui %lt3A_95 : i1 to i32
      %cond3A_97 = arith.constant 0 : i32
      %cond3A_98 = arith.cmpi ne, %convert_element_type3A_96, %cond3A_97 : i32
      scf.if %cond3A_98 {
        %mul3A_110 = arith.constant 1250 : i32
        %mul3A_111 = arith.muli %arg0, %mul3A_110 : i32
        %add3A_112 = arith.constant 0 : i32
        %add3A_113 = arith.addi %add3A_112, %arg1 : i32
        %mul3A_114 = arith.constant 1 : i32
        %mul3A_115 = arith.muli %add3A_113, %mul3A_114 : i32
        %add3A_116 = arith.constant 0 : i32
        %add3A_117 = arith.addi %mul3A_115, %add3A_116 : i32
        %add3A_118 = arith.addi %mul3A_111, %add3A_117 : i32
        %mul3A_119 = arith.constant 128 : i32
        %mul3A_120 = arith.muli %add3A_118, %mul3A_119 : i32
        %dma_start3A = arith.constant 0 : i32
        %dma_start3A_121 = arith.constant 0 : i32
        %dma_start3A_122 = arith.constant 0 : i32
        %dma_start3A_123 = arith.constant 0 : i32
        %dma_start3A_124 = tpu.memref_slice %arg8[%dma_start3A, %dma_start3A_121, %dma_start3A_123] : memref<4x1x128xi32, #tpu.memory_space<vmem>> -> memref<1x1x128xi32, #tpu.memory_space<vmem>>
        %dma_start3A_125 = tpu.memref_squeeze %dma_start3A_124 : memref<1x1x128xi32, #tpu.memory_space<vmem>> -> memref<128xi32, #tpu.memory_space<vmem>>
        %dma_start3A_126 = tpu.memref_slice %arg4[%mul3A_120] : memref<320000xi32, #tpu.memory_space<hbm>> -> memref<128xi32, #tpu.memory_space<hbm>>
        %dma_start3A_127 = tpu.memref_slice %arg15[%dma_start3A_122] : memref<4x!tpu.dma_semaphore, #tpu.memory_space<semaphore_mem>> -> memref<1x!tpu.dma_semaphore, #tpu.memory_space<semaphore_mem>>
        %dma_start3A_128 = tpu.memref_squeeze %dma_start3A_127 : memref<1x!tpu.dma_semaphore, #tpu.memory_space<semaphore_mem>> -> memref<!tpu.dma_semaphore, #tpu.memory_space<semaphore_mem>>
        %dma_start3A_129 = arith.constant 0 : i32
        %dma_start3A_130 = tpu.memref_slice %arg8[%dma_start3A, %dma_start3A_121, %dma_start3A_129] : memref<4x1x128xi32, #tpu.memory_space<vmem>> -> memref<1x1x128xi32, #tpu.memory_space<vmem>>
        %dma_start3A_131 = tpu.memref_squeeze %dma_start3A_130 : memref<1x1x128xi32, #tpu.memory_space<vmem>> -> memref<128xi32, #tpu.memory_space<vmem>>
        %dma_start3A_132 = tpu.memref_slice %arg4[%mul3A_120] : memref<320000xi32, #tpu.memory_space<hbm>> -> memref<128xi32, #tpu.memory_space<hbm>>
        tpu.enqueue_dma source(%dma_start3A_132 : memref<128xi32, #tpu.memory_space<hbm>>) target(%dma_start3A_131 : memref<128xi32, #tpu.memory_space<vmem>>) target_semaphore(%dma_start3A_128 : memref<!tpu.dma_semaphore, #tpu.memory_space<semaphore_mem>>)
        %dma_start3A_133 = arith.constant 0 : i32
        %dma_start3A_134 = arith.constant 0 : i32
        %dma_start3A_135 = arith.constant 0 : i32
        %dma_start3A_136 = arith.constant 0 : i32
        %dma_start3A_137 = tpu.memref_slice %arg9[%dma_start3A_133, %dma_start3A_134, %dma_start3A_136] : memref<4x1x128xi32, #tpu.memory_space<vmem>> -> memref<1x1x128xi32, #tpu.memory_space<vmem>>
        %dma_start3A_138 = tpu.memref_squeeze %dma_start3A_137 : memref<1x1x128xi32, #tpu.memory_space<vmem>> -> memref<128xi32, #tpu.memory_space<vmem>>
        %dma_start3A_139 = tpu.memref_slice %arg5[%mul3A_120] : memref<320000xi32, #tpu.memory_space<hbm>> -> memref<128xi32, #tpu.memory_space<hbm>>
        %dma_start3A_140 = tpu.memref_slice %arg16[%dma_start3A_135] : memref<4x!tpu.dma_semaphore, #tpu.memory_space<semaphore_mem>> -> memref<1x!tpu.dma_semaphore, #tpu.memory_space<semaphore_mem>>
        %dma_start3A_141 = tpu.memref_squeeze %dma_start3A_140 : memref<1x!tpu.dma_semaphore, #tpu.memory_space<semaphore_mem>> -> memref<!tpu.dma_semaphore, #tpu.memory_space<semaphore_mem>>
        %dma_start3A_142 = arith.constant 0 : i32
        %dma_start3A_143 = tpu.memref_slice %arg9[%dma_start3A_133, %dma_start3A_134, %dma_start3A_142] : memref<4x1x128xi32, #tpu.memory_space<vmem>> -> memref<1x1x128xi32, #tpu.memory_space<vmem>>
        %dma_start3A_144 = tpu.memref_squeeze %dma_start3A_143 : memref<1x1x128xi32, #tpu.memory_space<vmem>> -> memref<128xi32, #tpu.memory_space<vmem>>
        %dma_start3A_145 = tpu.memref_slice %arg5[%mul3A_120] : memref<320000xi32, #tpu.memory_space<hbm>> -> memref<128xi32, #tpu.memory_space<hbm>>
        tpu.enqueue_dma source(%dma_start3A_145 : memref<128xi32, #tpu.memory_space<hbm>>) target(%dma_start3A_144 : memref<128xi32, #tpu.memory_space<vmem>>) target_semaphore(%dma_start3A_141 : memref<!tpu.dma_semaphore, #tpu.memory_space<semaphore_mem>>)
      } else {
      }
      %add3A_99 = arith.constant 16 : i32
      %add3A_100 = arith.addi %add3A_99, %arg1 : i32
      %mul3A_101 = arith.constant 1 : i32
      %mul3A_102 = arith.muli %add3A_100, %mul3A_101 : i32
      %add3A_103 = arith.constant 0 : i32
      %add3A_104 = arith.addi %mul3A_102, %add3A_103 : i32
      %lt3A_105 = arith.constant 1250 : i32
      %lt3A_106 = arith.cmpi slt, %add3A_104, %lt3A_105 : i32
      %convert_element_type3A_107 = arith.extui %lt3A_106 : i1 to i32
      %cond3A_108 = arith.constant 0 : i32
      %cond3A_109 = arith.cmpi ne, %convert_element_type3A_107, %cond3A_108 : i32
      scf.if %cond3A_109 {
        %add3A_110 = arith.constant 16 : i32
        %add3A_111 = arith.addi %add3A_110, %arg1 : i32
        %mul3A_112 = arith.constant 1 : i32
        %mul3A_113 = arith.muli %add3A_111, %mul3A_112 : i32
        %add3A_114 = arith.constant 0 : i32
        %add3A_115 = arith.addi %mul3A_113, %add3A_114 : i32
        %lt3A_116 = arith.constant 1250 : i32
        %lt3A_117 = arith.cmpi slt, %add3A_115, %lt3A_116 : i32
        %convert_element_type3A_118 = arith.extui %lt3A_117 : i1 to i32
        %cond3A_119 = arith.constant 0 : i32
        %cond3A_120 = arith.cmpi ne, %convert_element_type3A_118, %cond3A_119 : i32
        scf.if %cond3A_120 {
          %mul3A_121 = arith.constant 1250 : i32
          %mul3A_122 = arith.muli %arg0, %mul3A_121 : i32
          %add3A_123 = arith.constant 16 : i32
          %add3A_124 = arith.addi %add3A_123, %arg1 : i32
          %mul3A_125 = arith.constant 1 : i32
          %mul3A_126 = arith.muli %add3A_124, %mul3A_125 : i32
          %add3A_127 = arith.constant 0 : i32
          %add3A_128 = arith.addi %mul3A_126, %add3A_127 : i32
          %add3A_129 = arith.addi %mul3A_122, %add3A_128 : i32
          %mul3A_130 = arith.constant 128 : i32
          %mul3A_131 = arith.muli %add3A_129, %mul3A_130 : i32
          %dma_start3A = arith.constant 1 : i32
          %dma_start3A_132 = arith.constant 0 : i32
          %dma_start3A_133 = arith.constant 1 : i32
          %dma_start3A_134 = arith.constant 0 : i32
          %dma_start3A_135 = tpu.memref_slice %arg8[%dma_start3A, %dma_start3A_132, %dma_start3A_134] : memref<4x1x128xi32, #tpu.memory_space<vmem>> -> memref<1x1x128xi32, #tpu.memory_space<vmem>>
          %dma_start3A_136 = tpu.memref_squeeze %dma_start3A_135 : memref<1x1x128xi32, #tpu.memory_space<vmem>> -> memref<128xi32, #tpu.memory_space<vmem>>
          %dma_start3A_137 = tpu.memref_slice %arg4[%mul3A_131] : memref<320000xi32, #tpu.memory_space<hbm>> -> memref<128xi32, #tpu.memory_space<hbm>>
          %dma_start3A_138 = tpu.memref_slice %arg15[%dma_start3A_133] : memref<4x!tpu.dma_semaphore, #tpu.memory_space<semaphore_mem>> -> memref<1x!tpu.dma_semaphore, #tpu.memory_space<semaphore_mem>>
          %dma_start3A_139 = tpu.memref_squeeze %dma_start3A_138 : memref<1x!tpu.dma_semaphore, #tpu.memory_space<semaphore_mem>> -> memref<!tpu.dma_semaphore, #tpu.memory_space<semaphore_mem>>
          %dma_start3A_140 = arith.constant 0 : i32
          %dma_start3A_141 = tpu.memref_slice %arg8[%dma_start3A, %dma_start3A_132, %dma_start3A_140] : memref<4x1x128xi32, #tpu.memory_space<vmem>> -> memref<1x1x128xi32, #tpu.memory_space<vmem>>
          %dma_start3A_142 = tpu.memref_squeeze %dma_start3A_141 : memref<1x1x128xi32, #tpu.memory_space<vmem>> -> memref<128xi32, #tpu.memory_space<vmem>>
          %dma_start3A_143 = tpu.memref_slice %arg4[%mul3A_131] : memref<320000xi32, #tpu.memory_space<hbm>> -> memref<128xi32, #tpu.memory_space<hbm>>
          tpu.enqueue_dma source(%dma_start3A_143 : memref<128xi32, #tpu.memory_space<hbm>>) target(%dma_start3A_142 : memref<128xi32, #tpu.memory_space<vmem>>) target_semaphore(%dma_start3A_139 : memref<!tpu.dma_semaphore, #tpu.memory_space<semaphore_mem>>)
          %dma_start3A_144 = arith.constant 1 : i32
          %dma_start3A_145 = arith.constant 0 : i32
          %dma_start3A_146 = arith.constant 1 : i32
          %dma_start3A_147 = arith.constant 0 : i32
          %dma_start3A_148 = tpu.memref_slice %arg9[%dma_start3A_144, %dma_start3A_145, %dma_start3A_147] : memref<4x1x128xi32, #tpu.memory_space<vmem>> -> memref<1x1x128xi32, #tpu.memory_space<vmem>>
          %dma_start3A_149 = tpu.memref_squeeze %dma_start3A_148 : memref<1x1x128xi32, #tpu.memory_space<vmem>> -> memref<128xi32, #tpu.memory_space<vmem>>
          %dma_start3A_150 = tpu.memref_slice %arg5[%mul3A_131] : memref<320000xi32, #tpu.memory_space<hbm>> -> memref<128xi32, #tpu.memory_space<hbm>>
          %dma_start3A_151 = tpu.memref_slice %arg16[%dma_start3A_146] : memref<4x!tpu.dma_semaphore, #tpu.memory_space<semaphore_mem>> -> memref<1x!tpu.dma_semaphore, #tpu.memory_space<semaphore_mem>>
          %dma_start3A_152 = tpu.memref_squeeze %dma_start3A_151 : memref<1x!tpu.dma_semaphore, #tpu.memory_space<semaphore_mem>> -> memref<!tpu.dma_semaphore, #tpu.memory_space<semaphore_mem>>
          %dma_start3A_153 = arith.constant 0 : i32
          %dma_start3A_154 = tpu.memref_slice %arg9[%dma_start3A_144, %dma_start3A_145, %dma_start3A_153] : memref<4x1x128xi32, #tpu.memory_space<vmem>> -> memref<1x1x128xi32, #tpu.memory_space<vmem>>
          %dma_start3A_155 = tpu.memref_squeeze %dma_start3A_154 : memref<1x1x128xi32, #tpu.memory_space<vmem>> -> memref<128xi32, #tpu.memory_space<vmem>>
          %dma_start3A_156 = tpu.memref_slice %arg5[%mul3A_131] : memref<320000xi32, #tpu.memory_space<hbm>> -> memref<128xi32, #tpu.memory_space<hbm>>
          tpu.enqueue_dma source(%dma_start3A_156 : memref<128xi32, #tpu.memory_space<hbm>>) target(%dma_start3A_155 : memref<128xi32, #tpu.memory_space<vmem>>) target_semaphore(%dma_start3A_152 : memref<!tpu.dma_semaphore, #tpu.memory_space<semaphore_mem>>)
        } else {
        }
      } else {
      }
    } else {
    }
    %broadcast_in_dim3A = arith.constant 0.000000e+00 : f32
    %broadcast_in_dim3A_6 = vector.broadcast %broadcast_in_dim3A : f32 to vector<16xf32>
    %scan3A = arith.constant 0 : i32
    %scan3A_7 = arith.constant 80 : i32
    %scan3A_8 = arith.addi %scan3A, %scan3A_7 : i32
    %scan3A_9 = arith.constant 1 : i32
    scf.for %scan3A_88 = %scan3A to %scan3A_8 step %scan3A_9  : i32 {
      %mul3A_89 = arith.constant 1 : i32
      %mul3A_90 = arith.muli %scan3A_88, %mul3A_89 : i32
      %add3A_91 = arith.constant 0 : i32
      %add3A_92 = arith.addi %add3A_91, %mul3A_90 : i32
      %swap3A_93 = arith.constant 0 : i32
      %swap3A_94 = arith.constant 0 : i32
      %swap3A_95 = arith.index_cast %swap3A_93 : i32 to index
      %swap3A_96 = arith.index_cast %swap3A_94 : i32 to index
      %swap3A_97 = arith.index_cast %add3A_92 : i32 to index
      %swap3A_98 = arith.constant 0 : index
      %swap3A_99 = tpu.vector_load %arg10[%swap3A_95, %swap3A_96, %swap3A_97, %swap3A_98] {strides = array<i32>} : memref<2x1x128x144xf32, #tpu.memory_space<vmem>>, vector<1x1x1x16xf32>,
      %swap3A_100 = vector.shape_cast %swap3A_99 : vector<1x1x1x16xf32> to vector<16xf32>
      %swap3A_101 = vector.shape_cast %broadcast_in_dim3A_6 : vector<16xf32> to vector<1x1x1x16xf32>
      tpu.vector_store %arg10[%swap3A_95, %swap3A_96, %swap3A_97, %swap3A_98], %swap3A_101 {strides = array<i32>} : memref<2x1x128x144xf32, #tpu.memory_space<vmem>>, vector<1x1x1x16xf32>,
      %swap3A_102 = arith.constant 0 : i32
      %swap3A_103 = arith.constant 0 : i32
      %swap3A_104 = arith.index_cast %swap3A_102 : i32 to index
      %swap3A_105 = arith.index_cast %swap3A_103 : i32 to index
      %swap3A_106 = arith.index_cast %add3A_92 : i32 to index
      %swap3A_107 = arith.constant 16 : index
      %swap3A_108 = tpu.vector_load %arg10[%swap3A_104, %swap3A_105, %swap3A_106, %swap3A_107] {strides = array<i32>} : memref<2x1x128x144xf32, #tpu.memory_space<vmem>>, vector<1x1x1x16xf32>,
      %swap3A_109 = vector.shape_cast %swap3A_108 : vector<1x1x1x16xf32> to vector<16xf32>
      %swap3A_110 = vector.shape_cast %broadcast_in_dim3A_6 : vector<16xf32> to vector<1x1x1x16xf32>
      tpu.vector_store %arg10[%swap3A_104, %swap3A_105, %swap3A_106, %swap3A_107], %swap3A_110 {strides = array<i32>} : memref<2x1x128x144xf32, #tpu.memory_space<vmem>>, vector<1x1x1x16xf32>,
      %swap3A_111 = arith.constant 0 : i32
      %swap3A_112 = arith.constant 0 : i32
      %swap3A_113 = arith.index_cast %swap3A_111 : i32 to index
      %swap3A_114 = arith.index_cast %swap3A_112 : i32 to index
      %swap3A_115 = arith.index_cast %add3A_92 : i32 to index
      %swap3A_116 = arith.constant 32 : index
      %swap3A_117 = tpu.vector_load %arg10[%swap3A_113, %swap3A_114, %swap3A_115, %swap3A_116] {strides = array<i32>} : memref<2x1x128x144xf32, #tpu.memory_space<vmem>>, vector<1x1x1x16xf32>,
      %swap3A_118 = vector.shape_cast %swap3A_117 : vector<1x1x1x16xf32> to vector<16xf32>
      %swap3A_119 = vector.shape_cast %broadcast_in_dim3A_6 : vector<16xf32> to vector<1x1x1x16xf32>
      tpu.vector_store %arg10[%swap3A_113, %swap3A_114, %swap3A_115, %swap3A_116], %swap3A_119 {strides = array<i32>} : memref<2x1x128x144xf32, #tpu.memory_space<vmem>>, vector<1x1x1x16xf32>,
      %swap3A_120 = arith.constant 0 : i32
      %swap3A_121 = arith.constant 0 : i32
      %swap3A_122 = arith.index_cast %swap3A_120 : i32 to index
      %swap3A_123 = arith.index_cast %swap3A_121 : i32 to index
      %swap3A_124 = arith.index_cast %add3A_92 : i32 to index
      %swap3A_125 = arith.constant 48 : index
      %swap3A_126 = tpu.vector_load %arg10[%swap3A_122, %swap3A_123, %swap3A_124, %swap3A_125] {strides = array<i32>} : memref<2x1x128x144xf32, #tpu.memory_space<vmem>>, vector<1x1x1x16xf32>,
      %swap3A_127 = vector.shape_cast %swap3A_126 : vector<1x1x1x16xf32> to vector<16xf32>
      %swap3A_128 = vector.shape_cast %broadcast_in_dim3A_6 : vector<16xf32> to vector<1x1x1x16xf32>
      tpu.vector_store %arg10[%swap3A_122, %swap3A_123, %swap3A_124, %swap3A_125], %swap3A_128 {strides = array<i32>} : memref<2x1x128x144xf32, #tpu.memory_space<vmem>>, vector<1x1x1x16xf32>,
      %swap3A_129 = arith.constant 0 : i32
      %swap3A_130 = arith.constant 0 : i32
      %swap3A_131 = arith.index_cast %swap3A_129 : i32 to index
      %swap3A_132 = arith.index_cast %swap3A_130 : i32 to index
      %swap3A_133 = arith.index_cast %add3A_92 : i32 to index
      %swap3A_134 = arith.constant 64 : index
      %swap3A_135 = tpu.vector_load %arg10[%swap3A_131, %swap3A_132, %swap3A_133, %swap3A_134] {strides = array<i32>} : memref<2x1x128x144xf32, #tpu.memory_space<vmem>>, vector<1x1x1x16xf32>,
      %swap3A_136 = vector.shape_cast %swap3A_135 : vector<1x1x1x16xf32> to vector<16xf32>
      %swap3A_137 = vector.shape_cast %broadcast_in_dim3A_6 : vector<16xf32> to vector<1x1x1x16xf32>
      tpu.vector_store %arg10[%swap3A_131, %swap3A_132, %swap3A_133, %swap3A_134], %swap3A_137 {strides = array<i32>} : memref<2x1x128x144xf32, #tpu.memory_space<vmem>>, vector<1x1x1x16xf32>,
      %swap3A_138 = arith.constant 0 : i32
      %swap3A_139 = arith.constant 0 : i32
      %swap3A_140 = arith.index_cast %swap3A_138 : i32 to index
      %swap3A_141 = arith.index_cast %swap3A_139 : i32 to index
      %swap3A_142 = arith.index_cast %add3A_92 : i32 to index
      %swap3A_143 = arith.constant 80 : index
      %swap3A_144 = tpu.vector_load %arg10[%swap3A_140, %swap3A_141, %swap3A_142, %swap3A_143] {strides = array<i32>} : memref<2x1x128x144xf32, #tpu.memory_space<vmem>>, vector<1x1x1x16xf32>,
      %swap3A_145 = vector.shape_cast %swap3A_144 : vector<1x1x1x16xf32> to vector<16xf32>
      %swap3A_146 = vector.shape_cast %broadcast_in_dim3A_6 : vector<16xf32> to vector<1x1x1x16xf32>
      tpu.vector_store %arg10[%swap3A_140, %swap3A_141, %swap3A_142, %swap3A_143], %swap3A_146 {strides = array<i32>} : memref<2x1x128x144xf32, #tpu.memory_space<vmem>>, vector<1x1x1x16xf32>,
      %swap3A_147 = arith.constant 0 : i32
      %swap3A_148 = arith.constant 0 : i32
      %swap3A_149 = arith.index_cast %swap3A_147 : i32 to index
      %swap3A_150 = arith.index_cast %swap3A_148 : i32 to index
      %swap3A_151 = arith.index_cast %add3A_92 : i32 to index
      %swap3A_152 = arith.constant 96 : index
      %swap3A_153 = tpu.vector_load %arg10[%swap3A_149, %swap3A_150, %swap3A_151, %swap3A_152] {strides = array<i32>} : memref<2x1x128x144xf32, #tpu.memory_space<vmem>>, vector<1x1x1x16xf32>,
      %swap3A_154 = vector.shape_cast %swap3A_153 : vector<1x1x1x16xf32> to vector<16xf32>
      %swap3A_155 = vector.shape_cast %broadcast_in_dim3A_6 : vector<16xf32> to vector<1x1x1x16xf32>
      tpu.vector_store %arg10[%swap3A_149, %swap3A_150, %swap3A_151, %swap3A_152], %swap3A_155 {strides = array<i32>} : memref<2x1x128x144xf32, #tpu.memory_space<vmem>>, vector<1x1x1x16xf32>,
      %swap3A_156 = arith.constant 0 : i32
      %swap3A_157 = arith.constant 0 : i32
      %swap3A_158 = arith.index_cast %swap3A_156 : i32 to index
      %swap3A_159 = arith.index_cast %swap3A_157 : i32 to index
      %swap3A_160 = arith.index_cast %add3A_92 : i32 to index
      %swap3A_161 = arith.constant 112 : index
      %swap3A_162 = tpu.vector_load %arg10[%swap3A_158, %swap3A_159, %swap3A_160, %swap3A_161] {strides = array<i32>} : memref<2x1x128x144xf32, #tpu.memory_space<vmem>>, vector<1x1x1x16xf32>,
      %swap3A_163 = vector.shape_cast %swap3A_162 : vector<1x1x1x16xf32> to vector<16xf32>
      %swap3A_164 = vector.shape_cast %broadcast_in_dim3A_6 : vector<16xf32> to vector<1x1x1x16xf32>
      tpu.vector_store %arg10[%swap3A_158, %swap3A_159, %swap3A_160, %swap3A_161], %swap3A_164 {strides = array<i32>} : memref<2x1x128x144xf32, #tpu.memory_space<vmem>>, vector<1x1x1x16xf32>,
      %swap3A_165 = arith.constant 0 : i32
      %swap3A_166 = arith.constant 0 : i32
      %swap3A_167 = arith.index_cast %swap3A_165 : i32 to index
      %swap3A_168 = arith.index_cast %swap3A_166 : i32 to index
      %swap3A_169 = arith.index_cast %add3A_92 : i32 to index
      %swap3A_170 = arith.constant 128 : index
      %swap3A_171 = tpu.vector_load %arg10[%swap3A_167, %swap3A_168, %swap3A_169, %swap3A_170] {strides = array<i32>} : memref<2x1x128x144xf32, #tpu.memory_space<vmem>>, vector<1x1x1x16xf32>,
      %swap3A_172 = vector.shape_cast %swap3A_171 : vector<1x1x1x16xf32> to vector<16xf32>
      %swap3A_173 = vector.shape_cast %broadcast_in_dim3A_6 : vector<16xf32> to vector<1x1x1x16xf32>
      tpu.vector_store %arg10[%swap3A_167, %swap3A_168, %swap3A_169, %swap3A_170], %swap3A_173 {strides = array<i32>} : memref<2x1x128x144xf32, #tpu.memory_space<vmem>>, vector<1x1x1x16xf32>,
    }
    %scan3A_10 = arith.constant 80 : i32
    %scan3A_11 = arith.constant 0 : i32
    %scan3A_12 = arith.constant 8 : i32
    %scan3A_13 = arith.addi %scan3A_11, %scan3A_12 : i32
    %scan3A_14 = arith.constant 1 : i32
    scf.for %scan3A_88 = %scan3A_11 to %scan3A_13 step %scan3A_14  : i32 {
      %mul3A_89 = arith.constant 1 : i32
      %mul3A_90 = arith.muli %scan3A_88, %mul3A_89 : i32
      %add3A_91 = arith.constant 0 : i32
      %add3A_92 = arith.addi %add3A_91, %mul3A_90 : i32
      %mul3A_93 = arith.constant 16 : i32
      %mul3A_94 = arith.muli %add3A_92, %mul3A_93 : i32
      %add3A_95 = arith.addi %mul3A_94, %arg1 : i32
      %lt3A_96 = arith.constant 125 : i32
      %lt3A_97 = arith.cmpi slt, %add3A_95, %lt3A_96 : i32
      %convert_element_type3A_98 = arith.extui %lt3A_97 : i1 to i32
      %cond3A_99 = arith.constant 0 : i32
      %cond3A_100 = arith.cmpi ne, %convert_element_type3A_98, %cond3A_99 : i32
      scf.if %cond3A_100 {
        %mul3A_101 = arith.constant 80 : i32
        %mul3A_102 = arith.muli %add3A_95, %mul3A_101 : i32
        %run_scoped3A = arith.constant 0 : i32
        %run_scoped3A_103 = arith.constant 0 : i32
        "tpu.region"() ({
          %run_scoped3A_104 = tpu.sem_alloc : memref<!tpu.dma_semaphore, #tpu.memory_space<semaphore_mem>>
          %dma_start3A = arith.constant 0 : i32
          %dma_start3A_105 = arith.constant 0 : i32
          %dma_start3A_106 = tpu.memref_slice %arg10[%run_scoped3A, %run_scoped3A_103, %dma_start3A, %dma_start3A_105] : memref<2x1x128x144xf32, #tpu.memory_space<vmem>> -> memref<1x1x80x144xf32, #tpu.memory_space<vmem>>
          %dma_start3A_107 = tpu.memref_squeeze %dma_start3A_106 : memref<1x1x80x144xf32, #tpu.memory_space<vmem>> -> memref<80x144xf32, #tpu.memory_space<vmem>>
          %dma_start3A_108 = arith.constant 0 : i32
          %dma_start3A_109 = tpu.memref_slice %arg14[%mul3A_102, %dma_start3A_108] : memref<10000x144xf32, #tpu.memory_space<vmem_shared>> -> memref<80x144xf32, #tpu.memory_space<vmem_shared>>
          %dma_start3A_110 = arith.constant 0 : i32
          %dma_start3A_111 = tpu.memref_slice %arg14[%mul3A_102, %dma_start3A_110] : memref<10000x144xf32, #tpu.memory_space<vmem_shared>> -> memref<80x144xf32, #tpu.memory_space<vmem_shared>>
          %dma_start3A_112 = arith.constant 0 : i32
          %dma_start3A_113 = arith.constant 0 : i32
          %dma_start3A_114 = tpu.memref_slice %arg10[%run_scoped3A, %run_scoped3A_103, %dma_start3A_112, %dma_start3A_113] : memref<2x1x128x144xf32, #tpu.memory_space<vmem>> -> memref<1x1x80x144xf32, #tpu.memory_space<vmem>>
          %dma_start3A_115 = tpu.memref_squeeze %dma_start3A_114 : memref<1x1x80x144xf32, #tpu.memory_space<vmem>> -> memref<80x144xf32, #tpu.memory_space<vmem>>
          tpu.enqueue_dma source(%dma_start3A_115 : memref<80x144xf32, #tpu.memory_space<vmem>>) target(%dma_start3A_111 : memref<80x144xf32, #tpu.memory_space<vmem_shared>>) target_semaphore(%run_scoped3A_104 : memref<!tpu.dma_semaphore, #tpu.memory_space<semaphore_mem>>)
          %dma_wait3A = arith.constant 0 : i32
          %dma_wait3A_116 = arith.constant 0 : i32
          %dma_wait3A_117 = tpu.memref_slice %arg10[%run_scoped3A, %run_scoped3A_103, %dma_wait3A, %dma_wait3A_116] : memref<2x1x128x144xf32, #tpu.memory_space<vmem>> -> memref<1x1x80x144xf32, #tpu.memory_space<vmem>>
          %dma_wait3A_118 = tpu.memref_squeeze %dma_wait3A_117 : memref<1x1x80x144xf32, #tpu.memory_space<vmem>> -> memref<80x144xf32, #tpu.memory_space<vmem>>
          %dma_wait3A_119 = arith.constant 0 : i32
          %dma_wait3A_120 = tpu.memref_slice %arg14[%mul3A_102, %dma_wait3A_119] : memref<10000x144xf32, #tpu.memory_space<vmem_shared>> -> memref<80x144xf32, #tpu.memory_space<vmem_shared>>
          %dma_wait3A_121 = arith.constant 0 : i32
          %dma_wait3A_122 = tpu.memref_slice %arg14[%mul3A_102, %dma_wait3A_121] : memref<10000x144xf32, #tpu.memory_space<vmem_shared>> -> memref<80x144xf32, #tpu.memory_space<vmem_shared>>
          %dma_wait3A_123 = arith.constant 0 : i32
          %dma_wait3A_124 = arith.constant 0 : i32
          %dma_wait3A_125 = tpu.memref_slice %arg10[%run_scoped3A, %run_scoped3A_103, %dma_wait3A_123, %dma_wait3A_124] : memref<2x1x128x144xf32, #tpu.memory_space<vmem>> -> memref<1x1x80x144xf32, #tpu.memory_space<vmem>>
          %dma_wait3A_126 = tpu.memref_squeeze %dma_wait3A_125 : memref<1x1x80x144xf32, #tpu.memory_space<vmem>> -> memref<80x144xf32, #tpu.memory_space<vmem>>
          tpu.wait_dma2 semaphore(%run_scoped3A_104 : memref<!tpu.dma_semaphore, #tpu.memory_space<semaphore_mem>>) src(%dma_wait3A_126 : memref<80x144xf32, #tpu.memory_space<vmem>>) dst(%dma_wait3A_122 : memref<80x144xf32, #tpu.memory_space<vmem_shared>>)
          tpu.yield
        }) : () -> ()
      } else {
      }
    }
    %scan3A_15 = arith.constant 8 : i32
    "tpu.region"() ({
      %run_scoped3A = tpu.sem_alloc : memref<!tpu.dma_semaphore, #tpu.memory_space<semaphore_mem>>
      tpu.enqueue_dma source(%arg6 : memref<2x16xf32, #tpu.memory_space<hbm>>) target(%arg12 : memref<2x16xf32, #tpu.memory_space<vmem>>) target_semaphore(%run_scoped3A : memref<!tpu.dma_semaphore, #tpu.memory_space<semaphore_mem>>)
      tpu.wait_dma2 semaphore(%run_scoped3A : memref<!tpu.dma_semaphore, #tpu.memory_space<semaphore_mem>>) src(%arg6 : memref<2x16xf32, #tpu.memory_space<hbm>>) dst(%arg12 : memref<2x16xf32, #tpu.memory_space<vmem>>)
      tpu.yield
    }) : () -> ()
    %get3A = arith.constant 0 : i32
    %get3A_16 = arith.index_cast %get3A : i32 to index
    %get3A_17 = arith.constant 0 : index
    %get3A_18 = tpu.vector_load %arg12[%get3A_16, %get3A_17] {strides = array<i32>} : memref<2x16xf32, #tpu.memory_space<vmem>>, vector<1x16xf32>,
    %get3A_19 = vector.shape_cast %get3A_18 : vector<1x16xf32> to vector<16xf32>
    %get3A_20 = arith.constant 1 : i32
    %get3A_21 = arith.index_cast %get3A_20 : i32 to index
    %get3A_22 = arith.constant 0 : index
    %get3A_23 = tpu.vector_load %arg12[%get3A_21, %get3A_22] {strides = array<i32>} : memref<2x16xf32, #tpu.memory_space<vmem>>, vector<1x16xf32>,
    %get3A_24 = vector.shape_cast %get3A_23 : vector<1x16xf32> to vector<16xf32>
    %add3A_25 = arith.addf %get3A_19, %get3A_24 : vector<16xf32>
    %gt3A = arith.constant 0.000000e+00 : f32
    %gt3A_26 = vector.broadcast %gt3A : f32 to vector<16xf32>
    %gt3A_27 = arith.cmpf ogt, %add3A_25, %gt3A_26 : vector<16xf32>
    %mul3A_28 = arith.constant 2.000000e-01 : f32
    %mul3A_29 = vector.broadcast %mul3A_28 : f32 to vector<16xf32>
    %mul3A_30 = arith.mulf %mul3A_29, %add3A_25 : vector<16xf32>
    %select_n3A = arith.select %gt3A_27, %add3A_25, %mul3A_30 : vector<16xi1>, vector<16xf32>
    %swap3A = arith.constant 0 : index
    %swap3A_31 = tpu.vector_load %arg13[%swap3A] {strides = array<i32>} : memref<16xf32, #tpu.memory_space<vmem>>, vector<16xf32>,
    %swap3A_32 = vector.shape_cast %swap3A_31 : vector<16xf32> to vector<16xf32>
    %swap3A_33 = vector.shape_cast %select_n3A : vector<16xf32> to vector<16xf32>
    tpu.vector_store %arg13[%swap3A], %swap3A_33 {strides = array<i32>} : memref<16xf32, #tpu.memory_space<vmem>>, vector<16xf32>,
    %barrier3A = arith.constant 0 : index
    tpu.barrier barrier_id(%barrier3A)
    %add3A_34 = arith.constant 0 : i32
    %add3A_35 = arith.addi %add3A_34, %arg1 : i32
    %mul3A_36 = arith.constant 1 : i32
    %mul3A_37 = arith.muli %add3A_35, %mul3A_36 : i32
    %add3A_38 = arith.constant 0 : i32
    %add3A_39 = arith.addi %mul3A_37, %add3A_38 : i32
    %lt3A_40 = arith.constant 1250 : i32
    %lt3A_41 = arith.cmpi slt, %add3A_39, %lt3A_40 : i32
    %convert_element_type3A_42 = arith.extui %lt3A_41 : i1 to i32
    %cond3A_43 = arith.constant 0 : i32
    %cond3A_44 = arith.cmpi ne, %convert_element_type3A_42, %cond3A_43 : i32
    scf.if %cond3A_44 {
      %add3A_88 = arith.constant 0 : i32
      %add3A_89 = arith.addi %add3A_88, %arg1 : i32
      %mul3A_90 = arith.constant 1 : i32
      %mul3A_91 = arith.muli %add3A_89, %mul3A_90 : i32
      %add3A_92 = arith.constant 0 : i32
      %add3A_93 = arith.addi %mul3A_91, %add3A_92 : i32
      %lt3A_94 = arith.constant 1250 : i32
      %lt3A_95 = arith.cmpi slt, %add3A_93, %lt3A_94 : i32
      %convert_element_type3A_96 = arith.extui %lt3A_95 : i1 to i32
      %cond3A_97 = arith.constant 0 : i32
      %cond3A_98 = arith.cmpi ne, %convert_element_type3A_96, %cond3A_97 : i32
      scf.if %cond3A_98 {
        %dma_wait3A = arith.constant 0 : i32
        %dma_wait3A_121 = arith.constant 0 : i32
        %dma_wait3A_122 = arith.constant 0 : i32
        %dma_wait3A_123 = arith.constant 0 : i32
        %dma_wait3A_124 = tpu.memref_slice %arg8[%dma_wait3A, %dma_wait3A_121, %dma_wait3A_123] : memref<4x1x128xi32, #tpu.memory_space<vmem>> -> memref<1x1x128xi32, #tpu.memory_space<vmem>>
        %dma_wait3A_125 = tpu.memref_squeeze %dma_wait3A_124 : memref<1x1x128xi32, #tpu.memory_space<vmem>> -> memref<128xi32, #tpu.memory_space<vmem>>
        %dma_wait3A_126 = arith.constant 0 : i32
        %dma_wait3A_127 = tpu.memref_slice %arg4[%dma_wait3A_126] : memref<320000xi32, #tpu.memory_space<hbm>> -> memref<128xi32, #tpu.memory_space<hbm>>
        %dma_wait3A_128 = tpu.memref_slice %arg15[%dma_wait3A_122] : memref<4x!tpu.dma_semaphore, #tpu.memory_space<semaphore_mem>> -> memref<1x!tpu.dma_semaphore, #tpu.memory_space<semaphore_mem>>
        %dma_wait3A_129 = tpu.memref_squeeze %dma_wait3A_128 : memref<1x!tpu.dma_semaphore, #tpu.memory_space<semaphore_mem>> -> memref<!tpu.dma_semaphore, #tpu.memory_space<semaphore_mem>>
        %dma_wait3A_130 = arith.constant 0 : i32
        %dma_wait3A_131 = tpu.memref_slice %arg8[%dma_wait3A, %dma_wait3A_121, %dma_wait3A_130] : memref<4x1x128xi32, #tpu.memory_space<vmem>> -> memref<1x1x128xi32, #tpu.memory_space<vmem>>
        %dma_wait3A_132 = tpu.memref_squeeze %dma_wait3A_131 : memref<1x1x128xi32, #tpu.memory_space<vmem>> -> memref<128xi32, #tpu.memory_space<vmem>>
        %dma_wait3A_133 = arith.constant 0 : i32
        %dma_wait3A_134 = tpu.memref_slice %arg4[%dma_wait3A_133] : memref<320000xi32, #tpu.memory_space<hbm>> -> memref<128xi32, #tpu.memory_space<hbm>>
        tpu.wait_dma2 semaphore(%dma_wait3A_129 : memref<!tpu.dma_semaphore, #tpu.memory_space<semaphore_mem>>) src(%dma_wait3A_134 : memref<128xi32, #tpu.memory_space<hbm>>) dst(%dma_wait3A_132 : memref<128xi32, #tpu.memory_space<vmem>>)
        %dma_wait3A_135 = arith.constant 0 : i32
        %dma_wait3A_136 = arith.constant 0 : i32
        %dma_wait3A_137 = arith.constant 0 : i32
        %dma_wait3A_138 = arith.constant 0 : i32
        %dma_wait3A_139 = tpu.memref_slice %arg9[%dma_wait3A_135, %dma_wait3A_136, %dma_wait3A_138] : memref<4x1x128xi32, #tpu.memory_space<vmem>> -> memref<1x1x128xi32, #tpu.memory_space<vmem>>
        %dma_wait3A_140 = tpu.memref_squeeze %dma_wait3A_139 : memref<1x1x128xi32, #tpu.memory_space<vmem>> -> memref<128xi32, #tpu.memory_space<vmem>>
        %dma_wait3A_141 = arith.constant 0 : i32
        %dma_wait3A_142 = tpu.memref_slice %arg5[%dma_wait3A_141] : memref<320000xi32, #tpu.memory_space<hbm>> -> memref<128xi32, #tpu.memory_space<hbm>>
        %dma_wait3A_143 = tpu.memref_slice %arg16[%dma_wait3A_137] : memref<4x!tpu.dma_semaphore, #tpu.memory_space<semaphore_mem>> -> memref<1x!tpu.dma_semaphore, #tpu.memory_space<semaphore_mem>>
        %dma_wait3A_144 = tpu.memref_squeeze %dma_wait3A_143 : memref<1x!tpu.dma_semaphore, #tpu.memory_space<semaphore_mem>> -> memref<!tpu.dma_semaphore, #tpu.memory_space<semaphore_mem>>
        %dma_wait3A_145 = arith.constant 0 : i32
        %dma_wait3A_146 = tpu.memref_slice %arg9[%dma_wait3A_135, %dma_wait3A_136, %dma_wait3A_145] : memref<4x1x128xi32, #tpu.memory_space<vmem>> -> memref<1x1x128xi32, #tpu.memory_space<vmem>>
        %dma_wait3A_147 = tpu.memref_squeeze %dma_wait3A_146 : memref<1x1x128xi32, #tpu.memory_space<vmem>> -> memref<128xi32, #tpu.memory_space<vmem>>
        %dma_wait3A_148 = arith.constant 0 : i32
        %dma_wait3A_149 = tpu.memref_slice %arg5[%dma_wait3A_148] : memref<320000xi32, #tpu.memory_space<hbm>> -> memref<128xi32, #tpu.memory_space<hbm>>
        tpu.wait_dma2 semaphore(%dma_wait3A_144 : memref<!tpu.dma_semaphore, #tpu.memory_space<semaphore_mem>>) src(%dma_wait3A_149 : memref<128xi32, #tpu.memory_space<hbm>>) dst(%dma_wait3A_147 : memref<128xi32, #tpu.memory_space<vmem>>)
      } else {
      }
      %add3A_99 = arith.constant 0 : i32
      %add3A_100 = arith.addi %add3A_99, %arg1 : i32
      %mul3A_101 = arith.constant 1 : i32
      %mul3A_102 = arith.muli %add3A_100, %mul3A_101 : i32
      %add3A_103 = arith.constant 0 : i32
      %add3A_104 = arith.addi %mul3A_102, %add3A_103 : i32
      %lt3A_105 = arith.constant 1250 : i32
      %lt3A_106 = arith.cmpi slt, %add3A_104, %lt3A_105 : i32
      %convert_element_type3A_107 = arith.extui %lt3A_106 : i1 to i32
      %cond3A_108 = arith.constant 0 : i32
      %cond3A_109 = arith.cmpi ne, %convert_element_type3A_107, %cond3A_108 : i32
      scf.if %cond3A_109 {
        %dma_start3A = arith.constant 0 : i32
        %dma_start3A_121 = arith.constant 0 : i32
        %dma_start3A_122 = arith.constant 0 : i32
        %dma_start3A_123 = arith.constant 0 : i32
        %dma_start3A_124 = arith.constant 0 : i32
        %dma_start3A_125 = arith.constant 0 : i32
        %dma_start3A_126 = arith.constant 0 : i32
        %dma_start3A_127 = tpu.memref_slice %arg10[%dma_start3A_122, %dma_start3A_123, %dma_start3A_125, %dma_start3A_126] : memref<2x1x128x144xf32, #tpu.memory_space<vmem>> -> memref<1x1x128x144xf32, #tpu.memory_space<vmem>>
        %dma_start3A_128 = tpu.memref_squeeze %dma_start3A_127 : memref<1x1x128x144xf32, #tpu.memory_space<vmem>> -> memref<128x144xf32, #tpu.memory_space<vmem>>
        %dma_start3A_129 = arith.constant 0 : i32
        %dma_start3A_130 = tpu.memref_slice %arg8[%dma_start3A, %dma_start3A_121, %dma_start3A_129] : memref<4x1x128xi32, #tpu.memory_space<vmem>> -> memref<1x1x128xi32, #tpu.memory_space<vmem>>
        %dma_start3A_131 = tpu.memref_squeeze %dma_start3A_130 : memref<1x1x128xi32, #tpu.memory_space<vmem>> -> memref<128xi32, #tpu.memory_space<vmem>>
        %dma_start3A_132 = arith.constant 0 : i32
        %dma_start3A_133 = arith.constant 0 : i32
        %dma_start3A_134 = tpu.memref_slice %arg2[%dma_start3A_132, %dma_start3A_133] : memref<10000x144xf32, #tpu.memory_space<hbm>> -> memref<10000x144xf32, #tpu.memory_space<hbm>>
        %dma_start3A_135 = tpu.memref_slice %arg17[%dma_start3A_124] : memref<2x!tpu.dma_semaphore, #tpu.memory_space<semaphore_mem>> -> memref<1x!tpu.dma_semaphore, #tpu.memory_space<semaphore_mem>>
        %dma_start3A_136 = tpu.memref_squeeze %dma_start3A_135 : memref<1x!tpu.dma_semaphore, #tpu.memory_space<semaphore_mem>> -> memref<!tpu.dma_semaphore, #tpu.memory_space<semaphore_mem>>
        tpu.enqueue_indirect_dma source(%dma_start3A_134 : memref<10000x144xf32, #tpu.memory_space<hbm>>) target(%dma_start3A_128 : memref<128x144xf32, #tpu.memory_space<vmem>>) offsets(%dma_start3A_131 : memref<128xi32, #tpu.memory_space<vmem>>) semaphore(%dma_start3A_136 : memref<!tpu.dma_semaphore, #tpu.memory_space<semaphore_mem>>)
      } else {
      }
      %add3A_110 = arith.constant 0 : i32
      %add3A_111 = arith.addi %add3A_110, %arg1 : i32
      %mul3A_112 = arith.constant 1 : i32
      %mul3A_113 = arith.muli %add3A_111, %mul3A_112 : i32
      %add3A_114 = arith.constant 0 : i32
      %add3A_115 = arith.addi %mul3A_113, %add3A_114 : i32
      %lt3A_116 = arith.constant 1250 : i32
      %lt3A_117 = arith.cmpi slt, %add3A_115, %lt3A_116 : i32
      %convert_element_type3A_118 = arith.extui %lt3A_117 : i1 to i32
      %cond3A_119 = arith.constant 0 : i32
      %cond3A_120 = arith.cmpi ne, %convert_element_type3A_118, %cond3A_119 : i32
      scf.if %cond3A_120 {
        %dma_start3A = arith.constant 0 : i32
        %dma_start3A_121 = arith.constant 0 : i32
        %dma_start3A_122 = arith.constant 0 : i32
        %dma_start3A_123 = arith.constant 0 : i32
        %dma_start3A_124 = arith.constant 0 : i32
        %dma_start3A_125 = tpu.memref_slice %arg11[%dma_start3A_122, %dma_start3A_123, %dma_start3A_124] : memref<1x128x16xf32, #tpu.memory_space<vmem>> -> memref<1x128x16xf32, #tpu.memory_space<vmem>>
        %dma_start3A_126 = tpu.memref_squeeze %dma_start3A_125 : memref<1x128x16xf32, #tpu.memory_space<vmem>> -> memref<128x16xf32, #tpu.memory_space<vmem>>
        %dma_start3A_127 = arith.constant 0 : i32
        %dma_start3A_128 = tpu.memref_slice %arg9[%dma_start3A, %dma_start3A_121, %dma_start3A_127] : memref<4x1x128xi32, #tpu.memory_space<vmem>> -> memref<1x1x128xi32, #tpu.memory_space<vmem>>
        %dma_start3A_129 = tpu.memref_squeeze %dma_start3A_128 : memref<1x1x128xi32, #tpu.memory_space<vmem>> -> memref<128xi32, #tpu.memory_space<vmem>>
        %dma_start3A_130 = arith.constant 0 : i32
        %dma_start3A_131 = arith.constant 0 : i32
        %dma_start3A_132 = tpu.memref_slice %arg3[%dma_start3A_130, %dma_start3A_131] : memref<10000x16xf32, #tpu.memory_space<hbm>> -> memref<10000x16xf32, #tpu.memory_space<hbm>>
        tpu.enqueue_indirect_dma source(%dma_start3A_132 : memref<10000x16xf32, #tpu.memory_space<hbm>>) target(%dma_start3A_126 : memref<128x16xf32, #tpu.memory_space<vmem>>) offsets(%dma_start3A_129 : memref<128xi32, #tpu.memory_space<vmem>>) semaphore(%arg18 : memref<!tpu.dma_semaphore, #tpu.memory_space<semaphore_mem>>)
      } else {
      }
    } else {
    }
    %scan3A_45 = arith.constant 0 : i32
    %scan3A_46 = arith.constant 79 : i32
    %scan3A_47 = arith.addi %scan3A_45, %scan3A_46 : i32
    %scan3A_48 = arith.constant 1 : i32
    scf.for %scan3A_88 = %scan3A_45 to %scan3A_47 step %scan3A_48  : i32 {
      %mul3A_89 = arith.constant 1 : i32
      %mul3A_90 = arith.muli %scan3A_88, %mul3A_89 : i32
      %add3A_91 = arith.constant 0 : i32
      %add3A_92 = arith.addi %add3A_91, %mul3A_90 : i32
      %mul3A_93 = arith.constant 16 : i32
      %mul3A_94 = arith.muli %add3A_92, %mul3A_93 : i32
      %add3A_95 = arith.addi %mul3A_94, %arg1 : i32
      %mul3A_96 = arith.constant 1 : i32
      %mul3A_97 = arith.muli %add3A_95, %mul3A_96 : i32
      %add3A_98 = arith.constant 0 : i32
      %add3A_99 = arith.addi %mul3A_97, %add3A_98 : i32
      %lt3A_100 = arith.constant 1250 : i32
      %lt3A_101 = arith.cmpi slt, %add3A_99, %lt3A_100 : i32
      %convert_element_type3A_102 = arith.extui %lt3A_101 : i1 to i32
      %cond3A_103 = arith.constant 0 : i32
      %cond3A_104 = arith.cmpi ne, %convert_element_type3A_102, %cond3A_103 : i32
      scf.if %cond3A_104 {
        %rem3A_105 = arith.constant 2 : i32
        %rem3A_106 = arith.remsi %add3A_92, %rem3A_105 : i32
        %add3A_107 = arith.constant 1 : i32
        %add3A_108 = arith.addi %add3A_92, %add3A_107 : i32
        %rem3A_109 = arith.constant 2 : i32
        %rem3A_110 = arith.remsi %add3A_108, %rem3A_109 : i32
        %rem3A_111 = arith.constant 4 : i32
        %rem3A_112 = arith.remsi %add3A_92, %rem3A_111 : i32
        %add3A_113 = arith.constant 1 : i32
        %add3A_114 = arith.addi %add3A_92, %add3A_113 : i32
        %rem3A_115 = arith.constant 4 : i32
        %rem3A_116 = arith.remsi %add3A_114, %rem3A_115 : i32
        %add3A_117 = arith.constant 2 : i32
        %add3A_118 = arith.addi %add3A_92, %add3A_117 : i32
        %rem3A_119 = arith.constant 4 : i32
        %rem3A_120 = arith.remsi %add3A_118, %rem3A_119 : i32
        %ge3A_121 = arith.constant 2 : i32
        %ge3A_122 = arith.cmpi sge, %add3A_92, %ge3A_121 : i32
        %convert_element_type3A_123 = arith.extui %ge3A_122 : i1 to i32
        %cond3A_124 = arith.constant 0 : i32
        %cond3A_125 = arith.cmpi ne, %convert_element_type3A_123, %cond3A_124 : i32
        scf.if %cond3A_125 {
          %sub3A_245 = arith.constant 2 : i32
          %sub3A_246 = arith.subi %add3A_92, %sub3A_245 : i32
          %mul3A_247 = arith.constant 16 : i32
          %mul3A_248 = arith.muli %sub3A_246, %mul3A_247 : i32
          %add3A_249 = arith.addi %mul3A_248, %arg1 : i32
          %mul3A_250 = arith.constant 1 : i32
          %mul3A_251 = arith.muli %add3A_249, %mul3A_250 : i32
          %add3A_252 = arith.constant 0 : i32
          %add3A_253 = arith.addi %mul3A_251, %add3A_252 : i32
          %lt3A_254 = arith.constant 1250 : i32
          %lt3A_255 = arith.cmpi slt, %add3A_253, %lt3A_254 : i32
          %convert_element_type3A_256 = arith.extui %lt3A_255 : i1 to i32
          %cond3A_257 = arith.constant 0 : i32
          %cond3A_258 = arith.cmpi ne, %convert_element_type3A_256, %cond3A_257 : i32
          scf.if %cond3A_258 {
            %dma_wait3A = arith.constant 0 : i32
            %dma_wait3A_259 = arith.constant 0 : i32
            %dma_wait3A_260 = arith.constant 0 : i32
            %dma_wait3A_261 = arith.constant 0 : i32
            %dma_wait3A_262 = tpu.memref_slice %arg10[%rem3A_106, %dma_wait3A, %dma_wait3A_260, %dma_wait3A_261] : memref<2x1x128x144xf32, #tpu.memory_space<vmem>> -> memref<1x1x128x144xf32, #tpu.memory_space<vmem>>
            %dma_wait3A_263 = tpu.memref_squeeze %dma_wait3A_262 : memref<1x1x128x144xf32, #tpu.memory_space<vmem>> -> memref<128x144xf32, #tpu.memory_space<vmem>>
            %dma_wait3A_264 = arith.constant 0 : i32
            %dma_wait3A_265 = tpu.memref_slice %arg9[%rem3A_120, %dma_wait3A_259, %dma_wait3A_264] : memref<4x1x128xi32, #tpu.memory_space<vmem>> -> memref<1x1x128xi32, #tpu.memory_space<vmem>>
            %dma_wait3A_266 = tpu.memref_squeeze %dma_wait3A_265 : memref<1x1x128xi32, #tpu.memory_space<vmem>> -> memref<128xi32, #tpu.memory_space<vmem>>
            %dma_wait3A_267 = arith.constant 0 : i32
            %dma_wait3A_268 = arith.constant 0 : i32
            %dma_wait3A_269 = tpu.memref_slice %arg14[%dma_wait3A_267, %dma_wait3A_268] : memref<10000x144xf32, #tpu.memory_space<vmem_shared>> -> memref<10000x144xf32, #tpu.memory_space<vmem_shared>>
            %dma_wait3A_270 = tpu.memref_slice %arg19[%rem3A_106] : memref<2x!tpu.dma_semaphore, #tpu.memory_space<semaphore_mem>> -> memref<1x!tpu.dma_semaphore, #tpu.memory_space<semaphore_mem>>
            %dma_wait3A_271 = tpu.memref_squeeze %dma_wait3A_270 : memref<1x!tpu.dma_semaphore, #tpu.memory_space<semaphore_mem>> -> memref<!tpu.dma_semaphore, #tpu.memory_space<semaphore_mem>>
            tpu.wait_indirect_dma semaphore(%dma_wait3A_271 : memref<!tpu.dma_semaphore, #tpu.memory_space<semaphore_mem>>) src(%dma_wait3A_263 : memref<128x144xf32, #tpu.memory_space<vmem>>) dst(%dma_wait3A_269 : memref<10000x144xf32, #tpu.memory_space<vmem_shared>>)
          } else {
          }
        } else {
        }
        %add3A_126 = arith.constant 2 : i32
        %add3A_127 = arith.addi %add3A_92, %add3A_126 : i32
        %mul3A_128 = arith.constant 16 : i32
        %mul3A_129 = arith.muli %add3A_127, %mul3A_128 : i32
        %add3A_130 = arith.addi %mul3A_129, %arg1 : i32
        %mul3A_131 = arith.constant 1 : i32
        %mul3A_132 = arith.muli %add3A_130, %mul3A_131 : i32
        %add3A_133 = arith.constant 0 : i32
        %add3A_134 = arith.addi %mul3A_132, %add3A_133 : i32
        %lt3A_135 = arith.constant 1250 : i32
        %lt3A_136 = arith.cmpi slt, %add3A_134, %lt3A_135 : i32
        %convert_element_type3A_137 = arith.extui %lt3A_136 : i1 to i32
        %cond3A_138 = arith.constant 0 : i32
        %cond3A_139 = arith.cmpi ne, %convert_element_type3A_137, %cond3A_138 : i32
        scf.if %cond3A_139 {
          %mul3A_245 = arith.constant 1250 : i32
          %mul3A_246 = arith.muli %arg0, %mul3A_245 : i32
          %mul3A_247 = arith.constant 16 : i32
          %mul3A_248 = arith.muli %add3A_127, %mul3A_247 : i32
          %add3A_249 = arith.addi %mul3A_248, %arg1 : i32
          %mul3A_250 = arith.constant 1 : i32
          %mul3A_251 = arith.muli %add3A_249, %mul3A_250 : i32
          %add3A_252 = arith.constant 0 : i32
          %add3A_253 = arith.addi %mul3A_251, %add3A_252 : i32
          %add3A_254 = arith.addi %mul3A_246, %add3A_253 : i32
          %mul3A_255 = arith.constant 128 : i32
          %mul3A_256 = arith.muli %add3A_254, %mul3A_255 : i32
          %dma_start3A = arith.constant 0 : i32
          %dma_start3A_257 = arith.constant 0 : i32
          %dma_start3A_258 = tpu.memref_slice %arg8[%rem3A_120, %dma_start3A, %dma_start3A_257] : memref<4x1x128xi32, #tpu.memory_space<vmem>> -> memref<1x1x128xi32, #tpu.memory_space<vmem>>
          %dma_start3A_259 = tpu.memref_squeeze %dma_start3A_258 : memref<1x1x128xi32, #tpu.memory_space<vmem>> -> memref<128xi32, #tpu.memory_space<vmem>>
          %dma_start3A_260 = tpu.memref_slice %arg4[%mul3A_256] : memref<320000xi32, #tpu.memory_space<hbm>> -> memref<128xi32, #tpu.memory_space<hbm>>
          %dma_start3A_261 = tpu.memref_slice %arg15[%rem3A_120] : memref<4x!tpu.dma_semaphore, #tpu.memory_space<semaphore_mem>> -> memref<1x!tpu.dma_semaphore, #tpu.memory_space<semaphore_mem>>
          %dma_start3A_262 = tpu.memref_squeeze %dma_start3A_261 : memref<1x!tpu.dma_semaphore, #tpu.memory_space<semaphore_mem>> -> memref<!tpu.dma_semaphore, #tpu.memory_space<semaphore_mem>>
          %dma_start3A_263 = arith.constant 0 : i32
          %dma_start3A_264 = tpu.memref_slice %arg8[%rem3A_120, %dma_start3A, %dma_start3A_263] : memref<4x1x128xi32, #tpu.memory_space<vmem>> -> memref<1x1x128xi32, #tpu.memory_space<vmem>>
          %dma_start3A_265 = tpu.memref_squeeze %dma_start3A_264 : memref<1x1x128xi32, #tpu.memory_space<vmem>> -> memref<128xi32, #tpu.memory_space<vmem>>
          %dma_start3A_266 = tpu.memref_slice %arg4[%mul3A_256] : memref<320000xi32, #tpu.memory_space<hbm>> -> memref<128xi32, #tpu.memory_space<hbm>>
          tpu.enqueue_dma source(%dma_start3A_266 : memref<128xi32, #tpu.memory_space<hbm>>) target(%dma_start3A_265 : memref<128xi32, #tpu.memory_space<vmem>>) target_semaphore(%dma_start3A_262 : memref<!tpu.dma_semaphore, #tpu.memory_space<semaphore_mem>>)
          %dma_start3A_267 = arith.constant 0 : i32
          %dma_start3A_268 = arith.constant 0 : i32
          %dma_start3A_269 = tpu.memref_slice %arg9[%rem3A_120, %dma_start3A_267, %dma_start3A_268] : memref<4x1x128xi32, #tpu.memory_space<vmem>> -> memref<1x1x128xi32, #tpu.memory_space<vmem>>
          %dma_start3A_270 = tpu.memref_squeeze %dma_start3A_269 : memref<1x1x128xi32, #tpu.memory_space<vmem>> -> memref<128xi32, #tpu.memory_space<vmem>>
          %dma_start3A_271 = tpu.memref_slice %arg5[%mul3A_256] : memref<320000xi32, #tpu.memory_space<hbm>> -> memref<128xi32, #tpu.memory_space<hbm>>
          %dma_start3A_272 = tpu.memref_slice %arg16[%rem3A_120] : memref<4x!tpu.dma_semaphore, #tpu.memory_space<semaphore_mem>> -> memref<1x!tpu.dma_semaphore, #tpu.memory_space<semaphore_mem>>
          %dma_start3A_273 = tpu.memref_squeeze %dma_start3A_272 : memref<1x!tpu.dma_semaphore, #tpu.memory_space<semaphore_mem>> -> memref<!tpu.dma_semaphore, #tpu.memory_space<semaphore_mem>>
          %dma_start3A_274 = arith.constant 0 : i32
          %dma_start3A_275 = tpu.memref_slice %arg9[%rem3A_120, %dma_start3A_267, %dma_start3A_274] : memref<4x1x128xi32, #tpu.memory_space<vmem>> -> memref<1x1x128xi32, #tpu.memory_space<vmem>>
          %dma_start3A_276 = tpu.memref_squeeze %dma_start3A_275 : memref<1x1x128xi32, #tpu.memory_space<vmem>> -> memref<128xi32, #tpu.memory_space<vmem>>
          %dma_start3A_277 = tpu.memref_slice %arg5[%mul3A_256] : memref<320000xi32, #tpu.memory_space<hbm>> -> memref<128xi32, #tpu.memory_space<hbm>>
          tpu.enqueue_dma source(%dma_start3A_277 : memref<128xi32, #tpu.memory_space<hbm>>) target(%dma_start3A_276 : memref<128xi32, #tpu.memory_space<vmem>>) target_semaphore(%dma_start3A_273 : memref<!tpu.dma_semaphore, #tpu.memory_space<semaphore_mem>>)
        } else {
        }
        %add3A_140 = arith.constant 1 : i32
        %add3A_141 = arith.addi %add3A_92, %add3A_140 : i32
        %mul3A_142 = arith.constant 16 : i32
        %mul3A_143 = arith.muli %add3A_141, %mul3A_142 : i32
        %add3A_144 = arith.addi %mul3A_143, %arg1 : i32
        %mul3A_145 = arith.constant 1 : i32
        %mul3A_146 = arith.muli %add3A_144, %mul3A_145 : i32
        %add3A_147 = arith.constant 0 : i32
        %add3A_148 = arith.addi %mul3A_146, %add3A_147 : i32
        %lt3A_149 = arith.constant 1250 : i32
        %lt3A_150 = arith.cmpi slt, %add3A_148, %lt3A_149 : i32
        %convert_element_type3A_151 = arith.extui %lt3A_150 : i1 to i32
        %cond3A_152 = arith.constant 0 : i32
        %cond3A_153 = arith.cmpi ne, %convert_element_type3A_151, %cond3A_152 : i32
        scf.if %cond3A_153 {
          %dma_wait3A = arith.constant 0 : i32
          %dma_wait3A_245 = arith.constant 0 : i32
          %dma_wait3A_246 = tpu.memref_slice %arg8[%rem3A_116, %dma_wait3A, %dma_wait3A_245] : memref<4x1x128xi32, #tpu.memory_space<vmem>> -> memref<1x1x128xi32, #tpu.memory_space<vmem>>
          %dma_wait3A_247 = tpu.memref_squeeze %dma_wait3A_246 : memref<1x1x128xi32, #tpu.memory_space<vmem>> -> memref<128xi32, #tpu.memory_space<vmem>>
          %dma_wait3A_248 = arith.constant 0 : i32
          %dma_wait3A_249 = tpu.memref_slice %arg4[%dma_wait3A_248] : memref<320000xi32, #tpu.memory_space<hbm>> -> memref<128xi32, #tpu.memory_space<hbm>>
          %dma_wait3A_250 = tpu.memref_slice %arg15[%rem3A_116] : memref<4x!tpu.dma_semaphore, #tpu.memory_space<semaphore_mem>> -> memref<1x!tpu.dma_semaphore, #tpu.memory_space<semaphore_mem>>
          %dma_wait3A_251 = tpu.memref_squeeze %dma_wait3A_250 : memref<1x!tpu.dma_semaphore, #tpu.memory_space<semaphore_mem>> -> memref<!tpu.dma_semaphore, #tpu.memory_space<semaphore_mem>>
          %dma_wait3A_252 = arith.constant 0 : i32
          %dma_wait3A_253 = tpu.memref_slice %arg8[%rem3A_116, %dma_wait3A, %dma_wait3A_252] : memref<4x1x128xi32, #tpu.memory_space<vmem>> -> memref<1x1x128xi32, #tpu.memory_space<vmem>>
          %dma_wait3A_254 = tpu.memref_squeeze %dma_wait3A_253 : memref<1x1x128xi32, #tpu.memory_space<vmem>> -> memref<128xi32, #tpu.memory_space<vmem>>
          %dma_wait3A_255 = arith.constant 0 : i32
          %dma_wait3A_256 = tpu.memref_slice %arg4[%dma_wait3A_255] : memref<320000xi32, #tpu.memory_space<hbm>> -> memref<128xi32, #tpu.memory_space<hbm>>
          tpu.wait_dma2 semaphore(%dma_wait3A_251 : memref<!tpu.dma_semaphore, #tpu.memory_space<semaphore_mem>>) src(%dma_wait3A_256 : memref<128xi32, #tpu.memory_space<hbm>>) dst(%dma_wait3A_254 : memref<128xi32, #tpu.memory_space<vmem>>)
          %dma_wait3A_257 = arith.constant 0 : i32
          %dma_wait3A_258 = arith.constant 0 : i32
          %dma_wait3A_259 = tpu.memref_slice %arg9[%rem3A_116, %dma_wait3A_257, %dma_wait3A_258] : memref<4x1x128xi32, #tpu.memory_space<vmem>> -> memref<1x1x128xi32, #tpu.memory_space<vmem>>
          %dma_wait3A_260 = tpu.memref_squeeze %dma_wait3A_259 : memref<1x1x128xi32, #tpu.memory_space<vmem>> -> memref<128xi32, #tpu.memory_space<vmem>>
          %dma_wait3A_261 = arith.constant 0 : i32
          %dma_wait3A_262 = tpu.memref_slice %arg5[%dma_wait3A_261] : memref<320000xi32, #tpu.memory_space<hbm>> -> memref<128xi32, #tpu.memory_space<hbm>>
          %dma_wait3A_263 = tpu.memref_slice %arg16[%rem3A_116] : memref<4x!tpu.dma_semaphore, #tpu.memory_space<semaphore_mem>> -> memref<1x!tpu.dma_semaphore, #tpu.memory_space<semaphore_mem>>
          %dma_wait3A_264 = tpu.memref_squeeze %dma_wait3A_263 : memref<1x!tpu.dma_semaphore, #tpu.memory_space<semaphore_mem>> -> memref<!tpu.dma_semaphore, #tpu.memory_space<semaphore_mem>>
          %dma_wait3A_265 = arith.constant 0 : i32
          %dma_wait3A_266 = tpu.memref_slice %arg9[%rem3A_116, %dma_wait3A_257, %dma_wait3A_265] : memref<4x1x128xi32, #tpu.memory_space<vmem>> -> memref<1x1x128xi32, #tpu.memory_space<vmem>>
          %dma_wait3A_267 = tpu.memref_squeeze %dma_wait3A_266 : memref<1x1x128xi32, #tpu.memory_space<vmem>> -> memref<128xi32, #tpu.memory_space<vmem>>
          %dma_wait3A_268 = arith.constant 0 : i32
          %dma_wait3A_269 = tpu.memref_slice %arg5[%dma_wait3A_268] : memref<320000xi32, #tpu.memory_space<hbm>> -> memref<128xi32, #tpu.memory_space<hbm>>
          tpu.wait_dma2 semaphore(%dma_wait3A_264 : memref<!tpu.dma_semaphore, #tpu.memory_space<semaphore_mem>>) src(%dma_wait3A_269 : memref<128xi32, #tpu.memory_space<hbm>>) dst(%dma_wait3A_267 : memref<128xi32, #tpu.memory_space<vmem>>)
        } else {
        }
        %add3A_154 = arith.constant 1 : i32
        %add3A_155 = arith.addi %add3A_92, %add3A_154 : i32
        %mul3A_156 = arith.constant 16 : i32
        %mul3A_157 = arith.muli %add3A_155, %mul3A_156 : i32
        %add3A_158 = arith.addi %mul3A_157, %arg1 : i32
        %mul3A_159 = arith.constant 1 : i32
        %mul3A_160 = arith.muli %add3A_158, %mul3A_159 : i32
        %add3A_161 = arith.constant 0 : i32
        %add3A_162 = arith.addi %mul3A_160, %add3A_161 : i32
        %lt3A_163 = arith.constant 1250 : i32
        %lt3A_164 = arith.cmpi slt, %add3A_162, %lt3A_163 : i32
        %convert_element_type3A_165 = arith.extui %lt3A_164 : i1 to i32
        %cond3A_166 = arith.constant 0 : i32
        %cond3A_167 = arith.cmpi ne, %convert_element_type3A_165, %cond3A_166 : i32
        scf.if %cond3A_167 {
          %dma_start3A = arith.constant 0 : i32
          %dma_start3A_245 = arith.constant 0 : i32
          %dma_start3A_246 = arith.constant 0 : i32
          %dma_start3A_247 = arith.constant 0 : i32
          %dma_start3A_248 = tpu.memref_slice %arg10[%rem3A_110, %dma_start3A_245, %dma_start3A_246, %dma_start3A_247] : memref<2x1x128x144xf32, #tpu.memory_space<vmem>> -> memref<1x1x128x144xf32, #tpu.memory_space<vmem>>
          %dma_start3A_249 = tpu.memref_squeeze %dma_start3A_248 : memref<1x1x128x144xf32, #tpu.memory_space<vmem>> -> memref<128x144xf32, #tpu.memory_space<vmem>>
          %dma_start3A_250 = arith.constant 0 : i32
          %dma_start3A_251 = tpu.memref_slice %arg8[%rem3A_116, %dma_start3A, %dma_start3A_250] : memref<4x1x128xi32, #tpu.memory_space<vmem>> -> memref<1x1x128xi32, #tpu.memory_space<vmem>>
          %dma_start3A_252 = tpu.memref_squeeze %dma_start3A_251 : memref<1x1x128xi32, #tpu.memory_space<vmem>> -> memref<128xi32, #tpu.memory_space<vmem>>
          %dma_start3A_253 = arith.constant 0 : i32
          %dma_start3A_254 = arith.constant 0 : i32
          %dma_start3A_255 = tpu.memref_slice %arg2[%dma_start3A_253, %dma_start3A_254] : memref<10000x144xf32, #tpu.memory_space<hbm>> -> memref<10000x144xf32, #tpu.memory_space<hbm>>
          %dma_start3A_256 = tpu.memref_slice %arg17[%rem3A_110] : memref<2x!tpu.dma_semaphore, #tpu.memory_space<semaphore_mem>> -> memref<1x!tpu.dma_semaphore, #tpu.memory_space<semaphore_mem>>
          %dma_start3A_257 = tpu.memref_squeeze %dma_start3A_256 : memref<1x!tpu.dma_semaphore, #tpu.memory_space<semaphore_mem>> -> memref<!tpu.dma_semaphore, #tpu.memory_space<semaphore_mem>>
          tpu.enqueue_indirect_dma source(%dma_start3A_255 : memref<10000x144xf32, #tpu.memory_space<hbm>>) target(%dma_start3A_249 : memref<128x144xf32, #tpu.memory_space<vmem>>) offsets(%dma_start3A_252 : memref<128xi32, #tpu.memory_space<vmem>>) semaphore(%dma_start3A_257 : memref<!tpu.dma_semaphore, #tpu.memory_space<semaphore_mem>>)
        } else {
        }
        %mul3A_168 = arith.constant 16 : i32
        %mul3A_169 = arith.muli %add3A_92, %mul3A_168 : i32
        %add3A_170 = arith.addi %mul3A_169, %arg1 : i32
        %mul3A_171 = arith.constant 1 : i32
        %mul3A_172 = arith.muli %add3A_170, %mul3A_171 : i32
        %add3A_173 = arith.constant 0 : i32
        %add3A_174 = arith.addi %mul3A_172, %add3A_173 : i32
        %lt3A_175 = arith.constant 1250 : i32
        %lt3A_176 = arith.cmpi slt, %add3A_174, %lt3A_175 : i32
        %convert_element_type3A_177 = arith.extui %lt3A_176 : i1 to i32
        %cond3A_178 = arith.constant 0 : i32
        %cond3A_179 = arith.cmpi ne, %convert_element_type3A_177, %cond3A_178 : i32
        scf.if %cond3A_179 {
          %dma_wait3A = arith.constant 0 : i32
          %dma_wait3A_245 = arith.constant 0 : i32
          %dma_wait3A_246 = arith.constant 0 : i32
          %dma_wait3A_247 = arith.constant 0 : i32
          %dma_wait3A_248 = tpu.memref_slice %arg10[%rem3A_106, %dma_wait3A_245, %dma_wait3A_246, %dma_wait3A_247] : memref<2x1x128x144xf32, #tpu.memory_space<vmem>> -> memref<1x1x128x144xf32, #tpu.memory_space<vmem>>
          %dma_wait3A_249 = tpu.memref_squeeze %dma_wait3A_248 : memref<1x1x128x144xf32, #tpu.memory_space<vmem>> -> memref<128x144xf32, #tpu.memory_space<vmem>>
          %dma_wait3A_250 = arith.constant 0 : i32
          %dma_wait3A_251 = tpu.memref_slice %arg8[%rem3A_112, %dma_wait3A, %dma_wait3A_250] : memref<4x1x128xi32, #tpu.memory_space<vmem>> -> memref<1x1x128xi32, #tpu.memory_space<vmem>>
          %dma_wait3A_252 = tpu.memref_squeeze %dma_wait3A_251 : memref<1x1x128xi32, #tpu.memory_space<vmem>> -> memref<128xi32, #tpu.memory_space<vmem>>
          %dma_wait3A_253 = arith.constant 0 : i32
          %dma_wait3A_254 = arith.constant 0 : i32
          %dma_wait3A_255 = tpu.memref_slice %arg2[%dma_wait3A_253, %dma_wait3A_254] : memref<10000x144xf32, #tpu.memory_space<hbm>> -> memref<10000x144xf32, #tpu.memory_space<hbm>>
          %dma_wait3A_256 = tpu.memref_slice %arg17[%rem3A_106] : memref<2x!tpu.dma_semaphore, #tpu.memory_space<semaphore_mem>> -> memref<1x!tpu.dma_semaphore, #tpu.memory_space<semaphore_mem>>
          %dma_wait3A_257 = tpu.memref_squeeze %dma_wait3A_256 : memref<1x!tpu.dma_semaphore, #tpu.memory_space<semaphore_mem>> -> memref<!tpu.dma_semaphore, #tpu.memory_space<semaphore_mem>>
          tpu.wait_indirect_dma semaphore(%dma_wait3A_257 : memref<!tpu.dma_semaphore, #tpu.memory_space<semaphore_mem>>) src(%dma_wait3A_255 : memref<10000x144xf32, #tpu.memory_space<hbm>>) dst(%dma_wait3A_249 : memref<128x144xf32, #tpu.memory_space<vmem>>)
        } else {
        }
        %mul3A_180 = arith.constant 16 : i32
        %mul3A_181 = arith.muli %add3A_92, %mul3A_180 : i32
        %add3A_182 = arith.addi %mul3A_181, %arg1 : i32
        %mul3A_183 = arith.constant 1 : i32
        %mul3A_184 = arith.muli %add3A_182, %mul3A_183 : i32
        %add3A_185 = arith.constant 0 : i32
        %add3A_186 = arith.addi %mul3A_184, %add3A_185 : i32
        %lt3A_187 = arith.constant 1250 : i32
        %lt3A_188 = arith.cmpi slt, %add3A_186, %lt3A_187 : i32
        %convert_element_type3A_189 = arith.extui %lt3A_188 : i1 to i32
        %cond3A_190 = arith.constant 0 : i32
        %cond3A_191 = arith.cmpi ne, %convert_element_type3A_189, %cond3A_190 : i32
        scf.if %cond3A_191 {
          %dma_wait3A = arith.constant 0 : i32
          %dma_wait3A_245 = arith.constant 0 : i32
          %dma_wait3A_246 = arith.constant 0 : i32
          %dma_wait3A_247 = arith.constant 0 : i32
          %dma_wait3A_248 = tpu.memref_slice %arg11[%dma_wait3A_245, %dma_wait3A_246, %dma_wait3A_247] : memref<1x128x16xf32, #tpu.memory_space<vmem>> -> memref<1x128x16xf32, #tpu.memory_space<vmem>>
          %dma_wait3A_249 = tpu.memref_squeeze %dma_wait3A_248 : memref<1x128x16xf32, #tpu.memory_space<vmem>> -> memref<128x16xf32, #tpu.memory_space<vmem>>
          %dma_wait3A_250 = arith.constant 0 : i32
          %dma_wait3A_251 = tpu.memref_slice %arg9[%rem3A_112, %dma_wait3A, %dma_wait3A_250] : memref<4x1x128xi32, #tpu.memory_space<vmem>> -> memref<1x1x128xi32, #tpu.memory_space<vmem>>
          %dma_wait3A_252 = tpu.memref_squeeze %dma_wait3A_251 : memref<1x1x128xi32, #tpu.memory_space<vmem>> -> memref<128xi32, #tpu.memory_space<vmem>>
          %dma_wait3A_253 = arith.constant 0 : i32
          %dma_wait3A_254 = arith.constant 0 : i32
          %dma_wait3A_255 = tpu.memref_slice %arg3[%dma_wait3A_253, %dma_wait3A_254] : memref<10000x16xf32, #tpu.memory_space<hbm>> -> memref<10000x16xf32, #tpu.memory_space<hbm>>
          tpu.wait_indirect_dma semaphore(%arg18 : memref<!tpu.dma_semaphore, #tpu.memory_space<semaphore_mem>>) src(%dma_wait3A_255 : memref<10000x16xf32, #tpu.memory_space<hbm>>) dst(%dma_wait3A_249 : memref<128x16xf32, #tpu.memory_space<vmem>>)
        } else {
        }
        %get3A_192 = arith.constant 0 : index
        %get3A_193 = tpu.vector_load %arg13[%get3A_192] {strides = array<i32>} : memref<16xf32, #tpu.memory_space<vmem>>, vector<16xf32>,
        %get3A_194 = vector.shape_cast %get3A_193 : vector<16xf32> to vector<16xf32>
        %mul3A_195 = arith.constant 16 : i32
        %mul3A_196 = arith.muli %add3A_92, %mul3A_195 : i32
        %add3A_197 = arith.addi %mul3A_196, %arg1 : i32
        %mul3A_198 = arith.constant 1 : i32
        %mul3A_199 = arith.muli %add3A_197, %mul3A_198 : i32
        %add3A_200 = arith.constant 0 : i32
        %add3A_201 = arith.addi %mul3A_199, %add3A_200 : i32
        %lt3A_202 = arith.constant 1250 : i32
        %lt3A_203 = arith.cmpi slt, %add3A_201, %lt3A_202 : i32
        %convert_element_type3A_204 = arith.extui %lt3A_203 : i1 to i32
        %cond3A_205 = arith.constant 0 : i32
        %cond3A_206 = arith.cmpi ne, %convert_element_type3A_204, %cond3A_205 : i32
        scf.if %cond3A_206 {
          %parallel_loop3A = arith.constant 0 : i32
          %parallel_loop3A_245 = arith.constant 128 : i32
          %parallel_loop3A_246 = arith.constant 1 : i32
          scf.for %parallel_loop3A_247 = %parallel_loop3A to %parallel_loop3A_245 step %parallel_loop3A_246  : i32 {
            %parallel_loop3A_248 = arith.constant 0 : i32
            %parallel_loop3A_249 = arith.index_cast %rem3A_106 : i32 to index
            %parallel_loop3A_250 = arith.index_cast %parallel_loop3A_248 : i32 to index
            %parallel_loop3A_251 = arith.index_cast %parallel_loop3A_247 : i32 to index
            %parallel_loop3A_252 = arith.constant 128 : index
            %parallel_loop3A_253 = tpu.vector_load %arg10[%parallel_loop3A_249, %parallel_loop3A_250, %parallel_loop3A_251, %parallel_loop3A_252] {strides = array<i32>} : memref<2x1x128x144xf32, #tpu.memory_space<vmem>>, vector<1x1x1x16xf32>,
            %parallel_loop3A_254 = vector.shape_cast %parallel_loop3A_253 : vector<1x1x1x16xf32> to vector<16xf32>
            %parallel_loop3A_255 = arith.constant 0 : i32
            %parallel_loop3A_256 = arith.index_cast %parallel_loop3A_255 : i32 to index
            %parallel_loop3A_257 = arith.index_cast %parallel_loop3A_247 : i32 to index
            %parallel_loop3A_258 = arith.constant 0 : index
            %parallel_loop3A_259 = tpu.vector_load %arg11[%parallel_loop3A_256, %parallel_loop3A_257, %parallel_loop3A_258] {strides = array<i32>} : memref<1x128x16xf32, #tpu.memory_space<vmem>>, vector<1x1x16xf32>,
            %parallel_loop3A_260 = vector.shape_cast %parallel_loop3A_259 : vector<1x1x16xf32> to vector<16xf32>
            %parallel_loop3A_261 = arith.addf %parallel_loop3A_254, %parallel_loop3A_260 : vector<16xf32>
            %parallel_loop3A_262 = arith.constant 0.000000e+00 : f32
            %parallel_loop3A_263 = vector.broadcast %parallel_loop3A_262 : f32 to vector<16xf32>
            %parallel_loop3A_264 = arith.cmpf ogt, %parallel_loop3A_261, %parallel_loop3A_263 : vector<16xf32>
            %parallel_loop3A_265 = arith.constant 2.000000e-01 : f32
            %parallel_loop3A_266 = vector.broadcast %parallel_loop3A_265 : f32 to vector<16xf32>
            %parallel_loop3A_267 = arith.mulf %parallel_loop3A_266, %parallel_loop3A_261 : vector<16xf32>
            %parallel_loop3A_268 = arith.select %parallel_loop3A_264, %parallel_loop3A_261, %parallel_loop3A_267 : vector<16xi1>, vector<16xf32>
            %parallel_loop3A_269 = arith.subf %parallel_loop3A_268, %get3A_194 : vector<16xf32>
            %parallel_loop3A_270 = math.exp %parallel_loop3A_269 : vector<16xf32>
            %parallel_loop3A_271 = arith.constant 0 : i32
            %parallel_loop3A_272 = arith.index_cast %rem3A_106 : i32 to index
            %parallel_loop3A_273 = arith.index_cast %parallel_loop3A_271 : i32 to index
            %parallel_loop3A_274 = arith.index_cast %parallel_loop3A_247 : i32 to index
            %parallel_loop3A_275 = arith.constant 128 : index
            %parallel_loop3A_276 = tpu.vector_load %arg10[%parallel_loop3A_272, %parallel_loop3A_273, %parallel_loop3A_274, %parallel_loop3A_275] {strides = array<i32>} : memref<2x1x128x144xf32, #tpu.memory_space<vmem>>, vector<1x1x1x16xf32>,
            %parallel_loop3A_277 = vector.shape_cast %parallel_loop3A_276 : vector<1x1x1x16xf32> to vector<16xf32>
            %parallel_loop3A_278 = vector.shape_cast %parallel_loop3A_270 : vector<16xf32> to vector<1x1x1x16xf32>
            tpu.vector_store %arg10[%parallel_loop3A_272, %parallel_loop3A_273, %parallel_loop3A_274, %parallel_loop3A_275], %parallel_loop3A_278 {strides = array<i32>} : memref<2x1x128x144xf32, #tpu.memory_space<vmem>>, vector<1x1x1x16xf32>,
          } {sc.loop_unroll_factor = 4 : i64, sc.parallel_access}
        } else {
        }
        %add3A_207 = arith.constant 1 : i32
        %add3A_208 = arith.addi %add3A_92, %add3A_207 : i32
        %mul3A_209 = arith.constant 16 : i32
        %mul3A_210 = arith.muli %add3A_208, %mul3A_209 : i32
        %add3A_211 = arith.addi %mul3A_210, %arg1 : i32
        %mul3A_212 = arith.constant 1 : i32
        %mul3A_213 = arith.muli %add3A_211, %mul3A_212 : i32
        %add3A_214 = arith.constant 0 : i32
        %add3A_215 = arith.addi %mul3A_213, %add3A_214 : i32
        %lt3A_216 = arith.constant 1250 : i32
        %lt3A_217 = arith.cmpi slt, %add3A_215, %lt3A_216 : i32
        %convert_element_type3A_218 = arith.extui %lt3A_217 : i1 to i32
        %cond3A_219 = arith.constant 0 : i32
        %cond3A_220 = arith.cmpi ne, %convert_element_type3A_218, %cond3A_219 : i32
        scf.if %cond3A_220 {
          %dma_start3A = arith.constant 0 : i32
          %dma_start3A_245 = arith.constant 0 : i32
          %dma_start3A_246 = arith.constant 0 : i32
          %dma_start3A_247 = arith.constant 0 : i32
          %dma_start3A_248 = tpu.memref_slice %arg11[%dma_start3A_245, %dma_start3A_246, %dma_start3A_247] : memref<1x128x16xf32, #tpu.memory_space<vmem>> -> memref<1x128x16xf32, #tpu.memory_space<vmem>>
          %dma_start3A_249 = tpu.memref_squeeze %dma_start3A_248 : memref<1x128x16xf32, #tpu.memory_space<vmem>> -> memref<128x16xf32, #tpu.memory_space<vmem>>
          %dma_start3A_250 = arith.constant 0 : i32
          %dma_start3A_251 = tpu.memref_slice %arg9[%rem3A_116, %dma_start3A, %dma_start3A_250] : memref<4x1x128xi32, #tpu.memory_space<vmem>> -> memref<1x1x128xi32, #tpu.memory_space<vmem>>
          %dma_start3A_252 = tpu.memref_squeeze %dma_start3A_251 : memref<1x1x128xi32, #tpu.memory_space<vmem>> -> memref<128xi32, #tpu.memory_space<vmem>>
          %dma_start3A_253 = arith.constant 0 : i32
          %dma_start3A_254 = arith.constant 0 : i32
          %dma_start3A_255 = tpu.memref_slice %arg3[%dma_start3A_253, %dma_start3A_254] : memref<10000x16xf32, #tpu.memory_space<hbm>> -> memref<10000x16xf32, #tpu.memory_space<hbm>>
          tpu.enqueue_indirect_dma source(%dma_start3A_255 : memref<10000x16xf32, #tpu.memory_space<hbm>>) target(%dma_start3A_249 : memref<128x16xf32, #tpu.memory_space<vmem>>) offsets(%dma_start3A_252 : memref<128xi32, #tpu.memory_space<vmem>>) semaphore(%arg18 : memref<!tpu.dma_semaphore, #tpu.memory_space<semaphore_mem>>)
        } else {
        }
        %mul3A_221 = arith.constant 16 : i32
        %mul3A_222 = arith.muli %add3A_92, %mul3A_221 : i32
        %add3A_223 = arith.addi %mul3A_222, %arg1 : i32
        %mul3A_224 = arith.constant 1 : i32
        %mul3A_225 = arith.muli %add3A_223, %mul3A_224 : i32
        %add3A_226 = arith.constant 0 : i32
        %add3A_227 = arith.addi %mul3A_225, %add3A_226 : i32
        %lt3A_228 = arith.constant 1250 : i32
        %lt3A_229 = arith.cmpi slt, %add3A_227, %lt3A_228 : i32
        %convert_element_type3A_230 = arith.extui %lt3A_229 : i1 to i32
        %cond3A_231 = arith.constant 0 : i32
        %cond3A_232 = arith.cmpi ne, %convert_element_type3A_230, %cond3A_231 : i32
        scf.if %cond3A_232 {
          %parallel_loop3A = arith.constant 0 : i32
          %parallel_loop3A_245 = arith.constant 128 : i32
          %parallel_loop3A_246 = arith.constant 1 : i32
          scf.for %parallel_loop3A_247 = %parallel_loop3A to %parallel_loop3A_245 step %parallel_loop3A_246  : i32 {
            %parallel_loop3A_248 = arith.constant 0 : i32
            %parallel_loop3A_249 = arith.index_cast %rem3A_106 : i32 to index
            %parallel_loop3A_250 = arith.index_cast %parallel_loop3A_248 : i32 to index
            %parallel_loop3A_251 = arith.index_cast %parallel_loop3A_247 : i32 to index
            %parallel_loop3A_252 = arith.constant 128 : index
            %parallel_loop3A_253 = tpu.vector_load %arg10[%parallel_loop3A_249, %parallel_loop3A_250, %parallel_loop3A_251, %parallel_loop3A_252] {strides = array<i32>} : memref<2x1x128x144xf32, #tpu.memory_space<vmem>>, vector<1x1x1x16xf32>,
            %parallel_loop3A_254 = vector.shape_cast %parallel_loop3A_253 : vector<1x1x1x16xf32> to vector<16xf32>
            %parallel_loop3A_255 = arith.constant 0 : i32
            %parallel_loop3A_256 = arith.index_cast %rem3A_106 : i32 to index
            %parallel_loop3A_257 = arith.index_cast %parallel_loop3A_255 : i32 to index
            %parallel_loop3A_258 = arith.index_cast %parallel_loop3A_247 : i32 to index
            %parallel_loop3A_259 = arith.constant 0 : index
            %parallel_loop3A_260 = tpu.vector_load %arg10[%parallel_loop3A_256, %parallel_loop3A_257, %parallel_loop3A_258, %parallel_loop3A_259] {strides = array<i32>} : memref<2x1x128x144xf32, #tpu.memory_space<vmem>>, vector<1x1x1x16xf32>,
            %parallel_loop3A_261 = vector.shape_cast %parallel_loop3A_260 : vector<1x1x1x16xf32> to vector<16xf32>
            %parallel_loop3A_262 = vector.extract_strided_slice %parallel_loop3A_254 {offsets = [0], sizes = [1], strides = [1]} : vector<16xf32> to vector<1xf32>
            %parallel_loop3A_263 = vector.extract %parallel_loop3A_262[0] : f32 from vector<1xf32>
            %parallel_loop3A_264 = vector.broadcast %parallel_loop3A_263 : f32 to vector<16xf32>
            %parallel_loop3A_265 = arith.mulf %parallel_loop3A_261, %parallel_loop3A_264 : vector<16xf32>
            %parallel_loop3A_266 = arith.constant 0 : i32
            %parallel_loop3A_267 = arith.index_cast %rem3A_106 : i32 to index
            %parallel_loop3A_268 = arith.index_cast %parallel_loop3A_266 : i32 to index
            %parallel_loop3A_269 = arith.index_cast %parallel_loop3A_247 : i32 to index
            %parallel_loop3A_270 = arith.constant 0 : index
            %parallel_loop3A_271 = tpu.vector_load %arg10[%parallel_loop3A_267, %parallel_loop3A_268, %parallel_loop3A_269, %parallel_loop3A_270] {strides = array<i32>} : memref<2x1x128x144xf32, #tpu.memory_space<vmem>>, vector<1x1x1x16xf32>,
            %parallel_loop3A_272 = vector.shape_cast %parallel_loop3A_271 : vector<1x1x1x16xf32> to vector<16xf32>
            %parallel_loop3A_273 = vector.shape_cast %parallel_loop3A_265 : vector<16xf32> to vector<1x1x1x16xf32>
            tpu.vector_store %arg10[%parallel_loop3A_267, %parallel_loop3A_268, %parallel_loop3A_269, %parallel_loop3A_270], %parallel_loop3A_273 {strides = array<i32>} : memref<2x1x128x144xf32, #tpu.memory_space<vmem>>, vector<1x1x1x16xf32>,
            %parallel_loop3A_274 = arith.constant 0 : i32
            %parallel_loop3A_275 = arith.index_cast %rem3A_106 : i32 to index
            %parallel_loop3A_276 = arith.index_cast %parallel_loop3A_274 : i32 to index
            %parallel_loop3A_277 = arith.index_cast %parallel_loop3A_247 : i32 to index
            %parallel_loop3A_278 = arith.constant 16 : index
            %parallel_loop3A_279 = tpu.vector_load %arg10[%parallel_loop3A_275, %parallel_loop3A_276, %parallel_loop3A_277, %parallel_loop3A_278] {strides = array<i32>} : memref<2x1x128x144xf32, #tpu.memory_space<vmem>>, vector<1x1x1x16xf32>,
            %parallel_loop3A_280 = vector.shape_cast %parallel_loop3A_279 : vector<1x1x1x16xf32> to vector<16xf32>
            %parallel_loop3A_281 = vector.extract_strided_slice %parallel_loop3A_254 {offsets = [1], sizes = [1], strides = [1]} : vector<16xf32> to vector<1xf32>
            %parallel_loop3A_282 = vector.extract %parallel_loop3A_281[0] : f32 from vector<1xf32>
            %parallel_loop3A_283 = vector.broadcast %parallel_loop3A_282 : f32 to vector<16xf32>
            %parallel_loop3A_284 = arith.mulf %parallel_loop3A_280, %parallel_loop3A_283 : vector<16xf32>
            %parallel_loop3A_285 = arith.constant 0 : i32
            %parallel_loop3A_286 = arith.index_cast %rem3A_106 : i32 to index
            %parallel_loop3A_287 = arith.index_cast %parallel_loop3A_285 : i32 to index
            %parallel_loop3A_288 = arith.index_cast %parallel_loop3A_247 : i32 to index
            %parallel_loop3A_289 = arith.constant 16 : index
            %parallel_loop3A_290 = tpu.vector_load %arg10[%parallel_loop3A_286, %parallel_loop3A_287, %parallel_loop3A_288, %parallel_loop3A_289] {strides = array<i32>} : memref<2x1x128x144xf32, #tpu.memory_space<vmem>>, vector<1x1x1x16xf32>,
            %parallel_loop3A_291 = vector.shape_cast %parallel_loop3A_290 : vector<1x1x1x16xf32> to vector<16xf32>
            %parallel_loop3A_292 = vector.shape_cast %parallel_loop3A_284 : vector<16xf32> to vector<1x1x1x16xf32>
            tpu.vector_store %arg10[%parallel_loop3A_286, %parallel_loop3A_287, %parallel_loop3A_288, %parallel_loop3A_289], %parallel_loop3A_292 {strides = array<i32>} : memref<2x1x128x144xf32, #tpu.memory_space<vmem>>, vector<1x1x1x16xf32>,
            %parallel_loop3A_293 = arith.constant 0 : i32
            %parallel_loop3A_294 = arith.index_cast %rem3A_106 : i32 to index
            %parallel_loop3A_295 = arith.index_cast %parallel_loop3A_293 : i32 to index
            %parallel_loop3A_296 = arith.index_cast %parallel_loop3A_247 : i32 to index
            %parallel_loop3A_297 = arith.constant 32 : index
            %parallel_loop3A_298 = tpu.vector_load %arg10[%parallel_loop3A_294, %parallel_loop3A_295, %parallel_loop3A_296, %parallel_loop3A_297] {strides = array<i32>} : memref<2x1x128x144xf32, #tpu.memory_space<vmem>>, vector<1x1x1x16xf32>,
            %parallel_loop3A_299 = vector.shape_cast %parallel_loop3A_298 : vector<1x1x1x16xf32> to vector<16xf32>
            %parallel_loop3A_300 = vector.extract_strided_slice %parallel_loop3A_254 {offsets = [2], sizes = [1], strides = [1]} : vector<16xf32> to vector<1xf32>
            %parallel_loop3A_301 = vector.extract %parallel_loop3A_300[0] : f32 from vector<1xf32>
            %parallel_loop3A_302 = vector.broadcast %parallel_loop3A_301 : f32 to vector<16xf32>
            %parallel_loop3A_303 = arith.mulf %parallel_loop3A_299, %parallel_loop3A_302 : vector<16xf32>
            %parallel_loop3A_304 = arith.constant 0 : i32
            %parallel_loop3A_305 = arith.index_cast %rem3A_106 : i32 to index
            %parallel_loop3A_306 = arith.index_cast %parallel_loop3A_304 : i32 to index
            %parallel_loop3A_307 = arith.index_cast %parallel_loop3A_247 : i32 to index
            %parallel_loop3A_308 = arith.constant 32 : index
            %parallel_loop3A_309 = tpu.vector_load %arg10[%parallel_loop3A_305, %parallel_loop3A_306, %parallel_loop3A_307, %parallel_loop3A_308] {strides = array<i32>} : memref<2x1x128x144xf32, #tpu.memory_space<vmem>>, vector<1x1x1x16xf32>,
            %parallel_loop3A_310 = vector.shape_cast %parallel_loop3A_309 : vector<1x1x1x16xf32> to vector<16xf32>
            %parallel_loop3A_311 = vector.shape_cast %parallel_loop3A_303 : vector<16xf32> to vector<1x1x1x16xf32>
            tpu.vector_store %arg10[%parallel_loop3A_305, %parallel_loop3A_306, %parallel_loop3A_307, %parallel_loop3A_308], %parallel_loop3A_311 {strides = array<i32>} : memref<2x1x128x144xf32, #tpu.memory_space<vmem>>, vector<1x1x1x16xf32>,
            %parallel_loop3A_312 = arith.constant 0 : i32
            %parallel_loop3A_313 = arith.index_cast %rem3A_106 : i32 to index
            %parallel_loop3A_314 = arith.index_cast %parallel_loop3A_312 : i32 to index
            %parallel_loop3A_315 = arith.index_cast %parallel_loop3A_247 : i32 to index
            %parallel_loop3A_316 = arith.constant 48 : index
            %parallel_loop3A_317 = tpu.vector_load %arg10[%parallel_loop3A_313, %parallel_loop3A_314, %parallel_loop3A_315, %parallel_loop3A_316] {strides = array<i32>} : memref<2x1x128x144xf32, #tpu.memory_space<vmem>>, vector<1x1x1x16xf32>,
            %parallel_loop3A_318 = vector.shape_cast %parallel_loop3A_317 : vector<1x1x1x16xf32> to vector<16xf32>
            %parallel_loop3A_319 = vector.extract_strided_slice %parallel_loop3A_254 {offsets = [3], sizes = [1], strides = [1]} : vector<16xf32> to vector<1xf32>
            %parallel_loop3A_320 = vector.extract %parallel_loop3A_319[0] : f32 from vector<1xf32>
            %parallel_loop3A_321 = vector.broadcast %parallel_loop3A_320 : f32 to vector<16xf32>
            %parallel_loop3A_322 = arith.mulf %parallel_loop3A_318, %parallel_loop3A_321 : vector<16xf32>
            %parallel_loop3A_323 = arith.constant 0 : i32
            %parallel_loop3A_324 = arith.index_cast %rem3A_106 : i32 to index
            %parallel_loop3A_325 = arith.index_cast %parallel_loop3A_323 : i32 to index
            %parallel_loop3A_326 = arith.index_cast %parallel_loop3A_247 : i32 to index
            %parallel_loop3A_327 = arith.constant 48 : index
            %parallel_loop3A_328 = tpu.vector_load %arg10[%parallel_loop3A_324, %parallel_loop3A_325, %parallel_loop3A_326, %parallel_loop3A_327] {strides = array<i32>} : memref<2x1x128x144xf32, #tpu.memory_space<vmem>>, vector<1x1x1x16xf32>,
            %parallel_loop3A_329 = vector.shape_cast %parallel_loop3A_328 : vector<1x1x1x16xf32> to vector<16xf32>
            %parallel_loop3A_330 = vector.shape_cast %parallel_loop3A_322 : vector<16xf32> to vector<1x1x1x16xf32>
            tpu.vector_store %arg10[%parallel_loop3A_324, %parallel_loop3A_325, %parallel_loop3A_326, %parallel_loop3A_327], %parallel_loop3A_330 {strides = array<i32>} : memref<2x1x128x144xf32, #tpu.memory_space<vmem>>, vector<1x1x1x16xf32>,
            %parallel_loop3A_331 = arith.constant 0 : i32
            %parallel_loop3A_332 = arith.index_cast %rem3A_106 : i32 to index
            %parallel_loop3A_333 = arith.index_cast %parallel_loop3A_331 : i32 to index
            %parallel_loop3A_334 = arith.index_cast %parallel_loop3A_247 : i32 to index
            %parallel_loop3A_335 = arith.constant 64 : index
            %parallel_loop3A_336 = tpu.vector_load %arg10[%parallel_loop3A_332, %parallel_loop3A_333, %parallel_loop3A_334, %parallel_loop3A_335] {strides = array<i32>} : memref<2x1x128x144xf32, #tpu.memory_space<vmem>>, vector<1x1x1x16xf32>,
            %parallel_loop3A_337 = vector.shape_cast %parallel_loop3A_336 : vector<1x1x1x16xf32> to vector<16xf32>
            %parallel_loop3A_338 = vector.extract_strided_slice %parallel_loop3A_254 {offsets = [4], sizes = [1], strides = [1]} : vector<16xf32> to vector<1xf32>
            %parallel_loop3A_339 = vector.extract %parallel_loop3A_338[0] : f32 from vector<1xf32>
            %parallel_loop3A_340 = vector.broadcast %parallel_loop3A_339 : f32 to vector<16xf32>
            %parallel_loop3A_341 = arith.mulf %parallel_loop3A_337, %parallel_loop3A_340 : vector<16xf32>
            %parallel_loop3A_342 = arith.constant 0 : i32
            %parallel_loop3A_343 = arith.index_cast %rem3A_106 : i32 to index
            %parallel_loop3A_344 = arith.index_cast %parallel_loop3A_342 : i32 to index
            %parallel_loop3A_345 = arith.index_cast %parallel_loop3A_247 : i32 to index
            %parallel_loop3A_346 = arith.constant 64 : index
            %parallel_loop3A_347 = tpu.vector_load %arg10[%parallel_loop3A_343, %parallel_loop3A_344, %parallel_loop3A_345, %parallel_loop3A_346] {strides = array<i32>} : memref<2x1x128x144xf32, #tpu.memory_space<vmem>>, vector<1x1x1x16xf32>,
            %parallel_loop3A_348 = vector.shape_cast %parallel_loop3A_347 : vector<1x1x1x16xf32> to vector<16xf32>
            %parallel_loop3A_349 = vector.shape_cast %parallel_loop3A_341 : vector<16xf32> to vector<1x1x1x16xf32>
            tpu.vector_store %arg10[%parallel_loop3A_343, %parallel_loop3A_344, %parallel_loop3A_345, %parallel_loop3A_346], %parallel_loop3A_349 {strides = array<i32>} : memref<2x1x128x144xf32, #tpu.memory_space<vmem>>, vector<1x1x1x16xf32>,
            %parallel_loop3A_350 = arith.constant 0 : i32
            %parallel_loop3A_351 = arith.index_cast %rem3A_106 : i32 to index
            %parallel_loop3A_352 = arith.index_cast %parallel_loop3A_350 : i32 to index
            %parallel_loop3A_353 = arith.index_cast %parallel_loop3A_247 : i32 to index
            %parallel_loop3A_354 = arith.constant 80 : index
            %parallel_loop3A_355 = tpu.vector_load %arg10[%parallel_loop3A_351, %parallel_loop3A_352, %parallel_loop3A_353, %parallel_loop3A_354] {strides = array<i32>} : memref<2x1x128x144xf32, #tpu.memory_space<vmem>>, vector<1x1x1x16xf32>,
            %parallel_loop3A_356 = vector.shape_cast %parallel_loop3A_355 : vector<1x1x1x16xf32> to vector<16xf32>
            %parallel_loop3A_357 = vector.extract_strided_slice %parallel_loop3A_254 {offsets = [5], sizes = [1], strides = [1]} : vector<16xf32> to vector<1xf32>
            %parallel_loop3A_358 = vector.extract %parallel_loop3A_357[0] : f32 from vector<1xf32>
            %parallel_loop3A_359 = vector.broadcast %parallel_loop3A_358 : f32 to vector<16xf32>
            %parallel_loop3A_360 = arith.mulf %parallel_loop3A_356, %parallel_loop3A_359 : vector<16xf32>
            %parallel_loop3A_361 = arith.constant 0 : i32
            %parallel_loop3A_362 = arith.index_cast %rem3A_106 : i32 to index
            %parallel_loop3A_363 = arith.index_cast %parallel_loop3A_361 : i32 to index
            %parallel_loop3A_364 = arith.index_cast %parallel_loop3A_247 : i32 to index
            %parallel_loop3A_365 = arith.constant 80 : index
            %parallel_loop3A_366 = tpu.vector_load %arg10[%parallel_loop3A_362, %parallel_loop3A_363, %parallel_loop3A_364, %parallel_loop3A_365] {strides = array<i32>} : memref<2x1x128x144xf32, #tpu.memory_space<vmem>>, vector<1x1x1x16xf32>,
            %parallel_loop3A_367 = vector.shape_cast %parallel_loop3A_366 : vector<1x1x1x16xf32> to vector<16xf32>
            %parallel_loop3A_368 = vector.shape_cast %parallel_loop3A_360 : vector<16xf32> to vector<1x1x1x16xf32>
            tpu.vector_store %arg10[%parallel_loop3A_362, %parallel_loop3A_363, %parallel_loop3A_364, %parallel_loop3A_365], %parallel_loop3A_368 {strides = array<i32>} : memref<2x1x128x144xf32, #tpu.memory_space<vmem>>, vector<1x1x1x16xf32>,
            %parallel_loop3A_369 = arith.constant 0 : i32
            %parallel_loop3A_370 = arith.index_cast %rem3A_106 : i32 to index
            %parallel_loop3A_371 = arith.index_cast %parallel_loop3A_369 : i32 to index
            %parallel_loop3A_372 = arith.index_cast %parallel_loop3A_247 : i32 to index
            %parallel_loop3A_373 = arith.constant 96 : index
            %parallel_loop3A_374 = tpu.vector_load %arg10[%parallel_loop3A_370, %parallel_loop3A_371, %parallel_loop3A_372, %parallel_loop3A_373] {strides = array<i32>} : memref<2x1x128x144xf32, #tpu.memory_space<vmem>>, vector<1x1x1x16xf32>,
            %parallel_loop3A_375 = vector.shape_cast %parallel_loop3A_374 : vector<1x1x1x16xf32> to vector<16xf32>
            %parallel_loop3A_376 = vector.extract_strided_slice %parallel_loop3A_254 {offsets = [6], sizes = [1], strides = [1]} : vector<16xf32> to vector<1xf32>
            %parallel_loop3A_377 = vector.extract %parallel_loop3A_376[0] : f32 from vector<1xf32>
            %parallel_loop3A_378 = vector.broadcast %parallel_loop3A_377 : f32 to vector<16xf32>
            %parallel_loop3A_379 = arith.mulf %parallel_loop3A_375, %parallel_loop3A_378 : vector<16xf32>
            %parallel_loop3A_380 = arith.constant 0 : i32
            %parallel_loop3A_381 = arith.index_cast %rem3A_106 : i32 to index
            %parallel_loop3A_382 = arith.index_cast %parallel_loop3A_380 : i32 to index
            %parallel_loop3A_383 = arith.index_cast %parallel_loop3A_247 : i32 to index
            %parallel_loop3A_384 = arith.constant 96 : index
            %parallel_loop3A_385 = tpu.vector_load %arg10[%parallel_loop3A_381, %parallel_loop3A_382, %parallel_loop3A_383, %parallel_loop3A_384] {strides = array<i32>} : memref<2x1x128x144xf32, #tpu.memory_space<vmem>>, vector<1x1x1x16xf32>,
            %parallel_loop3A_386 = vector.shape_cast %parallel_loop3A_385 : vector<1x1x1x16xf32> to vector<16xf32>
            %parallel_loop3A_387 = vector.shape_cast %parallel_loop3A_379 : vector<16xf32> to vector<1x1x1x16xf32>
            tpu.vector_store %arg10[%parallel_loop3A_381, %parallel_loop3A_382, %parallel_loop3A_383, %parallel_loop3A_384], %parallel_loop3A_387 {strides = array<i32>} : memref<2x1x128x144xf32, #tpu.memory_space<vmem>>, vector<1x1x1x16xf32>,
            %parallel_loop3A_388 = arith.constant 0 : i32
            %parallel_loop3A_389 = arith.index_cast %rem3A_106 : i32 to index
            %parallel_loop3A_390 = arith.index_cast %parallel_loop3A_388 : i32 to index
            %parallel_loop3A_391 = arith.index_cast %parallel_loop3A_247 : i32 to index
            %parallel_loop3A_392 = arith.constant 112 : index
            %parallel_loop3A_393 = tpu.vector_load %arg10[%parallel_loop3A_389, %parallel_loop3A_390, %parallel_loop3A_391, %parallel_loop3A_392] {strides = array<i32>} : memref<2x1x128x144xf32, #tpu.memory_space<vmem>>, vector<1x1x1x16xf32>,
            %parallel_loop3A_394 = vector.shape_cast %parallel_loop3A_393 : vector<1x1x1x16xf32> to vector<16xf32>
            %parallel_loop3A_395 = vector.extract_strided_slice %parallel_loop3A_254 {offsets = [7], sizes = [1], strides = [1]} : vector<16xf32> to vector<1xf32>
            %parallel_loop3A_396 = vector.extract %parallel_loop3A_395[0] : f32 from vector<1xf32>
            %parallel_loop3A_397 = vector.broadcast %parallel_loop3A_396 : f32 to vector<16xf32>
            %parallel_loop3A_398 = arith.mulf %parallel_loop3A_394, %parallel_loop3A_397 : vector<16xf32>
            %parallel_loop3A_399 = arith.constant 0 : i32
            %parallel_loop3A_400 = arith.index_cast %rem3A_106 : i32 to index
            %parallel_loop3A_401 = arith.index_cast %parallel_loop3A_399 : i32 to index
            %parallel_loop3A_402 = arith.index_cast %parallel_loop3A_247 : i32 to index
            %parallel_loop3A_403 = arith.constant 112 : index
            %parallel_loop3A_404 = tpu.vector_load %arg10[%parallel_loop3A_400, %parallel_loop3A_401, %parallel_loop3A_402, %parallel_loop3A_403] {strides = array<i32>} : memref<2x1x128x144xf32, #tpu.memory_space<vmem>>, vector<1x1x1x16xf32>,
            %parallel_loop3A_405 = vector.shape_cast %parallel_loop3A_404 : vector<1x1x1x16xf32> to vector<16xf32>
            %parallel_loop3A_406 = vector.shape_cast %parallel_loop3A_398 : vector<16xf32> to vector<1x1x1x16xf32>
            tpu.vector_store %arg10[%parallel_loop3A_400, %parallel_loop3A_401, %parallel_loop3A_402, %parallel_loop3A_403], %parallel_loop3A_406 {strides = array<i32>} : memref<2x1x128x144xf32, #tpu.memory_space<vmem>>, vector<1x1x1x16xf32>,
          } {sc.loop_unroll_factor = 2 : i64, sc.parallel_access}
        } else {
        }
        %mul3A_233 = arith.constant 16 : i32
        %mul3A_234 = arith.muli %add3A_92, %mul3A_233 : i32
        %add3A_235 = arith.addi %mul3A_234, %arg1 : i32
        %mul3A_236 = arith.constant 1 : i32
        %mul3A_237 = arith.muli %add3A_235, %mul3A_236 : i32
        %add3A_238 = arith.constant 0 : i32
        %add3A_239 = arith.addi %mul3A_237, %add3A_238 : i32
        %lt3A_240 = arith.constant 1250 : i32
        %lt3A_241 = arith.cmpi slt, %add3A_239, %lt3A_240 : i32
        %convert_element_type3A_242 = arith.extui %lt3A_241 : i1 to i32
        %cond3A_243 = arith.constant 0 : i32
        %cond3A_244 = arith.cmpi ne, %convert_element_type3A_242, %cond3A_243 : i32
        scf.if %cond3A_244 {
          %dma_start3A = arith.constant 0 : i32
          %dma_start3A_245 = arith.constant 0 : i32
          %dma_start3A_246 = arith.constant 0 : i32
          %dma_start3A_247 = arith.constant 0 : i32
          %dma_start3A_248 = tpu.memref_slice %arg10[%rem3A_106, %dma_start3A, %dma_start3A_246, %dma_start3A_247] : memref<2x1x128x144xf32, #tpu.memory_space<vmem>> -> memref<1x1x128x144xf32, #tpu.memory_space<vmem>>
          %dma_start3A_249 = tpu.memref_squeeze %dma_start3A_248 : memref<1x1x128x144xf32, #tpu.memory_space<vmem>> -> memref<128x144xf32, #tpu.memory_space<vmem>>
          %dma_start3A_250 = arith.constant 0 : i32
          %dma_start3A_251 = tpu.memref_slice %arg9[%rem3A_112, %dma_start3A_245, %dma_start3A_250] : memref<4x1x128xi32, #tpu.memory_space<vmem>> -> memref<1x1x128xi32, #tpu.memory_space<vmem>>
          %dma_start3A_252 = tpu.memref_squeeze %dma_start3A_251 : memref<1x1x128xi32, #tpu.memory_space<vmem>> -> memref<128xi32, #tpu.memory_space<vmem>>
          %dma_start3A_253 = arith.constant 0 : i32
          %dma_start3A_254 = arith.constant 0 : i32
          %dma_start3A_255 = tpu.memref_slice %arg14[%dma_start3A_253, %dma_start3A_254] : memref<10000x144xf32, #tpu.memory_space<vmem_shared>> -> memref<10000x144xf32, #tpu.memory_space<vmem_shared>>
          %dma_start3A_256 = tpu.memref_slice %arg19[%rem3A_106] : memref<2x!tpu.dma_semaphore, #tpu.memory_space<semaphore_mem>> -> memref<1x!tpu.dma_semaphore, #tpu.memory_space<semaphore_mem>>
          %dma_start3A_257 = tpu.memref_squeeze %dma_start3A_256 : memref<1x!tpu.dma_semaphore, #tpu.memory_space<semaphore_mem>> -> memref<!tpu.dma_semaphore, #tpu.memory_space<semaphore_mem>>
          tpu.enqueue_indirect_dma source(%dma_start3A_249 : memref<128x144xf32, #tpu.memory_space<vmem>>) target(%dma_start3A_255 : memref<10000x144xf32, #tpu.memory_space<vmem_shared>>) offsets(%dma_start3A_252 : memref<128xi32, #tpu.memory_space<vmem>>) semaphore(%dma_start3A_257 : memref<!tpu.dma_semaphore, #tpu.memory_space<semaphore_mem>>) {add = true}
        } else {
        }
      } else {
      }
    }
    %scan3A_49 = arith.constant 79 : i32
    %sub3A = arith.constant 1250 : i32
    %sub3A_50 = arith.subi %sub3A, %arg1 : i32
    %add3A_51 = arith.constant 16 : i32
    %add3A_52 = arith.addi %sub3A_50, %add3A_51 : i32
    %sub3A_53 = arith.constant 1 : i32
    %sub3A_54 = arith.subi %add3A_52, %sub3A_53 : i32
    %jit3A = arith.constant 16 : i32
    %div3A = arith.divsi %sub3A_54, %jit3A : i32
    %sign3A = arith.constant 0 : i32
    %sign3A_55 = arith.cmpi sgt, %sub3A_54, %sign3A : i32
    %sign3A_56 = arith.extui %sign3A_55 : i1 to i32
    %sign3A_57 = arith.constant 0 : i32
    %sign3A_58 = arith.cmpi slt, %sub3A_54, %sign3A_57 : i32
    %sign3A_59 = arith.extui %sign3A_58 : i1 to i32
    %sign3A_60 = arith.subi %sign3A_56, %sign3A_59 : i32
    %sign3A_61 = arith.constant 0 : i32
    %sign3A_62 = arith.cmpi sgt, %jit3A, %sign3A_61 : i32
    %sign3A_63 = arith.extui %sign3A_62 : i1 to i32
    %sign3A_64 = arith.constant 0 : i32
    %sign3A_65 = arith.cmpi slt, %jit3A, %sign3A_64 : i32
    %sign3A_66 = arith.extui %sign3A_65 : i1 to i32
    %sign3A_67 = arith.subi %sign3A_63, %sign3A_66 : i32
    %ne3A = arith.cmpi ne, %sign3A_60, %sign3A_67 : i32
    %rem3A = arith.remsi %sub3A_54, %jit3A : i32
    %ne3A_68 = arith.constant 0 : i32
    %ne3A_69 = arith.cmpi ne, %rem3A, %ne3A_68 : i32
    %and3A = arith.andi %ne3A, %ne3A_69 : i1
    %sub3A_70 = arith.constant 1 : i32
    %sub3A_71 = arith.subi %div3A, %sub3A_70 : i32
    %select_n3A_72 = arith.select %and3A, %sub3A_71, %div3A : i32
    %ge3A = arith.constant 1 : i32
    %ge3A_73 = arith.cmpi sge, %select_n3A_72, %ge3A : i32
    %convert_element_type3A_74 = arith.extui %ge3A_73 : i1 to i32
    %cond3A_75 = arith.constant 0 : i32
    %cond3A_76 = arith.cmpi ne, %convert_element_type3A_74, %cond3A_75 : i32
    scf.if %cond3A_76 {
      %sub3A_88 = arith.constant 1 : i32
      %sub3A_89 = arith.subi %select_n3A_72, %sub3A_88 : i32
      %sub3A_90 = arith.constant 1 : i32
      %sub3A_91 = arith.subi %select_n3A_72, %sub3A_90 : i32
      %rem3A_92 = arith.constant 4 : i32
      %rem3A_93 = arith.remsi %sub3A_91, %rem3A_92 : i32
      %sub3A_94 = arith.constant 1 : i32
      %sub3A_95 = arith.subi %select_n3A_72, %sub3A_94 : i32
      %rem3A_96 = arith.constant 2 : i32
      %rem3A_97 = arith.remsi %sub3A_95, %rem3A_96 : i32
      %mul3A_98 = arith.constant 16 : i32
      %mul3A_99 = arith.muli %sub3A_89, %mul3A_98 : i32
      %add3A_100 = arith.addi %mul3A_99, %arg1 : i32
      %mul3A_101 = arith.constant 1 : i32
      %mul3A_102 = arith.muli %add3A_100, %mul3A_101 : i32
      %add3A_103 = arith.constant 0 : i32
      %add3A_104 = arith.addi %mul3A_102, %add3A_103 : i32
      %lt3A_105 = arith.constant 1250 : i32
      %lt3A_106 = arith.cmpi slt, %add3A_104, %lt3A_105 : i32
      %convert_element_type3A_107 = arith.extui %lt3A_106 : i1 to i32
      %cond3A_108 = arith.constant 0 : i32
      %cond3A_109 = arith.cmpi ne, %convert_element_type3A_107, %cond3A_108 : i32
      scf.if %cond3A_109 {
        %dma_wait3A = arith.constant 0 : i32
        %dma_wait3A_110 = arith.constant 0 : i32
        %dma_wait3A_111 = arith.constant 0 : i32
        %dma_wait3A_112 = arith.constant 0 : i32
        %dma_wait3A_113 = tpu.memref_slice %arg10[%rem3A_97, %dma_wait3A, %dma_wait3A_111, %dma_wait3A_112] : memref<2x1x128x144xf32, #tpu.memory_space<vmem>> -> memref<1x1x128x144xf32, #tpu.memory_space<vmem>>
        %dma_wait3A_114 = tpu.memref_squeeze %dma_wait3A_113 : memref<1x1x128x144xf32, #tpu.memory_space<vmem>> -> memref<128x144xf32, #tpu.memory_space<vmem>>
        %dma_wait3A_115 = arith.constant 0 : i32
        %dma_wait3A_116 = tpu.memref_slice %arg9[%rem3A_93, %dma_wait3A_110, %dma_wait3A_115] : memref<4x1x128xi32, #tpu.memory_space<vmem>> -> memref<1x1x128xi32, #tpu.memory_space<vmem>>
        %dma_wait3A_117 = tpu.memref_squeeze %dma_wait3A_116 : memref<1x1x128xi32, #tpu.memory_space<vmem>> -> memref<128xi32, #tpu.memory_space<vmem>>
        %dma_wait3A_118 = arith.constant 0 : i32
        %dma_wait3A_119 = arith.constant 0 : i32
        %dma_wait3A_120 = tpu.memref_slice %arg14[%dma_wait3A_118, %dma_wait3A_119] : memref<10000x144xf32, #tpu.memory_space<vmem_shared>> -> memref<10000x144xf32, #tpu.memory_space<vmem_shared>>
        %dma_wait3A_121 = tpu.memref_slice %arg19[%rem3A_97] : memref<2x!tpu.dma_semaphore, #tpu.memory_space<semaphore_mem>> -> memref<1x!tpu.dma_semaphore, #tpu.memory_space<semaphore_mem>>
        %dma_wait3A_122 = tpu.memref_squeeze %dma_wait3A_121 : memref<1x!tpu.dma_semaphore, #tpu.memory_space<semaphore_mem>> -> memref<!tpu.dma_semaphore, #tpu.memory_space<semaphore_mem>>
        tpu.wait_indirect_dma semaphore(%dma_wait3A_122 : memref<!tpu.dma_semaphore, #tpu.memory_space<semaphore_mem>>) src(%dma_wait3A_114 : memref<128x144xf32, #tpu.memory_space<vmem>>) dst(%dma_wait3A_120 : memref<10000x144xf32, #tpu.memory_space<vmem_shared>>)
      } else {
      }
    } else {
    }
    %ge3A_77 = arith.constant 2 : i32
    %ge3A_78 = arith.cmpi sge, %select_n3A_72, %ge3A_77 : i32
    %convert_element_type3A_79 = arith.extui %ge3A_78 : i1 to i32
    %cond3A_80 = arith.constant 0 : i32
    %cond3A_81 = arith.cmpi ne, %convert_element_type3A_79, %cond3A_80 : i32
    scf.if %cond3A_81 {
      %sub3A_88 = arith.constant 2 : i32
      %sub3A_89 = arith.subi %select_n3A_72, %sub3A_88 : i32
      %sub3A_90 = arith.constant 2 : i32
      %sub3A_91 = arith.subi %select_n3A_72, %sub3A_90 : i32
      %rem3A_92 = arith.constant 4 : i32
      %rem3A_93 = arith.remsi %sub3A_91, %rem3A_92 : i32
      %sub3A_94 = arith.constant 2 : i32
      %sub3A_95 = arith.subi %select_n3A_72, %sub3A_94 : i32
      %rem3A_96 = arith.constant 2 : i32
      %rem3A_97 = arith.remsi %sub3A_95, %rem3A_96 : i32
      %mul3A_98 = arith.constant 16 : i32
      %mul3A_99 = arith.muli %sub3A_89, %mul3A_98 : i32
      %add3A_100 = arith.addi %mul3A_99, %arg1 : i32
      %mul3A_101 = arith.constant 1 : i32
      %mul3A_102 = arith.muli %add3A_100, %mul3A_101 : i32
      %add3A_103 = arith.constant 0 : i32
      %add3A_104 = arith.addi %mul3A_102, %add3A_103 : i32
      %lt3A_105 = arith.constant 1250 : i32
      %lt3A_106 = arith.cmpi slt, %add3A_104, %lt3A_105 : i32
      %convert_element_type3A_107 = arith.extui %lt3A_106 : i1 to i32
      %cond3A_108 = arith.constant 0 : i32
      %cond3A_109 = arith.cmpi ne, %convert_element_type3A_107, %cond3A_108 : i32
      scf.if %cond3A_109 {
        %dma_wait3A = arith.constant 0 : i32
        %dma_wait3A_110 = arith.constant 0 : i32
        %dma_wait3A_111 = arith.constant 0 : i32
        %dma_wait3A_112 = arith.constant 0 : i32
        %dma_wait3A_113 = tpu.memref_slice %arg10[%rem3A_97, %dma_wait3A, %dma_wait3A_111, %dma_wait3A_112] : memref<2x1x128x144xf32, #tpu.memory_space<vmem>> -> memref<1x1x128x144xf32, #tpu.memory_space<vmem>>
        %dma_wait3A_114 = tpu.memref_squeeze %dma_wait3A_113 : memref<1x1x128x144xf32, #tpu.memory_space<vmem>> -> memref<128x144xf32, #tpu.memory_space<vmem>>
        %dma_wait3A_115 = arith.constant 0 : i32
        %dma_wait3A_116 = tpu.memref_slice %arg9[%rem3A_93, %dma_wait3A_110, %dma_wait3A_115] : memref<4x1x128xi32, #tpu.memory_space<vmem>> -> memref<1x1x128xi32, #tpu.memory_space<vmem>>
        %dma_wait3A_117 = tpu.memref_squeeze %dma_wait3A_116 : memref<1x1x128xi32, #tpu.memory_space<vmem>> -> memref<128xi32, #tpu.memory_space<vmem>>
        %dma_wait3A_118 = arith.constant 0 : i32
        %dma_wait3A_119 = arith.constant 0 : i32
        %dma_wait3A_120 = tpu.memref_slice %arg14[%dma_wait3A_118, %dma_wait3A_119] : memref<10000x144xf32, #tpu.memory_space<vmem_shared>> -> memref<10000x144xf32, #tpu.memory_space<vmem_shared>>
        %dma_wait3A_121 = tpu.memref_slice %arg19[%rem3A_97] : memref<2x!tpu.dma_semaphore, #tpu.memory_space<semaphore_mem>> -> memref<1x!tpu.dma_semaphore, #tpu.memory_space<semaphore_mem>>
        %dma_wait3A_122 = tpu.memref_squeeze %dma_wait3A_121 : memref<1x!tpu.dma_semaphore, #tpu.memory_space<semaphore_mem>> -> memref<!tpu.dma_semaphore, #tpu.memory_space<semaphore_mem>>
        tpu.wait_indirect_dma semaphore(%dma_wait3A_122 : memref<!tpu.dma_semaphore, #tpu.memory_space<semaphore_mem>>) src(%dma_wait3A_114 : memref<128x144xf32, #tpu.memory_space<vmem>>) dst(%dma_wait3A_120 : memref<10000x144xf32, #tpu.memory_space<vmem_shared>>)
      } else {
      }
    } else {
    }
    %barrier3A_82 = arith.constant 0 : index
    tpu.barrier barrier_id(%barrier3A_82)
    %scan3A_83 = arith.constant 0 : i32
    %scan3A_84 = arith.constant 8 : i32
    %scan3A_85 = arith.addi %scan3A_83, %scan3A_84 : i32
    %scan3A_86 = arith.constant 1 : i32
    scf.for %scan3A_88 = %scan3A_83 to %scan3A_85 step %scan3A_86  : i32 {
      %mul3A_89 = arith.constant 1 : i32
      %mul3A_90 = arith.muli %scan3A_88, %mul3A_89 : i32
      %add3A_91 = arith.constant 0 : i32
      %add3A_92 = arith.addi %add3A_91, %mul3A_90 : i32
      %mul3A_93 = arith.constant 16 : i32
      %mul3A_94 = arith.muli %add3A_92, %mul3A_93 : i32
      %add3A_95 = arith.addi %mul3A_94, %arg1 : i32
      %lt3A_96 = arith.constant 125 : i32
      %lt3A_97 = arith.cmpi slt, %add3A_95, %lt3A_96 : i32
      %convert_element_type3A_98 = arith.extui %lt3A_97 : i1 to i32
      %cond3A_99 = arith.constant 0 : i32
      %cond3A_100 = arith.cmpi ne, %convert_element_type3A_98, %cond3A_99 : i32
      scf.if %cond3A_100 {
        %mul3A_101 = arith.constant 80 : i32
        %mul3A_102 = arith.muli %add3A_95, %mul3A_101 : i32
        %mul3A_103 = arith.constant 10000 : i32
        %mul3A_104 = arith.muli %arg0, %mul3A_103 : i32
        %add3A_105 = arith.addi %mul3A_104, %mul3A_102 : i32
        "tpu.region"() ({
          %run_scoped3A = tpu.sem_alloc : memref<!tpu.dma_semaphore, #tpu.memory_space<semaphore_mem>>
          %dma_start3A = arith.constant 0 : i32
          %dma_start3A_106 = tpu.memref_slice %arg7[%add3A_105, %dma_start3A] : memref<20000x144xf32, #tpu.memory_space<hbm>> -> memref<80x144xf32, #tpu.memory_space<hbm>>
          %dma_start3A_107 = arith.constant 0 : i32
          %dma_start3A_108 = tpu.memref_slice %arg14[%mul3A_102, %dma_start3A_107] : memref<10000x144xf32, #tpu.memory_space<vmem_shared>> -> memref<80x144xf32, #tpu.memory_space<vmem_shared>>
          tpu.enqueue_dma source(%dma_start3A_108 : memref<80x144xf32, #tpu.memory_space<vmem_shared>>) target(%dma_start3A_106 : memref<80x144xf32, #tpu.memory_space<hbm>>) target_semaphore(%run_scoped3A : memref<!tpu.dma_semaphore, #tpu.memory_space<semaphore_mem>>)
          %dma_wait3A = arith.constant 0 : i32
          %dma_wait3A_109 = tpu.memref_slice %arg7[%add3A_105, %dma_wait3A] : memref<20000x144xf32, #tpu.memory_space<hbm>> -> memref<80x144xf32, #tpu.memory_space<hbm>>
          %dma_wait3A_110 = arith.constant 0 : i32
          %dma_wait3A_111 = tpu.memref_slice %arg14[%mul3A_102, %dma_wait3A_110] : memref<10000x144xf32, #tpu.memory_space<vmem_shared>> -> memref<80x144xf32, #tpu.memory_space<vmem_shared>>
          tpu.wait_dma2 semaphore(%run_scoped3A : memref<!tpu.dma_semaphore, #tpu.memory_space<semaphore_mem>>) src(%dma_wait3A_111 : memref<80x144xf32, #tpu.memory_space<vmem_shared>>) dst(%dma_wait3A_109 : memref<80x144xf32, #tpu.memory_space<hbm>>)
          tpu.yield
        }) : () -> ()
      } else {
      }
    }
    %scan3A_87 = arith.constant 8 : i32
    return
  }
}

module attributes {stable_mosaic.version = 14 : i64} {
  func.func @_proj1_body(%arg0: i32, %arg1: memref<1000x128xf32, #tpu.memory_space<vmem>>, %arg2: memref<128x128xf32, #tpu.memory_space<vmem>>, %arg3: memref<128x16xf32, #tpu.memory_space<vmem>>, %arg4: memref<128x16xf32, #tpu.memory_space<vmem>>, %arg5: memref<1000x144xf32, #tpu.memory_space<vmem>>, %arg6: memref<1000x16xf32, #tpu.memory_space<vmem>>, %arg7: memref<2x16xf32, #tpu.memory_space<vmem>>) attributes {dimension_semantics = [#tpu.dimension_semantics<arbitrary>], iteration_bounds = array<i64: 10>, scalar_prefetch = 0 : i64, scratch_operands = 0 : i64, tpu.core_type = #tpu.core_type<tc>, window_params = [{transform_indices = @transform_0, window_bounds = array<i64: 1000, 128>}, {pipeline_mode = #tpu.pipeline_mode<synchronous>, transform_indices = @transform_1, window_bounds = array<i64: 128, 128>}, {pipeline_mode = #tpu.pipeline_mode<synchronous>, transform_indices = @transform_2, window_bounds = array<i64: 128, 16>}, {pipeline_mode = #tpu.pipeline_mode<synchronous>, transform_indices = @transform_3, window_bounds = array<i64: 128, 16>}, {transform_indices = @transform_4, window_bounds = array<i64: 1000, 144>}, {transform_indices = @transform_5, window_bounds = array<i64: 1000, 16>}, {pipeline_mode = #tpu.pipeline_mode<synchronous>, transform_indices = @transform_6, window_bounds = array<i64: 2, 16>}]} {
    %get3A = arith.constant 0 : index
    %get3A_0 = arith.constant 0 : index
    %get3A_1 = vector.load %arg1[%get3A, %get3A_0] : memref<1000x128xf32, #tpu.memory_space<vmem>>, vector<1000x128xf32>
    %get3A_2 = arith.constant 0 : index
    %get3A_3 = arith.constant 0 : index
    %get3A_4 = vector.load %arg2[%get3A_2, %get3A_3] : memref<128x128xf32, #tpu.memory_space<vmem>>, vector<128x128xf32>
    %dot_general3A = arith.constant dense<0.000000e+00> : vector<1000x128xf32>
    %dot_general3A_5 = tpu.matmul %get3A_1, %get3A_4, %dot_general3A {dimension_numbers = #tpu.dot_dimension_numbers<[1], [0], [0], [1], [0, 0, 1, 1], [], []>, transpose_lhs_hint = false} : vector<1000x128xf32>, vector<128x128xf32>, vector<1000x128xf32> -> vector<1000x128xf32>
    %get3A_6 = arith.constant 0 : index
    %get3A_7 = arith.constant 0 : index
    %get3A_8 = vector.load %arg3[%get3A_6, %get3A_7] : memref<128x16xf32, #tpu.memory_space<vmem>>, vector<128x16xf32>
    %dot_general3A_9 = arith.constant dense<0.000000e+00> : vector<1000x16xf32>
    %dot_general3A_10 = tpu.matmul %dot_general3A_5, %get3A_8, %dot_general3A_9 {dimension_numbers = #tpu.dot_dimension_numbers<[1], [0], [0], [1], [0, 0, 1, 1], [], []>, transpose_lhs_hint = false} : vector<1000x128xf32>, vector<128x16xf32>, vector<1000x16xf32> -> vector<1000x16xf32>
    %get3A_11 = arith.constant 0 : index
    %get3A_12 = arith.constant 0 : index
    %get3A_13 = vector.load %arg4[%get3A_11, %get3A_12] : memref<128x16xf32, #tpu.memory_space<vmem>>, vector<128x16xf32>
    %dot_general3A_14 = arith.constant dense<0.000000e+00> : vector<1000x16xf32>
    %dot_general3A_15 = tpu.matmul %dot_general3A_5, %get3A_13, %dot_general3A_14 {dimension_numbers = #tpu.dot_dimension_numbers<[1], [0], [0], [1], [0, 0, 1, 1], [], []>, transpose_lhs_hint = false} : vector<1000x128xf32>, vector<128x16xf32>, vector<1000x16xf32> -> vector<1000x16xf32>
    %swap3A = arith.constant 0 : index
    %swap3A_16 = arith.constant 0 : index
    %swap3A_17 = vector.load %arg5[%swap3A, %swap3A_16] : memref<1000x144xf32, #tpu.memory_space<vmem>>, vector<1000x128xf32>
    tpu.vector_store %arg5[%swap3A, %swap3A_16], %dot_general3A_5 {strides = array<i32>} : memref<1000x144xf32, #tpu.memory_space<vmem>>, vector<1000x128xf32>,
    %swap3A_18 = arith.constant 0 : index
    %swap3A_19 = arith.constant 128 : index
    %swap3A_20 = vector.load %arg5[%swap3A_18, %swap3A_19] : memref<1000x144xf32, #tpu.memory_space<vmem>>, vector<1000x16xf32>
    tpu.vector_store %arg5[%swap3A_18, %swap3A_19], %dot_general3A_10 {strides = array<i32>} : memref<1000x144xf32, #tpu.memory_space<vmem>>, vector<1000x16xf32>,
    %swap3A_21 = arith.constant 0 : index
    %swap3A_22 = arith.constant 0 : index
    %swap3A_23 = vector.load %arg6[%swap3A_21, %swap3A_22] : memref<1000x16xf32, #tpu.memory_space<vmem>>, vector<1000x16xf32>
    tpu.vector_store %arg6[%swap3A_21, %swap3A_22], %dot_general3A_15 {strides = array<i32>} : memref<1000x16xf32, #tpu.memory_space<vmem>>, vector<1000x16xf32>,
    %reduce_max3A = arith.constant dense<0xFF800000> : vector<16xf32>
    %reduce_max3A_24 = vector.multi_reduction <maximumf>, %dot_general3A_10, %reduce_max3A [0] : vector<1000x16xf32> to vector<16xf32>
    %broadcast_in_dim3A = vector.shape_cast %reduce_max3A_24 : vector<16xf32> to vector<1x16xf32>
    %reduce_max3A_25 = arith.constant dense<0xFF800000> : vector<16xf32>
    %reduce_max3A_26 = vector.multi_reduction <maximumf>, %dot_general3A_15, %reduce_max3A_25 [0] : vector<1000x16xf32> to vector<16xf32>
    %broadcast_in_dim3A_27 = vector.shape_cast %reduce_max3A_26 : vector<16xf32> to vector<1x16xf32>
    %concatenate3A = tpu.concatenate %broadcast_in_dim3A, %broadcast_in_dim3A_27 in 0 : vector<1x16xf32>, vector<1x16xf32> -> vector<2x16xf32>
    %eq3A = arith.constant 0 : i32
    %eq3A_28 = arith.cmpi eq, %arg0, %eq3A : i32
    %broadcast_in_dim3A_29 = arith.constant -3.000000e+38 : f32
    %broadcast_in_dim3A_30 = vector.broadcast %broadcast_in_dim3A_29 : f32 to vector<2x16xf32>
    %get3A_31 = arith.constant 0 : index
    %get3A_32 = arith.constant 0 : index
    %get3A_33 = vector.load %arg7[%get3A_31, %get3A_32] : memref<2x16xf32, #tpu.memory_space<vmem>>, vector<2x16xf32>
    %select_n3A = arith.select %eq3A_28, %broadcast_in_dim3A_30, %get3A_33 : vector<2x16xf32>
    %max3A = arith.maximumf %select_n3A, %concatenate3A : vector<2x16xf32>
    %swap3A_34 = arith.constant 0 : index
    %swap3A_35 = arith.constant 0 : index
    %swap3A_36 = vector.load %arg7[%swap3A_34, %swap3A_35] : memref<2x16xf32, #tpu.memory_space<vmem>>, vector<2x16xf32>
    tpu.vector_store %arg7[%swap3A_34, %swap3A_35], %max3A {strides = array<i32>} : memref<2x16xf32, #tpu.memory_space<vmem>>, vector<2x16xf32>,
    return
  }
  func.func @transform_0(%arg0: i32) -> (i32, i32) {
    %c0_i32 = arith.constant 0 : i32
    %c0_i32_0 = arith.constant 0 : i32
    return %arg0, %c0_i32 : i32, i32
  }
  func.func @transform_1(%arg0: i32) -> (i32, i32) {
    %c0_i32 = arith.constant 0 : i32
    %c0_i32_0 = arith.constant 0 : i32
    %c0_i32_1 = arith.constant 0 : i32
    return %c0_i32, %c0_i32_0 : i32, i32
  }
  func.func @transform_2(%arg0: i32) -> (i32, i32) {
    %c0_i32 = arith.constant 0 : i32
    %c0_i32_0 = arith.constant 0 : i32
    %c0_i32_1 = arith.constant 0 : i32
    return %c0_i32, %c0_i32_0 : i32, i32
  }
  func.func @transform_3(%arg0: i32) -> (i32, i32) {
    %c0_i32 = arith.constant 0 : i32
    %c0_i32_0 = arith.constant 0 : i32
    %c0_i32_1 = arith.constant 0 : i32
    return %c0_i32, %c0_i32_0 : i32, i32
  }
  func.func @transform_4(%arg0: i32) -> (i32, i32) {
    %c0_i32 = arith.constant 0 : i32
    %c0_i32_0 = arith.constant 0 : i32
    return %arg0, %c0_i32 : i32, i32
  }
  func.func @transform_5(%arg0: i32) -> (i32, i32) {
    %c0_i32 = arith.constant 0 : i32
    %c0_i32_0 = arith.constant 0 : i32
    return %arg0, %c0_i32 : i32, i32
  }
  func.func @transform_6(%arg0: i32) -> (i32, i32) {
    %c0_i32 = arith.constant 0 : i32
    %c0_i32_0 = arith.constant 0 : i32
    %c0_i32_1 = arith.constant 0 : i32
    return %c0_i32, %c0_i32_0 : i32, i32
  }
}

module attributes {stable_mosaic.version = 14 : i64} {
  func.func @_proj2_body(%arg0: i32, %arg1: memref<1000x144xf32, #tpu.memory_space<vmem>>, %arg2: memref<1000x144xf32, #tpu.memory_space<vmem>>, %arg3: memref<128x32xf32, #tpu.memory_space<vmem>>, %arg4: memref<32x16xf32, #tpu.memory_space<vmem>>, %arg5: memref<32x16xf32, #tpu.memory_space<vmem>>, %arg6: memref<8x128xf32, #tpu.memory_space<vmem>>, %arg7: memref<1000x48xf32, #tpu.memory_space<vmem>>, %arg8: memref<1000x16xf32, #tpu.memory_space<vmem>>, %arg9: memref<2x16xf32, #tpu.memory_space<vmem>>) attributes {dimension_semantics = [#tpu.dimension_semantics<arbitrary>], iteration_bounds = array<i64: 10>, scalar_prefetch = 0 : i64, scratch_operands = 0 : i64, tpu.core_type = #tpu.core_type<tc>, window_params = [{transform_indices = @transform_0, window_bounds = array<i64: 1000, 144>}, {transform_indices = @transform_1, window_bounds = array<i64: 1000, 144>}, {pipeline_mode = #tpu.pipeline_mode<synchronous>, transform_indices = @transform_2, window_bounds = array<i64: 128, 32>}, {pipeline_mode = #tpu.pipeline_mode<synchronous>, transform_indices = @transform_3, window_bounds = array<i64: 32, 16>}, {pipeline_mode = #tpu.pipeline_mode<synchronous>, transform_indices = @transform_4, window_bounds = array<i64: 32, 16>}, {pipeline_mode = #tpu.pipeline_mode<synchronous>, transform_indices = @transform_5, window_bounds = array<i64: 8, 128>}, {transform_indices = @transform_6, window_bounds = array<i64: 1000, 48>}, {transform_indices = @transform_7, window_bounds = array<i64: 1000, 16>}, {pipeline_mode = #tpu.pipeline_mode<synchronous>, transform_indices = @transform_8, window_bounds = array<i64: 2, 16>}]} {
    %get3A = arith.constant 0 : index
    %get3A_0 = arith.constant 0 : index
    %get3A_1 = vector.load %arg1[%get3A, %get3A_0] : memref<1000x144xf32, #tpu.memory_space<vmem>>, vector<1000x144xf32>
    %get3A_2 = arith.constant 0 : index
    %get3A_3 = arith.constant 0 : index
    %get3A_4 = vector.load %arg2[%get3A_2, %get3A_3] : memref<1000x144xf32, #tpu.memory_space<vmem>>, vector<1000x144xf32>
    %add3A = arith.addf %get3A_1, %get3A_4 : vector<1000x144xf32>
    %slice3A = vector.extract_strided_slice %add3A {offsets = [0, 0], sizes = [1000, 128], strides = [1, 1]} : vector<1000x144xf32> to vector<1000x128xf32>
    %slice3A_5 = vector.extract_strided_slice %add3A {offsets = [0, 128], sizes = [1000, 8], strides = [1, 1]} : vector<1000x144xf32> to vector<1000x8xf32>
    %get3A_6 = arith.constant 0 : index
    %get3A_7 = arith.constant 0 : index
    %get3A_8 = vector.load %arg6[%get3A_6, %get3A_7] : memref<8x128xf32, #tpu.memory_space<vmem>>, vector<8x128xf32>
    %dot_general3A = arith.constant dense<0.000000e+00> : vector<1000x128xf32>
    %dot_general3A_9 = tpu.matmul %slice3A_5, %get3A_8, %dot_general3A {dimension_numbers = #tpu.dot_dimension_numbers<[1], [0], [0], [1], [0, 0, 1, 1], [], []>, transpose_lhs_hint = false} : vector<1000x8xf32>, vector<8x128xf32>, vector<1000x128xf32> -> vector<1000x128xf32>
    %gt3A = arith.constant 0.000000e+00 : f32
    %gt3A_10 = vector.broadcast %gt3A : f32 to vector<1000x128xf32>
    %gt3A_11 = arith.cmpf ogt, %dot_general3A_9, %gt3A_10 : vector<1000x128xf32>
    %div3A = arith.divf %slice3A, %dot_general3A_9 : vector<1000x128xf32>
    %jit3A = arith.constant 0.000000e+00 : f32
    %broadcast_in_dim3A = vector.broadcast %jit3A : f32 to vector<1000x128xf32>
    %select_n3A = arith.select %gt3A_11, %div3A, %broadcast_in_dim3A : vector<1000x128xi1>, vector<1000x128xf32>
    %max3A = arith.constant 0.000000e+00 : f32
    %max3A_12 = vector.broadcast %max3A : f32 to vector<1000x128xf32>
    %max3A_13 = arith.maximumf %select_n3A, %max3A_12 : vector<1000x128xf32>
    %get3A_14 = arith.constant 0 : index
    %get3A_15 = arith.constant 0 : index
    %get3A_16 = vector.load %arg3[%get3A_14, %get3A_15] : memref<128x32xf32, #tpu.memory_space<vmem>>, vector<128x32xf32>
    %dot_general3A_17 = arith.constant dense<0.000000e+00> : vector<1000x32xf32>
    %dot_general3A_18 = tpu.matmul %max3A_13, %get3A_16, %dot_general3A_17 {dimension_numbers = #tpu.dot_dimension_numbers<[1], [0], [0], [1], [0, 0, 1, 1], [], []>, transpose_lhs_hint = false} : vector<1000x128xf32>, vector<128x32xf32>, vector<1000x32xf32> -> vector<1000x32xf32>
    %get3A_19 = arith.constant 0 : index
    %get3A_20 = arith.constant 0 : index
    %get3A_21 = vector.load %arg4[%get3A_19, %get3A_20] : memref<32x16xf32, #tpu.memory_space<vmem>>, vector<32x16xf32>
    %dot_general3A_22 = arith.constant dense<0.000000e+00> : vector<1000x16xf32>
    %dot_general3A_23 = tpu.matmul %dot_general3A_18, %get3A_21, %dot_general3A_22 {dimension_numbers = #tpu.dot_dimension_numbers<[1], [0], [0], [1], [0, 0, 1, 1], [], []>, transpose_lhs_hint = false} : vector<1000x32xf32>, vector<32x16xf32>, vector<1000x16xf32> -> vector<1000x16xf32>
    %get3A_24 = arith.constant 0 : index
    %get3A_25 = arith.constant 0 : index
    %get3A_26 = vector.load %arg5[%get3A_24, %get3A_25] : memref<32x16xf32, #tpu.memory_space<vmem>>, vector<32x16xf32>
    %dot_general3A_27 = arith.constant dense<0.000000e+00> : vector<1000x16xf32>
    %dot_general3A_28 = tpu.matmul %dot_general3A_18, %get3A_26, %dot_general3A_27 {dimension_numbers = #tpu.dot_dimension_numbers<[1], [0], [0], [1], [0, 0, 1, 1], [], []>, transpose_lhs_hint = false} : vector<1000x32xf32>, vector<32x16xf32>, vector<1000x16xf32> -> vector<1000x16xf32>
    %swap3A = arith.constant 0 : index
    %swap3A_29 = arith.constant 0 : index
    %swap3A_30 = vector.load %arg7[%swap3A, %swap3A_29] : memref<1000x48xf32, #tpu.memory_space<vmem>>, vector<1000x32xf32>
    tpu.vector_store %arg7[%swap3A, %swap3A_29], %dot_general3A_18 {strides = array<i32>} : memref<1000x48xf32, #tpu.memory_space<vmem>>, vector<1000x32xf32>,
    %swap3A_31 = arith.constant 0 : index
    %swap3A_32 = arith.constant 32 : index
    %swap3A_33 = vector.load %arg7[%swap3A_31, %swap3A_32] : memref<1000x48xf32, #tpu.memory_space<vmem>>, vector<1000x16xf32>
    tpu.vector_store %arg7[%swap3A_31, %swap3A_32], %dot_general3A_23 {strides = array<i32>} : memref<1000x48xf32, #tpu.memory_space<vmem>>, vector<1000x16xf32>,
    %swap3A_34 = arith.constant 0 : index
    %swap3A_35 = arith.constant 0 : index
    %swap3A_36 = vector.load %arg8[%swap3A_34, %swap3A_35] : memref<1000x16xf32, #tpu.memory_space<vmem>>, vector<1000x16xf32>
    tpu.vector_store %arg8[%swap3A_34, %swap3A_35], %dot_general3A_28 {strides = array<i32>} : memref<1000x16xf32, #tpu.memory_space<vmem>>, vector<1000x16xf32>,
    %reduce_max3A = arith.constant dense<0xFF800000> : vector<16xf32>
    %reduce_max3A_37 = vector.multi_reduction <maximumf>, %dot_general3A_23, %reduce_max3A [0] : vector<1000x16xf32> to vector<16xf32>
    %broadcast_in_dim3A_38 = vector.shape_cast %reduce_max3A_37 : vector<16xf32> to vector<1x16xf32>
    %reduce_max3A_39 = arith.constant dense<0xFF800000> : vector<16xf32>
    %reduce_max3A_40 = vector.multi_reduction <maximumf>, %dot_general3A_28, %reduce_max3A_39 [0] : vector<1000x16xf32> to vector<16xf32>
    %broadcast_in_dim3A_41 = vector.shape_cast %reduce_max3A_40 : vector<16xf32> to vector<1x16xf32>
    %concatenate3A = tpu.concatenate %broadcast_in_dim3A_38, %broadcast_in_dim3A_41 in 0 : vector<1x16xf32>, vector<1x16xf32> -> vector<2x16xf32>
    %eq3A = arith.constant 0 : i32
    %eq3A_42 = arith.cmpi eq, %arg0, %eq3A : i32
    %broadcast_in_dim3A_43 = arith.constant -3.000000e+38 : f32
    %broadcast_in_dim3A_44 = vector.broadcast %broadcast_in_dim3A_43 : f32 to vector<2x16xf32>
    %get3A_45 = arith.constant 0 : index
    %get3A_46 = arith.constant 0 : index
    %get3A_47 = vector.load %arg9[%get3A_45, %get3A_46] : memref<2x16xf32, #tpu.memory_space<vmem>>, vector<2x16xf32>
    %select_n3A_48 = arith.select %eq3A_42, %broadcast_in_dim3A_44, %get3A_47 : vector<2x16xf32>
    %max3A_49 = arith.maximumf %select_n3A_48, %concatenate3A : vector<2x16xf32>
    %swap3A_50 = arith.constant 0 : index
    %swap3A_51 = arith.constant 0 : index
    %swap3A_52 = vector.load %arg9[%swap3A_50, %swap3A_51] : memref<2x16xf32, #tpu.memory_space<vmem>>, vector<2x16xf32>
    tpu.vector_store %arg9[%swap3A_50, %swap3A_51], %max3A_49 {strides = array<i32>} : memref<2x16xf32, #tpu.memory_space<vmem>>, vector<2x16xf32>,
    return
  }
  func.func @transform_0(%arg0: i32) -> (i32, i32) {
    %c0_i32 = arith.constant 0 : i32
    %c0_i32_0 = arith.constant 0 : i32
    return %arg0, %c0_i32 : i32, i32
  }
  func.func @transform_1(%arg0: i32) -> (i32, i32) {
    %c0_i32 = arith.constant 0 : i32
    %c0_i32_0 = arith.constant 0 : i32
    return %arg0, %c0_i32 : i32, i32
  }
  func.func @transform_2(%arg0: i32) -> (i32, i32) {
    %c0_i32 = arith.constant 0 : i32
    %c0_i32_0 = arith.constant 0 : i32
    %c0_i32_1 = arith.constant 0 : i32
    return %c0_i32, %c0_i32_0 : i32, i32
  }
  func.func @transform_3(%arg0: i32) -> (i32, i32) {
    %c0_i32 = arith.constant 0 : i32
    %c0_i32_0 = arith.constant 0 : i32
    %c0_i32_1 = arith.constant 0 : i32
    return %c0_i32, %c0_i32_0 : i32, i32
  }
  func.func @transform_4(%arg0: i32) -> (i32, i32) {
    %c0_i32 = arith.constant 0 : i32
    %c0_i32_0 = arith.constant 0 : i32
    %c0_i32_1 = arith.constant 0 : i32
    return %c0_i32, %c0_i32_0 : i32, i32
  }
  func.func @transform_5(%arg0: i32) -> (i32, i32) {
    %c0_i32 = arith.constant 0 : i32
    %c0_i32_0 = arith.constant 0 : i32
    %c0_i32_1 = arith.constant 0 : i32
    return %c0_i32, %c0_i32_0 : i32, i32
  }
  func.func @transform_6(%arg0: i32) -> (i32, i32) {
    %c0_i32 = arith.constant 0 : i32
    %c0_i32_0 = arith.constant 0 : i32
    return %arg0, %c0_i32 : i32, i32
  }
  func.func @transform_7(%arg0: i32) -> (i32, i32) {
    %c0_i32 = arith.constant 0 : i32
    %c0_i32_0 = arith.constant 0 : i32
    return %arg0, %c0_i32 : i32, i32
  }
  func.func @transform_8(%arg0: i32) -> (i32, i32) {
    %c0_i32 = arith.constant 0 : i32
    %c0_i32_0 = arith.constant 0 : i32
    %c0_i32_1 = arith.constant 0 : i32
    return %c0_i32, %c0_i32_0 : i32, i32
  }
}

module attributes {stable_mosaic.version = 14 : i64} {
  func.func @_final_body(%arg0: i32, %arg1: memref<1000x48xf32, #tpu.memory_space<vmem>>, %arg2: memref<1000x48xf32, #tpu.memory_space<vmem>>, %arg3: memref<1x32xf32, #tpu.memory_space<vmem>>, %arg4: memref<1000x32xf32, #tpu.memory_space<vmem>>) attributes {dimension_semantics = [#tpu.dimension_semantics<arbitrary>], iteration_bounds = array<i64: 10>, scalar_prefetch = 0 : i64, scratch_operands = 0 : i64, tpu.core_type = #tpu.core_type<tc>, window_params = [{transform_indices = @transform_0, window_bounds = array<i64: 1000, 48>}, {transform_indices = @transform_1, window_bounds = array<i64: 1000, 48>}, {pipeline_mode = #tpu.pipeline_mode<synchronous>, transform_indices = @transform_2, window_bounds = array<i64: 1, 32>}, {transform_indices = @transform_3, window_bounds = array<i64: 1000, 32>}]} {
    %get3A = arith.constant 0 : index
    %get3A_0 = arith.constant 0 : index
    %get3A_1 = vector.load %arg1[%get3A, %get3A_0] : memref<1000x48xf32, #tpu.memory_space<vmem>>, vector<1000x48xf32>
    %get3A_2 = arith.constant 0 : index
    %get3A_3 = arith.constant 0 : index
    %get3A_4 = vector.load %arg2[%get3A_2, %get3A_3] : memref<1000x48xf32, #tpu.memory_space<vmem>>, vector<1000x48xf32>
    %add3A = arith.addf %get3A_1, %get3A_4 : vector<1000x48xf32>
    %slice3A = vector.extract_strided_slice %add3A {offsets = [0, 0], sizes = [1000, 32], strides = [1, 1]} : vector<1000x48xf32> to vector<1000x32xf32>
    %slice3A_5 = vector.extract_strided_slice %add3A {offsets = [0, 32], sizes = [1000, 1], strides = [1, 1]} : vector<1000x48xf32> to vector<1000x1xf32>
    %get3A_6 = arith.constant 0 : index
    %get3A_7 = arith.constant 0 : index
    %get3A_8 = vector.load %arg3[%get3A_6, %get3A_7] : memref<1x32xf32, #tpu.memory_space<vmem>>, vector<1x32xf32>
    %dot_general3A = arith.constant dense<0.000000e+00> : vector<1000x32xf32>
    %dot_general3A_9 = tpu.matmul %slice3A_5, %get3A_8, %dot_general3A {dimension_numbers = #tpu.dot_dimension_numbers<[1], [0], [0], [1], [0, 0, 1, 1], [], []>, transpose_lhs_hint = false} : vector<1000x1xf32>, vector<1x32xf32>, vector<1000x32xf32> -> vector<1000x32xf32>
    %gt3A = arith.constant 0.000000e+00 : f32
    %gt3A_10 = vector.broadcast %gt3A : f32 to vector<1000x32xf32>
    %gt3A_11 = arith.cmpf ogt, %dot_general3A_9, %gt3A_10 : vector<1000x32xf32>
    %div3A = arith.divf %slice3A, %dot_general3A_9 : vector<1000x32xf32>
    %jit3A = arith.constant 0.000000e+00 : f32
    %broadcast_in_dim3A = vector.broadcast %jit3A : f32 to vector<1000x32xf32>
    %select_n3A = arith.select %gt3A_11, %div3A, %broadcast_in_dim3A : vector<1000x32xi1>, vector<1000x32xf32>
    %swap3A = arith.constant 0 : index
    %swap3A_12 = arith.constant 0 : index
    %swap3A_13 = vector.load %arg4[%swap3A, %swap3A_12] : memref<1000x32xf32, #tpu.memory_space<vmem>>, vector<1000x32xf32>
    tpu.vector_store %arg4[%swap3A, %swap3A_12], %select_n3A {strides = array<i32>} : memref<1000x32xf32, #tpu.memory_space<vmem>>, vector<1000x32xf32>,
    return
  }
  func.func @transform_0(%arg0: i32) -> (i32, i32) {
    %c0_i32 = arith.constant 0 : i32
    %c0_i32_0 = arith.constant 0 : i32
    return %arg0, %c0_i32 : i32, i32
  }
  func.func @transform_1(%arg0: i32) -> (i32, i32) {
    %c0_i32 = arith.constant 0 : i32
    %c0_i32_0 = arith.constant 0 : i32
    return %arg0, %c0_i32 : i32, i32
  }
  func.func @transform_2(%arg0: i32) -> (i32, i32) {
    %c0_i32 = arith.constant 0 : i32
    %c0_i32_0 = arith.constant 0 : i32
    %c0_i32_1 = arith.constant 0 : i32
    return %c0_i32, %c0_i32_0 : i32, i32
  }
  func.func @transform_3(%arg0: i32) -> (i32, i32) {
    %c0_i32 = arith.constant 0 : i32
    %c0_i32_0 = arith.constant 0 : i32
    return %arg0, %c0_i32 : i32, i32
  }
}

</mosaic_0001>

<sc_bundles>
// kernel: kernel.10.cloned.1.call-start
scs
__scs_entry_jumppad:
0x0: {  	(pc) =	sbr.rel $0x88, $3  }
0x1: {  	(tag) =	ssettag $0x0;
	lr =	simm.s32 $0x1  }
0x2: {  	[smem:$0x3F99] =	sst lr;
	_ =	strace $0xD0000000  }
0x3: {  	_ = 	snop  }
0x4: {  	_ = 	snop  }
0x5: {  	_ = 	snop  }
0x6: {  	_ = 	snop  }
0x7: {  	_ = 	snop  }
__scs_overlays_trampoline_lowered:
0x8: {  	[smem:$0x3FA8] =	sst s0  }
0x9: {  	[smem:$0x3FA9] =	sst s1  }
0xa: {  	[smem:$0x3FAA] =	sst s2  }
0xb: {  	[smem:$0x3FAB] =	sst s3  }
0xc: {  	[smem:$0x3FAC] =	sst s4  }
0xd: {  	[smem:$0x3FAD] =	sst s5  }
0xe: {  	[smem:$0x3FAE] =	sst s6  }
0xf: {  	[smem:$0x3FAF] =	sst s7  }
0x10: {  	[smem:$0x3FB0] =	sst s8  }
0x11: {  	[smem:$0x3FB1] =	sst s9;
	s0 =	simm.s32 @!p0 $0x0  }
0x12: {  	s1 =	sld [smem:$0x3F97];
	s0 =	simm.s32 @p0 $0x1  }
0x13: {  	[smem:$0x3FB2] =	sst s0;
	s0 =	simm.s32 @!p1 $0x0  }
0x14: {  	s2 =	sld [smem:$0x3F96];
	s0 =	simm.s32 @p1 $0x1  }
0x15: {  	[smem:$0x3FB3] =	sst s0;
	s0 =	simm.s32 @!p2 $0x0  }
0x16: {  	s3 =	sld [smem:$0x3FDB];
	s0 =	simm.s32 @p2 $0x1  }
0x17: {  	s4 =	simm.s32 $0x1BF5;
	[smem:$0x3FB5] =	sst s0  }
0x18: {  	s0 =	sld [smem:$0x3F98];
	_ =	swait.ge [sflag:s4], $0x0  }
0x19: {  	s7 =	sld [smem:$0x3F99]  }
0x1a: {  	s8 =	sadd.s32 $0xFFFFE003, lr  }
0x1b: {  	s9 =	sadd.s32 $0xFFFFFEF7, lr;
	s5 =	simm.s32 $0xFFFFFFFF;
	p2 =	slt.u32 s8, $0xFFFFF086  }
0x1c: {  	p1 =	slt.u32 s9, $0xF7A;
	s5 =	simm.s32 @!p2 $0x0  }
0x1d: {  	s5 =	simm.s32 @p1 $0x1;
	p0 =	seq.s32 s7, s2  }
0x1e: {  	s7 =	smul.u32 @!p0 $0xF7A, s2;
	p2 =	seq.s32 @!p0 s5, $0x0  }
0x1f: {  	s9 =	smul.u32 $0xF7A, s1;
	s8 =	simm.s32 @!p0 $0x1BF5;
	p2 =	por !p2, p0  }
0x20: {  	[sflag:s8] =	ssyncset.s32 @!p0 $0xFFFFF086;
	s6 =	sadd.s32 @!p0 s3, s7;
	s7 =	simm.s32 @!p0 $0x108  }
0x21: {  	s3 =	sadd.s32 s3, s9;
	s6 =	sadd.s32 @!p0 $0x88, s6;
	s7 =	simm.s32 @p2 $0x1082  }
0x22: {  	[simem:s7], [sflag:s8] =	dma.local @!p0 [hbm:s6], $0xF7A  }
0x23: {  	s9 =	sor.u32 $0xD0000000, s2;
	s6 =	simm.s32 $0x108;
	_ =	swait.ge @!p0 [sflag:s8], $0x0  }
0x24: {  	s3 =	sadd.s32 $0x88, s3;
	s6 =	simm.s32 @!p1 $0x1082;
	[sflag:s4] =	ssyncset.s32 $0xFFFFF086  }
0x25: {  	[simem:s6], [sflag:s4] =	dma.local [hbm:s3], $0xF7A  }
0x26: {  	[smem:$0x3F99] =	sst s1;
	(tag) =	ssettag s2;
	_ =	strace s9  }
0x27: {  	s1 =	sld [smem:$0x3FA9]  }
0x28: {  	s2 =	sld [smem:$0x3FAA]  }
0x29: {  	s4 =	sld [smem:$0x3FAC]  }
0x2a: {  	p0 =	seq.s32 s5, $0x0;
	s5 =	sld [smem:$0x3FAD]  }
0x2b: {  	s6 =	sld [smem:$0x3FAE]  }
0x2c: {  	s7 =	sld [smem:$0x3FAF]  }
0x2d: {  	s3 =	simm.s32 $0x108;
	s8 =	sld [smem:$0x3FB0]  }
0x2e: {  	s3 =	simm.s32 @!p0 $0x1082;
	s9 =	sld [smem:$0x3FB1]  }
0x2f: {  	lr =	sadd.s32 s0, s3;
	s0 =	sld [smem:$0x3FA8]  }
0x30: {  	s3 =	sld [smem:$0x3FAB]  }
0x31: {  	[smem:$0x3FB4] =	sst s10  }
0x32: {  	s10 =	sld [smem:$0x3FB2];
	_ =	sdelay $0x3  }
0x33: {  	p0 =	seq.s32 s10, $0x1;
	s10 =	sld [smem:$0x3FB4];
	_ =	sdelay $0x3  }
0x34: {  	[smem:$0x3FB4] =	sst s10  }
0x35: {  	s10 =	sld [smem:$0x3FB3];
	_ =	sdelay $0x3  }
0x36: {  	p1 =	seq.s32 s10, $0x1;
	s10 =	sld [smem:$0x3FB4];
	_ =	sdelay $0x3  }
0x37: {  	[smem:$0x3FB4] =	sst s10  }
0x38: {  	s10 =	sld [smem:$0x3FB5]  }
0x39: {  	_ = 	snop;
	(pc) =	sbr.ind lr, $3  }
0x3a: {  	_ = 	snop  }
0x3b: {  	_ = 	snop  }
0x3c: {  	p2 =	seq.s32 s10, $0x1;
	s10 =	sld [smem:$0x3FB4]  }
0x3d: {  	_ =	shalt  }
0x3e: {  	_ =	shalt  }
0x3f: {  	_ =	shalt  }
0x40: {  	_ =	shalt  }
0x41: {  	_ =	shalt  }
0x42: {  	_ =	shalt  }
0x43: {  	_ =	shalt  }
0x44: {  	_ =	shalt  }
0x45: {  	_ =	shalt  }
0x46: {  	_ =	shalt  }
0x47: {  	_ =	shalt  }
0x48: {  	_ =	shalt  }
0x49: {  	_ =	shalt  }
0x4a: {  	_ =	shalt  }
0x4b: {  	_ =	shalt  }
0x4c: {  	_ =	shalt  }
0x4d: {  	_ =	shalt  }
0x4e: {  	_ =	shalt  }
0x4f: {  	_ =	shalt  }
0x50: {  	_ =	shalt  }
0x51: {  	_ =	shalt  }
0x52: {  	_ =	shalt  }
0x53: {  	_ =	shalt  }
0x54: {  	_ =	shalt  }
0x55: {  	_ =	shalt  }
0x56: {  	_ =	shalt  }
0x57: {  	_ =	shalt  }
0x58: {  	_ =	shalt  }
0x59: {  	_ =	shalt  }
0x5a: {  	_ =	shalt  }
0x5b: {  	_ =	shalt  }
0x5c: {  	_ =	shalt  }
0x5d: {  	_ =	shalt  }
0x5e: {  	_ =	shalt  }
0x5f: {  	_ =	shalt  }
0x60: {  	_ =	shalt  }
0x61: {  	_ =	shalt  }
0x62: {  	_ =	shalt  }
0x63: {  	_ =	shalt  }
0x64: {  	_ =	shalt  }
0x65: {  	_ =	shalt  }
0x66: {  	_ =	shalt  }
0x67: {  	_ =	shalt  }
0x68: {  	_ =	shalt  }
0x69: {  	_ =	shalt  }
0x6a: {  	_ =	shalt  }
0x6b: {  	_ =	shalt  }
0x6c: {  	_ =	shalt  }
0x6d: {  	_ =	shalt  }
0x6e: {  	_ =	shalt  }
0x6f: {  	_ =	shalt  }
0x70: {  	_ =	shalt  }
0x71: {  	_ =	shalt  }
0x72: {  	_ =	shalt  }
0x73: {  	_ =	shalt  }
0x74: {  	_ =	shalt  }
0x75: {  	_ =	shalt  }
0x76: {  	_ =	shalt  }
0x77: {  	_ =	shalt  }
0x78: {  	_ =	shalt  }
0x79: {  	_ =	shalt  }
0x7a: {  	_ =	shalt  }
0x7b: {  	_ =	shalt  }
0x7c: {  	_ =	shalt  }
0x7d: {  	_ =	shalt  }
0x7e: {  	_ =	shalt  }
0x7f: {  	_ =	shalt  }
0x80: {  	_ =	shalt  }
0x81: {  	_ =	shalt  }
0x82: {  	_ =	shalt  }
0x83: {  	_ =	shalt  }
0x84: {  	_ =	shalt  }
0x85: {  	_ =	shalt  }
0x86: {  	_ =	shalt  }
0x87: {  	_ =	shalt  }
.Lfunc_end0:
.L_simem_size_0:
called_computation.1_lowered:
.L_overlay_start_0:
0x88: {  	s2 =	sld [smem:$0x3FD9]  }
0x89: {  	s3 =	sld [smem:$0x3FFE];
	_ =	sdelay $0x1  }
0x8a: {  	s1 =	srdreg.scid  }
0x8b: {  	s0 =	sand.u32 $0x1, s1  }
0x8c: {  	s17 =	sshll.u32 s0, $0xA;
	s2 =	sadd.s32 s3, s2  }
0x8d: {  	s2 =	sadd.s32 s2, s17  }
0x8e: {  	[smem:$0x3FC0] =	sst s2  }
0x8f: {  	_ = 	snop  }
0x90: {  	s2 =	sld [smem:$0x3FD0];
	(tm) =	ssettm $0x1  }
0x91: {  	s18 =	sld [smem:$0x3FFB];
	_ =	sdelay $0x3  }
0x92: {  	_ =	strace s18  }
0x93: {  	s3 =	sld [smem:$0x3FFC];
	_ =	sdelay $0x3  }
0x94: {  	_ =	strace s3  }
0x95: {  	s3 =	sld [smem:$0x3FFD];
	_ =	sdelay $0x3  }
0x96: {  	_ =	strace s3  }
0x97: {  	_ =	strace $0x8FFFFFFF  }
0x98: {  	s19 =	sld [smem:$0x3FDB];
	_ =	sdelay $0x1  }
0x99: {  	s4 =	simm.s32 $_scs_section_size  }
0x9a: {  	s5 =	simm.s32 $_size__tile_overlayer_lowered;
	s6 =	simm.s32 $_tile_overlayer_lowered  }
0x9b: {  	s22 =	simm.s32 $0x1BFF;
	s21 =	sshll.u32 s6, $0x1;
	s3 =	sadd.s32 s4, s19  }
0x9c: {  	s7 =	simm.s32 $0x0;
	s20 =	sshll.u32 s5, $0x1;
	s5 =	sadd.s32 s21, s3  }
0x9d: {  	[timem:s7], [sflag:s22] =	dma.local [hbm:s5], s20  }
0x9e: {  	_ =	swait.ge [sflag:s22], s20  }
0x9f: {  	s4 =	ssub.s32 $0x0, s20;
	[sflag:s22] =	ssyncset.done $0x0  }
0xa0: {  	[sflag:s22] =	ssyncadd.s32 s4;
	_ =	sdelay $0x1  }
0xa1: {  	s23 =	simm.s32 $0x1B8B  }
0xa2: {  	_ =	swait.ge [sflag:s23], $0x1  }
0xa3: {  	[sflag:s23] =	ssyncset.done $0x0  }
0xa4: {  	s25 =	simm.s32 $0x1B8E;
	s24 =	sld [smem:$0x3FFE];
	[sflag:s23] =	ssyncadd.s32 $0xFFFFFFFF  }
0xa5: {  	s26 =	simm.s32 $execute0_lowered;
	[smem:$0x3FD2] =	sst s25  }
0xa6: {  	s5 =	sshll.u32 s26, $0x1;
	_ =	strace $0x80000049;
	[dreg:$0x1] =	wrdreg $0xFFFFFFFF  }
0xa7: {  	s28 =	simm.s32 $_size_execute0_lowered;
	s3 =	sadd.s32 s3, s5;
	[dreg:$0x0] =	wrdreg $0x0  }
0xa8: {  	s5 =	sshll.u32 s28, $0x1;
	[dreg:$0x2] =	wrdreg s3  }
0xa9: {  	[dreg:$0x3] =	wrdreg s5  }
0xaa: {  	[dreg:$0x4] =	wrdreg $0xC0  }
0xab: {  	_ =	task [dreg:s7], $0x5FFFF  }
0xac: {  	[dreg:$0x1] =	wrdreg $0xFFFFFFFF  }
0xad: {  	[dreg:$0x0] =	wrdreg $0x60  }
0xae: {  	[dreg:$0x2] =	wrdreg s24  }
0xaf: {  	[dreg:$0x3] =	wrdreg s2  }
0xb0: {  	[dreg:$0x4] =	wrdreg $0xF0300  }
0xb1: {  	[dreg:$0x5] =	wrdreg $0x9  }
0xb2: {  	_ =	task.clear_ibuf [dreg:s7], $0x6FFFF;
	_ =	strace $0x90000049  }
0xb3: {  	s29 =	simm.s32 $0x9;
	_ =	strace $0x8000004B  }
0xb4: {  	_ =	swait.ge [sflag:s29], $0x1  }
0xb5: {  	[sflag:s29] =	ssyncadd.s32 $0xFFFFFFFF  }
0xb6: {  	_ =	strace $0x9000004B  }
0xb7: {  	_ =	sfence  }
0xb8: {  	s30 =	sld [smem:$0x0];
	_ =	sdelay $0x2  }
0xb9: {  	s31 =	sshll.u32 s1, $0xD;
	s1 =	sshrl.u32 s1, $0x2  }
0xba: {  	s3 =	sand.u32 $0x4000, s31;
	s1 =	sadd.s32 s1, s30  }
0xbb: {  	s0 =	sor.u32 s3, s0;
	s1 =	sshll.u32 s1, $0x11  }
0xbc: {  	s0 =	sor.u32 s1, s0  }
0xbd: {  	s0 =	sadd.s32 $0x8F2B, s0  }
0xbe: {  	[sflag:s0] =	ssyncadd.remote.s32 $0x1  }
0xbf: {  	_ =	sfence.sel $0xFFFF  }
0xc0: {  	[dreg:$0x0] =	wrdreg $0xFFFFFFFF;
	(pc) =	sbr.abs _section_cstart, $3  }
0xc1: {  	[dreg:$0x1] =	wrdreg $0xFFFFFFFF  }
0xc2: {  	_ =	task.clear_ibuf [dreg:s7], $0x2FFFF;
	_ =	strace $0x9FFFFFFF  }
0xc3: {  	(tm) =	ssettm $0x7FFFFFFF  }
tec
execute0_lowered:
.L_overlay_start_1:
0x0: {  	(tag) =	ssettag $0x1  }
0x1: {  	s0 =	srdreg.scid  }
0x2: {  	s3 =	sand.u32 $0x1, s0  }
0x3: {  	s24 =	stileid.u32;
	s1 =	smul.u32 $0xEA60, s3  }
0x4: {  	s8 =	sor.u32 $0x10, s24;
	s4 =	ssub.s32 $0x2, s3;
	s3 =	smul.u32 $0x4E2, s3  }
0x5: {  	s6 =	sor.u32 $0x20, s24;
	s14 =	smul.u32 $0x1E0, s8  }
0x6: {  	s9 =	rddreg [dreg:$0x0];
	s10 =	sor.u32 $0x40, s24;
	s15 =	smul.u32 $0x1E0, s6  }
0x7: {  	s2 =	rddreg [dreg:$0x2];
	s11 =	sor.u32 $0x50, s24;
	s17 =	smul.u32 $0x1E0, s10  }
0x8: {  	s28 =	simm.s32 $0x900;
	s29 =	simm.s32 $0x180;
	s21 =	smul.u32 $0x1E0, s11  }
0x9: {  	s0 =	rddreg [dreg:$0x1];
	s7 =	ssub.s32 $0x148, s24;
	s8 =	smul.u32 $0x3C00, s8  }
0xa: {  	s18 =	sshrl.u32 s7, $0x4;
	s7 =	sor.u32 $0x30, s24;
	s6 =	smul.u32 $0x3C00, s6  }
0xb: {  	s13 =	sshrl.u32 s4, $0x1;
	s19 =	sadd.s32 $0xFFFFFFFF, s18;
	s16 =	smul.u32 $0x1E0, s7  }
0xc: {  	s5 =	sadd.s32 s1, s9;
	s1 =	ssub.s32 s4, s13;
	s13 =	smul.u32 $0x1E0, s24  }
0xd: {  	s4 =	sshll.u32 s24, $0x2;
	s12 =	sshll.u32 s19, $0x6;
	s22 =	sadd.s32 $0x3C600, s5  }
0xe: {  	s18 =	sand.u32 $0x1, s18;
	s20 =	sor.u32 s4, s12;
	s13 =	sadd.s32 s22, s13  }
0xf: {  	s12 =	sor.u32 $0x60, s24;
	s14 =	sadd.s32 s22, s14;
	[dreg:$0x4] =	wrdreg s13  }
0x10: {  	s5 =	sor.u32 $0x70, s24;
	s26 =	sadd.s32 s22, s15;
	[dreg:$0x5] =	wrdreg s14  }
0x11: {  	s1 =	smax.u32 s1, $0x1;
	s30 =	sadd.s32 s22, s16;
	[dreg:$0x6] =	wrdreg s26  }
0x12: {  	s23 =	smul.u32 $0x1E0, s12;
	s31 =	sadd.s32 s22, s17;
	[dreg:$0x7] =	wrdreg s30  }
0x13: {  	s25 =	smul.u32 $0x1E0, s5;
	s15 =	sadd.s32 s22, s21;
	[dreg:$0x8] =	wrdreg s31  }
0x14: {  	p0 =	sgt.u32 s20, $0x4E1;
	s17 =	simm.s32 $0x0;
	[dreg:$0x9] =	wrdreg s15  }
0x15: {  	p2 =	sgt.u32 @!p0 s20, $0x4DF;
	[smem:$0x7FF] =	sst s17;
	s16 =	sadd.s32 s22, s23  }
0x16: {  	s20 =	sadd.s32 s4, s3;
	s13 =	sadd.s32 s22, s25;
	[dreg:$0xa] =	wrdreg s16  }
0x17: {  	s15 =	sadd.s32 $0x1600, s9;
	s17 =	sadd.s32 $0x32800, s9;
	[dreg:$0xb] =	wrdreg s13  }
0x18: {  	s13 =	sshll.u32 s20, $0x4;
	s16 =	sadd.s32 $0x10200, s9;
	s9 =	sadd.s32 $0x15200, s9  }
0x19: {  	_ =	strace $0x8000004A;
	s21 =	sor.u32 $0x10, s13;
	[dreg:$0xc] =	wrdreg s9  }
0x1a: {  	p1 =	sgt.u32 s5, $0x7C;
	[dreg:$0x1e] =	wrdreg s1;
	s22 =	sadd.s32 s17, s21  }
0x1b: {  	s23 =	sadd.s32 $0x20, s13;
	s14 =	sadd.s32 s0, s21;
	[dreg:$0xd] =	wrdreg s22  }
0x1c: {  	s5 =	smul.u32 $0x3C00, s5;
	s25 =	sadd.s32 s17, s23;
	[dreg:$0xe] =	wrdreg s14  }
0x1d: {  	s26 =	sadd.s32 $0x30, s13;
	s9 =	sadd.s32 s0, s23;
	[dreg:$0xf] =	wrdreg s25  }
0x1e: {  	s31 =	sadd.s32 $0x400, s13;
	s30 =	sadd.s32 s17, s26;
	[dreg:$0x10] =	wrdreg s9  }
0x1f: {  	s1 =	simm.s32 @!p0 $0x0;
	s20 =	sadd.s32 s17, s31;
	[dreg:$0x11] =	wrdreg s30  }
0x20: {  	s7 =	smul.u32 $0x3C00, s7;
	s1 =	simm.s32 @p0 $0x1;
	[dreg:$0x13] =	wrdreg s20  }
0x21: {  	s5 =	sshrl.u32 s5, $0x2;
	s14 =	sadd.s32 s0, s26;
	[smem:$0x7F5] =	sst s1  }
0x22: {  	s21 =	sadd.s32 $0x410, s13;
	s9 =	sadd.s32 s0, s31;
	[dreg:$0x12] =	wrdreg s14  }
0x23: {  	s23 =	sadd.s32 $0x420, s13;
	s22 =	sadd.s32 s17, s21;
	[dreg:$0x14] =	wrdreg s9  }
0x24: {  	p0 =	por p2, p0;
	s25 =	sadd.s32 s17, s23;
	[dreg:$0x15] =	wrdreg s22  }
0x25: {  	s26 =	sadd.s32 s17, s13;
	s30 =	sadd.s32 s0, s13;
	[dreg:$0x17] =	wrdreg s25  }
0x26: {  	s31 =	sadd.s32 $0x430, s13;
	s1 =	simm.s32 @!p0 $0x0;
	[dreg:$0x19] =	wrdreg s26  }
0x27: {  	s14 =	sadd.s32 s0, s21;
	s9 =	sadd.s32 s0, s23;
	[dreg:$0x1a] =	wrdreg s30  }
0x28: {  	s13 =	sadd.s32 s17, s31;
	s21 =	sshrl.u32 s8, $0x2;
	s22 =	smul.u32 $0x3C00, s10  }
0x29: {  	s23 =	sshrl.u32 s6, $0x2;
	s25 =	sshrl.u32 s7, $0x2;
	[dreg:$0x16] =	wrdreg s14  }
0x2a: {  	s26 =	smul.u32 $0x3C00, s12;
	s1 =	simm.s32 @p0 $0x1;
	[dreg:$0x18] =	wrdreg s9  }
0x2b: {  	s10 =	simm.s32 $0xB;
	s7 =	simm.s32 $0x0;
	[dreg:$0x1b] =	wrdreg s13  }
0x2c: {  	s9 =	sadd.s32 s0, s31;
	s14 =	sand.u32 $0x1, s19;
	s19 =	smul.u32 $0x3C00, s24  }
0x2d: {  	s24 =	smul.u32 $0x3C00, s11;
	s11 =	sadd.s32 s23, s2;
	[smem:$0x7F6] =	sst s1  }
0x2e: {  	s12 =	sadd.s32 s25, s2;
	s23 =	sor.u32 $0x1, s3;
	[dreg:$0x1c] =	wrdreg s9  }
0x2f: {  	s25 =	simm.s32 $0x80;
	s1 =	simm.s32 $0xE;
	[smem:$0x7F8] =	sst s11  }
0x30: {  	s9 =	sor.u32 $0xC, s14;
	s14 =	sadd.s32 s21, s2;
	[smem:$0x7F9] =	sst s12  }
0x31: {  	s8 =	sshrl.u32 s22, $0x2;
	s31 =	sshrl.u32 s26, $0x2;
	[dreg:$0x1d] =	wrdreg s9  }
0x32: {  	s20 =	sshrl.u32 s19, $0x2;
	s8 =	sadd.s32 s8, s2;
	[smem:$0x7F7] =	sst s14  }
.Ltmp0:
0x33: {  	s19 =	sadd.s32 s31, s2;
	[smem:$0x7FA] =	sst s8;
	(pc) =	sbr.rel .LBB2_1-.Ltmp0, $4  }
0x34: {  	s30 =	sshrl.u32 s24, $0x2;
	s13 =	sadd.s32 s20, s2;
	[smem:$0x7FC] =	sst s19  }
0x35: {  	s9 =	sor.u32 $0xC, s18;
	s18 =	sadd.s32 s30, s2;
	[dreg:$0x1f] =	wrdreg s13  }
0x36: {  	s21 =	simm.s32 $0x800;
	s20 =	sadd.s32 s5, s2;
	[smem:$0x7FB] =	sst s18  }
0x37: {  	v0 =	vimm.f32 $0.0e+00;
	s22 =	simm.s32 $0x880;
	s24 =	simm.s32 $0x100;
	[smem:$0x7FD] =	sst s20  }
.LBB2_28:
0x38: {  	s5 =	sld [smem:$0x7F5];
	_ =	sdelay $0x2  }
0x39: {  	p0 =	seq.s32 s5, $0x1;
	s5 =	rddreg [dreg:$0x1d]  }
0x3a: {  	_ =	swait.ge @!p0 [sflag:s5], $0x1800  }
0x3b: {  	[sflag:s5] =	ssyncset.done @!p0 $0x0  }
0x3c: {  	[sflag:s5] =	ssyncadd.s32 @!p0 $0xFFFFE800  }
0x3d: {  	_ =	swait.ge @!p0 [sflag:s5], $0x1800  }
0x3e: {  	s6 =	sld [smem:$0x7F6];
	_ =	sdelay $0x1  }
0x3f: {  	[sflag:s5] =	ssyncset.done @!p0 $0x0  }
0x40: {  	[sflag:s5] =	ssyncadd.s32 @!p0 $0xFFFFE800;
	p0 =	seq.s32 s6, $0x1  }
0x41: {  	_ =	swait.ge @!p0 [sflag:s5], $0x1800  }
0x42: {  	[sflag:s5] =	ssyncset.done @!p0 $0x0  }
0x43: {  	[sflag:s5] =	ssyncadd.s32 @!p0 $0xFFFFE800  }
0x44: {  	_ =	swait.ge @!p0 [sflag:s5], $0x1800  }
0x45: {  	[sflag:s5] =	ssyncset.done @!p0 $0x0  }
0x46: {  	[sflag:s5] =	ssyncadd.s32 @!p0 $0xFFFFE800  }
0x47: {  	_ =	swait.ge [sflag:s9], $0x1800  }
0x48: {  	[sflag:s9] =	ssyncset.done $0x0  }
0x49: {  	[sflag:s9] =	ssyncadd.s32 $0xFFFFE800  }
0x4a: {  	_ =	swait.ge [sflag:s9], $0x1800  }
0x4b: {  	[sflag:s9] =	ssyncset.done $0x0  }
0x4c: {  	[sflag:s9] =	ssyncadd.s32 $0xFFFFE800  }
0x4d: {  	_ =	swait.ge [sflag:s9], $0x1800  }
0x4e: {  	[sflag:s9] =	ssyncset.done $0x0  }
0x4f: {  	[sflag:s9] =	ssyncadd.s32 $0xFFFFE800  }
0x50: {  	_ =	swait.ge [sflag:s9], $0x1800  }
0x51: {  	[sflag:s9] =	ssyncset.done $0x0  }
0x52: {  	[sflag:s9] =	ssyncadd.s32 $0xFFFFE800  }
0x53: {  	s21 =	stileid.u32;
	[bflag:$0x0] =	sbarrier.arrive $0xFFFF  }
0x54: {  	s5 =	sshll.u32 s21, $0x6;
	s13 =	rddreg [dreg:$0x1f]  }
0x55: {  	s5 =	sor.u32 $0x1C0E, s5;
	s7 =	rddreg [dreg:$0x4];
	s22 =	sshrl.u32 s13, $0x3  }
0x56: {  	[hbm:s7], [sflag:s5] =	dma.local [spmem:s22], $0x1E0  }
0x57: {  	_ =	swait.ge [sflag:s1], $0x1E0  }
0x58: {  	s14 =	sld [smem:$0x7F7];
	_ =	sdelay $0x1  }
0x59: {  	[sflag:s1] =	ssyncset.done $0x0  }
0x5a: {  	s26 =	rddreg [dreg:$0x5];
	[sflag:s1] =	ssyncadd.s32 $0xFFFFFE20;
	s24 =	sshrl.u32 s14, $0x3  }
0x5b: {  	[hbm:s26], [sflag:s5] =	dma.local [spmem:s24], $0x1E0  }
0x5c: {  	_ =	swait.ge [sflag:s1], $0x1E0  }
0x5d: {  	s11 =	sld [smem:$0x7F8];
	_ =	sdelay $0x1  }
0x5e: {  	[sflag:s1] =	ssyncset.done $0x0  }
0x5f: {  	s31 =	rddreg [dreg:$0x6];
	[sflag:s1] =	ssyncadd.s32 $0xFFFFFE20;
	s30 =	sshrl.u32 s11, $0x3  }
0x60: {  	[hbm:s31], [sflag:s5] =	dma.local [spmem:s30], $0x1E0  }
0x61: {  	_ =	swait.ge [sflag:s1], $0x1E0  }
0x62: {  	s12 =	sld [smem:$0x7F9];
	_ =	sdelay $0x1  }
0x63: {  	[sflag:s1] =	ssyncset.done $0x0  }
0x64: {  	s18 =	rddreg [dreg:$0x7];
	[sflag:s1] =	ssyncadd.s32 $0xFFFFFE20;
	s8 =	sshrl.u32 s12, $0x3  }
0x65: {  	[hbm:s18], [sflag:s5] =	dma.local [spmem:s8], $0x1E0  }
0x66: {  	_ =	swait.ge [sflag:s1], $0x1E0  }
0x67: {  	s8 =	sld [smem:$0x7FA];
	_ =	sdelay $0x1  }
0x68: {  	[sflag:s1] =	ssyncset.done $0x0  }
0x69: {  	s20 =	rddreg [dreg:$0x8];
	[sflag:s1] =	ssyncadd.s32 $0xFFFFFE20;
	s19 =	sshrl.u32 s8, $0x3  }
0x6a: {  	[hbm:s20], [sflag:s5] =	dma.local [spmem:s19], $0x1E0  }
0x6b: {  	_ =	swait.ge [sflag:s1], $0x1E0  }
0x6c: {  	s18 =	sld [smem:$0x7FB];
	_ =	sdelay $0x1  }
0x6d: {  	[sflag:s1] =	ssyncset.done $0x0  }
0x6e: {  	s22 =	rddreg [dreg:$0x9];
	[sflag:s1] =	ssyncadd.s32 $0xFFFFFE20;
	s21 =	sshrl.u32 s18, $0x3  }
0x6f: {  	[hbm:s22], [sflag:s5] =	dma.local [spmem:s21], $0x1E0  }
0x70: {  	_ =	swait.ge [sflag:s1], $0x1E0  }
0x71: {  	s19 =	sld [smem:$0x7FC];
	_ =	sdelay $0x1  }
0x72: {  	[sflag:s1] =	ssyncset.done $0x0  }
0x73: {  	s26 =	rddreg [dreg:$0xa];
	[sflag:s1] =	ssyncadd.s32 $0xFFFFFE20;
	s24 =	sshrl.u32 s19, $0x3  }
0x74: {  	[hbm:s26], [sflag:s5] =	dma.local [spmem:s24], $0x1E0  }
0x75: {  	_ =	swait.ge [sflag:s1], $0x1E0  }
0x76: {  	s20 =	sld [smem:$0x7FD];
	_ =	sdelay $0x1  }
0x77: {  	[sflag:s1] =	ssyncset.done $0x0  }
0x78: {  	s7 =	rddreg [dreg:$0xb];
	[sflag:s1] =	ssyncadd.s32 $0xFFFFFE20;
	s6 =	sshrl.u32 @!p1 s20, $0x3  }
0x79: {  	[hbm:s7], [sflag:s5] =	dma.local @!p1 [spmem:s6], $0x1E0  }
0x7a: {  	s5 =	simm.s32 @!p1 $0xE  }
0x7b: {  	_ =	swait.ge @!p1 [sflag:s5], $0x1E0  }
0x7c: {  	s30 =	sld [smem:$0x7F4];
	_ =	sdelay $0x2  }
0x7d: {  	s31 =	rddreg [dreg:$0x1e];
	s7 =	sadd.s32 $0x1, s30  }
0x7e: {  	p0 =	sne.s32 s7, s31  }
.Ltmp1:
0x7f: {  	_ = 	snop;
	(pc) =	sbr.rel @!p0 .LBB2_29-.Ltmp1, $4  }
0x80: {  	_ = 	snop  }
0x81: {  	s28 =	simm.s32 $0x900  }
0x82: {  	s29 =	simm.s32 $0x180;
	s21 =	simm.s32 $0x800;
	[sflag:s5] =	ssyncset.done @!p1 $0x0  }
0x83: {  	s22 =	simm.s32 $0x880;
	s24 =	simm.s32 $0x100;
	[sflag:s5] =	ssyncadd.s32 @!p1 $0xFFFFFE20  }
.LBB2_1:
0x84: {  	[smem:$0x7F4] =	sst s7  }
0x85: {  	s5 =	simm.s32 $0x0;
	s6 =	rddreg [dreg:$0x19]  }
0x86: {  	[tilespmem:s5], [sflag:$0x1] =	stream.linear.gather [hbm4b:s6+s5], $0x80, $0x38;
	[tilespmem:$0x16560] =	vst v63  }
0x87: {  	s7 =	rddreg [dreg:$0x1a]  }
0x88: {  	[tilespmem:s21], [sflag:$0x5] =	stream.linear.gather [hbm4b:s7+s5], $0x80, $0x38;
	[tilespmem:$0x16560] =	vst v63  }
0x89: {  	s26 =	rddreg [dreg:$0xd]  }
0x8a: {  	[tilespmem:s25], [sflag:$0x1] =	stream.linear.gather [hbm4b:s26+s5], $0x80, $0x38;
	[tilespmem:$0x16560] =	vst v63  }
0x8b: {  	s30 =	rddreg [dreg:$0xe]  }
0x8c: {  	[tilespmem:s22], [sflag:$0x5] =	stream.linear.gather [hbm4b:s30+s5], $0x80, $0x38;
	[tilespmem:$0x16560] =	vst v63  }
0x8d: {  	s31 =	rddreg [dreg:$0xf]  }
0x8e: {  	[tilespmem:s24], [sflag:$0x1] =	stream.linear.gather [hbm4b:s31+s5], $0x80, $0x38;
	[tilespmem:$0x16560] =	vst v63  }
0x8f: {  	s7 =	rddreg [dreg:$0x10]  }
0x90: {  	[tilespmem:s28], [sflag:$0x5] =	stream.linear.gather [hbm4b:s7+s5], $0x80, $0x38;
	[tilespmem:$0x16560] =	vst v63  }
0x91: {  	s26 =	rddreg [dreg:$0x11]  }
0x92: {  	[tilespmem:s29], [sflag:$0x1] =	stream.linear.gather [hbm4b:s26+s5], $0x80, $0x38;
	[tilespmem:$0x16560] =	vst v63  }
0x93: {  	s30 =	rddreg [dreg:$0x12];
	s31 =	simm.s32 $0x980  }
0x94: {  	[tilespmem:s31], [sflag:$0x5] =	stream.linear.gather [hbm4b:s30+s5], $0x80, $0x38;
	[tilespmem:$0x16560] =	vst v63  }
0x95: {  	s7 =	rddreg [dreg:$0x13];
	s26 =	simm.s32 $0x200  }
0x96: {  	[tilespmem:s26], [sflag:$0x2] =	stream.linear.gather [hbm4b:s7+s5], $0x80, $0x38;
	[tilespmem:$0x16560] =	vst v63  }
0x97: {  	s30 =	rddreg [dreg:$0x14];
	s31 =	simm.s32 $0xA00  }
0x98: {  	[tilespmem:s31], [sflag:$0x6] =	stream.linear.gather [hbm4b:s30+s5], $0x80, $0x38;
	[tilespmem:$0x16560] =	vst v63  }
0x99: {  	s7 =	rddreg [dreg:$0x15];
	s26 =	simm.s32 $0x280  }
0x9a: {  	[tilespmem:s26], [sflag:$0x2] =	stream.linear.gather [hbm4b:s7+s5], $0x80, $0x38;
	[tilespmem:$0x16560] =	vst v63  }
0x9b: {  	s30 =	rddreg [dreg:$0x16];
	s31 =	simm.s32 $0xA80  }
0x9c: {  	[tilespmem:s31], [sflag:$0x6] =	stream.linear.gather [hbm4b:s30+s5], $0x80, $0x38;
	[tilespmem:$0x16560] =	vst v63  }
0x9d: {  	s7 =	rddreg [dreg:$0x17];
	s26 =	simm.s32 $0x300  }
0x9e: {  	[tilespmem:s26], [sflag:$0x2] =	stream.linear.gather [hbm4b:s7+s5], $0x80, $0x38;
	[tilespmem:$0x16560] =	vst v63  }
0x9f: {  	s30 =	rddreg [dreg:$0x18];
	s31 =	simm.s32 $0xB00  }
0xa0: {  	[tilespmem:s31], [sflag:$0x6] =	stream.linear.gather [hbm4b:s30+s5], $0x80, $0x38;
	[tilespmem:$0x16560] =	vst v63  }
0xa1: {  	s7 =	rddreg [dreg:$0x1b];
	s26 =	simm.s32 $0x380  }
0xa2: {  	[tilespmem:s26], [sflag:$0x2] =	stream.linear.gather [hbm4b:s7+s5], $0x80, $0x38;
	[tilespmem:$0x16560] =	vst v63  }
0xa3: {  	s30 =	rddreg [dreg:$0x1c];
	s31 =	simm.s32 $0xB80  }
0xa4: {  	[tilespmem:s31], [sflag:$0x6] =	stream.linear.gather [hbm4b:s30+s5], $0x80, $0x38;
	[tilespmem:$0x16560] =	vst v63  }
0xa5: {  	s6 =	simm.s32 $0x0;
	s5 =	simm.s32 $0xC0  }
.LBB2_2:
0xa6: {  	p0 =	sne.s32 s5, $0x3B40;
	[tilespmem:s6+$0x1020] =	vst v0;
	s7 =	smov.u32 s5;
	s5 =	sadd.s32 $0xC0, s5  }
.Ltmp2:
0xa7: {  	[tilespmem:s6+$0x1000] =	vst v0;
	(pc) =	sbr.rel @p0 .LBB2_2-.Ltmp2, $2  }
0xa8: {  	[tilespmem:s6+$0x1010] =	vst v0;
	_ =	sdelay $0x2  }
0xa9: {  	s6 =	sshra.s32 s7, $0x2  }
0xaa: {  	[tilespmem:s6+$0x1020] =	vst v0  }
0xab: {  	[tilespmem:s6+$0x1000] =	vst v0  }
0xac: {  	[tilespmem:s6+$0x1010] =	vst v0;
	s31 =	simm.s32 $0x1000  }
0xad: {  	[spmem:s13] =	stream.linear.scatter [tilespmem:s31], [sflag:$0xE], $0xF00, $0x38;
	[tilespmem:$0x16560] =	vst v63  }
0xae: {  	_ =	swait.ge [sflag:s1], $0xF00  }
0xaf: {  	[sflag:s1] =	ssyncset.done $0x0  }
0xb0: {  	[sflag:s1] =	ssyncadd.s32 $0xFFFFF100  }
0xb1: {  	[spmem:s14] =	stream.linear.scatter [tilespmem:s31], [sflag:$0xE], $0xF00, $0x38;
	[tilespmem:$0x16560] =	vst v63  }
0xb2: {  	_ =	swait.ge [sflag:s1], $0xF00  }
0xb3: {  	[sflag:s1] =	ssyncset.done $0x0  }
0xb4: {  	[sflag:s1] =	ssyncadd.s32 $0xFFFFF100  }
0xb5: {  	[spmem:s11] =	stream.linear.scatter [tilespmem:s31], [sflag:$0xE], $0xF00, $0x38;
	[tilespmem:$0x16560] =	vst v63  }
0xb6: {  	_ =	swait.ge [sflag:s1], $0xF00  }
0xb7: {  	[sflag:s1] =	ssyncset.done $0x0  }
0xb8: {  	[sflag:s1] =	ssyncadd.s32 $0xFFFFF100  }
0xb9: {  	[spmem:s12] =	stream.linear.scatter [tilespmem:s31], [sflag:$0xE], $0xF00, $0x38;
	[tilespmem:$0x16560] =	vst v63  }
0xba: {  	_ =	swait.ge [sflag:s1], $0xF00  }
0xbb: {  	[sflag:s1] =	ssyncset.done $0x0  }
0xbc: {  	[sflag:s1] =	ssyncadd.s32 $0xFFFFF100  }
0xbd: {  	[spmem:s8] =	stream.linear.scatter [tilespmem:s31], [sflag:$0xE], $0xF00, $0x38;
	[tilespmem:$0x16560] =	vst v63  }
0xbe: {  	_ =	swait.ge [sflag:s1], $0xF00  }
0xbf: {  	[sflag:s1] =	ssyncset.done $0x0  }
0xc0: {  	[sflag:s1] =	ssyncadd.s32 $0xFFFFF100  }
0xc1: {  	[spmem:s18] =	stream.linear.scatter [tilespmem:s31], [sflag:$0xE], $0xF00, $0x38;
	[tilespmem:$0x16560] =	vst v63  }
0xc2: {  	_ =	swait.ge [sflag:s1], $0xF00  }
0xc3: {  	[sflag:s1] =	ssyncset.done $0x0  }
0xc4: {  	[sflag:s1] =	ssyncadd.s32 $0xFFFFF100  }
0xc5: {  	[spmem:s19] =	stream.linear.scatter [tilespmem:s31], [sflag:$0xE], $0xF00, $0x38;
	[tilespmem:$0x16560] =	vst v63  }
0xc6: {  	_ =	swait.ge [sflag:s1], $0xF00  }
0xc7: {  	[sflag:s1] =	ssyncset.done $0x0  }
0xc8: {  	s5 =	simm.s32 @!p1 $0x1000;
	[sflag:s1] =	ssyncadd.s32 $0xFFFFF100  }
0xc9: {  	[spmem:s20] =	stream.linear.scatter @!p1 [tilespmem:s5], [sflag:$0xE], $0xF00, $0x38;
	[tilespmem:$0x16560] =	vst v63  }
0xca: {  	s5 =	simm.s32 @!p1 $0xE  }
0xcb: {  	_ =	swait.ge @!p1 [sflag:s5], $0xF00  }
0xcc: {  	s26 =	simm.s32 $0x0;
	[sflag:s5] =	ssyncset.done @!p1 $0x0  }
0xcd: {  	s7 =	simm.s32 $0xF000;
	s11 =	rddreg [dreg:$0xc];
	[sflag:s5] =	ssyncadd.s32 @!p1 $0xFFFFF100  }
0xce: {  	[tilespmem:s7], [sflag:$0xE] =	stream.linear.gather [hbm4b:s11+s26], $0x20, $0x38;
	[tilespmem:$0x16560] =	vst v63  }
0xcf: {  	_ =	swait.ge [sflag:s1], $0x20  }
0xd0: {  	[sflag:s1] =	ssyncset.done $0x0  }
0xd1: {  	[sflag:s1] =	ssyncadd.s32 $0xFFFFFFE0  }
0xd2: {  	v1 =	vld [tilespmem:$0xF000]  }
0xd3: {  	v2 =	vld [tilespmem:$0xF010];
	_ =	sdelay $0x4  }
0xd4: {  	v1 =	vadd.f32 v2, v1;
	_ =	sdelay $0x1  }
0xd5: {  	v2 =	vmul.f32 $2.000000030e-01, v1  }
0xd6: {  	vm0 =	vgt.f32 v1, $0.0e+00  }
0xd7: {  	v1 =	vsel vm0, v1, v2  }
0xd8: {  	[tilespmem:$0xF020] =	vst v1  }
0xd9: {  	s12 =	simm.s32 $0x1;
	[bflag:$0x0] =	sbarrier.arrive $0xFFFF  }
0xda: {  	_ =	swait.ge [sflag:s12], $0x80  }
0xdb: {  	[sflag:s12] =	ssyncset.done $0x0  }
0xdc: {  	s13 =	simm.s32 $0x5;
	[sflag:s12] =	ssyncadd.s32 $0xFFFFFF80  }
0xdd: {  	_ =	swait.ge [sflag:s13], $0x80  }
0xde: {  	[sflag:s13] =	ssyncset.done $0x0  }
0xdf: {  	[sflag:s13] =	ssyncadd.s32 $0xFFFFFF80  }
0xe0: {  	_ =	swait.ge [sflag:s12], $0x80  }
0xe1: {  	[sflag:s12] =	ssyncset.done $0x0  }
0xe2: {  	[sflag:s12] =	ssyncadd.s32 $0xFFFFFF80  }
0xe3: {  	_ =	swait.ge [sflag:s13], $0x80  }
0xe4: {  	[sflag:s13] =	ssyncset.done $0x0  }
0xe5: {  	[sflag:s13] =	ssyncadd.s32 $0xFFFFFF80  }
0xe6: {  	_ =	swait.ge [sflag:s12], $0x80  }
0xe7: {  	[sflag:s12] =	ssyncset.done $0x0  }
0xe8: {  	[sflag:s12] =	ssyncadd.s32 $0xFFFFFF80  }
0xe9: {  	_ =	swait.ge [sflag:s13], $0x80  }
0xea: {  	[sflag:s13] =	ssyncset.done $0x0  }
0xeb: {  	[sflag:s13] =	ssyncadd.s32 $0xFFFFFF80  }
0xec: {  	_ =	swait.ge [sflag:s12], $0x80  }
0xed: {  	[sflag:s12] =	ssyncset.done $0x0  }
0xee: {  	[sflag:s12] =	ssyncadd.s32 $0xFFFFFF80  }
0xef: {  	_ =	swait.ge [sflag:s13], $0x80  }
0xf0: {  	[sflag:s13] =	ssyncset.done $0x0  }
0xf1: {  	[sflag:s13] =	ssyncadd.s32 $0xFFFFFF80  }
0xf2: {  	[tilespmem:s31], [sflag:$0x9] =	stream.indirect.gather [hbm4b:s15+s25], $0x30, s26, s25, $0xb8;
	[tilespmem:$0x16560] =	vst v63  }
0xf3: {  	s14 =	simm.s32 $0x2800  }
0xf4: {  	[tilespmem:s14], [sflag:$0x9] =	stream.indirect.gather [hbm4b:s15+s25], $0x30, s25, s25, $0xb8;
	[tilespmem:$0x16560] =	vst v63  }
0xf5: {  	s18 =	simm.s32 $0x4000  }
0xf6: {  	[tilespmem:s18], [sflag:$0x9] =	stream.indirect.gather [hbm4b:s15+s25], $0x30, s24, s25, $0xb8;
	[tilespmem:$0x16560] =	vst v63  }
0xf7: {  	s19 =	simm.s32 $0x5800  }
0xf8: {  	[tilespmem:s19], [sflag:$0x9] =	stream.indirect.gather [hbm4b:s15+s25], $0x30, s29, s25, $0xb8;
	[tilespmem:$0x16560] =	vst v63  }
0xf9: {  	s20 =	simm.s32 $0xD000  }
0xfa: {  	[tilespmem:s20], [sflag:$0xB] =	stream.indirect.gather [hbm4b:s16+s25], $0x10, s21, s25, $0xb8;
	[tilespmem:$0x16560] =	vst v63  }
0xfb: {  	s24 =	simm.s32 $0xD800  }
0xfc: {  	[tilespmem:s24], [sflag:$0xB] =	stream.indirect.gather [hbm4b:s16+s25], $0x10, s22, s25, $0xb8;
	[tilespmem:$0x16560] =	vst v63  }
.Ltmp3:
0xfd: {  	_ = 	snop;
	(pc) =	sbr.rel .LBB2_4-.Ltmp3, $4  }
0xfe: {  	s29 =	simm.s32 $0xE000  }
0xff: {  	[tilespmem:s29], [sflag:$0xB] =	stream.indirect.gather [hbm4b:s16+s25], $0x10, s28, s25, $0xb8;
	[tilespmem:$0x16560] =	vst v63  }
0x100: {  	s30 =	simm.s32 $0x980;
	p3 =	por $0x0, $0x0;
	s31 =	simm.s32 $0xE800  }
0x101: {  	[tilespmem:s31], [sflag:$0xB] =	stream.indirect.gather [hbm4b:s16+s25], $0x10, s30, s25, $0xb8;
	[tilespmem:$0x16560] =	vst v63  }
.LBB2_5:
0x102: {  	s29 =	sadd.s32 $0x1, s26  }
.LBB2_27:
0x103: {  	p0 =	sne.s32 s29, $0x14  }
.Ltmp4:
0x104: {  	_ = 	snop;
	(pc) =	sbr.rel @!p0 .LBB2_28-.Ltmp4, $2  }
0x105: {  	_ =	sdelay $0x2  }
0x106: {  	p3 =	por !p3, !p3;
	s26 =	smov.u32 s29  }
.LBB2_4:
0x107: {  	s5 =	sshll.u32 s26, $0x6  }
0x108: {  	s5 =	sor.u32 s4, s5  }
0x109: {  	p0 =	slt.u32 s5, $0x4E2  }
.Ltmp5:
0x10a: {  	_ = 	snop;
	(pc) =	sbr.rel @!p0 .LBB2_5-.Ltmp5, $1  }
0x10b: {  	_ =	sdelay $0x3  }
0x10c: {  	s28 =	sand.u32 $0x1, s26;
	p4 =	slt.u32 s26, $0x2  }
0x10d: {  	s6 =	sor.u32 @!p4 $0xC, s28  }
0x10e: {  	_ =	swait.ge @!p4 [sflag:s6], $0x1800  }
0x10f: {  	[sflag:s6] =	ssyncset.done @!p4 $0x0  }
0x110: {  	[sflag:s6] =	ssyncadd.s32 @!p4 $0xFFFFE800  }
0x111: {  	_ =	swait.ge @!p4 [sflag:s6], $0x1800  }
0x112: {  	[sflag:s6] =	ssyncset.done @!p4 $0x0  }
0x113: {  	s7 =	sadd.s32 $0x2, s26;
	[sflag:s6] =	ssyncadd.s32 @!p4 $0xFFFFE800  }
0x114: {  	s8 =	sshll.u32 s7, $0x6;
	_ =	swait.ge @!p4 [sflag:s6], $0x1800  }
0x115: {  	s8 =	sor.u32 s4, s8;
	[sflag:s6] =	ssyncset.done @!p4 $0x0  }
0x116: {  	s7 =	sand.u32 $0x3, s7;
	p0 =	sgt.u32 s8, $0x4E1;
	[sflag:s6] =	ssyncadd.s32 @!p4 $0xFFFFE800  }
0x117: {  	s11 =	sadd.s32 @!p0 s3, s8;
	s12 =	sadd.s32 @!p0 $0x1, s7;
	_ =	swait.ge @!p4 [sflag:s6], $0x1800  }
0x118: {  	s14 =	simm.s32 @!p0 $0x0;
	s11 =	sshll.u32 @!p0 s11, $0x4;
	[sflag:s6] =	ssyncset.done @!p4 $0x0  }
0x119: {  	s13 =	sadd.s32 @!p0 s17, s11;
	[sflag:s6] =	ssyncadd.s32 @!p4 $0xFFFFE800;
	s6 =	sshll.u32 @!p0 s7, $0x9  }
0x11a: {  	[tilespmem:s6], [sflag:s12] =	stream.linear.gather @!p0 [hbm4b:s13+s14], $0x80, $0x38;
	[tilespmem:$0x16560] =	vst v63  }
0x11b: {  	s18 =	sadd.s32 @!p0 $0x5, s7;
	s11 =	sadd.s32 @!p0 s0, s11;
	s13 =	sor.u32 @!p0 $0x800, s6  }
0x11c: {  	[tilespmem:s13], [sflag:s18] =	stream.linear.gather @!p0 [hbm4b:s11+s14], $0x80, $0x38;
	[tilespmem:$0x16560] =	vst v63  }
0x11d: {  	s11 =	sadd.s32 @!p0 s8, s23  }
0x11e: {  	s11 =	sshll.u32 @!p0 s11, $0x4  }
0x11f: {  	s13 =	sor.u32 @!p0 $0x80, s6;
	s19 =	sadd.s32 @!p0 s17, s11  }
0x120: {  	[tilespmem:s13], [sflag:s12] =	stream.linear.gather @!p0 [hbm4b:s19+s14], $0x80, $0x38;
	[tilespmem:$0x16560] =	vst v63  }
0x121: {  	s6 =	sor.u32 @!p0 $0x880, s6;
	s11 =	sadd.s32 @!p0 s0, s11  }
0x122: {  	[tilespmem:s6], [sflag:s18] =	stream.linear.gather @!p0 [hbm4b:s11+s14], $0x80, $0x38;
	[tilespmem:$0x16560] =	vst v63  }
0x123: {  	s6 =	sor.u32 $0x2, s8  }
0x124: {  	p0 =	sgt.u32 s6, $0x4E1  }
0x125: {  	s6 =	sadd.s32 @!p0 s3, s6  }
0x126: {  	s11 =	sshll.u32 @!p0 s7, $0x9;
	s13 =	sadd.s32 @!p0 $0x1, s7;
	s6 =	sshll.u32 @!p0 s6, $0x4  }
0x127: {  	s18 =	simm.s32 @!p0 $0x0;
	s12 =	sor.u32 @!p0 $0x100, s11;
	s14 =	sadd.s32 @!p0 s17, s6  }
0x128: {  	[tilespmem:s12], [sflag:s13] =	stream.linear.gather @!p0 [hbm4b:s14+s18], $0x80, $0x38;
	[tilespmem:$0x16560] =	vst v63  }
0x129: {  	s11 =	sor.u32 @!p0 $0x900, s11;
	s6 =	sadd.s32 @!p0 s0, s6;
	s12 =	sadd.s32 @!p0 $0x5, s7  }
0x12a: {  	[tilespmem:s11], [sflag:s12] =	stream.linear.gather @!p0 [hbm4b:s6+s18], $0x80, $0x38;
	[tilespmem:$0x16560] =	vst v63  }
0x12b: {  	s6 =	sor.u32 $0x3, s8  }
0x12c: {  	p0 =	sgt.u32 s6, $0x4E1  }
0x12d: {  	s29 =	sadd.s32 $0x1, s26;
	s6 =	sadd.s32 @!p0 s3, s6  }
0x12e: {  	s8 =	sshll.u32 @!p0 s7, $0x9;
	s12 =	sadd.s32 @!p0 $0x1, s7;
	s6 =	sshll.u32 @!p0 s6, $0x4  }
0x12f: {  	s14 =	simm.s32 @!p0 $0x0;
	s11 =	sor.u32 @!p0 $0x180, s8;
	s13 =	sadd.s32 @!p0 s17, s6  }
0x130: {  	[tilespmem:s11], [sflag:s12] =	stream.linear.gather @!p0 [hbm4b:s13+s14], $0x80, $0x38;
	[tilespmem:$0x16560] =	vst v63  }
0x131: {  	s7 =	sadd.s32 @!p0 $0x5, s7;
	s8 =	sor.u32 @!p0 $0x980, s8;
	s6 =	sadd.s32 @!p0 s0, s6  }
0x132: {  	[tilespmem:s8], [sflag:s7] =	stream.linear.gather @!p0 [hbm4b:s6+s14], $0x80, $0x38;
	[tilespmem:$0x16560] =	vst v63  }
0x133: {  	s8 =	sshll.u32 s29, $0x6  }
0x134: {  	s6 =	sor.u32 s4, s8  }
0x135: {  	s18 =	sand.u32 $0x3, s29;
	p5 =	sgt.u32 s6, $0x4E1  }
0x136: {  	s7 =	sadd.s32 @!p5 $0x1, s18  }
0x137: {  	_ =	swait.ge @!p5 [sflag:s7], $0x80  }
0x138: {  	[sflag:s7] =	ssyncset.done @!p5 $0x0  }
0x139: {  	s8 =	sadd.s32 @!p5 $0x5, s18;
	[sflag:s7] =	ssyncadd.s32 @!p5 $0xFFFFFF80  }
0x13a: {  	_ =	swait.ge @!p5 [sflag:s8], $0x80  }
0x13b: {  	[sflag:s8] =	ssyncset.done @!p5 $0x0  }
0x13c: {  	[sflag:s8] =	ssyncadd.s32 @!p5 $0xFFFFFF80  }
0x13d: {  	p0 =	sgt.u32 @!p5 s6, $0x4DF;
	_ =	swait.ge @!p5 [sflag:s7], $0x80  }
0x13e: {  	s6 =	sand.u32 $0x1, s29;
	p6 =	por !p0, p5;
	[sflag:s7] =	ssyncset.done @!p5 $0x0  }
0x13f: {  	s11 =	smul.u32 @!p6 $0x18000, s6;
	[sflag:s7] =	ssyncadd.s32 @!p5 $0xFFFFFF80  }
0x140: {  	s13 =	sshll.u32 @!p6 s18, $0x9;
	_ =	swait.ge @!p5 [sflag:s8], $0x80  }
0x141: {  	s14 =	sadd.s32 @!p6 $0x9, s6;
	s11 =	sshrl.u32 @!p6 s11, $0x2;
	[sflag:s8] =	ssyncset.done @!p5 $0x0  }
0x142: {  	s19 =	simm.s32 @!p6 $0x80;
	s12 =	sor.u32 @!p6 $0x1000, s11;
	[sflag:s8] =	ssyncadd.s32 @!p5 $0xFFFFFF80  }
0x143: {  	[tilespmem:s12], [sflag:s14] =	stream.indirect.gather @!p6 [hbm4b:s15+s19], $0x30, s13, s19, $0xb8;
	[tilespmem:$0x16560] =	vst v63  }
0x144: {  	p0 =	por p0, p5;
	s11 =	sadd.s32 @!p6 $0x2800, s11;
	s12 =	sor.u32 @!p6 $0x80, s13  }
0x145: {  	[tilespmem:s11], [sflag:s14] =	stream.indirect.gather @!p6 [hbm4b:s15+s19], $0x30, s12, s19, $0xb8;
	[tilespmem:$0x16560] =	vst v63  }
0x146: {  	_ =	swait.ge @!p0 [sflag:s7], $0x80  }
0x147: {  	[sflag:s7] =	ssyncset.done @!p0 $0x0  }
0x148: {  	[sflag:s7] =	ssyncadd.s32 @!p0 $0xFFFFFF80  }
0x149: {  	_ =	swait.ge @!p0 [sflag:s8], $0x80  }
0x14a: {  	[sflag:s8] =	ssyncset.done @!p0 $0x0  }
0x14b: {  	[sflag:s8] =	ssyncadd.s32 @!p0 $0xFFFFFF80  }
0x14c: {  	_ =	swait.ge @!p0 [sflag:s7], $0x80  }
0x14d: {  	[sflag:s7] =	ssyncset.done @!p0 $0x0  }
0x14e: {  	[sflag:s7] =	ssyncadd.s32 @!p0 $0xFFFFFF80;
	s7 =	smul.u32 @!p0 $0x18000, s6  }
0x14f: {  	s11 =	sshll.u32 @!p0 s18, $0x9;
	_ =	swait.ge @!p0 [sflag:s8], $0x80  }
0x150: {  	s12 =	simm.s32 @!p0 $0x80;
	[sflag:s8] =	ssyncset.done @!p0 $0x0;
	s7 =	sshrl.u32 @!p0 s7, $0x2  }
0x151: {  	s6 =	sadd.s32 @!p0 $0x9, s6;
	[sflag:s8] =	ssyncadd.s32 @!p0 $0xFFFFFF80;
	s8 =	sor.u32 @!p0 $0x1000, s7  }
0x152: {  	[tilespmem:s8], [sflag:s6] =	stream.indirect.gather @!p0 [hbm4b:s15+s12], $0x30, s11, s12, $0xb8;
	[tilespmem:$0x16560] =	vst v63  }
0x153: {  	s13 =	sor.u32 @!p0 $0x80, s11;
	s8 =	sadd.s32 @!p0 $0x2800, s7  }
0x154: {  	[tilespmem:s8], [sflag:s6] =	stream.indirect.gather @!p0 [hbm4b:s15+s12], $0x30, s13, s12, $0xb8;
	[tilespmem:$0x16560] =	vst v63  }
0x155: {  	s8 =	sadd.s32 @!p0 $0x4000, s7;
	s13 =	sor.u32 @!p0 $0x100, s11  }
0x156: {  	[tilespmem:s8], [sflag:s6] =	stream.indirect.gather @!p0 [hbm4b:s15+s12], $0x30, s13, s12, $0xb8;
	[tilespmem:$0x16560] =	vst v63  }
0x157: {  	s7 =	sadd.s32 @!p0 $0x5800, s7;
	s8 =	sor.u32 @!p0 $0x180, s11  }
0x158: {  	[tilespmem:s7], [sflag:s6] =	stream.indirect.gather @!p0 [hbm4b:s15+s12], $0x30, s8, s12, $0xb8;
	[tilespmem:$0x16560] =	vst v63  }
0x159: {  	s6 =	sadd.s32 $0x9, s28  }
0x15a: {  	_ =	swait.ge [sflag:s6], $0x1800  }
0x15b: {  	[sflag:s6] =	ssyncset.done $0x0  }
0x15c: {  	[sflag:s6] =	ssyncadd.s32 $0xFFFFE800  }
0x15d: {  	_ =	swait.ge [sflag:s6], $0x1800  }
0x15e: {  	[sflag:s6] =	ssyncset.done $0x0  }
0x15f: {  	p4 =	sgt.u32 s5, $0x4DF;
	[sflag:s6] =	ssyncadd.s32 $0xFFFFE800  }
0x160: {  	_ =	swait.ge @!p4 [sflag:s6], $0x1800  }
0x161: {  	[sflag:s6] =	ssyncset.done @!p4 $0x0  }
0x162: {  	[sflag:s6] =	ssyncadd.s32 @!p4 $0xFFFFE800  }
0x163: {  	_ =	swait.ge @!p4 [sflag:s6], $0x1800  }
0x164: {  	[sflag:s6] =	ssyncset.done @!p4 $0x0  }
0x165: {  	s5 =	simm.s32 @!p4 $0xB;
	[sflag:s6] =	ssyncadd.s32 @!p4 $0xFFFFE800  }
0x166: {  	_ =	swait.ge @!p4 [sflag:s5], $0x800  }
0x167: {  	[sflag:s5] =	ssyncset.done @!p4 $0x0  }
0x168: {  	[sflag:s5] =	ssyncadd.s32 @!p4 $0xFFFFF800  }
0x169: {  	_ =	swait.ge @!p4 [sflag:s5], $0x800  }
0x16a: {  	[sflag:s5] =	ssyncset.done @!p4 $0x0  }
0x16b: {  	[sflag:s5] =	ssyncadd.s32 @!p4 $0xFFFFF800  }
0x16c: {  	_ =	swait.ge [sflag:s10], $0x800  }
0x16d: {  	s6 =	simm.s32 $0x1;
	[sflag:s10] =	ssyncset.done $0x0  }
0x16e: {  	s6 =	simm.s32 @!p3 $0x0;
	[sflag:s10] =	ssyncadd.s32 $0xFFFFF800  }
0x16f: {  	s6 =	smul.u32 $0x18000, s6;
	_ =	swait.ge [sflag:s10], $0x800  }
0x170: {  	[sflag:s10] =	ssyncset.done $0x0  }
0x171: {  	s6 =	sshrl.u32 s6, $0x2;
	[sflag:s10] =	ssyncadd.s32 $0xFFFFF800  }
0x172: {  	s20 =	sor.u32 $0x1080, s6;
	v1 =	vld [tilespmem:$0xF020]  }
0x173: {  	s14 =	simm.s32 $0xD020;
	v2 =	vld [tilespmem:s20+$0x30]  }
0x174: {  	v3 =	vld [tilespmem:s14+$0x10]  }
0x175: {  	v5 =	vld [tilespmem:s20+$0xFFFFFFD0]  }
0x176: {  	v6 =	vld [tilespmem:s14+$0xFFFFFFF0]  }
0x177: {  	v7 =	vld [tilespmem:s20+$0x0]  }
0x178: {  	v8 =	vld [tilespmem:s14+$0x0]  }
0x179: {  	s5 =	sadd.s32 $0xC0, s20;
	v4 =	vld [tilespmem:s14+$0xFFFFFFE0]  }
0x17a: {  	v10 =	vld [tilespmem:s5+$0x30]  }
0x17b: {  	s24 =	simm.s32 $0xD060;
	v2 =	vadd.f32 v3, v2;
	v3 =	vld [tilespmem:s20+$0xFFFFFFA0]  }
0x17c: {  	v5 =	vadd.f32 v6, v5;
	v6 =	vld [tilespmem:s24+$0x10]  }
0x17d: {  	v7 =	vadd.f32 v8, v7;
	v9 =	vmul.f32 $2.000000030e-01, v2  }
0x17e: {  	vm0 =	vgt.f32 v2, $0.0e+00  }
0x17f: {  	v12 =	vld [tilespmem:s24+$0xFFFFFFF0];
	vm1 =	vgt.f32 v7, $0.0e+00;
	v11 =	vmul.f32 $2.000000030e-01, v7;
	v2 =	vsel vm0, v2, v9  }
0x180: {  	v8 =	vld [tilespmem:s24+$0xFFFFFFE0];
	v9 =	vmul.f32 $2.000000030e-01, v5;
	v2 =	vsub.f32 v2, v1;
	v3 =	vadd.f32 v4, v3  }
0x181: {  	vm0 =	vgt.f32 v5, $0.0e+00;
	v7 =	vsel vm1, v7, v11;
	v11 =	vld [tilespmem:s24+$0x0];
	v6 =	vadd.f32 v6, v10  }
0x182: {  	v4 =	vld [tilespmem:s5+$0xFFFFFFD0];
	v5 =	vsel vm0, v5, v9;
	v2 =	vmul.f32 $1.442695020e+00, v2;
	v13 =	vmul.f32 $2.000000030e-01, v3  }
0x183: {  	v9 =	vld [tilespmem:s5+$0x0];
	vm2 =	vgt.f32 v3, $0.0e+00;
	v5 =	vsub.f32 v5, v1;
	v10 =	vmul.f32 $2.000000030e-01, v6  }
0x184: {  	s31 =	sadd.s32 $0x5800, s6;
	s12 =	sadd.s32 $0x4000, s6;
	(erf) = vpow2.f32 v2;
	v2 =	vsel vm2, v3, v13;
	v3 =	vsub.f32 v7, v1;
	v7 =	vld [tilespmem:s5+$0xFFFFFFA0]  }
0x185: {  	s13 =	sadd.s32 $0x2800, s6;
	s19 =	sor.u32 $0x1030, s6;
	s21 =	sadd.s32 $0x5820, s6;
	vm0 =	vgt.f32 v6, $0.0e+00  }
0x186: {  	s22 =	sadd.s32 $0x40B0, s6;
	s7 =	sadd.s32 $0x28B0, s6;
	s6 =	sadd.s32 $0xC0, s5;
	v5 =	vmul.f32 $1.442695020e+00, v5;
	v6 =	vsel vm0, v6, v10;
	v2 =	vsub.f32 v2, v1  }
0x187: {  	s24 =	simm.s32 $0xD0A0;
	v6 =	vsub.f32 v6, v1;
	v13 =	vmul.f32 $1.442695020e+00, v3;
	v3 =	vadd.f32 v12, v4;
	v4 =	vld [tilespmem:s6+$0x30]  }
0x188: {  	(erf) = vpow2.f32 v5;
	v5 =	vld [tilespmem:s24+$0x10];
	v2 =	vmul.f32 $1.442695020e+00, v2  }
0x189: {  	v9 =	vadd.f32 v11, v9;
	v6 =	vmul.f32 $1.442695020e+00, v6;
	v8 =	vadd.f32 v8, v7  }
0x18a: {  	v14 =	vld [tilespmem:s24+$0xFFFFFFF0];
	v10 =	vmul.f32 $2.000000030e-01, v3;
	vm0 =	vgt.f32 v3, $0.0e+00;
	(erf) = vpow2.f32 v2  }
0x18b: {  	v11 =	vld [tilespmem:s6+$0xFFFFFFD0];
	vm1 =	vgt.f32 v9, $0.0e+00;
	v2 =	vmul.f32 $2.000000030e-01, v9;
	v12 =	vmul.f32 $2.000000030e-01, v8  }
0x18c: {  	v3 =	vsel vm0, v3, v10;
	(erf) = vpow2.f32 v6;
	v6 =	vld [tilespmem:s24+$0x0];
	vm2 =	vgt.f32 v8, $0.0e+00  }
0x18d: {  	s11 =	smul.u32 $0x18000, s28;
	v10 =	vsub.f32 v3, v1;
	v3 =	vld [tilespmem:s24+$0xFFFFFFE0];
	v7 =	vadd.f32 v5, v4;
	v5 =	vsel vm2, v8, v12  }
0x18e: {  	v2 =	vsel vm1, v9, v2;
	v4 =	vld [tilespmem:s6+$0x0]  }
0x18f: {  	p2 =	por @!p6 $0x0, $0x0;
	p0 =	por @!p0 $0x1, $0x1;
	s30 =	sshrl.u32 s11, $0x2;
	(erf) = vpow2.f32 v13;
	v2 =	vsub.f32 v2, v1;
	v8 =	vld [tilespmem:s6+$0xFFFFFFA0];
	v9 =	vsub.f32 v5, v1  }
0x190: {  	p0 =	por @!p6 p2, p2;
	p6 =	por $0x0, $0x0;
	s11 =	sor.u32 $0x1000, s30;
	v10 =	vmul.f32 $1.442695020e+00, v10;
	v12 =	vmul.f32 $2.000000030e-01, v7;
	vm0 =	vgt.f32 v7, $0.0e+00;
	v5 =	vpop (erf)  }
0x191: {  	p6 =	por @!p5 p0, p0;
	s8 =	sadd.s32 $0xC0, s6;
	s14 =	simm.s32 $0x8;
	v2 =	vmul.f32 $1.442695020e+00, v2;
	v9 =	vmul.f32 $1.442695020e+00, v9;
	[tilespmem:s20+$0x30] =	vst v5;
	v5 =	vadd.f32 v14, v11;
	v11 =	vpop (erf)  }
.LBB2_7:
0x192: {  	v13 =	vld [tilespmem:s8+$0x30];
	v12 =	vsel vm0, v7, v12;
	s24 =	sadd.s32 $0x40, s24;
	(erf) = vpow2.f32 v10;
	[tilespmem:s20+$0xFFFFFFD0] =	vst v11  }
0x193: {  	s14 =	sadd.s32 $0x4, s14;
	v10 =	vld [tilespmem:s24+$0x10];
	v16 =	vmul.f32 $2.000000030e-01, v5;
	v6 =	vadd.f32 v6, v4;
	v4 =	vsub.f32 v12, v1;
	v7 =	vpop (erf)  }
0x194: {  	p0 =	slt.u32 s14, $0x7C;
	vm0 =	vgt.f32 v5, $0.0e+00;
	v8 =	vadd.f32 v3, v8;
	v3 =	vld [tilespmem:s24+$0xFFFFFFE0];
	(erf) = vpow2.f32 v9;
	[tilespmem:s20+$0xFFFFFFA0] =	vst v7  }
0x195: {  	v9 =	vld [tilespmem:s8+$0xFFFFFFD0];
	vm1 =	vgt.f32 v6, $0.0e+00;
	v7 =	vmul.f32 $2.000000030e-01, v6;
	v17 =	vmul.f32 $1.442695020e+00, v4  }
0x196: {  	v5 =	vsel vm0, v5, v16;
	v14 =	vld [tilespmem:s24+$0xFFFFFFF0];
	vm2 =	vgt.f32 v8, $0.0e+00;
	v15 =	vmul.f32 $2.000000030e-01, v8;
	v11 =	vpop (erf)  }
.Ltmp6:
0x197: {  	v5 =	vsub.f32 v5, v1;
	v4 =	vld [tilespmem:s8+$0x0];
	v16 =	vsel vm1, v6, v7;
	(erf) = vpow2.f32 v17;
	[tilespmem:s5+$0x30] =	vst v11;
	(pc) =	sbr.rel @p0 .LBB2_7-.Ltmp6, $4  }
0x198: {  	v6 =	vld [tilespmem:s24+$0x0];
	v7 =	vadd.f32 v10, v13;
	v10 =	vsel vm2, v8, v15;
	v15 =	vsub.f32 v16, v1;
	v12 =	vpop (erf)  }
0x199: {  	v8 =	vld [tilespmem:s8+$0xFFFFFFA0];
	v13 =	vsub.f32 v10, v1;
	v10 =	vmul.f32 $1.442695020e+00, v5;
	(erf) = vpow2.f32 v2;
	[tilespmem:s20+$0x0] =	vst v12;
	s20 =	smov.u32 s5;
	s5 =	smov.u32 s6;
	s6 =	smov.u32 s8  }
0x19a: {  	v12 =	vmul.f32 $2.000000030e-01, v7;
	v2 =	vmul.f32 $1.442695020e+00, v15  }
0x19b: {  	s8 =	sadd.s32 $0xC0, s8;
	vm0 =	vgt.f32 v7, $0.0e+00;
	v5 =	vadd.f32 v14, v9;
	v9 =	vmul.f32 $1.442695020e+00, v13;
	v11 =	vpop (erf)  }
0x19c: {  	_ =	sdelay $0x1  }
0x19d: {  	v7 =	vsel vm0, v7, v12;
	v4 =	vadd.f32 v6, v4;
	v3 =	vadd.f32 v3, v8  }
0x19e: {  	(erf) = vpow2.f32 v10;
	v6 =	vmul.f32 $2.000000030e-01, v5;
	v7 =	vsub.f32 v7, v1  }
0x19f: {  	vm0 =	vgt.f32 v5, $0.0e+00;
	vm1 =	vgt.f32 v4, $0.0e+00;
	v8 =	vmul.f32 $2.000000030e-01, v3  }
0x1a0: {  	v10 =	vmul.f32 $2.000000030e-01, v4;
	v5 =	vsel vm0, v5, v6;
	vm0 =	vgt.f32 v3, $0.0e+00  }
0x1a1: {  	v6 =	vmul.f32 $1.442695020e+00, v7;
	v5 =	vsub.f32 v5, v1;
	v3 =	vsel vm0, v3, v8  }
0x1a2: {  	(erf) = vpow2.f32 v9;
	v4 =	vsel vm1, v4, v10;
	v3 =	vsub.f32 v3, v1  }
0x1a3: {  	(erf) = vpow2.f32 v6;
	v4 =	vsub.f32 v4, v1;
	v5 =	vmul.f32 $1.442695020e+00, v5  }
0x1a4: {  	(erf) = vpow2.f32 v2;
	v2 =	vmul.f32 $1.442695020e+00, v3  }
0x1a5: {  	v3 =	vmul.f32 $1.442695020e+00, v4  }
0x1a6: {  	(erf) = vpow2.f32 v5  }
0x1a7: {  	(erf) = vpow2.f32 v2  }
0x1a8: {  	[tilespmem:s20+$0xFFFFFFD0] =	vst v11;
	v2 =	vpop (erf);
	(erf) = vpow2.f32 v3  }
0x1a9: {  	v3 =	vpop (erf);
	[tilespmem:s20+$0xFFFFFFA0] =	vst v2  }
0x1aa: {  	v2 =	vpop (erf);
	[tilespmem:s5+$0x30] =	vst v3  }
0x1ab: {  	v3 =	vpop (erf);
	[tilespmem:s20+$0x0] =	vst v2  }
0x1ac: {  	v2 =	vpop (erf);
	[tilespmem:s5+$0xFFFFFFD0] =	vst v3  }
0x1ad: {  	v3 =	vpop (erf);
	[tilespmem:s5+$0xFFFFFFA0] =	vst v2  }
0x1ae: {  	[tilespmem:s6+$0x30] =	vst v3;
	v2 =	vpop (erf)  }
0x1af: {  	[tilespmem:s5+$0x0] =	vst v2;
	v2 =	vpop (erf)  }
0x1b0: {  	[tilespmem:s6+$0xFFFFFFD0] =	vst v2;
	v2 =	vpop (erf)  }
0x1b1: {  	[tilespmem:s6+$0xFFFFFFA0] =	vst v2;
	v2 =	vpop (erf)  }
0x1b2: {  	[tilespmem:s6+$0x0] =	vst v2  }
0x1b3: {  	s14 =	simm.s32 $0xD830;
	v2 =	vld [tilespmem:s7+$0x0]  }
0x1b4: {  	v3 =	vld [tilespmem:s14+$0x0]  }
0x1b5: {  	v5 =	vld [tilespmem:s7+$0xFFFFFFA0]  }
0x1b6: {  	v6 =	vld [tilespmem:s14+$0xFFFFFFE0]  }
0x1b7: {  	v7 =	vld [tilespmem:s7+$0xFFFFFFD0]  }
0x1b8: {  	v8 =	vld [tilespmem:s14+$0xFFFFFFF0]  }
0x1b9: {  	s5 =	sadd.s32 $0xC0, s7;
	v4 =	vld [tilespmem:s14+$0xFFFFFFD0]  }
0x1ba: {  	v10 =	vld [tilespmem:s5+$0x0]  }
0x1bb: {  	s24 =	simm.s32 $0xD870;
	v2 =	vadd.f32 v3, v2;
	v3 =	vld [tilespmem:s7+$0xFFFFFF70]  }
0x1bc: {  	v5 =	vadd.f32 v6, v5;
	v6 =	vld [tilespmem:s24+$0x0]  }
0x1bd: {  	v7 =	vadd.f32 v8, v7;
	v9 =	vmul.f32 $2.000000030e-01, v2  }
0x1be: {  	vm0 =	vgt.f32 v2, $0.0e+00  }
0x1bf: {  	v12 =	vld [tilespmem:s24+$0xFFFFFFE0];
	vm1 =	vgt.f32 v7, $0.0e+00;
	v11 =	vmul.f32 $2.000000030e-01, v7;
	v2 =	vsel vm0, v2, v9  }
0x1c0: {  	v8 =	vld [tilespmem:s24+$0xFFFFFFD0];
	v9 =	vmul.f32 $2.000000030e-01, v5;
	v2 =	vsub.f32 v2, v1;
	v3 =	vadd.f32 v4, v3  }
0x1c1: {  	vm0 =	vgt.f32 v5, $0.0e+00;
	v7 =	vsel vm1, v7, v11;
	v11 =	vld [tilespmem:s24+$0xFFFFFFF0];
	v6 =	vadd.f32 v6, v10  }
0x1c2: {  	v4 =	vld [tilespmem:s5+$0xFFFFFFA0];
	v5 =	vsel vm0, v5, v9;
	v2 =	vmul.f32 $1.442695020e+00, v2;
	v13 =	vmul.f32 $2.000000030e-01, v3  }
0x1c3: {  	v9 =	vld [tilespmem:s5+$0xFFFFFFD0];
	vm2 =	vgt.f32 v3, $0.0e+00;
	v5 =	vsub.f32 v5, v1;
	v10 =	vmul.f32 $2.000000030e-01, v6  }
0x1c4: {  	(erf) = vpow2.f32 v2;
	v2 =	vsel vm2, v3, v13;
	v3 =	vsub.f32 v7, v1;
	v7 =	vld [tilespmem:s5+$0xFFFFFF70]  }
0x1c5: {  	vm0 =	vgt.f32 v6, $0.0e+00  }
0x1c6: {  	s6 =	sadd.s32 $0xC0, s5;
	v5 =	vmul.f32 $1.442695020e+00, v5;
	v6 =	vsel vm0, v6, v10;
	v2 =	vsub.f32 v2, v1  }
0x1c7: {  	s24 =	simm.s32 $0xD8B0;
	v6 =	vsub.f32 v6, v1;
	v13 =	vmul.f32 $1.442695020e+00, v3;
	v3 =	vadd.f32 v12, v4;
	v4 =	vld [tilespmem:s6+$0x0]  }
0x1c8: {  	(erf) = vpow2.f32 v5;
	v5 =	vld [tilespmem:s24+$0x0];
	v2 =	vmul.f32 $1.442695020e+00, v2  }
0x1c9: {  	v9 =	vadd.f32 v11, v9;
	v6 =	vmul.f32 $1.442695020e+00, v6;
	v8 =	vadd.f32 v8, v7  }
0x1ca: {  	v14 =	vld [tilespmem:s24+$0xFFFFFFE0];
	v10 =	vmul.f32 $2.000000030e-01, v3;
	vm0 =	vgt.f32 v3, $0.0e+00;
	(erf) = vpow2.f32 v2  }
0x1cb: {  	v11 =	vld [tilespmem:s6+$0xFFFFFFA0];
	vm1 =	vgt.f32 v9, $0.0e+00;
	v2 =	vmul.f32 $2.000000030e-01, v9;
	v12 =	vmul.f32 $2.000000030e-01, v8  }
0x1cc: {  	v3 =	vsel vm0, v3, v10;
	(erf) = vpow2.f32 v6;
	v6 =	vld [tilespmem:s24+$0xFFFFFFF0];
	vm2 =	vgt.f32 v8, $0.0e+00  }
0x1cd: {  	v10 =	vsub.f32 v3, v1;
	v3 =	vld [tilespmem:s24+$0xFFFFFFD0];
	v7 =	vadd.f32 v5, v4;
	v5 =	vsel vm2, v8, v12  }
0x1ce: {  	v2 =	vsel vm1, v9, v2;
	v4 =	vld [tilespmem:s6+$0xFFFFFFD0]  }
0x1cf: {  	(erf) = vpow2.f32 v13;
	v2 =	vsub.f32 v2, v1;
	v8 =	vld [tilespmem:s6+$0xFFFFFF70];
	v9 =	vsub.f32 v5, v1  }
0x1d0: {  	v10 =	vmul.f32 $1.442695020e+00, v10;
	v12 =	vmul.f32 $2.000000030e-01, v7;
	vm0 =	vgt.f32 v7, $0.0e+00;
	v5 =	vpop (erf)  }
0x1d1: {  	s20 =	sadd.s32 $0x2800, s30;
	s14 =	simm.s32 $0x8;
	s8 =	sadd.s32 $0xC0, s6;
	v2 =	vmul.f32 $1.442695020e+00, v2;
	v9 =	vmul.f32 $1.442695020e+00, v9;
	[tilespmem:s7+$0x0] =	vst v5;
	v5 =	vadd.f32 v14, v11;
	v11 =	vpop (erf)  }
.LBB2_9:
0x1d2: {  	v13 =	vld [tilespmem:s8+$0x0];
	v12 =	vsel vm0, v7, v12;
	s24 =	sadd.s32 $0x40, s24;
	(erf) = vpow2.f32 v10;
	[tilespmem:s7+$0xFFFFFFA0] =	vst v11  }
0x1d3: {  	s14 =	sadd.s32 $0x4, s14;
	v10 =	vld [tilespmem:s24+$0x0];
	v16 =	vmul.f32 $2.000000030e-01, v5;
	v6 =	vadd.f32 v6, v4;
	v4 =	vsub.f32 v12, v1;
	v7 =	vpop (erf)  }
0x1d4: {  	p0 =	slt.u32 s14, $0x7C;
	vm0 =	vgt.f32 v5, $0.0e+00;
	v8 =	vadd.f32 v3, v8;
	v3 =	vld [tilespmem:s24+$0xFFFFFFD0];
	(erf) = vpow2.f32 v9;
	[tilespmem:s7+$0xFFFFFF70] =	vst v7  }
0x1d5: {  	v9 =	vld [tilespmem:s8+$0xFFFFFFA0];
	vm1 =	vgt.f32 v6, $0.0e+00;
	v7 =	vmul.f32 $2.000000030e-01, v6;
	v17 =	vmul.f32 $1.442695020e+00, v4  }
0x1d6: {  	v5 =	vsel vm0, v5, v16;
	v14 =	vld [tilespmem:s24+$0xFFFFFFE0];
	vm2 =	vgt.f32 v8, $0.0e+00;
	v15 =	vmul.f32 $2.000000030e-01, v8;
	v11 =	vpop (erf)  }
.Ltmp7:
0x1d7: {  	v5 =	vsub.f32 v5, v1;
	v4 =	vld [tilespmem:s8+$0xFFFFFFD0];
	v16 =	vsel vm1, v6, v7;
	(erf) = vpow2.f32 v17;
	[tilespmem:s5+$0x0] =	vst v11;
	(pc) =	sbr.rel @p0 .LBB2_9-.Ltmp7, $4  }
0x1d8: {  	v6 =	vld [tilespmem:s24+$0xFFFFFFF0];
	v7 =	vadd.f32 v10, v13;
	v10 =	vsel vm2, v8, v15;
	v15 =	vsub.f32 v16, v1;
	v12 =	vpop (erf)  }
0x1d9: {  	v8 =	vld [tilespmem:s8+$0xFFFFFF70];
	v13 =	vsub.f32 v10, v1;
	v10 =	vmul.f32 $1.442695020e+00, v5;
	(erf) = vpow2.f32 v2;
	[tilespmem:s7+$0xFFFFFFD0] =	vst v12;
	s7 =	smov.u32 s5;
	s5 =	smov.u32 s6;
	s6 =	smov.u32 s8  }
0x1da: {  	v12 =	vmul.f32 $2.000000030e-01, v7;
	v2 =	vmul.f32 $1.442695020e+00, v15  }
0x1db: {  	s8 =	sadd.s32 $0xC0, s8;
	vm0 =	vgt.f32 v7, $0.0e+00;
	v5 =	vadd.f32 v14, v9;
	v9 =	vmul.f32 $1.442695020e+00, v13;
	v11 =	vpop (erf)  }
0x1dc: {  	_ =	sdelay $0x1  }
0x1dd: {  	v7 =	vsel vm0, v7, v12;
	v4 =	vadd.f32 v6, v4;
	v3 =	vadd.f32 v3, v8  }
0x1de: {  	(erf) = vpow2.f32 v10;
	v61 =	vmul.f32 $2.000000030e-01, v5;
	v7 =	vsub.f32 v7, v1  }
0x1df: {  	vm14 =	vgt.f32 v5, $0.0e+00;
	vm1 =	vgt.f32 v4, $0.0e+00;
	v8 =	vmul.f32 $2.000000030e-01, v3  }
0x1e0: {  	v62 =	vmul.f32 $2.000000030e-01, v4;
	v5 =	vsel vm14, v5, v61;
	vm15 =	vgt.f32 v3, $0.0e+00  }
0x1e1: {  	v63 =	vmul.f32 $1.442695020e+00, v7;
	v5 =	vsub.f32 v5, v1;
	v3 =	vsel vm15, v3, v8  }
0x1e2: {  	(erf) = vpow2.f32 v9;
	v4 =	vsel vm1, v4, v62;
	v3 =	vsub.f32 v3, v1  }
0x1e3: {  	(erf) = vpow2.f32 v63;
	v4 =	vsub.f32 v4, v1;
	v5 =	vmul.f32 $1.442695020e+00, v5  }
0x1e4: {  	(erf) = vpow2.f32 v2;
	v2 =	vmul.f32 $1.442695020e+00, v3  }
0x1e5: {  	v3 =	vmul.f32 $1.442695020e+00, v4  }
0x1e6: {  	(erf) = vpow2.f32 v5  }
0x1e7: {  	(erf) = vpow2.f32 v2  }
0x1e8: {  	[tilespmem:s7+$0xFFFFFFA0] =	vst v11;
	v2 =	vpop (erf);
	(erf) = vpow2.f32 v3  }
0x1e9: {  	v3 =	vpop (erf);
	[tilespmem:s7+$0xFFFFFF70] =	vst v2  }
0x1ea: {  	v2 =	vpop (erf);
	[tilespmem:s5+$0x0] =	vst v3  }
0x1eb: {  	v3 =	vpop (erf);
	[tilespmem:s7+$0xFFFFFFD0] =	vst v2  }
0x1ec: {  	v2 =	vpop (erf);
	[tilespmem:s5+$0xFFFFFFA0] =	vst v3  }
0x1ed: {  	v3 =	vpop (erf);
	[tilespmem:s5+$0xFFFFFF70] =	vst v2  }
.Ltmp8:
0x1ee: {  	[tilespmem:s6+$0x0] =	vst v3;
	v2 =	vpop (erf);
	(pc) =	sbr.rel @p4 .LBB2_16-.Ltmp8, $4  }
0x1ef: {  	[tilespmem:s5+$0xFFFFFFD0] =	vst v2;
	v2 =	vpop (erf)  }
0x1f0: {  	[tilespmem:s6+$0xFFFFFFA0] =	vst v2;
	v2 =	vpop (erf)  }
0x1f1: {  	[tilespmem:s6+$0xFFFFFF70] =	vst v2;
	v2 =	vpop (erf)  }
0x1f2: {  	s5 =	simm.s32 $0xE030;
	[tilespmem:s6+$0xFFFFFFD0] =	vst v2  }
0x1f3: {  	v2 =	vld [tilespmem:s22+$0x0]  }
0x1f4: {  	v3 =	vld [tilespmem:s5+$0x0]  }
0x1f5: {  	v5 =	vld [tilespmem:s22+$0xFFFFFFA0]  }
0x1f6: {  	v6 =	vld [tilespmem:s5+$0xFFFFFFE0]  }
0x1f7: {  	v7 =	vld [tilespmem:s22+$0xFFFFFFD0]  }
0x1f8: {  	v8 =	vld [tilespmem:s5+$0xFFFFFFF0]  }
0x1f9: {  	v4 =	vld [tilespmem:s5+$0xFFFFFFD0];
	s5 =	sadd.s32 $0xC0, s22  }
0x1fa: {  	v10 =	vld [tilespmem:s5+$0x0]  }
0x1fb: {  	s6 =	simm.s32 $0xE070;
	v2 =	vadd.f32 v3, v2;
	v3 =	vld [tilespmem:s22+$0xFFFFFF70]  }
0x1fc: {  	v5 =	vadd.f32 v6, v5;
	v6 =	vld [tilespmem:s6+$0x0]  }
0x1fd: {  	v7 =	vadd.f32 v8, v7;
	v9 =	vmul.f32 $2.000000030e-01, v2  }
0x1fe: {  	vm0 =	vgt.f32 v2, $0.0e+00  }
0x1ff: {  	v12 =	vld [tilespmem:s6+$0xFFFFFFE0];
	vm1 =	vgt.f32 v7, $0.0e+00;
	v11 =	vmul.f32 $2.000000030e-01, v7;
	v2 =	vsel vm0, v2, v9  }
0x200: {  	v8 =	vld [tilespmem:s6+$0xFFFFFFD0];
	v9 =	vmul.f32 $2.000000030e-01, v5;
	v2 =	vsub.f32 v2, v1;
	v3 =	vadd.f32 v4, v3  }
0x201: {  	vm0 =	vgt.f32 v5, $0.0e+00;
	v7 =	vsel vm1, v7, v11;
	v11 =	vld [tilespmem:s6+$0xFFFFFFF0];
	v6 =	vadd.f32 v6, v10  }
0x202: {  	v4 =	vld [tilespmem:s5+$0xFFFFFFA0];
	v5 =	vsel vm0, v5, v9;
	v2 =	vmul.f32 $1.442695020e+00, v2;
	v13 =	vmul.f32 $2.000000030e-01, v3  }
0x203: {  	v9 =	vld [tilespmem:s5+$0xFFFFFFD0];
	vm2 =	vgt.f32 v3, $0.0e+00;
	v5 =	vsub.f32 v5, v1;
	v10 =	vmul.f32 $2.000000030e-01, v6  }
0x204: {  	(erf) = vpow2.f32 v2;
	v2 =	vsel vm2, v3, v13;
	v3 =	vsub.f32 v7, v1;
	v7 =	vld [tilespmem:s5+$0xFFFFFF70]  }
0x205: {  	vm0 =	vgt.f32 v6, $0.0e+00  }
0x206: {  	s6 =	sadd.s32 $0xC0, s5;
	v5 =	vmul.f32 $1.442695020e+00, v5;
	v6 =	vsel vm0, v6, v10;
	v2 =	vsub.f32 v2, v1  }
0x207: {  	s7 =	simm.s32 $0xE0B0;
	v6 =	vsub.f32 v6, v1;
	v13 =	vmul.f32 $1.442695020e+00, v3;
	v3 =	vadd.f32 v12, v4;
	v4 =	vld [tilespmem:s6+$0x0]  }
0x208: {  	(erf) = vpow2.f32 v5;
	v5 =	vld [tilespmem:s7+$0x0];
	v2 =	vmul.f32 $1.442695020e+00, v2  }
0x209: {  	v9 =	vadd.f32 v11, v9;
	v6 =	vmul.f32 $1.442695020e+00, v6;
	v8 =	vadd.f32 v8, v7  }
0x20a: {  	v14 =	vld [tilespmem:s7+$0xFFFFFFE0];
	v10 =	vmul.f32 $2.000000030e-01, v3;
	vm0 =	vgt.f32 v3, $0.0e+00;
	(erf) = vpow2.f32 v2  }
0x20b: {  	v11 =	vld [tilespmem:s6+$0xFFFFFFA0];
	vm1 =	vgt.f32 v9, $0.0e+00;
	v2 =	vmul.f32 $2.000000030e-01, v9;
	v12 =	vmul.f32 $2.000000030e-01, v8  }
0x20c: {  	v3 =	vsel vm0, v3, v10;
	(erf) = vpow2.f32 v6;
	v6 =	vld [tilespmem:s7+$0xFFFFFFF0];
	vm2 =	vgt.f32 v8, $0.0e+00  }
0x20d: {  	v10 =	vsub.f32 v3, v1;
	v3 =	vld [tilespmem:s7+$0xFFFFFFD0];
	v7 =	vadd.f32 v5, v4;
	v5 =	vsel vm2, v8, v12  }
0x20e: {  	v2 =	vsel vm1, v9, v2;
	v4 =	vld [tilespmem:s6+$0xFFFFFFD0]  }
0x20f: {  	(erf) = vpow2.f32 v13;
	v2 =	vsub.f32 v2, v1;
	v8 =	vld [tilespmem:s6+$0xFFFFFF70];
	v9 =	vsub.f32 v5, v1  }
0x210: {  	v10 =	vmul.f32 $1.442695020e+00, v10;
	v12 =	vmul.f32 $2.000000030e-01, v7;
	vm0 =	vgt.f32 v7, $0.0e+00;
	v5 =	vpop (erf)  }
0x211: {  	s14 =	simm.s32 $0x8;
	s8 =	sadd.s32 $0xC0, s6;
	v2 =	vmul.f32 $1.442695020e+00, v2;
	v9 =	vmul.f32 $1.442695020e+00, v9;
	[tilespmem:s22+$0x0] =	vst v5;
	v5 =	vadd.f32 v14, v11;
	v11 =	vpop (erf)  }
.LBB2_12:
0x212: {  	v13 =	vld [tilespmem:s8+$0x0];
	v12 =	vsel vm0, v7, v12;
	s7 =	sadd.s32 $0x40, s7;
	(erf) = vpow2.f32 v10;
	[tilespmem:s22+$0xFFFFFFA0] =	vst v11  }
0x213: {  	s14 =	sadd.s32 $0x4, s14;
	v10 =	vld [tilespmem:s7+$0x0];
	v16 =	vmul.f32 $2.000000030e-01, v5;
	v6 =	vadd.f32 v6, v4;
	v4 =	vsub.f32 v12, v1;
	v7 =	vpop (erf)  }
0x214: {  	p0 =	slt.u32 s14, $0x7C;
	vm0 =	vgt.f32 v5, $0.0e+00;
	v8 =	vadd.f32 v3, v8;
	v3 =	vld [tilespmem:s7+$0xFFFFFFD0];
	(erf) = vpow2.f32 v9;
	[tilespmem:s22+$0xFFFFFF70] =	vst v7  }
0x215: {  	v9 =	vld [tilespmem:s8+$0xFFFFFFA0];
	vm1 =	vgt.f32 v6, $0.0e+00;
	v7 =	vmul.f32 $2.000000030e-01, v6;
	v17 =	vmul.f32 $1.442695020e+00, v4  }
0x216: {  	v5 =	vsel vm0, v5, v16;
	v14 =	vld [tilespmem:s7+$0xFFFFFFE0];
	vm2 =	vgt.f32 v8, $0.0e+00;
	v15 =	vmul.f32 $2.000000030e-01, v8;
	v11 =	vpop (erf)  }
.Ltmp9:
0x217: {  	v5 =	vsub.f32 v5, v1;
	v4 =	vld [tilespmem:s8+$0xFFFFFFD0];
	v16 =	vsel vm1, v6, v7;
	(erf) = vpow2.f32 v17;
	[tilespmem:s5+$0x0] =	vst v11;
	(pc) =	sbr.rel @p0 .LBB2_12-.Ltmp9, $4  }
0x218: {  	v6 =	vld [tilespmem:s7+$0xFFFFFFF0];
	v7 =	vadd.f32 v10, v13;
	v10 =	vsel vm2, v8, v15;
	v15 =	vsub.f32 v16, v1;
	v12 =	vpop (erf)  }
0x219: {  	v8 =	vld [tilespmem:s8+$0xFFFFFF70];
	v13 =	vsub.f32 v10, v1;
	v10 =	vmul.f32 $1.442695020e+00, v5;
	(erf) = vpow2.f32 v2;
	[tilespmem:s22+$0xFFFFFFD0] =	vst v12;
	s22 =	smov.u32 s5;
	s5 =	smov.u32 s6;
	s6 =	smov.u32 s8  }
0x21a: {  	v12 =	vmul.f32 $2.000000030e-01, v7;
	v2 =	vmul.f32 $1.442695020e+00, v15  }
0x21b: {  	s8 =	sadd.s32 $0xC0, s8;
	vm0 =	vgt.f32 v7, $0.0e+00;
	v5 =	vadd.f32 v14, v9;
	v9 =	vmul.f32 $1.442695020e+00, v13;
	v11 =	vpop (erf)  }
0x21c: {  	_ =	sdelay $0x1  }
0x21d: {  	v7 =	vsel vm0, v7, v12;
	v4 =	vadd.f32 v6, v4;
	v3 =	vadd.f32 v3, v8  }
0x21e: {  	(erf) = vpow2.f32 v10;
	v6 =	vmul.f32 $2.000000030e-01, v5;
	v7 =	vsub.f32 v7, v1  }
0x21f: {  	vm0 =	vgt.f32 v5, $0.0e+00;
	vm1 =	vgt.f32 v4, $0.0e+00;
	v8 =	vmul.f32 $2.000000030e-01, v3  }
0x220: {  	v10 =	vmul.f32 $2.000000030e-01, v4;
	v5 =	vsel vm0, v5, v6;
	vm2 =	vgt.f32 v3, $0.0e+00  }
0x221: {  	v6 =	vmul.f32 $1.442695020e+00, v7;
	v5 =	vsub.f32 v5, v1;
	v3 =	vsel vm2, v3, v8  }
0x222: {  	(erf) = vpow2.f32 v9;
	v4 =	vsel vm1, v4, v10;
	v3 =	vsub.f32 v3, v1  }
0x223: {  	(erf) = vpow2.f32 v6;
	v4 =	vsub.f32 v4, v1;
	v5 =	vmul.f32 $1.442695020e+00, v5  }
0x224: {  	(erf) = vpow2.f32 v2;
	v2 =	vmul.f32 $1.442695020e+00, v3  }
0x225: {  	v3 =	vmul.f32 $1.442695020e+00, v4  }
0x226: {  	(erf) = vpow2.f32 v5  }
0x227: {  	(erf) = vpow2.f32 v2  }
0x228: {  	[tilespmem:s22+$0xFFFFFFA0] =	vst v11;
	v2 =	vpop (erf);
	(erf) = vpow2.f32 v3  }
0x229: {  	v3 =	vpop (erf);
	[tilespmem:s22+$0xFFFFFF70] =	vst v2  }
0x22a: {  	v2 =	vpop (erf);
	[tilespmem:s5+$0x0] =	vst v3  }
0x22b: {  	v3 =	vpop (erf);
	[tilespmem:s22+$0xFFFFFFD0] =	vst v2  }
0x22c: {  	v2 =	vpop (erf);
	[tilespmem:s5+$0xFFFFFFA0] =	vst v3  }
0x22d: {  	[tilespmem:s5+$0xFFFFFF70] =	vst v2;
	v2 =	vpop (erf)  }
0x22e: {  	[tilespmem:s6+$0x0] =	vst v2;
	v2 =	vpop (erf)  }
0x22f: {  	[tilespmem:s5+$0xFFFFFFD0] =	vst v2;
	v2 =	vpop (erf)  }
0x230: {  	[tilespmem:s6+$0xFFFFFFA0] =	vst v2;
	v2 =	vpop (erf)  }
0x231: {  	[tilespmem:s6+$0xFFFFFF70] =	vst v2;
	v2 =	vpop (erf)  }
0x232: {  	[tilespmem:s6+$0xFFFFFFD0] =	vst v2  }
0x233: {  	s22 =	simm.s32 $0xE830;
	v2 =	vld [tilespmem:s21+$0x90]  }
0x234: {  	v3 =	vld [tilespmem:s22+$0x0]  }
0x235: {  	v5 =	vld [tilespmem:s21+$0x30]  }
0x236: {  	v6 =	vld [tilespmem:s22+$0xFFFFFFE0]  }
0x237: {  	v7 =	vld [tilespmem:s21+$0x60]  }
0x238: {  	v8 =	vld [tilespmem:s22+$0xFFFFFFF0]  }
0x239: {  	s5 =	sadd.s32 $0xC0, s21;
	v4 =	vld [tilespmem:s22+$0xFFFFFFD0]  }
0x23a: {  	v10 =	vld [tilespmem:s5+$0x90]  }
0x23b: {  	s24 =	simm.s32 $0xE870;
	v2 =	vadd.f32 v3, v2;
	v3 =	vld [tilespmem:s21+$0x0]  }
0x23c: {  	v5 =	vadd.f32 v6, v5;
	v6 =	vld [tilespmem:s24+$0x0]  }
0x23d: {  	v7 =	vadd.f32 v8, v7;
	v9 =	vmul.f32 $2.000000030e-01, v2  }
0x23e: {  	vm0 =	vgt.f32 v2, $0.0e+00  }
0x23f: {  	v12 =	vld [tilespmem:s24+$0xFFFFFFE0];
	vm1 =	vgt.f32 v7, $0.0e+00;
	v11 =	vmul.f32 $2.000000030e-01, v7;
	v2 =	vsel vm0, v2, v9  }
0x240: {  	v8 =	vld [tilespmem:s24+$0xFFFFFFD0];
	v9 =	vmul.f32 $2.000000030e-01, v5;
	v2 =	vsub.f32 v2, v1;
	v3 =	vadd.f32 v4, v3  }
0x241: {  	vm0 =	vgt.f32 v5, $0.0e+00;
	v7 =	vsel vm1, v7, v11;
	v11 =	vld [tilespmem:s24+$0xFFFFFFF0];
	v6 =	vadd.f32 v6, v10  }
0x242: {  	v4 =	vld [tilespmem:s5+$0x30];
	v5 =	vsel vm0, v5, v9;
	v2 =	vmul.f32 $1.442695020e+00, v2;
	v13 =	vmul.f32 $2.000000030e-01, v3  }
0x243: {  	v9 =	vld [tilespmem:s5+$0x60];
	vm2 =	vgt.f32 v3, $0.0e+00;
	v5 =	vsub.f32 v5, v1;
	v10 =	vmul.f32 $2.000000030e-01, v6  }
0x244: {  	(erf) = vpow2.f32 v2;
	v2 =	vsel vm2, v3, v13;
	v3 =	vsub.f32 v7, v1;
	v7 =	vld [tilespmem:s5+$0x0]  }
0x245: {  	vm0 =	vgt.f32 v6, $0.0e+00  }
0x246: {  	s6 =	sadd.s32 $0xC0, s5;
	v5 =	vmul.f32 $1.442695020e+00, v5;
	v6 =	vsel vm0, v6, v10;
	v2 =	vsub.f32 v2, v1  }
0x247: {  	s7 =	simm.s32 $0xE8B0;
	v6 =	vsub.f32 v6, v1;
	v13 =	vmul.f32 $1.442695020e+00, v3;
	v3 =	vadd.f32 v12, v4;
	v4 =	vld [tilespmem:s6+$0x90]  }
0x248: {  	(erf) = vpow2.f32 v5;
	v5 =	vld [tilespmem:s7+$0x0];
	v2 =	vmul.f32 $1.442695020e+00, v2  }
0x249: {  	v9 =	vadd.f32 v11, v9;
	v6 =	vmul.f32 $1.442695020e+00, v6;
	v8 =	vadd.f32 v8, v7  }
0x24a: {  	v14 =	vld [tilespmem:s7+$0xFFFFFFE0];
	v10 =	vmul.f32 $2.000000030e-01, v3;
	vm0 =	vgt.f32 v3, $0.0e+00;
	(erf) = vpow2.f32 v2  }
0x24b: {  	v11 =	vld [tilespmem:s6+$0x30];
	vm1 =	vgt.f32 v9, $0.0e+00;
	v2 =	vmul.f32 $2.000000030e-01, v9;
	v12 =	vmul.f32 $2.000000030e-01, v8  }
0x24c: {  	v3 =	vsel vm0, v3, v10;
	(erf) = vpow2.f32 v6;
	v6 =	vld [tilespmem:s7+$0xFFFFFFF0];
	vm2 =	vgt.f32 v8, $0.0e+00  }
0x24d: {  	v10 =	vsub.f32 v3, v1;
	v3 =	vld [tilespmem:s7+$0xFFFFFFD0];
	v7 =	vadd.f32 v5, v4;
	v5 =	vsel vm2, v8, v12  }
0x24e: {  	v2 =	vsel vm1, v9, v2;
	v4 =	vld [tilespmem:s6+$0x60]  }
0x24f: {  	(erf) = vpow2.f32 v13;
	v2 =	vsub.f32 v2, v1;
	v8 =	vld [tilespmem:s6+$0x0];
	v9 =	vsub.f32 v5, v1  }
0x250: {  	v10 =	vmul.f32 $1.442695020e+00, v10;
	v12 =	vmul.f32 $2.000000030e-01, v7;
	vm0 =	vgt.f32 v7, $0.0e+00;
	v5 =	vpop (erf)  }
0x251: {  	s14 =	simm.s32 $0x8;
	s8 =	sadd.s32 $0xC0, s6;
	v2 =	vmul.f32 $1.442695020e+00, v2;
	v9 =	vmul.f32 $1.442695020e+00, v9;
	[tilespmem:s21+$0x90] =	vst v5;
	v5 =	vadd.f32 v14, v11;
	v11 =	vpop (erf)  }
.LBB2_14:
0x252: {  	v13 =	vld [tilespmem:s8+$0x90];
	v12 =	vsel vm0, v7, v12;
	s7 =	sadd.s32 $0x40, s7;
	(erf) = vpow2.f32 v10;
	[tilespmem:s21+$0x30] =	vst v11  }
0x253: {  	s14 =	sadd.s32 $0x4, s14;
	v10 =	vld [tilespmem:s7+$0x0];
	v16 =	vmul.f32 $2.000000030e-01, v5;
	v6 =	vadd.f32 v6, v4;
	v4 =	vsub.f32 v12, v1;
	v7 =	vpop (erf)  }
0x254: {  	p0 =	slt.u32 s14, $0x7C;
	vm0 =	vgt.f32 v5, $0.0e+00;
	v8 =	vadd.f32 v3, v8;
	v3 =	vld [tilespmem:s7+$0xFFFFFFD0];
	(erf) = vpow2.f32 v9;
	[tilespmem:s21+$0x0] =	vst v7  }
0x255: {  	v9 =	vld [tilespmem:s8+$0x30];
	vm1 =	vgt.f32 v6, $0.0e+00;
	v7 =	vmul.f32 $2.000000030e-01, v6;
	v17 =	vmul.f32 $1.442695020e+00, v4  }
0x256: {  	v5 =	vsel vm0, v5, v16;
	v14 =	vld [tilespmem:s7+$0xFFFFFFE0];
	vm2 =	vgt.f32 v8, $0.0e+00;
	v15 =	vmul.f32 $2.000000030e-01, v8;
	v11 =	vpop (erf)  }
.Ltmp10:
0x257: {  	v5 =	vsub.f32 v5, v1;
	v4 =	vld [tilespmem:s8+$0x60];
	v16 =	vsel vm1, v6, v7;
	(erf) = vpow2.f32 v17;
	[tilespmem:s5+$0x90] =	vst v11;
	(pc) =	sbr.rel @p0 .LBB2_14-.Ltmp10, $4  }
0x258: {  	v6 =	vld [tilespmem:s7+$0xFFFFFFF0];
	v7 =	vadd.f32 v10, v13;
	v10 =	vsel vm2, v8, v15;
	v15 =	vsub.f32 v16, v1;
	v12 =	vpop (erf)  }
0x259: {  	v8 =	vld [tilespmem:s8+$0x0];
	v13 =	vsub.f32 v10, v1;
	v10 =	vmul.f32 $1.442695020e+00, v5;
	(erf) = vpow2.f32 v2;
	[tilespmem:s21+$0x60] =	vst v12;
	s21 =	smov.u32 s5;
	s5 =	smov.u32 s6;
	s6 =	smov.u32 s8  }
0x25a: {  	v12 =	vmul.f32 $2.000000030e-01, v7;
	v2 =	vmul.f32 $1.442695020e+00, v15  }
0x25b: {  	s8 =	sadd.s32 $0xC0, s8;
	vm0 =	vgt.f32 v7, $0.0e+00;
	v5 =	vadd.f32 v14, v9;
	v9 =	vmul.f32 $1.442695020e+00, v13;
	v11 =	vpop (erf)  }
0x25c: {  	_ =	sdelay $0x1  }
0x25d: {  	v7 =	vsel vm0, v7, v12;
	v4 =	vadd.f32 v6, v4;
	v3 =	vadd.f32 v3, v8  }
0x25e: {  	(erf) = vpow2.f32 v10;
	v60 =	vmul.f32 $2.000000030e-01, v5;
	v7 =	vsub.f32 v7, v1  }
0x25f: {  	vm14 =	vgt.f32 v5, $0.0e+00;
	vm1 =	vgt.f32 v4, $0.0e+00;
	v8 =	vmul.f32 $2.000000030e-01, v3  }
0x260: {  	v61 =	vmul.f32 $2.000000030e-01, v4;
	v5 =	vsel vm14, v5, v60;
	vm15 =	vgt.f32 v3, $0.0e+00  }
0x261: {  	v62 =	vmul.f32 $1.442695020e+00, v7;
	v5 =	vsub.f32 v5, v1;
	v3 =	vsel vm15, v3, v8  }
0x262: {  	(erf) = vpow2.f32 v9;
	v4 =	vsel vm1, v4, v61;
	v3 =	vsub.f32 v3, v1  }
0x263: {  	(erf) = vpow2.f32 v62;
	v63 =	vmul.f32 $1.442695020e+00, v5;
	v1 =	vsub.f32 v4, v1  }
0x264: {  	(erf) = vpow2.f32 v2;
	v2 =	vmul.f32 $1.442695020e+00, v3  }
0x265: {  	v1 =	vmul.f32 $1.442695020e+00, v1  }
0x266: {  	(erf) = vpow2.f32 v63  }
0x267: {  	(erf) = vpow2.f32 v2  }
0x268: {  	[tilespmem:s21+$0x30] =	vst v11;
	v2 =	vpop (erf);
	(erf) = vpow2.f32 v1  }
0x269: {  	v1 =	vpop (erf);
	[tilespmem:s21+$0x0] =	vst v2  }
0x26a: {  	v2 =	vpop (erf);
	[tilespmem:s5+$0x90] =	vst v1  }
0x26b: {  	v1 =	vpop (erf);
	[tilespmem:s21+$0x60] =	vst v2  }
0x26c: {  	v2 =	vpop (erf);
	[tilespmem:s5+$0x30] =	vst v1  }
0x26d: {  	v1 =	vpop (erf);
	[tilespmem:s5+$0x0] =	vst v2  }
0x26e: {  	[tilespmem:s6+$0x90] =	vst v1;
	v1 =	vpop (erf)  }
0x26f: {  	[tilespmem:s5+$0x60] =	vst v1;
	v1 =	vpop (erf)  }
0x270: {  	[tilespmem:s6+$0x30] =	vst v1;
	v1 =	vpop (erf)  }
0x271: {  	[tilespmem:s6+$0x0] =	vst v1;
	v1 =	vpop (erf)  }
0x272: {  	[tilespmem:s6+$0x60] =	vst v1  }
.LBB2_16:
0x273: {  	s5 =	sshll.u32 @!p5 s18, $0x9  }
0x274: {  	s7 =	simm.s32 @!p5 $0x80;
	s8 =	simm.s32 @!p5 $0xD000;
	s6 =	sor.u32 @!p5 $0x800, s5  }
0x275: {  	[tilespmem:s8], [sflag:$0xB] =	stream.indirect.gather @!p5 [hbm4b:s16+s7], $0x10, s6, s7, $0xb8;
	[tilespmem:$0x16560] =	vst v63  }
0x276: {  	s5 =	sor.u32 @!p5 $0x880, s5;
	s6 =	simm.s32 @!p5 $0xD800  }
0x277: {  	[tilespmem:s6], [sflag:$0xB] =	stream.indirect.gather @!p5 [hbm4b:s16+s7], $0x10, s5, s7, $0xb8;
	[tilespmem:$0x16560] =	vst v63  }
0x278: {  	s5 =	sshll.u32 @p6 s18, $0x9  }
0x279: {  	s8 =	simm.s32 @p6 $0xE000;
	s7 =	simm.s32 @p6 $0x80;
	s6 =	sor.u32 @p6 $0x900, s5  }
0x27a: {  	[tilespmem:s8], [sflag:$0xB] =	stream.indirect.gather @p6 [hbm4b:s16+s7], $0x10, s6, s7, $0xb8;
	[tilespmem:$0x16560] =	vst v63  }
0x27b: {  	s5 =	sor.u32 @p6 $0x980, s5;
	s6 =	simm.s32 @p6 $0xE800  }
0x27c: {  	[tilespmem:s6], [sflag:$0xB] =	stream.indirect.gather @p6 [hbm4b:s16+s7], $0x10, s5, s7, $0xb8;
	[tilespmem:$0x16560] =	vst v63  }
0x27d: {  	v6 =	vld [tilespmem:s19+$0xFFFFFFD0]  }
0x27e: {  	v3 =	vld [tilespmem:s19+$0x10]  }
0x27f: {  	v7 =	vld [tilespmem:s19+$0x0]  }
0x280: {  	v8 =	vld.msk [tilespmem:s19+$0x20 ss:$0x0], $0xffff  }
0x281: {  	v10 =	vld.msk [tilespmem:s19+$0xFFFFFFF0 ss:$0x0], $0xffff  }
0x282: {  	s5 =	sadd.s32 $0x60, s19;
	v11 =	vld [tilespmem:s19+$0xFFFFFFE0]  }
0x283: {  	v4 =	vld [tilespmem:s5+$0xFFFFFFD0]  }
0x284: {  	v1 =	vld [tilespmem:s5+$0x10]  }
0x285: {  	v5 =	vld [tilespmem:s5+$0x0]  }
0x286: {  	v2 =	vld.msk [tilespmem:s5+$0x20 ss:$0x0], $0xffff;
	v12 =	vmul.f32 v8, v7  }
0x287: {  	v8 =	vmul.f32 v3, v8;
	v3 =	vld.msk [tilespmem:s5+$0xFFFFFFF0 ss:$0x0], $0xffff  }
0x288: {  	s6 =	simm.s32 $0x2;
	s7 =	sadd.s32 $0x60, s5;
	v9 =	vmul.f32 v10, v6;
	v7 =	vmul.f32 v11, v10;
	v6 =	vld [tilespmem:s5+$0xFFFFFFE0];
	[tilespmem:s19+$0x0] =	vst v12  }
.LBB2_17:
0x289: {  	s6 =	sadd.s32 $0x2, s6  }
0x28a: {  	v10 =	vld [tilespmem:s7+$0xFFFFFFD0];
	[tilespmem:s19+$0x10] =	vst v8;
	v8 =	vmov v1;
	p0 =	slt.u32 s6, $0x7E  }
.Ltmp11:
0x28b: {  	v1 =	vld [tilespmem:s7+$0x10];
	[tilespmem:s19+$0xFFFFFFD0] =	vst v9;
	v9 =	vmov v5;
	(pc) =	sbr.rel @p0 .LBB2_17-.Ltmp11, $4  }
0x28c: {  	v5 =	vld [tilespmem:s7+$0x0];
	[tilespmem:s19+$0xFFFFFFE0] =	vst v7;
	s19 =	smov.u32 s5;
	s5 =	smov.u32 s7  }
0x28d: {  	v11 =	vmul.f32 v2, v9;
	v8 =	vmul.f32 v8, v2;
	v2 =	vld.msk [tilespmem:s7+$0x20 ss:$0x0], $0xffff  }
0x28e: {  	v9 =	vmul.f32 v3, v4;
	v7 =	vmul.f32 v6, v3;
	v3 =	vld.msk [tilespmem:s7+$0xFFFFFFF0 ss:$0x0], $0xffff  }
0x28f: {  	s7 =	sadd.s32 $0x60, s7;
	v6 =	vld [tilespmem:s5+$0xFFFFFFE0];
	[tilespmem:s19+$0x0] =	vst v11;
	v4 =	vmov v10  }
0x290: {  	_ = 	snop  }
0x291: {  	[tilespmem:s19+$0x10] =	vst v8  }
0x292: {  	[tilespmem:s19+$0xFFFFFFD0] =	vst v9;
	v5 =	vmul.f32 v2, v5  }
0x293: {  	[tilespmem:s19+$0xFFFFFFE0] =	vst v7;
	v1 =	vmul.f32 v1, v2  }
0x294: {  	v2 =	vmul.f32 v3, v4;
	[tilespmem:s5+$0x0] =	vst v5  }
0x295: {  	v3 =	vmul.f32 v6, v3;
	[tilespmem:s5+$0x10] =	vst v1  }
0x296: {  	[tilespmem:s5+$0xFFFFFFD0] =	vst v2  }
0x297: {  	[tilespmem:s5+$0xFFFFFFE0] =	vst v3  }
0x298: {  	v6 =	vld [tilespmem:s13+$0x0]  }
0x299: {  	v3 =	vld [tilespmem:s13+$0x40]  }
0x29a: {  	v7 =	vld [tilespmem:s13+$0x30]  }
0x29b: {  	v8 =	vld.msk [tilespmem:s13+$0x50 ss:$0x0], $0xffff  }
0x29c: {  	v10 =	vld.msk [tilespmem:s13+$0x20 ss:$0x0], $0xffff  }
0x29d: {  	s5 =	sadd.s32 $0x60, s13;
	v11 =	vld [tilespmem:s13+$0x10]  }
0x29e: {  	v4 =	vld [tilespmem:s5+$0x0]  }
0x29f: {  	v1 =	vld [tilespmem:s5+$0x40]  }
0x2a0: {  	v5 =	vld [tilespmem:s5+$0x30]  }
0x2a1: {  	v2 =	vld.msk [tilespmem:s5+$0x50 ss:$0x0], $0xffff;
	v12 =	vmul.f32 v8, v7  }
0x2a2: {  	v8 =	vmul.f32 v3, v8;
	v3 =	vld.msk [tilespmem:s5+$0x20 ss:$0x0], $0xffff  }
0x2a3: {  	s6 =	simm.s32 $0x2;
	s7 =	sadd.s32 $0x60, s5;
	v9 =	vmul.f32 v10, v6;
	v7 =	vmul.f32 v11, v10;
	v6 =	vld [tilespmem:s5+$0x10];
	[tilespmem:s13+$0x30] =	vst v12  }
.LBB2_19:
0x2a4: {  	s6 =	sadd.s32 $0x2, s6  }
0x2a5: {  	v10 =	vld [tilespmem:s7+$0x0];
	[tilespmem:s13+$0x40] =	vst v8;
	v8 =	vmov v1;
	p0 =	slt.u32 s6, $0x7E  }
.Ltmp12:
0x2a6: {  	v1 =	vld [tilespmem:s7+$0x40];
	[tilespmem:s13+$0x0] =	vst v9;
	v9 =	vmov v5;
	(pc) =	sbr.rel @p0 .LBB2_19-.Ltmp12, $4  }
0x2a7: {  	v5 =	vld [tilespmem:s7+$0x30];
	[tilespmem:s13+$0x10] =	vst v7;
	s13 =	smov.u32 s5;
	s5 =	smov.u32 s7  }
0x2a8: {  	v11 =	vmul.f32 v2, v9;
	v8 =	vmul.f32 v8, v2;
	v2 =	vld.msk [tilespmem:s7+$0x50 ss:$0x0], $0xffff  }
0x2a9: {  	v9 =	vmul.f32 v3, v4;
	v7 =	vmul.f32 v6, v3;
	v3 =	vld.msk [tilespmem:s7+$0x20 ss:$0x0], $0xffff  }
0x2aa: {  	s7 =	sadd.s32 $0x60, s7;
	v6 =	vld [tilespmem:s5+$0x10];
	[tilespmem:s13+$0x30] =	vst v11;
	v4 =	vmov v10  }
0x2ab: {  	_ = 	snop  }
0x2ac: {  	[tilespmem:s13+$0x40] =	vst v8  }
0x2ad: {  	[tilespmem:s13+$0x0] =	vst v9;
	v5 =	vmul.f32 v2, v5  }
.Ltmp13:
0x2ae: {  	[tilespmem:s13+$0x10] =	vst v7;
	v1 =	vmul.f32 v1, v2;
	(pc) =	sbr.rel @p4 .LBB2_26-.Ltmp13, $4  }
0x2af: {  	v2 =	vmul.f32 v3, v4;
	[tilespmem:s5+$0x30] =	vst v5  }
0x2b0: {  	v3 =	vmul.f32 v6, v3;
	[tilespmem:s5+$0x40] =	vst v1  }
0x2b1: {  	[tilespmem:s5+$0x0] =	vst v2  }
0x2b2: {  	[tilespmem:s5+$0x10] =	vst v3  }
0x2b3: {  	v6 =	vld [tilespmem:s12+$0x0]  }
0x2b4: {  	v3 =	vld [tilespmem:s12+$0x40]  }
0x2b5: {  	v7 =	vld [tilespmem:s12+$0x30]  }
0x2b6: {  	v8 =	vld.msk [tilespmem:s12+$0x50 ss:$0x0], $0xffff  }
0x2b7: {  	v10 =	vld.msk [tilespmem:s12+$0x20 ss:$0x0], $0xffff  }
0x2b8: {  	v11 =	vld [tilespmem:s12+$0x10];
	s5 =	sadd.s32 $0x60, s12  }
0x2b9: {  	v4 =	vld [tilespmem:s5+$0x0]  }
0x2ba: {  	v1 =	vld [tilespmem:s5+$0x40]  }
0x2bb: {  	v5 =	vld [tilespmem:s5+$0x30]  }
0x2bc: {  	v2 =	vld.msk [tilespmem:s5+$0x50 ss:$0x0], $0xffff;
	v12 =	vmul.f32 v8, v7  }
0x2bd: {  	v8 =	vmul.f32 v3, v8;
	v3 =	vld.msk [tilespmem:s5+$0x20 ss:$0x0], $0xffff  }
0x2be: {  	s6 =	simm.s32 $0x2;
	s7 =	sadd.s32 $0x60, s5;
	v9 =	vmul.f32 v10, v6;
	v7 =	vmul.f32 v11, v10;
	v6 =	vld [tilespmem:s5+$0x10];
	[tilespmem:s12+$0x30] =	vst v12  }
.LBB2_22:
0x2bf: {  	s6 =	sadd.s32 $0x2, s6  }
0x2c0: {  	v10 =	vld [tilespmem:s7+$0x0];
	[tilespmem:s12+$0x40] =	vst v8;
	v8 =	vmov v1;
	p0 =	slt.u32 s6, $0x7E  }
.Ltmp14:
0x2c1: {  	v1 =	vld [tilespmem:s7+$0x40];
	[tilespmem:s12+$0x0] =	vst v9;
	v9 =	vmov v5;
	(pc) =	sbr.rel @p0 .LBB2_22-.Ltmp14, $4  }
0x2c2: {  	v5 =	vld [tilespmem:s7+$0x30];
	[tilespmem:s12+$0x10] =	vst v7;
	s12 =	smov.u32 s5;
	s5 =	smov.u32 s7  }
0x2c3: {  	v11 =	vmul.f32 v2, v9;
	v8 =	vmul.f32 v8, v2;
	v2 =	vld.msk [tilespmem:s7+$0x50 ss:$0x0], $0xffff  }
0x2c4: {  	v9 =	vmul.f32 v3, v4;
	v7 =	vmul.f32 v6, v3;
	v3 =	vld.msk [tilespmem:s7+$0x20 ss:$0x0], $0xffff  }
0x2c5: {  	s7 =	sadd.s32 $0x60, s7;
	v6 =	vld [tilespmem:s5+$0x10];
	[tilespmem:s12+$0x30] =	vst v11;
	v4 =	vmov v10  }
0x2c6: {  	_ = 	snop  }
0x2c7: {  	[tilespmem:s12+$0x40] =	vst v8  }
0x2c8: {  	[tilespmem:s12+$0x0] =	vst v9;
	v5 =	vmul.f32 v2, v5  }
0x2c9: {  	[tilespmem:s12+$0x10] =	vst v7;
	v1 =	vmul.f32 v1, v2  }
0x2ca: {  	v2 =	vmul.f32 v3, v4;
	[tilespmem:s5+$0x30] =	vst v5  }
0x2cb: {  	v3 =	vmul.f32 v6, v3;
	[tilespmem:s5+$0x40] =	vst v1  }
0x2cc: {  	[tilespmem:s5+$0x0] =	vst v2  }
0x2cd: {  	[tilespmem:s5+$0x10] =	vst v3  }
0x2ce: {  	v6 =	vld [tilespmem:s31+$0x0]  }
0x2cf: {  	v3 =	vld [tilespmem:s31+$0x40]  }
0x2d0: {  	v7 =	vld [tilespmem:s31+$0x30]  }
0x2d1: {  	v8 =	vld.msk [tilespmem:s31+$0x50 ss:$0x0], $0xffff  }
0x2d2: {  	v10 =	vld.msk [tilespmem:s31+$0x20 ss:$0x0], $0xffff  }
0x2d3: {  	s5 =	sadd.s32 $0x60, s31;
	v11 =	vld [tilespmem:s31+$0x10]  }
0x2d4: {  	v4 =	vld [tilespmem:s5+$0x0]  }
0x2d5: {  	v1 =	vld [tilespmem:s5+$0x40]  }
0x2d6: {  	v5 =	vld [tilespmem:s5+$0x30]  }
0x2d7: {  	v2 =	vld.msk [tilespmem:s5+$0x50 ss:$0x0], $0xffff;
	v12 =	vmul.f32 v8, v7  }
0x2d8: {  	v8 =	vmul.f32 v3, v8;
	v3 =	vld.msk [tilespmem:s5+$0x20 ss:$0x0], $0xffff  }
0x2d9: {  	s6 =	simm.s32 $0x2;
	s7 =	sadd.s32 $0x60, s5;
	v9 =	vmul.f32 v10, v6;
	v7 =	vmul.f32 v11, v10;
	v6 =	vld [tilespmem:s5+$0x10];
	[tilespmem:s31+$0x30] =	vst v12  }
.LBB2_24:
0x2da: {  	s6 =	sadd.s32 $0x2, s6  }
0x2db: {  	v10 =	vld [tilespmem:s7+$0x0];
	[tilespmem:s31+$0x40] =	vst v8;
	v8 =	vmov v1;
	p0 =	slt.u32 s6, $0x7E  }
.Ltmp15:
0x2dc: {  	v1 =	vld [tilespmem:s7+$0x40];
	[tilespmem:s31+$0x0] =	vst v9;
	v9 =	vmov v5;
	(pc) =	sbr.rel @p0 .LBB2_24-.Ltmp15, $4  }
0x2dd: {  	v5 =	vld [tilespmem:s7+$0x30];
	[tilespmem:s31+$0x10] =	vst v7;
	s31 =	smov.u32 s5;
	s5 =	smov.u32 s7  }
0x2de: {  	v11 =	vmul.f32 v2, v9;
	v8 =	vmul.f32 v8, v2;
	v2 =	vld.msk [tilespmem:s7+$0x50 ss:$0x0], $0xffff  }
0x2df: {  	v9 =	vmul.f32 v3, v4;
	v7 =	vmul.f32 v6, v3;
	v3 =	vld.msk [tilespmem:s7+$0x20 ss:$0x0], $0xffff  }
0x2e0: {  	s7 =	sadd.s32 $0x60, s7;
	v6 =	vld [tilespmem:s5+$0x10];
	[tilespmem:s31+$0x30] =	vst v11;
	v4 =	vmov v10  }
0x2e1: {  	_ = 	snop  }
0x2e2: {  	[tilespmem:s31+$0x40] =	vst v8  }
0x2e3: {  	[tilespmem:s31+$0x0] =	vst v9;
	v5 =	vmul.f32 v2, v5  }
0x2e4: {  	[tilespmem:s31+$0x10] =	vst v7;
	v1 =	vmul.f32 v1, v2  }
0x2e5: {  	v2 =	vmul.f32 v3, v4;
	[tilespmem:s5+$0x30] =	vst v5  }
0x2e6: {  	s6 =	sshll.u32 s26, $0x9;
	v3 =	vmul.f32 v6, v3;
	[tilespmem:s5+$0x40] =	vst v1  }
0x2e7: {  	s6 =	sand.u32 $0x600, s6;
	[tilespmem:s5+$0x0] =	vst v2  }
0x2e8: {  	s7 =	sor.u32 $0xC, s28;
	s24 =	sor.u32 $0x800, s6;
	[tilespmem:s5+$0x10] =	vst v3  }
0x2e9: {  	[spmem:s2] =	stream.indirect.scatter.add.f32 [tilespmem:s11], [sflag:s7], $0x30, s24, s25, $0xb8;
	[tilespmem:$0x16560] =	vst v63  }
0x2ea: {  	s26 =	sor.u32 $0x880, s6  }
0x2eb: {  	[spmem:s2] =	stream.indirect.scatter.add.f32 [tilespmem:s20], [sflag:s7], $0x30, s26, s25, $0xb8;
	[tilespmem:$0x16560] =	vst v63  }
.Ltmp16:
0x2ec: {  	_ = 	snop;
	(pc) =	sbr.rel .LBB2_27-.Ltmp16, $4  }
0x2ed: {  	s28 =	sadd.s32 $0x4000, s30;
	s8 =	sor.u32 $0x900, s6  }
0x2ee: {  	[spmem:s2] =	stream.indirect.scatter.add.f32 [tilespmem:s28], [sflag:s7], $0x30, s8, s25, $0xb8;
	[tilespmem:$0x16560] =	vst v63  }
0x2ef: {  	s31 =	sadd.s32 $0x5800, s30;
	s6 =	sor.u32 $0x980, s6  }
0x2f0: {  	[spmem:s2] =	stream.indirect.scatter.add.f32 [tilespmem:s31], [sflag:s7], $0x30, s6, s25, $0xb8;
	[tilespmem:$0x16560] =	vst v63  }
.LBB2_26:
0x2f1: {  	s5 =	sshll.u32 s26, $0x9  }
.Ltmp17:
0x2f2: {  	s5 =	sand.u32 $0x600, s5;
	(pc) =	sbr.rel .LBB2_27-.Ltmp17, $4  }
0x2f3: {  	s7 =	sor.u32 $0xC, s28;
	s6 =	sor.u32 $0x800, s5  }
0x2f4: {  	[spmem:s2] =	stream.indirect.scatter.add.f32 [tilespmem:s11], [sflag:s7], $0x30, s6, s25, $0xb8;
	[tilespmem:$0x16560] =	vst v63  }
0x2f5: {  	s5 =	sor.u32 $0x880, s5  }
0x2f6: {  	[spmem:s2] =	stream.indirect.scatter.add.f32 [tilespmem:s20], [sflag:s7], $0x30, s5, s25, $0xb8;
	[tilespmem:$0x16560] =	vst v63  }
.LBB2_29:
0x2f7: {  	_ =	sfence.sel $0x180000  }
0x2f8: {  	[bflag:$0x0] =	sbarrier.arrive $0xFFFF  }
0x2f9: {  	_ =	strace $0x9000004A  }
0x2fa: {  	s0 =	stileid.u32;
	[bflag:$0x2] =	sbarrier.arrive $0xFFFF  }
0x2fb: {  	p0 =	sne.s32 s0, $0x0;
	s0 =	rddreg [dreg:$0x3]  }
0x2fc: {  	s0 =	sadd.s32 @!p0 $0x100000, s0  }
0x2fd: {  	[sflag:s0] =	ssyncadd.tile.s32 @!p0 $0x1;
	_ =	shalt  }
.Lfunc_end2:
_tile_overlayer_lowered:
.L_overlay_start_2:
0x2fe: {  	(tag) =	ssettag $0x2  }
0x2ff: {  	s0 =	rddreg [dreg:$0x0];
	s2 =	stileid.u32  }
0x300: {  	s1 =	rddreg [dreg:$0x1];
	p0 =	sne.s32 s2, $0x0  }
0x301: {  	s3 =	rddreg [dreg:$0x2];
	[bflag:$0x3] =	sbarrier.arrive $0xFFFF;
	s2 =	simm.s32 @!p0 $0x1C0E  }
0x302: {  	[timem:s3], [sflag:s2] =	dma.local @!p0 [hbm:s0], s1  }
0x303: {  	s0 =	simm.s32 @!p0 $0xE  }
0x304: {  	_ =	swait.ge @!p0 [sflag:s0], s1  }
0x305: {  	s1 =	ssub.s32 @!p0 $0x0, s1;
	[sflag:s0] =	ssyncset.done @!p0 $0x0  }
0x306: {  	[sflag:s0] =	ssyncadd.s32 @!p0 s1  }
0x307: {  	[bflag:$0x3] =	sbarrier.arrive $0xFFFF  }
0x308: {  	_ =	shalt  }

// kernel: kernel.7.cloned.1.call-start
scs
__scs_entry_jumppad:
0x0: {  	(pc) =	sbr.rel $0x88, $3  }
0x1: {  	(tag) =	ssettag $0x0;
	lr =	simm.s32 $0x1  }
0x2: {  	[smem:$0x3F99] =	sst lr;
	_ =	strace $0xD0000000  }
0x3: {  	_ = 	snop  }
0x4: {  	_ = 	snop  }
0x5: {  	_ = 	snop  }
0x6: {  	_ = 	snop  }
0x7: {  	_ = 	snop  }
__scs_overlays_trampoline_lowered:
0x8: {  	[smem:$0x3FA8] =	sst s0  }
0x9: {  	[smem:$0x3FA9] =	sst s1  }
0xa: {  	[smem:$0x3FAA] =	sst s2  }
0xb: {  	[smem:$0x3FAB] =	sst s3  }
0xc: {  	[smem:$0x3FAC] =	sst s4  }
0xd: {  	[smem:$0x3FAD] =	sst s5  }
0xe: {  	[smem:$0x3FAE] =	sst s6  }
0xf: {  	[smem:$0x3FAF] =	sst s7  }
0x10: {  	[smem:$0x3FB0] =	sst s8  }
0x11: {  	[smem:$0x3FB1] =	sst s9;
	s0 =	simm.s32 @!p0 $0x0  }
0x12: {  	s1 =	sld [smem:$0x3F97];
	s0 =	simm.s32 @p0 $0x1  }
0x13: {  	[smem:$0x3FB2] =	sst s0;
	s0 =	simm.s32 @!p1 $0x0  }
0x14: {  	s2 =	sld [smem:$0x3F96];
	s0 =	simm.s32 @p1 $0x1  }
0x15: {  	[smem:$0x3FB3] =	sst s0;
	s0 =	simm.s32 @!p2 $0x0  }
0x16: {  	s3 =	sld [smem:$0x3FDB];
	s0 =	simm.s32 @p2 $0x1  }
0x17: {  	s4 =	simm.s32 $0x1BF5;
	[smem:$0x3FB5] =	sst s0  }
0x18: {  	s0 =	sld [smem:$0x3F98];
	_ =	swait.ge [sflag:s4], $0x0  }
0x19: {  	s7 =	sld [smem:$0x3F99]  }
0x1a: {  	s8 =	sadd.s32 $0xFFFFE003, lr  }
0x1b: {  	s9 =	sadd.s32 $0xFFFFFEF7, lr;
	s5 =	simm.s32 $0xFFFFFFFF;
	p2 =	slt.u32 s8, $0xFFFFF086  }
0x1c: {  	p1 =	slt.u32 s9, $0xF7A;
	s5 =	simm.s32 @!p2 $0x0  }
0x1d: {  	s5 =	simm.s32 @p1 $0x1;
	p0 =	seq.s32 s7, s2  }
0x1e: {  	s7 =	smul.u32 @!p0 $0xF7A, s2;
	p2 =	seq.s32 @!p0 s5, $0x0  }
0x1f: {  	s9 =	smul.u32 $0xF7A, s1;
	s8 =	simm.s32 @!p0 $0x1BF5;
	p2 =	por !p2, p0  }
0x20: {  	[sflag:s8] =	ssyncset.s32 @!p0 $0xFFFFF086;
	s6 =	sadd.s32 @!p0 s3, s7;
	s7 =	simm.s32 @!p0 $0x108  }
0x21: {  	s3 =	sadd.s32 s3, s9;
	s6 =	sadd.s32 @!p0 $0x88, s6;
	s7 =	simm.s32 @p2 $0x1082  }
0x22: {  	[simem:s7], [sflag:s8] =	dma.local @!p0 [hbm:s6], $0xF7A  }
0x23: {  	s9 =	sor.u32 $0xD0000000, s2;
	s6 =	simm.s32 $0x108;
	_ =	swait.ge @!p0 [sflag:s8], $0x0  }
0x24: {  	s3 =	sadd.s32 $0x88, s3;
	s6 =	simm.s32 @!p1 $0x1082;
	[sflag:s4] =	ssyncset.s32 $0xFFFFF086  }
0x25: {  	[simem:s6], [sflag:s4] =	dma.local [hbm:s3], $0xF7A  }
0x26: {  	[smem:$0x3F99] =	sst s1;
	(tag) =	ssettag s2;
	_ =	strace s9  }
0x27: {  	s1 =	sld [smem:$0x3FA9]  }
0x28: {  	s2 =	sld [smem:$0x3FAA]  }
0x29: {  	s4 =	sld [smem:$0x3FAC]  }
0x2a: {  	p0 =	seq.s32 s5, $0x0;
	s5 =	sld [smem:$0x3FAD]  }
0x2b: {  	s6 =	sld [smem:$0x3FAE]  }
0x2c: {  	s7 =	sld [smem:$0x3FAF]  }
0x2d: {  	s3 =	simm.s32 $0x108;
	s8 =	sld [smem:$0x3FB0]  }
0x2e: {  	s3 =	simm.s32 @!p0 $0x1082;
	s9 =	sld [smem:$0x3FB1]  }
0x2f: {  	lr =	sadd.s32 s0, s3;
	s0 =	sld [smem:$0x3FA8]  }
0x30: {  	s3 =	sld [smem:$0x3FAB]  }
0x31: {  	[smem:$0x3FB4] =	sst s10  }
0x32: {  	s10 =	sld [smem:$0x3FB2];
	_ =	sdelay $0x3  }
0x33: {  	p0 =	seq.s32 s10, $0x1;
	s10 =	sld [smem:$0x3FB4];
	_ =	sdelay $0x3  }
0x34: {  	[smem:$0x3FB4] =	sst s10  }
0x35: {  	s10 =	sld [smem:$0x3FB3];
	_ =	sdelay $0x3  }
0x36: {  	p1 =	seq.s32 s10, $0x1;
	s10 =	sld [smem:$0x3FB4];
	_ =	sdelay $0x3  }
0x37: {  	[smem:$0x3FB4] =	sst s10  }
0x38: {  	s10 =	sld [smem:$0x3FB5]  }
0x39: {  	_ = 	snop;
	(pc) =	sbr.ind lr, $3  }
0x3a: {  	_ = 	snop  }
0x3b: {  	_ = 	snop  }
0x3c: {  	p2 =	seq.s32 s10, $0x1;
	s10 =	sld [smem:$0x3FB4]  }
0x3d: {  	_ =	shalt  }
0x3e: {  	_ =	shalt  }
0x3f: {  	_ =	shalt  }
0x40: {  	_ =	shalt  }
0x41: {  	_ =	shalt  }
0x42: {  	_ =	shalt  }
0x43: {  	_ =	shalt  }
0x44: {  	_ =	shalt  }
0x45: {  	_ =	shalt  }
0x46: {  	_ =	shalt  }
0x47: {  	_ =	shalt  }
0x48: {  	_ =	shalt  }
0x49: {  	_ =	shalt  }
0x4a: {  	_ =	shalt  }
0x4b: {  	_ =	shalt  }
0x4c: {  	_ =	shalt  }
0x4d: {  	_ =	shalt  }
0x4e: {  	_ =	shalt  }
0x4f: {  	_ =	shalt  }
0x50: {  	_ =	shalt  }
0x51: {  	_ =	shalt  }
0x52: {  	_ =	shalt  }
0x53: {  	_ =	shalt  }
0x54: {  	_ =	shalt  }
0x55: {  	_ =	shalt  }
0x56: {  	_ =	shalt  }
0x57: {  	_ =	shalt  }
0x58: {  	_ =	shalt  }
0x59: {  	_ =	shalt  }
0x5a: {  	_ =	shalt  }
0x5b: {  	_ =	shalt  }
0x5c: {  	_ =	shalt  }
0x5d: {  	_ =	shalt  }
0x5e: {  	_ =	shalt  }
0x5f: {  	_ =	shalt  }
0x60: {  	_ =	shalt  }
0x61: {  	_ =	shalt  }
0x62: {  	_ =	shalt  }
0x63: {  	_ =	shalt  }
0x64: {  	_ =	shalt  }
0x65: {  	_ =	shalt  }
0x66: {  	_ =	shalt  }
0x67: {  	_ =	shalt  }
0x68: {  	_ =	shalt  }
0x69: {  	_ =	shalt  }
0x6a: {  	_ =	shalt  }
0x6b: {  	_ =	shalt  }
0x6c: {  	_ =	shalt  }
0x6d: {  	_ =	shalt  }
0x6e: {  	_ =	shalt  }
0x6f: {  	_ =	shalt  }
0x70: {  	_ =	shalt  }
0x71: {  	_ =	shalt  }
0x72: {  	_ =	shalt  }
0x73: {  	_ =	shalt  }
0x74: {  	_ =	shalt  }
0x75: {  	_ =	shalt  }
0x76: {  	_ =	shalt  }
0x77: {  	_ =	shalt  }
0x78: {  	_ =	shalt  }
0x79: {  	_ =	shalt  }
0x7a: {  	_ =	shalt  }
0x7b: {  	_ =	shalt  }
0x7c: {  	_ =	shalt  }
0x7d: {  	_ =	shalt  }
0x7e: {  	_ =	shalt  }
0x7f: {  	_ =	shalt  }
0x80: {  	_ =	shalt  }
0x81: {  	_ =	shalt  }
0x82: {  	_ =	shalt  }
0x83: {  	_ =	shalt  }
0x84: {  	_ =	shalt  }
0x85: {  	_ =	shalt  }
0x86: {  	_ =	shalt  }
0x87: {  	_ =	shalt  }
.Lfunc_end0:
.L_simem_size_0:
called_computation_lowered:
.L_overlay_start_0:
0x88: {  	s2 =	sld [smem:$0x3FD9]  }
0x89: {  	s3 =	sld [smem:$0x3FFE];
	_ =	sdelay $0x1  }
0x8a: {  	s1 =	srdreg.scid  }
0x8b: {  	s0 =	sand.u32 $0x1, s1  }
0x8c: {  	s17 =	sshll.u32 s0, $0xA;
	s2 =	sadd.s32 s3, s2  }
0x8d: {  	s2 =	sadd.s32 s2, s17  }
0x8e: {  	[smem:$0x3FC0] =	sst s2  }
0x8f: {  	_ = 	snop  }
0x90: {  	s2 =	sld [smem:$0x3FD0];
	(tm) =	ssettm $0x1  }
0x91: {  	s18 =	sld [smem:$0x3FFB];
	_ =	sdelay $0x3  }
0x92: {  	_ =	strace s18  }
0x93: {  	s3 =	sld [smem:$0x3FFC];
	_ =	sdelay $0x3  }
0x94: {  	_ =	strace s3  }
0x95: {  	s3 =	sld [smem:$0x3FFD];
	_ =	sdelay $0x3  }
0x96: {  	_ =	strace s3  }
0x97: {  	_ =	strace $0x8FFFFFFF  }
0x98: {  	s19 =	sld [smem:$0x3FDB];
	_ =	sdelay $0x1  }
0x99: {  	s4 =	simm.s32 $_scs_section_size  }
0x9a: {  	s5 =	simm.s32 $_size__tile_overlayer_lowered;
	s6 =	simm.s32 $_tile_overlayer_lowered  }
0x9b: {  	s22 =	simm.s32 $0x1BFF;
	s21 =	sshll.u32 s6, $0x1;
	s3 =	sadd.s32 s4, s19  }
0x9c: {  	s7 =	simm.s32 $0x0;
	s20 =	sshll.u32 s5, $0x1;
	s5 =	sadd.s32 s21, s3  }
0x9d: {  	[timem:s7], [sflag:s22] =	dma.local [hbm:s5], s20  }
0x9e: {  	_ =	swait.ge [sflag:s22], s20  }
0x9f: {  	s4 =	ssub.s32 $0x0, s20;
	[sflag:s22] =	ssyncset.done $0x0  }
0xa0: {  	[sflag:s22] =	ssyncadd.s32 s4;
	_ =	sdelay $0x1  }
0xa1: {  	s23 =	simm.s32 $0x1B8B  }
0xa2: {  	_ =	swait.ge [sflag:s23], $0x1  }
0xa3: {  	[sflag:s23] =	ssyncset.done $0x0  }
0xa4: {  	s25 =	simm.s32 $0x1B8E;
	s24 =	sld [smem:$0x3FFE];
	[sflag:s23] =	ssyncadd.s32 $0xFFFFFFFF  }
0xa5: {  	s26 =	simm.s32 $execute0_lowered;
	[smem:$0x3FD2] =	sst s25  }
0xa6: {  	s5 =	sshll.u32 s26, $0x1;
	_ =	strace $0x80000046;
	[dreg:$0x1] =	wrdreg $0xFFFFFFFF  }
0xa7: {  	s28 =	simm.s32 $_size_execute0_lowered;
	s3 =	sadd.s32 s3, s5;
	[dreg:$0x0] =	wrdreg $0x0  }
0xa8: {  	s5 =	sshll.u32 s28, $0x1;
	[dreg:$0x2] =	wrdreg s3  }
0xa9: {  	[dreg:$0x3] =	wrdreg s5  }
0xaa: {  	[dreg:$0x4] =	wrdreg $0xC0  }
0xab: {  	_ =	task [dreg:s7], $0x5FFFF  }
0xac: {  	[dreg:$0x1] =	wrdreg $0xFFFFFFFF  }
0xad: {  	[dreg:$0x0] =	wrdreg $0x60  }
0xae: {  	[dreg:$0x2] =	wrdreg s24  }
0xaf: {  	[dreg:$0x3] =	wrdreg s2  }
0xb0: {  	[dreg:$0x4] =	wrdreg $0x9C300  }
0xb1: {  	[dreg:$0x5] =	wrdreg $0x9  }
0xb2: {  	_ =	task.clear_ibuf [dreg:s7], $0x6FFFF;
	_ =	strace $0x90000046  }
0xb3: {  	s29 =	simm.s32 $0x9;
	_ =	strace $0x80000048  }
0xb4: {  	_ =	swait.ge [sflag:s29], $0x1  }
0xb5: {  	[sflag:s29] =	ssyncadd.s32 $0xFFFFFFFF  }
0xb6: {  	_ =	strace $0x90000048  }
0xb7: {  	_ =	sfence  }
0xb8: {  	s30 =	sld [smem:$0x0];
	_ =	sdelay $0x2  }
0xb9: {  	s31 =	sshll.u32 s1, $0xD;
	s1 =	sshrl.u32 s1, $0x2  }
0xba: {  	s3 =	sand.u32 $0x4000, s31;
	s1 =	sadd.s32 s1, s30  }
0xbb: {  	s0 =	sor.u32 s3, s0;
	s1 =	sshll.u32 s1, $0x11  }
0xbc: {  	s0 =	sor.u32 s1, s0  }
0xbd: {  	s0 =	sadd.s32 $0x8F2B, s0  }
0xbe: {  	[sflag:s0] =	ssyncadd.remote.s32 $0x1  }
0xbf: {  	_ =	sfence.sel $0xFFFF  }
0xc0: {  	[dreg:$0x0] =	wrdreg $0xFFFFFFFF;
	(pc) =	sbr.abs _section_cstart, $3  }
0xc1: {  	[dreg:$0x1] =	wrdreg $0xFFFFFFFF  }
0xc2: {  	_ =	task.clear_ibuf [dreg:s7], $0x2FFFF;
	_ =	strace $0x9FFFFFFF  }
0xc3: {  	(tm) =	ssettm $0x7FFFFFFF  }
tec
execute0_lowered:
.L_overlay_start_1:
0x0: {  	(tag) =	ssettag $0x1  }
0x1: {  	s2 =	srdreg.scid  }
0x2: {  	s4 =	sand.u32 $0x1, s2  }
0x3: {  	s0 =	rddreg [dreg:$0x0];
	s3 =	smul.u32 $0x2BF20, s4  }
0x4: {  	s1 =	rddreg [dreg:$0x1];
	s5 =	ssub.s32 $0x2, s4  }
0x5: {  	s7 =	sshrl.u32 s5, $0x1;
	s6 =	sadd.s32 s3, s0;
	s3 =	stileid.u32  }
0x6: {  	s5 =	ssub.s32 s5, s7;
	s7 =	sor.u32 $0x10, s3;
	s8 =	smul.u32 $0x5A0, s3  }
0x7: {  	s17 =	simm.s32 $0x0;
	s10 =	sor.u32 $0x20, s3;
	s11 =	smul.u32 $0x5A0, s7  }
0x8: {  	s2 =	rddreg [dreg:$0x2];
	s12 =	sor.u32 $0x30, s3;
	s13 =	smul.u32 $0x5A0, s10  }
0x9: {  	[smem:$0x7FF] =	sst s17;
	s19 =	sor.u32 $0x40, s3;
	s14 =	smul.u32 $0x5A0, s12  }
0xa: {  	s17 =	sadd.s32 $0x32800, s0;
	s20 =	sor.u32 $0x50, s3;
	s15 =	smul.u32 $0x5A0, s19  }
0xb: {  	s9 =	ssub.s32 $0x4F1, s3;
	s21 =	sor.u32 $0x60, s3;
	s16 =	smul.u32 $0x5A0, s20  }
0xc: {  	s6 =	sadd.s32 $0x3C600, s6;
	s22 =	sor.u32 $0x70, s3;
	s24 =	smul.u32 $0x5A0, s21  }
0xd: {  	s9 =	sshrl.u32 s9, $0x4;
	s28 =	smul.u32 $0x5A0, s22;
	s8 =	sadd.s32 s6, s8  }
0xe: {  	p1 =	sgt.u32 s22, $0x7C;
	[dreg:$0x4] =	wrdreg s8;
	s23 =	sadd.s32 s6, s11  }
0xf: {  	s18 =	sadd.s32 $0xFFFFFFFF, s9;
	s25 =	sadd.s32 s6, s13;
	[dreg:$0x5] =	wrdreg s23  }
0x10: {  	s26 =	sadd.s32 s6, s14;
	s29 =	sadd.s32 s6, s15;
	[dreg:$0x6] =	wrdreg s25  }
0x11: {  	s30 =	sadd.s32 s6, s16;
	s8 =	sadd.s32 s6, s24;
	[dreg:$0x7] =	wrdreg s26  }
0x12: {  	s6 =	sadd.s32 s6, s28;
	s13 =	ssub.s32 $0x4E2, s3;
	[dreg:$0x8] =	wrdreg s29  }
0x13: {  	s31 =	sshll.u32 s18, $0x4;
	s14 =	smul.u32 $0x4E2, s4;
	[dreg:$0x9] =	wrdreg s30  }
0x14: {  	s15 =	sadd.s32 $0x1600, s0;
	s16 =	sadd.s32 $0x2D600, s0;
	[dreg:$0xa] =	wrdreg s8  }
0x15: {  	s0 =	sadd.s32 $0x32600, s0;
	s28 =	sand.u32 $0x1, s18;
	[dreg:$0xb] =	wrdreg s6  }
0x16: {  	p0 =	sge.u32 s31, s13;
	s29 =	smul.u32 $0xB400, s7;
	s30 =	sand.u32 $0x1, s9  }
0x17: {  	s31 =	smul.u32 $0xB400, s3;
	_ =	strace $0x80000047;
	s4 =	sadd.s32 s3, s14  }
0x18: {  	s8 =	sadd.s32 s14, s7;
	[dreg:$0xc] =	wrdreg s0;
	s7 =	smax.u32 s5, $0x1  }
0x19: {  	s11 =	sshll.u32 s4, $0x4;
	s23 =	sshll.u32 s8, $0x4;
	[dreg:$0x11] =	wrdreg s7  }
0x1a: {  	s8 =	smul.u32 $0xB400, s10;
	s9 =	sshrl.u32 s31, $0x2;
	s24 =	sadd.s32 s17, s11  }
0x1b: {  	s4 =	sshrl.u32 s29, $0x2;
	s0 =	sadd.s32 s1, s11;
	[dreg:$0xd] =	wrdreg s24  }
0x1c: {  	s10 =	smul.u32 $0xB400, s12;
	s25 =	sadd.s32 s17, s23;
	[dreg:$0xe] =	wrdreg s0  }
0x1d: {  	s26 =	sadd.s32 s1, s23;
	s23 =	sor.u32 $0xC, s28;
	[dreg:$0xf] =	wrdreg s25  }
0x1e: {  	s5 =	sadd.s32 s9, s2;
	s11 =	smul.u32 $0xB400, s19;
	[dreg:$0x10] =	wrdreg s26  }
0x1f: {  	s4 =	sadd.s32 s4, s2;
	s19 =	smul.u32 $0xB400, s20;
	[dreg:$0x12] =	wrdreg s5  }
0x20: {  	s9 =	simm.s32 $0x400;
	s24 =	sor.u32 $0xC, s30;
	[dreg:$0x13] =	wrdreg s4  }
0x21: {  	s0 =	sshrl.u32 s8, $0x2;
	s18 =	sshrl.u32 s10, $0x2;
	s25 =	smul.u32 $0xB400, s21  }
0x22: {  	s26 =	smul.u32 $0xB400, s22;
	s8 =	simm.s32 $0x80;
	s10 =	simm.s32 $0xE  }
.Ltmp0:
0x23: {  	s12 =	sadd.s32 s0, s2;
	s20 =	sadd.s32 s18, s2;
	(pc) =	sbr.rel .LBB2_1-.Ltmp0, $4  }
0x24: {  	s4 =	sshrl.u32 s11, $0x2;
	s28 =	sshrl.u32 s19, $0x2;
	s29 =	sshrl.u32 s25, $0x2  }
0x25: {  	s18 =	simm.s32 $0xB;
	s30 =	sshrl.u32 s26, $0x2;
	s0 =	sadd.s32 s29, s2  }
0x26: {  	s19 =	simm.s32 $0x0;
	s31 =	sadd.s32 s30, s2;
	[dreg:$0x14] =	wrdreg s0  }
0x27: {  	v0 =	vimm.f32 $0.0e+00;
	s21 =	sadd.s32 s4, s2;
	s22 =	sadd.s32 s28, s2;
	[dreg:$0x15] =	wrdreg s31  }
.LBB2_12:
0x28: {  	_ =	swait.ge @!p0 [sflag:s23], $0x4800  }
0x29: {  	[sflag:s23] =	ssyncset.done @!p0 $0x0  }
0x2a: {  	[sflag:s23] =	ssyncadd.s32 @!p0 $0xFFFFB800  }
0x2b: {  	_ =	swait.ge [sflag:s24], $0x4800  }
0x2c: {  	[sflag:s24] =	ssyncset.done $0x0  }
0x2d: {  	[sflag:s24] =	ssyncadd.s32 $0xFFFFB800  }
0x2e: {  	[bflag:$0x0] =	sbarrier.arrive $0xFFFF  }
0x2f: {  	s4 =	sshll.u32 s3, $0x6;
	s7 =	rddreg [dreg:$0x12]  }
0x30: {  	s4 =	sor.u32 $0x1C0E, s4;
	s11 =	rddreg [dreg:$0x4];
	s7 =	sshrl.u32 s7, $0x3  }
0x31: {  	[hbm:s11], [sflag:s4] =	dma.local [spmem:s7], $0x5A0  }
0x32: {  	_ =	swait.ge [sflag:s10], $0x5A0  }
0x33: {  	[sflag:s10] =	ssyncset.done $0x0;
	s26 =	rddreg [dreg:$0x13]  }
0x34: {  	s28 =	rddreg [dreg:$0x5];
	[sflag:s10] =	ssyncadd.s32 $0xFFFFFA60;
	s7 =	sshrl.u32 s26, $0x3  }
0x35: {  	[hbm:s28], [sflag:s4] =	dma.local [spmem:s7], $0x5A0  }
0x36: {  	_ =	swait.ge [sflag:s10], $0x5A0  }
0x37: {  	[sflag:s10] =	ssyncset.done $0x0  }
0x38: {  	s29 =	sshrl.u32 s31, $0x3;
	s30 =	rddreg [dreg:$0x6];
	[sflag:s10] =	ssyncadd.s32 $0xFFFFFA60  }
0x39: {  	[hbm:s30], [sflag:s4] =	dma.local [spmem:s29], $0x5A0  }
0x3a: {  	_ =	swait.ge [sflag:s10], $0x5A0  }
0x3b: {  	s12 =	smov.u32 s31;
	s20 =	smov.u32 s0;
	[sflag:s10] =	ssyncset.done $0x0  }
0x3c: {  	s31 =	sshrl.u32 s0, $0x3;
	s0 =	rddreg [dreg:$0x7];
	[sflag:s10] =	ssyncadd.s32 $0xFFFFFA60  }
0x3d: {  	[hbm:s0], [sflag:s4] =	dma.local [spmem:s31], $0x5A0  }
0x3e: {  	_ =	swait.ge [sflag:s10], $0x5A0  }
0x3f: {  	[sflag:s10] =	ssyncset.done $0x0  }
0x40: {  	s11 =	sshrl.u32 s5, $0x3;
	s22 =	rddreg [dreg:$0x8];
	[sflag:s10] =	ssyncadd.s32 $0xFFFFFA60  }
0x41: {  	[hbm:s22], [sflag:s4] =	dma.local [spmem:s11], $0x5A0  }
0x42: {  	_ =	swait.ge [sflag:s10], $0x5A0  }
0x43: {  	[sflag:s10] =	ssyncset.done $0x0  }
0x44: {  	s25 =	sshrl.u32 s6, $0x3;
	s26 =	rddreg [dreg:$0x9];
	[sflag:s10] =	ssyncadd.s32 $0xFFFFFA60  }
0x45: {  	[hbm:s26], [sflag:s4] =	dma.local [spmem:s25], $0x5A0  }
0x46: {  	_ =	swait.ge [sflag:s10], $0x5A0  }
0x47: {  	[sflag:s10] =	ssyncset.done $0x0;
	s28 =	rddreg [dreg:$0x14]  }
0x48: {  	s30 =	rddreg [dreg:$0xa];
	[sflag:s10] =	ssyncadd.s32 $0xFFFFFA60;
	s29 =	sshrl.u32 s28, $0x3  }
0x49: {  	[hbm:s30], [sflag:s4] =	dma.local [spmem:s29], $0x5A0  }
0x4a: {  	_ =	swait.ge [sflag:s10], $0x5A0  }
0x4b: {  	[sflag:s10] =	ssyncset.done $0x0;
	s0 =	rddreg [dreg:$0x15]  }
0x4c: {  	s11 =	rddreg [dreg:$0xb];
	[sflag:s10] =	ssyncadd.s32 $0xFFFFFA60;
	s7 =	sshrl.u32 @!p1 s0, $0x3  }
0x4d: {  	[hbm:s11], [sflag:s4] =	dma.local @!p1 [spmem:s7], $0x5A0  }
0x4e: {  	s4 =	simm.s32 @!p1 $0xE  }
0x4f: {  	_ =	swait.ge @!p1 [sflag:s4], $0x5A0  }
0x50: {  	s19 =	sadd.s32 $0x1, s19;
	s31 =	rddreg [dreg:$0x11]  }
0x51: {  	p2 =	sne.s32 s19, s31  }
.Ltmp1:
0x52: {  	_ = 	snop;
	(pc) =	sbr.rel @!p2 .LBB2_13-.Ltmp1, $3  }
0x53: {  	_ =	sdelay $0x1  }
0x54: {  	[sflag:s4] =	ssyncset.done @!p1 $0x0  }
0x55: {  	s21 =	smov.u32 s5;
	s22 =	smov.u32 s6;
	[sflag:s4] =	ssyncadd.s32 @!p1 $0xFFFFFA60  }
.LBB2_1:
0x56: {  	s4 =	simm.s32 $0x0;
	s7 =	rddreg [dreg:$0xd]  }
0x57: {  	[tilespmem:s4], [sflag:$0x1] =	stream.linear.gather [hbm4b:s7+s4], $0x80, $0x38;
	[tilespmem:$0x1FBC0] =	vst v63  }
0x58: {  	s28 =	rddreg [dreg:$0xe];
	s0 =	simm.s32 $0x200  }
0x59: {  	[tilespmem:s0], [sflag:$0x5] =	stream.linear.gather [hbm4b:s28+s4], $0x80, $0x38;
	[tilespmem:$0x1FBC0] =	vst v63  }
0x5a: {  	s29 =	rddreg [dreg:$0xf]  }
0x5b: {  	[tilespmem:s8], [sflag:$0x2] =	stream.linear.gather [hbm4b:s29+s4], $0x80, $0x38;
	[tilespmem:$0x1FBC0] =	vst v63  }
0x5c: {  	s30 =	rddreg [dreg:$0x10];
	s31 =	simm.s32 $0x280  }
0x5d: {  	[tilespmem:s31], [sflag:$0x6] =	stream.linear.gather [hbm4b:s30+s4], $0x80, $0x38;
	[tilespmem:$0x1FBC0] =	vst v63  }
0x5e: {  	s7 =	simm.s32 $0x240;
	s4 =	simm.s32 $0x0  }
.LBB2_2:
0x5f: {  	p2 =	sne.s32 s7, $0xB1C0;
	[tilespmem:s4+$0x480] =	vst v0  }
0x60: {  	[tilespmem:s4+$0x400] =	vst v0  }
0x61: {  	[tilespmem:s4+$0x410] =	vst v0  }
0x62: {  	[tilespmem:s4+$0x420] =	vst v0  }
.Ltmp2:
0x63: {  	[tilespmem:s4+$0x430] =	vst v0;
	(pc) =	sbr.rel @p2 .LBB2_2-.Ltmp2, $4  }
0x64: {  	[tilespmem:s4+$0x440] =	vst v0  }
0x65: {  	[tilespmem:s4+$0x450] =	vst v0  }
0x66: {  	[tilespmem:s4+$0x460] =	vst v0  }
0x67: {  	[tilespmem:s4+$0x470] =	vst v0;
	s4 =	sshra.s32 s7, $0x2;
	s7 =	sadd.s32 $0x240, s7  }
0x68: {  	[tilespmem:s4+$0x480] =	vst v0  }
0x69: {  	[tilespmem:s4+$0x400] =	vst v0  }
0x6a: {  	[tilespmem:s4+$0x410] =	vst v0  }
0x6b: {  	[tilespmem:s4+$0x420] =	vst v0  }
0x6c: {  	[tilespmem:s4+$0x430] =	vst v0  }
0x6d: {  	[tilespmem:s4+$0x440] =	vst v0  }
0x6e: {  	[tilespmem:s4+$0x450] =	vst v0  }
0x6f: {  	[tilespmem:s4+$0x460] =	vst v0  }
0x70: {  	[tilespmem:s4+$0x470] =	vst v0;
	s7 =	rddreg [dreg:$0x12]  }
0x71: {  	[spmem:s7] =	stream.linear.scatter [tilespmem:s9], [sflag:$0xE], $0x2D00, $0x38;
	[tilespmem:$0x1FBC0] =	vst v63  }
0x72: {  	_ =	swait.ge [sflag:s10], $0x2D00  }
0x73: {  	[sflag:s10] =	ssyncset.done $0x0  }
0x74: {  	s11 =	rddreg [dreg:$0x13];
	[sflag:s10] =	ssyncadd.s32 $0xFFFFD300  }
0x75: {  	[spmem:s11] =	stream.linear.scatter [tilespmem:s9], [sflag:$0xE], $0x2D00, $0x38;
	[tilespmem:$0x1FBC0] =	vst v63  }
0x76: {  	_ =	swait.ge [sflag:s10], $0x2D00  }
0x77: {  	[sflag:s10] =	ssyncset.done $0x0  }
0x78: {  	[sflag:s10] =	ssyncadd.s32 $0xFFFFD300  }
0x79: {  	[spmem:s12] =	stream.linear.scatter [tilespmem:s9], [sflag:$0xE], $0x2D00, $0x38;
	[tilespmem:$0x1FBC0] =	vst v63  }
0x7a: {  	_ =	swait.ge [sflag:s10], $0x2D00  }
0x7b: {  	[sflag:s10] =	ssyncset.done $0x0  }
0x7c: {  	[sflag:s10] =	ssyncadd.s32 $0xFFFFD300  }
0x7d: {  	[spmem:s20] =	stream.linear.scatter [tilespmem:s9], [sflag:$0xE], $0x2D00, $0x38;
	[tilespmem:$0x1FBC0] =	vst v63  }
0x7e: {  	_ =	swait.ge [sflag:s10], $0x2D00  }
0x7f: {  	[sflag:s10] =	ssyncset.done $0x0  }
0x80: {  	[sflag:s10] =	ssyncadd.s32 $0xFFFFD300  }
0x81: {  	[spmem:s21] =	stream.linear.scatter [tilespmem:s9], [sflag:$0xE], $0x2D00, $0x38;
	[tilespmem:$0x1FBC0] =	vst v63  }
0x82: {  	_ =	swait.ge [sflag:s10], $0x2D00  }
0x83: {  	[sflag:s10] =	ssyncset.done $0x0  }
0x84: {  	[sflag:s10] =	ssyncadd.s32 $0xFFFFD300  }
0x85: {  	[spmem:s22] =	stream.linear.scatter [tilespmem:s9], [sflag:$0xE], $0x2D00, $0x38;
	[tilespmem:$0x1FBC0] =	vst v63  }
0x86: {  	_ =	swait.ge [sflag:s10], $0x2D00  }
0x87: {  	[sflag:s10] =	ssyncset.done $0x0  }
0x88: {  	s5 =	smov.u32 s21;
	s21 =	rddreg [dreg:$0x14];
	[sflag:s10] =	ssyncadd.s32 $0xFFFFD300  }
0x89: {  	[spmem:s21] =	stream.linear.scatter [tilespmem:s9], [sflag:$0xE], $0x2D00, $0x38;
	[tilespmem:$0x1FBC0] =	vst v63  }
0x8a: {  	_ =	swait.ge [sflag:s10], $0x2D00  }
0x8b: {  	[sflag:s10] =	ssyncset.done $0x0  }
0x8c: {  	s4 =	simm.s32 @!p1 $0x400;
	s7 =	rddreg [dreg:$0x15];
	[sflag:s10] =	ssyncadd.s32 $0xFFFFD300  }
0x8d: {  	[spmem:s7] =	stream.linear.scatter @!p1 [tilespmem:s4], [sflag:$0xE], $0x2D00, $0x38;
	[tilespmem:$0x1FBC0] =	vst v63  }
0x8e: {  	s4 =	simm.s32 @!p1 $0xE  }
0x8f: {  	s0 =	smov.u32 s20;
	_ =	swait.ge @!p1 [sflag:s4], $0x2D00  }
0x90: {  	s6 =	smov.u32 s22;
	s25 =	simm.s32 $0x9C00;
	[sflag:s4] =	ssyncset.done @!p1 $0x0  }
0x91: {  	s20 =	simm.s32 $0x0;
	s22 =	rddreg [dreg:$0xc];
	[sflag:s4] =	ssyncadd.s32 @!p1 $0xFFFFD300  }
0x92: {  	[tilespmem:s25], [sflag:$0xE] =	stream.linear.gather [hbm4b:s22+s20], $0x20, $0x38;
	[tilespmem:$0x1FBC0] =	vst v63  }
0x93: {  	_ =	swait.ge [sflag:s10], $0x20  }
0x94: {  	[sflag:s10] =	ssyncset.done $0x0  }
0x95: {  	[sflag:s10] =	ssyncadd.s32 $0xFFFFFFE0  }
0x96: {  	v1 =	vld [tilespmem:$0x9C00]  }
0x97: {  	v2 =	vld [tilespmem:$0x9C10];
	_ =	sdelay $0x4  }
0x98: {  	v1 =	vadd.f32 v2, v1;
	_ =	sdelay $0x1  }
0x99: {  	v2 =	vmul.f32 $2.000000030e-01, v1  }
0x9a: {  	vm0 =	vgt.f32 v1, $0.0e+00  }
0x9b: {  	v1 =	vsel vm0, v1, v2  }
0x9c: {  	[tilespmem:$0x9C20] =	vst v1  }
0x9d: {  	s26 =	simm.s32 $0x1;
	[bflag:$0x0] =	sbarrier.arrive $0xFFFF  }
0x9e: {  	_ =	swait.ge [sflag:s26], $0x80  }
0x9f: {  	[sflag:s26] =	ssyncset.done $0x0  }
0xa0: {  	s28 =	simm.s32 $0x5;
	[sflag:s26] =	ssyncadd.s32 $0xFFFFFF80  }
0xa1: {  	_ =	swait.ge [sflag:s28], $0x80  }
.Ltmp3:
0xa2: {  	[sflag:s28] =	ssyncset.done $0x0;
	(pc) =	sbr.rel .LBB2_4-.Ltmp3, $4  }
0xa3: {  	s31 =	smov.u32 s12;
	[sflag:s28] =	ssyncadd.s32 $0xFFFFFF80  }
0xa4: {  	[tilespmem:s9], [sflag:$0x9] =	stream.indirect.gather [hbm4b:s15+s8], $0x90, s20, s8, $0xb8;
	[tilespmem:$0x1FBC0] =	vst v63  }
0xa5: {  	s29 =	simm.s32 $0x200;
	s30 =	simm.s32 $0x9400;
	p2 =	por $0x0, $0x0  }
0xa6: {  	[tilespmem:s30], [sflag:$0xB] =	stream.indirect.gather [hbm4b:s16+s8], $0x10, s29, s8, $0xb8;
	[tilespmem:$0x1FBC0] =	vst v63  }
.LBB2_5:
0xa7: {  	s22 =	sadd.s32 $0x1, s20  }
.LBB2_11:
0xa8: {  	p3 =	sne.s32 s22, $0x4F  }
.Ltmp4:
0xa9: {  	_ = 	snop;
	(pc) =	sbr.rel @!p3 .LBB2_12-.Ltmp4, $2  }
0xaa: {  	_ =	sdelay $0x2  }
0xab: {  	p2 =	por !p2, !p2;
	s20 =	smov.u32 s22  }
.LBB2_4:
0xac: {  	s4 =	sshll.u32 s20, $0x4  }
0xad: {  	p3 =	slt.u32 s4, s13  }
.Ltmp5:
0xae: {  	_ = 	snop;
	(pc) =	sbr.rel @!p3 .LBB2_5-.Ltmp5, $1  }
0xaf: {  	_ =	sdelay $0x3  }
0xb0: {  	s21 =	sand.u32 $0x1, s20;
	s4 =	sadd.s32 $0x2, s20;
	p3 =	slt.u32 s20, $0x2  }
0xb1: {  	s7 =	sor.u32 @!p3 $0xC, s21;
	s11 =	sshll.u32 s4, $0x4  }
0xb2: {  	_ =	swait.ge @!p3 [sflag:s7], $0x4800;
	s11 =	sor.u32 s3, s11  }
0xb3: {  	s22 =	sadd.s32 $0x1, s20;
	[sflag:s7] =	ssyncset.done @!p3 $0x0;
	p4 =	sgt.u32 s11, $0x4E1  }
0xb4: {  	s4 =	sand.u32 $0x3, s4;
	[sflag:s7] =	ssyncadd.s32 @!p3 $0xFFFFB800;
	s7 =	sadd.s32 @!p4 s14, s11  }
0xb5: {  	s11 =	sshll.u32 @!p4 s4, $0x7;
	s12 =	sadd.s32 @!p4 $0x1, s4;
	s7 =	sshll.u32 @!p4 s7, $0x4  }
0xb6: {  	s26 =	simm.s32 @!p4 $0x0;
	s4 =	sadd.s32 @!p4 $0x5, s4;
	s25 =	sadd.s32 @!p4 s17, s7  }
0xb7: {  	[tilespmem:s11], [sflag:s12] =	stream.linear.gather @!p4 [hbm4b:s25+s26], $0x80, $0x38;
	[tilespmem:$0x1FBC0] =	vst v63  }
0xb8: {  	s7 =	sadd.s32 @!p4 s1, s7;
	s11 =	sor.u32 @!p4 $0x200, s11;
	s25 =	sshll.u32 s22, $0x4  }
0xb9: {  	[tilespmem:s11], [sflag:s4] =	stream.linear.gather @!p4 [hbm4b:s7+s26], $0x80, $0x38;
	[tilespmem:$0x1FBC0] =	vst v63  }
0xba: {  	p3 =	sge.u32 s25, s13;
	s7 =	sand.u32 $0x3, s22  }
0xbb: {  	s4 =	sadd.s32 @!p3 $0x1, s7  }
0xbc: {  	_ =	swait.ge @!p3 [sflag:s4], $0x80  }
0xbd: {  	[sflag:s4] =	ssyncset.done @!p3 $0x0  }
0xbe: {  	s12 =	sand.u32 $0x1, s22;
	[sflag:s4] =	ssyncadd.s32 @!p3 $0xFFFFFF80;
	s4 =	sadd.s32 @!p3 $0x5, s7  }
0xbf: {  	s25 =	smul.u32 @!p3 $0x12000, s12;
	_ =	swait.ge @!p3 [sflag:s4], $0x80  }
0xc0: {  	s26 =	sadd.s32 $0x9, s21;
	[sflag:s4] =	ssyncset.done @!p3 $0x0  }
0xc1: {  	s11 =	sshll.u32 @!p3 s7, $0x7;
	[sflag:s4] =	ssyncadd.s32 @!p3 $0xFFFFFF80;
	s4 =	sshrl.u32 @!p3 s25, $0x2  }
0xc2: {  	s7 =	sadd.s32 @!p3 $0x9, s12;
	s12 =	simm.s32 @!p3 $0x80;
	s4 =	sor.u32 @!p3 $0x400, s4  }
0xc3: {  	[tilespmem:s4], [sflag:s7] =	stream.indirect.gather @!p3 [hbm4b:s15+s12], $0x90, s11, s12, $0xb8;
	[tilespmem:$0x1FBC0] =	vst v63  }
0xc4: {  	_ =	swait.ge [sflag:s26], $0x4800  }
0xc5: {  	s7 =	simm.s32 $0x1;
	[sflag:s26] =	ssyncset.done $0x0  }
0xc6: {  	s7 =	simm.s32 @!p2 $0x0;
	[sflag:s26] =	ssyncadd.s32 $0xFFFFB800  }
0xc7: {  	s12 =	smul.u32 $0x12000, s7;
	_ =	swait.ge [sflag:s18], $0x800  }
0xc8: {  	[sflag:s18] =	ssyncset.done $0x0  }
0xc9: {  	s7 =	sshrl.u32 s12, $0x2;
	[sflag:s18] =	ssyncadd.s32 $0xFFFFF800  }
0xca: {  	s12 =	sor.u32 $0x5A0, s7;
	v1 =	vld [tilespmem:$0x9C20]  }
0xcb: {  	s25 =	simm.s32 $0x9420;
	v2 =	vld [tilespmem:s12+$0x90]  }
0xcc: {  	v3 =	vld [tilespmem:s25+$0x10]  }
0xcd: {  	v5 =	vld [tilespmem:s12+$0xFFFFFF70]  }
0xce: {  	v6 =	vld [tilespmem:s25+$0xFFFFFFF0]  }
0xcf: {  	v7 =	vld [tilespmem:s12+$0x0]  }
0xd0: {  	v8 =	vld [tilespmem:s25+$0x0]  }
0xd1: {  	s4 =	sadd.s32 $0x240, s12;
	v4 =	vld [tilespmem:s25+$0xFFFFFFE0]  }
0xd2: {  	v10 =	vld [tilespmem:s4+$0x90]  }
0xd3: {  	s26 =	simm.s32 $0x9460;
	v2 =	vadd.f32 v3, v2;
	v3 =	vld [tilespmem:s12+$0xFFFFFEE0]  }
0xd4: {  	v5 =	vadd.f32 v6, v5;
	v6 =	vld [tilespmem:s26+$0x10]  }
0xd5: {  	v7 =	vadd.f32 v8, v7;
	v9 =	vmul.f32 $2.000000030e-01, v2  }
0xd6: {  	vm0 =	vgt.f32 v2, $0.0e+00  }
0xd7: {  	v12 =	vld [tilespmem:s26+$0xFFFFFFF0];
	vm1 =	vgt.f32 v7, $0.0e+00;
	v11 =	vmul.f32 $2.000000030e-01, v7;
	v2 =	vsel vm0, v2, v9  }
0xd8: {  	v8 =	vld [tilespmem:s26+$0xFFFFFFE0];
	v9 =	vmul.f32 $2.000000030e-01, v5;
	v2 =	vsub.f32 v2, v1;
	v3 =	vadd.f32 v4, v3  }
0xd9: {  	vm0 =	vgt.f32 v5, $0.0e+00;
	v7 =	vsel vm1, v7, v11;
	v4 =	vld [tilespmem:s4+$0xFFFFFF70];
	v6 =	vadd.f32 v6, v10  }
0xda: {  	v11 =	vld [tilespmem:s26+$0x0];
	v5 =	vsel vm0, v5, v9;
	v2 =	vmul.f32 $1.442695020e+00, v2;
	v13 =	vmul.f32 $2.000000030e-01, v3  }
0xdb: {  	v9 =	vld [tilespmem:s4+$0x0];
	vm2 =	vgt.f32 v3, $0.0e+00;
	v5 =	vsub.f32 v5, v1;
	v10 =	vmul.f32 $2.000000030e-01, v6  }
0xdc: {  	(erf) = vpow2.f32 v2;
	v2 =	vsel vm2, v3, v13;
	v3 =	vsub.f32 v7, v1;
	v7 =	vld [tilespmem:s4+$0xFFFFFEE0]  }
0xdd: {  	vm0 =	vgt.f32 v6, $0.0e+00;
	v5 =	vmul.f32 $1.442695020e+00, v5  }
0xde: {  	s26 =	sadd.s32 $0x240, s4;
	v6 =	vsel vm0, v6, v10;
	v2 =	vsub.f32 v2, v1;
	v4 =	vadd.f32 v12, v4  }
0xdf: {  	s28 =	simm.s32 $0x94A0;
	v12 =	vld [tilespmem:s26+$0x90];
	v6 =	vsub.f32 v6, v1;
	v3 =	vmul.f32 $1.442695020e+00, v3;
	(erf) = vpow2.f32 v5  }
0xe0: {  	v5 =	vld [tilespmem:s28+$0x10];
	v9 =	vadd.f32 v11, v9;
	v2 =	vmul.f32 $1.442695020e+00, v2;
	v10 =	vmul.f32 $2.000000030e-01, v4  }
0xe1: {  	vm0 =	vgt.f32 v4, $0.0e+00;
	v6 =	vmul.f32 $1.442695020e+00, v6;
	v7 =	vadd.f32 v8, v7  }
0xe2: {  	v13 =	vld [tilespmem:s28+$0xFFFFFFF0];
	(erf) = vpow2.f32 v2;
	v2 =	vmul.f32 $2.000000030e-01, v9;
	v4 =	vsel vm0, v4, v10  }
0xe3: {  	v11 =	vld [tilespmem:s26+$0xFFFFFF70];
	vm1 =	vgt.f32 v9, $0.0e+00;
	v10 =	vsub.f32 v4, v1;
	v8 =	vmul.f32 $2.000000030e-01, v7  }
0xe4: {  	(erf) = vpow2.f32 v6;
	vm2 =	vgt.f32 v7, $0.0e+00;
	v4 =	vsel vm1, v9, v2;
	v2 =	vld [tilespmem:s28+$0xFFFFFFE0]  }
0xe5: {  	v6 =	vadd.f32 v5, v12;
	v5 =	vsel vm2, v7, v8;
	v8 =	vsub.f32 v4, v1;
	v4 =	vld [tilespmem:s26+$0x0]  }
0xe6: {  	s29 =	smul.u32 $0x12000, s21;
	v7 =	vld [tilespmem:s28+$0x0]  }
0xe7: {  	(erf) = vpow2.f32 v3;
	v14 =	vsub.f32 v5, v1;
	v3 =	vmul.f32 $1.442695020e+00, v8;
	v8 =	vld [tilespmem:s26+$0xFFFFFEE0]  }
0xe8: {  	s25 =	sor.u32 $0x490, s7;
	s7 =	sshrl.u32 s29, $0x2;
	v9 =	vmul.f32 $1.442695020e+00, v10;
	v12 =	vmul.f32 $2.000000030e-01, v6;
	v5 =	vpop (erf)  }
0xe9: {  	s29 =	simm.s32 $0x8;
	s7 =	sor.u32 $0x400, s7;
	s30 =	sadd.s32 $0x240, s26;
	vm0 =	vgt.f32 v6, $0.0e+00;
	v10 =	vmul.f32 $1.442695020e+00, v14;
	[tilespmem:s12+$0x90] =	vst v5;
	v5 =	vadd.f32 v13, v11;
	v11 =	vpop (erf)  }
.LBB2_7:
0xea: {  	v13 =	vld [tilespmem:s30+$0x90];
	v12 =	vsel vm0, v6, v12;
	s28 =	sadd.s32 $0x40, s28;
	(erf) = vpow2.f32 v9;
	[tilespmem:s12+$0xFFFFFF70] =	vst v11  }
0xeb: {  	s29 =	sadd.s32 $0x4, s29;
	v9 =	vld [tilespmem:s28+$0x10];
	v16 =	vmul.f32 $2.000000030e-01, v5;
	v7 =	vadd.f32 v7, v4;
	v4 =	vsub.f32 v12, v1;
	v6 =	vpop (erf)  }
0xec: {  	p4 =	slt.u32 s29, $0x7C;
	vm0 =	vgt.f32 v5, $0.0e+00;
	v8 =	vadd.f32 v2, v8;
	v2 =	vld [tilespmem:s28+$0xFFFFFFE0];
	(erf) = vpow2.f32 v10;
	[tilespmem:s12+$0xFFFFFEE0] =	vst v6  }
0xed: {  	v10 =	vld [tilespmem:s30+$0xFFFFFF70];
	vm1 =	vgt.f32 v7, $0.0e+00;
	v6 =	vmul.f32 $2.000000030e-01, v7;
	v17 =	vmul.f32 $1.442695020e+00, v4  }
0xee: {  	v5 =	vsel vm0, v5, v16;
	v14 =	vld [tilespmem:s28+$0xFFFFFFF0];
	vm2 =	vgt.f32 v8, $0.0e+00;
	v15 =	vmul.f32 $2.000000030e-01, v8;
	v11 =	vpop (erf)  }
.Ltmp6:
0xef: {  	v5 =	vsub.f32 v5, v1;
	v4 =	vld [tilespmem:s30+$0x0];
	v16 =	vsel vm1, v7, v6;
	(erf) = vpow2.f32 v17;
	[tilespmem:s4+$0x90] =	vst v11;
	(pc) =	sbr.rel @p4 .LBB2_7-.Ltmp6, $4  }
0xf0: {  	v7 =	vld [tilespmem:s28+$0x0];
	v6 =	vadd.f32 v9, v13;
	v9 =	vsel vm2, v8, v15;
	v15 =	vsub.f32 v16, v1;
	v12 =	vpop (erf)  }
0xf1: {  	v8 =	vld [tilespmem:s30+$0xFFFFFEE0];
	v13 =	vsub.f32 v9, v1;
	v9 =	vmul.f32 $1.442695020e+00, v5;
	(erf) = vpow2.f32 v3;
	[tilespmem:s12+$0x0] =	vst v12;
	s12 =	smov.u32 s4;
	s4 =	smov.u32 s26;
	s26 =	smov.u32 s30  }
0xf2: {  	v12 =	vmul.f32 $2.000000030e-01, v6;
	v3 =	vmul.f32 $1.442695020e+00, v15  }
0xf3: {  	s30 =	sadd.s32 $0x240, s30;
	vm0 =	vgt.f32 v6, $0.0e+00;
	v5 =	vadd.f32 v14, v10;
	v10 =	vmul.f32 $1.442695020e+00, v13;
	v11 =	vpop (erf)  }
0xf4: {  	_ =	sdelay $0x1  }
0xf5: {  	v6 =	vsel vm0, v6, v12;
	(erf) = vpow2.f32 v9;
	v2 =	vadd.f32 v2, v8  }
0xf6: {  	v4 =	vadd.f32 v7, v4;
	v7 =	vmul.f32 $2.000000030e-01, v5;
	v6 =	vsub.f32 v6, v1  }
0xf7: {  	vm15 =	vgt.f32 v5, $0.0e+00;
	(erf) = vpow2.f32 v10;
	v8 =	vmul.f32 $2.000000030e-01, v2  }
0xf8: {  	vm1 =	vgt.f32 v4, $0.0e+00;
	v9 =	vmul.f32 $2.000000030e-01, v4;
	vm2 =	vgt.f32 v2, $0.0e+00  }
0xf9: {  	v5 =	vsel vm15, v5, v7;
	v6 =	vmul.f32 $1.442695020e+00, v6;
	v2 =	vsel vm2, v2, v8  }
0xfa: {  	v5 =	vsub.f32 v5, v1;
	v4 =	vsel vm1, v4, v9;
	v2 =	vsub.f32 v2, v1  }
0xfb: {  	(erf) = vpow2.f32 v6;
	v1 =	vsub.f32 v4, v1  }
0xfc: {  	v4 =	vmul.f32 $1.442695020e+00, v5;
	v2 =	vmul.f32 $1.442695020e+00, v2  }
0xfd: {  	(erf) = vpow2.f32 v3;
	v1 =	vmul.f32 $1.442695020e+00, v1  }
0xfe: {  	(erf) = vpow2.f32 v4  }
0xff: {  	(erf) = vpow2.f32 v2  }
0x100: {  	[tilespmem:s12+$0xFFFFFF70] =	vst v11;
	v2 =	vpop (erf);
	(erf) = vpow2.f32 v1  }
0x101: {  	v1 =	vpop (erf);
	[tilespmem:s12+$0xFFFFFEE0] =	vst v2  }
0x102: {  	v2 =	vpop (erf);
	[tilespmem:s4+$0x90] =	vst v1  }
0x103: {  	v1 =	vpop (erf);
	[tilespmem:s12+$0x0] =	vst v2  }
0x104: {  	v2 =	vpop (erf);
	[tilespmem:s4+$0xFFFFFF70] =	vst v1  }
0x105: {  	v1 =	vpop (erf);
	[tilespmem:s4+$0xFFFFFEE0] =	vst v2  }
0x106: {  	[tilespmem:s26+$0x90] =	vst v1;
	v1 =	vpop (erf)  }
0x107: {  	[tilespmem:s4+$0x0] =	vst v1;
	v1 =	vpop (erf)  }
0x108: {  	[tilespmem:s26+$0xFFFFFF70] =	vst v1;
	v1 =	vpop (erf)  }
0x109: {  	[tilespmem:s26+$0xFFFFFEE0] =	vst v1;
	v1 =	vpop (erf)  }
0x10a: {  	s12 =	simm.s32 @!p3 $0x9400;
	s4 =	sor.u32 @!p3 $0x200, s11;
	s11 =	simm.s32 @!p3 $0x80;
	[tilespmem:s26+$0x0] =	vst v1  }
0x10b: {  	[tilespmem:s12], [sflag:$0xB] =	stream.indirect.gather @!p3 [hbm4b:s16+s11], $0x10, s4, s11, $0xb8;
	[tilespmem:$0x1FBC0] =	vst v63  }
0x10c: {  	v2 =	vld [tilespmem:s25+$0x80]  }
0x10d: {  	v1 =	vld [tilespmem:s25+$0xFFFFFFF0]  }
0x10e: {  	v3 =	vld [tilespmem:s25+$0x70]  }
0x10f: {  	v8 =	vld [tilespmem:s25+$0xFFFFFF70]  }
0x110: {  	v9 =	vld [tilespmem:s25+$0xFFFFFF80]  }
0x111: {  	v10 =	vld [tilespmem:s25+$0xFFFFFF90];
	v12 =	vbroadcast v2, $0x0;
	v4 =	vbroadcast v2, $0x7  }
0x112: {  	v14 =	vld [tilespmem:s25+$0xFFFFFFA0];
	v11 =	vbroadcast v1, $0x0;
	v13 =	vbroadcast v1, $0x1  }
0x113: {  	v16 =	vld [tilespmem:s25+$0xFFFFFFB0];
	v15 =	vbroadcast v1, $0x2;
	v17 =	vbroadcast v1, $0x3  }
0x114: {  	v20 =	vld [tilespmem:s25+$0xFFFFFFC0];
	v19 =	vbroadcast v1, $0x4;
	v21 =	vbroadcast v1, $0x5  }
0x115: {  	v22 =	vld [tilespmem:s25+$0xFFFFFFD0];
	v23 =	vbroadcast v1, $0x6;
	v25 =	vbroadcast v1, $0x7  }
0x116: {  	v24 =	vld [tilespmem:s25+$0xFFFFFFE0];
	v5 =	vbroadcast v2, $0x1;
	v6 =	vbroadcast v2, $0x2  }
0x117: {  	v26 =	vld [tilespmem:s25+$0x0];
	v1 =	vbroadcast v2, $0x5;
	v3 =	vmul.f32 v3, v4  }
0x118: {  	v7 =	vld [tilespmem:s25+$0x10];
	v4 =	vbroadcast v2, $0x4;
	v11 =	vmul.f32 v11, v8  }
0x119: {  	v8 =	vld [tilespmem:s25+$0x20];
	v13 =	vmul.f32 v9, v13;
	v27 =	vmul.f32 v10, v15  }
0x11a: {  	v9 =	vld [tilespmem:s25+$0x30];
	v18 =	vmul.f32 v14, v17;
	v15 =	vmul.f32 v16, v19;
	[tilespmem:s25+$0x70] =	vst v3  }
0x11b: {  	v10 =	vld [tilespmem:s25+$0x40];
	v17 =	vmul.f32 v20, v21;
	v14 =	vmul.f32 v22, v23;
	[tilespmem:s25+$0xFFFFFF70] =	vst v11  }
0x11c: {  	v16 =	vmul.f32 v24, v25;
	v3 =	vbroadcast v2, $0x3;
	[tilespmem:s25+$0xFFFFFF80] =	vst v13;
	v11 =	vld [tilespmem:s25+$0x50]  }
0x11d: {  	s4 =	simm.s32 $0x0;
	s11 =	sadd.s32 $0x120, s25;
	v2 =	vbroadcast v2, $0x6;
	[tilespmem:s25+$0xFFFFFF90] =	vst v27;
	v13 =	vmul.f32 v12, v26;
	v12 =	vld [tilespmem:s25+$0x60]  }
.LBB2_9:
0x11e: {  	v19 =	vld [tilespmem:s11+$0x80];
	s4 =	sadd.s32 $0x2, s4;
	[tilespmem:s25+$0xFFFFFFA0] =	vst v18;
	v5 =	vmul.f32 v7, v5;
	v6 =	vmul.f32 v8, v6  }
0x11f: {  	v7 =	vld [tilespmem:s11+$0xFFFFFFF0];
	p3 =	slt.u32 s4, $0x7E;
	[tilespmem:s25+$0xFFFFFFB0] =	vst v15;
	v3 =	vmul.f32 v9, v3  }
0x120: {  	v8 =	vld [tilespmem:s11+$0x70];
	[tilespmem:s25+$0xFFFFFFC0] =	vst v17;
	v4 =	vmul.f32 v10, v4  }
0x121: {  	v9 =	vld [tilespmem:s11+$0xFFFFFF70];
	[tilespmem:s25+$0xFFFFFFD0] =	vst v14;
	v1 =	vmul.f32 v11, v1  }
0x122: {  	v10 =	vld [tilespmem:s11+$0xFFFFFF80];
	[tilespmem:s25+$0xFFFFFFE0] =	vst v16;
	v2 =	vmul.f32 v12, v2  }
0x123: {  	v11 =	vld [tilespmem:s11+$0xFFFFFF90];
	v12 =	vbroadcast v19, $0x0;
	v14 =	vbroadcast v19, $0x7;
	[tilespmem:s25+$0x0] =	vst v13  }
0x124: {  	v13 =	vbroadcast v7, $0x0;
	v15 =	vbroadcast v7, $0x1;
	v16 =	vld [tilespmem:s11+$0xFFFFFFA0];
	[tilespmem:s25+$0x10] =	vst v5  }
0x125: {  	v17 =	vbroadcast v7, $0x2;
	v20 =	vld [tilespmem:s11+$0xFFFFFFB0];
	v5 =	vmul.f32 v8, v14;
	[tilespmem:s25+$0x20] =	vst v6  }
0x126: {  	v21 =	vbroadcast v7, $0x4;
	v14 =	vbroadcast v7, $0x3;
	v22 =	vld [tilespmem:s11+$0xFFFFFFC0];
	[tilespmem:s25+$0x30] =	vst v3  }
0x127: {  	v23 =	vbroadcast v7, $0x5;
	v25 =	vbroadcast v7, $0x6;
	v24 =	vld [tilespmem:s11+$0xFFFFFFD0];
	[tilespmem:s11+$0x70] =	vst v5  }
0x128: {  	v27 =	vbroadcast v7, $0x7;
	v5 =	vbroadcast v19, $0x1;
	v26 =	vld [tilespmem:s11+$0xFFFFFFE0];
	[tilespmem:s25+$0x40] =	vst v4  }
0x129: {  	v6 =	vbroadcast v19, $0x2;
	v3 =	vbroadcast v19, $0x3;
	v28 =	vld [tilespmem:s11+$0x0];
	[tilespmem:s25+$0x50] =	vst v1  }
0x12a: {  	v4 =	vbroadcast v19, $0x4;
	v1 =	vbroadcast v19, $0x5;
	v7 =	vld [tilespmem:s11+$0x10];
	[tilespmem:s25+$0x60] =	vst v2;
	s25 =	smov.u32 s11  }
.Ltmp7:
0x12b: {  	v13 =	vmul.f32 v13, v9;
	v2 =	vbroadcast v19, $0x6;
	v8 =	vld [tilespmem:s11+$0x20];
	(pc) =	sbr.rel @p3 .LBB2_9-.Ltmp7, $4  }
0x12c: {  	v29 =	vmul.f32 v11, v17;
	v19 =	vmul.f32 v10, v15;
	v9 =	vld [tilespmem:s11+$0x30]  }
0x12d: {  	v18 =	vmul.f32 v16, v14;
	v15 =	vmul.f32 v20, v21;
	[tilespmem:s11+$0xFFFFFF70] =	vst v13;
	v10 =	vld [tilespmem:s11+$0x40]  }
0x12e: {  	v17 =	vmul.f32 v22, v23;
	v14 =	vmul.f32 v24, v25;
	[tilespmem:s11+$0xFFFFFF80] =	vst v19;
	v11 =	vld [tilespmem:s11+$0x50]  }
0x12f: {  	v16 =	vmul.f32 v26, v27;
	v13 =	vmul.f32 v12, v28;
	s11 =	sadd.s32 $0x120, s11;
	[tilespmem:s25+$0xFFFFFF90] =	vst v29;
	v12 =	vld [tilespmem:s25+$0x60]  }
0x130: {  	[tilespmem:s25+$0xFFFFFFA0] =	vst v18  }
0x131: {  	[tilespmem:s25+$0xFFFFFFB0] =	vst v15  }
0x132: {  	[tilespmem:s25+$0xFFFFFFC0] =	vst v17  }
0x133: {  	[tilespmem:s25+$0xFFFFFFD0] =	vst v14  }
0x134: {  	v5 =	vmul.f32 v7, v5;
	[tilespmem:s25+$0xFFFFFFE0] =	vst v16  }
0x135: {  	v6 =	vmul.f32 v8, v6;
	[tilespmem:s25+$0x0] =	vst v13  }
0x136: {  	v3 =	vmul.f32 v9, v3;
	[tilespmem:s25+$0x10] =	vst v5  }
0x137: {  	v4 =	vmul.f32 v10, v4;
	[tilespmem:s25+$0x20] =	vst v6  }
.Ltmp8:
0x138: {  	v1 =	vmul.f32 v11, v1;
	[tilespmem:s25+$0x30] =	vst v3;
	(pc) =	sbr.rel .LBB2_11-.Ltmp8, $4  }
0x139: {  	s4 =	sshll.u32 s20, $0x7;
	v2 =	vmul.f32 v12, v2;
	[tilespmem:s25+$0x40] =	vst v4  }
0x13a: {  	s4 =	sand.u32 $0x180, s4;
	[tilespmem:s25+$0x50] =	vst v1  }
0x13b: {  	s11 =	sor.u32 $0xC, s21;
	s4 =	sor.u32 $0x200, s4;
	[tilespmem:s25+$0x60] =	vst v2  }
0x13c: {  	[spmem:s2] =	stream.indirect.scatter.add.f32 [tilespmem:s7], [sflag:s11], $0x90, s4, s8, $0xb8;
	[tilespmem:$0x1FBC0] =	vst v63  }
.LBB2_13:
0x13d: {  	_ =	sfence.sel $0x180000  }
0x13e: {  	[bflag:$0x0] =	sbarrier.arrive $0xFFFF  }
0x13f: {  	_ =	strace $0x90000047  }
0x140: {  	[bflag:$0x2] =	sbarrier.arrive $0xFFFF  }
0x141: {  	p0 =	sne.s32 s3, $0x0;
	s0 =	rddreg [dreg:$0x3]  }
0x142: {  	s0 =	sadd.s32 @!p0 $0x100000, s0  }
0x143: {  	[sflag:s0] =	ssyncadd.tile.s32 @!p0 $0x1;
	_ =	shalt  }
.Lfunc_end2:
_tile_overlayer_lowered:
.L_overlay_start_2:
0x144: {  	(tag) =	ssettag $0x2  }
0x145: {  	s0 =	rddreg [dreg:$0x0];
	s2 =	stileid.u32  }
0x146: {  	s1 =	rddreg [dreg:$0x1];
	p0 =	sne.s32 s2, $0x0  }
0x147: {  	s3 =	rddreg [dreg:$0x2];
	[bflag:$0x3] =	sbarrier.arrive $0xFFFF;
	s2 =	simm.s32 @!p0 $0x1C0E  }
0x148: {  	[timem:s3], [sflag:s2] =	dma.local @!p0 [hbm:s0], s1  }
0x149: {  	s0 =	simm.s32 @!p0 $0xE  }
0x14a: {  	_ =	swait.ge @!p0 [sflag:s0], s1  }
0x14b: {  	s1 =	ssub.s32 @!p0 $0x0, s1;
	[sflag:s0] =	ssyncset.done @!p0 $0x0  }
0x14c: {  	[sflag:s0] =	ssyncadd.s32 @!p0 s1  }
0x14d: {  	[bflag:$0x3] =	sbarrier.arrive $0xFFFF  }
0x14e: {  	_ =	shalt  }

</sc_bundles>
